<compile_context>
chip_gen: v7x
topology: tpu7x:2x2x1
jax: 0.10.2.dev20260603
libtpu: 0.0.44.dev20260713+nightly
codegen_flags: <defaults>
</compile_context>

<pallas_src>
import functools

import numpy as np

import jax
import jax.numpy as jnp
from jax import lax
from jax.experimental import pallas as pl
from jax.experimental.pallas import tpu as pltpu
from jax.experimental.pallas import tpu_sc as plsc

_H = 224
_W = 224
_B = 4
_C = 32
_NY = 27
_NX = 27
_NP = _NY * _NX
_NSLOT = 8
_NTILE = 6
_QSTR = _C * 8 + 1
_SLOTSZ = 7200


def _run_specs():
    specs = []
    for t in range(5):
        for v in range(8):
            specs.append((t, 16 * v, 0))
    for v in range(5):
        specs.append((5, 16 * v, 0))
    specs.append((5, 73, 7))
    return specs


_SPECS = _run_specs()


def _base_tables():
    a, bb = [], []
    for (t, col0, mfrom) in _SPECS:
        p = 128 * t + col0 + np.arange(16)
        p = np.minimum(p, _NP - 1)
        iy = p // _NX
        ix = p % _NX
        a.append(((iy % _NSLOT) * _SLOTSZ + _QSTR * ix).astype(np.int32))
        bb.append((((iy + 1) % _NSLOT) * _SLOTSZ + _QSTR * ix).astype(np.int32))
    return np.stack(a), np.stack(bb)


_BASE_A, _BASE_B = _base_tables()

_mesh = plsc.VectorSubcoreMesh(core_axis_name="c", subcore_axis_name="s")


@functools.partial(
    pl.kernel,
    out_type=jax.ShapeDtypeStruct((_B, _H, _C, _W), jnp.float32),
    mesh=_mesh,
    scratch_types=[
        pltpu.VMEM((2, 4, _C, 128), jnp.float32),
        pltpu.VMEM((_NSLOT * _SLOTSZ,), jnp.float32),
        pltpu.VMEM((2, _C, _W), jnp.float32),
        pltpu.VMEM((len(_SPECS) * 2 * 16,), jnp.int32),
        pltpu.SemaphoreType.DMA((4,)),
        pltpu.SemaphoreType.DMA((4,)),
        pltpu.SemaphoreType.DMA((2,)),
        pltpu.SemaphoreType.DMA,
    ],
    compiler_params=pltpu.CompilerParams(needs_layout_passes=False),
)
def _overlap_add_sc(xt_ref, xtail_ref, tbl_ref, out_ref, tb, acc, stg, tblv,
                    sa, sb, so, st):
    iota16 = lax.iota(jnp.int32, 16)
    patt = lax.div(iota16, 8) * _QSTR + lax.rem(iota16, 8)
    cid = lax.axis_index("c")
    sid = lax.axis_index("s")
    wid = cid * 16 + sid
    b = wid // 8
    py = wid % 8

    pltpu.make_async_copy(tbl_ref, tblv, st).start()

    @plsc.parallel_loop(0, _NSLOT * _SLOTSZ // 16, unroll=4)
    def _zbody(i):
        acc[pl.ds(i * 16, 16)] = jnp.zeros((16,), jnp.float32)

    pltpu.make_async_copy(tbl_ref, tblv, st).wait()

    def in_copies(s, j):
        t = lax.div(s, 16)
        px = lax.rem(s, 16)
        l0 = pl.multiple_of(128 * t, 128)
        srca = xt_ref.at[b, py, px, :, pl.ds(l0, 128)]
        srcb = xt_ref.at[b, py + 8, px, :, pl.ds(l0, 128)]
        ca = pltpu.make_async_copy(srca, tb.at[0, j], sa.at[j])
        cb = pltpu.make_async_copy(srcb, tb.at[1, j], sb.at[j])
        return ca, cb

    def tail_copies(px, j):
        ca = pltpu.make_async_copy(
            xtail_ref.at[b, py, px], tb.at[0, j], sa.at[j])
        cb = pltpu.make_async_copy(
            xtail_ref.at[b, py + 8, px], tb.at[1, j], sb.at[j])
        return ca, cb

    def complete_row(r):
        jo = lax.rem(r, 2)
        slot = lax.rem(r, _NSLOT)
        h = 8 * r + py
        sy = jnp.where(jnp.logical_and(r >= 1, r <= 26), 0.5, 1.0).astype(
            jnp.float32)
        mid = jnp.full((16,), sy * 0.5, jnp.float32)
        lo = jnp.where(iota16 < 8, sy, sy * 0.5).astype(jnp.float32)
        hi = jnp.where(iota16 < 8, sy * 0.5, sy).astype(jnp.float32)

        @pl.when(r >= 2)
        def _drain():
            pltpu.make_async_copy(stg.at[jo], out_ref.at[b, 0],
                                  so.at[jo]).wait()

        @plsc.parallel_loop(0, _C, unroll=2)
        def _crow(c):
            base = slot * _SLOTSZ + 8 * c
            for k in range(14):
                scale = lo if k == 0 else (hi if k == 13 else mid)
                idx = patt + jnp.full((16,), base + 2 * _QSTR * k, jnp.int32)
                v = plsc.load_gather(acc, [idx]) * scale
                stg[jo, c, pl.ds(16 * k, 16)] = v

        pltpu.make_async_copy(stg.at[jo], out_ref.at[b, h], so.at[jo]).start()

        @plsc.parallel_loop(0, _SLOTSZ // 16, unroll=4)
        def _zrow(i):
            acc[pl.ds(slot * _SLOTSZ + i * 16, 16)] = jnp.zeros(
                (16,), jnp.float32)

    def scatter_runs(px, j, runs):
        @plsc.parallel_loop(0, _C, unroll=2)
        def _c_body(c):
            off = _QSTR * lax.div(px, 8) + 8 * c + lax.rem(px, 8)
            for plane in range(2):
                for (tbl_ds, col0, mfrom) in runs:
                    tv = tblv[pl.ds(tbl_ds + 16 * plane, 16)]
                    idx = tv + jnp.full((16,), off, jnp.int32)
                    val = tb[plane, j, c, pl.ds(col0, 16)]
                    if mfrom:
                        plsc.addupdate_scatter(acc, [idx], val,
                                               mask=(iota16 >= mfrom))
                    else:
                        plsc.addupdate_scatter(acc, [idx], val)

    for sp in range(2):
        ca, cb = in_copies(sp, sp)
        ca.start()
        cb.start()

    def s_body(s, carry):
        j = lax.rem(s, 4)

        @pl.when(s + 2 < 80)
        def _pref():
            ca, cb = in_copies(s + 2, lax.rem(s + 2, 4))
            ca.start()
            cb.start()

        ca, cb = in_copies(s, j)
        ca.wait()
        cb.wait()

        t = lax.div(s, 16)
        px = lax.rem(s, 16)
        runs = [(32 * (8 * t + v), 16 * v, 0) for v in range(8)]
        scatter_runs(px, j, runs)

        @pl.when(lax.rem(s, 16) == 15)
        def _complete():
            done_prev = jnp.where(t > 0, lax.div(128 * (t - 1) + 101, 27) + 1,
                                  0)
            done_now = lax.div(128 * t + 101, 27) + 1

            def rbody(r, c2):
                complete_row(r)
                return c2
            lax.fori_loop(done_prev, done_now, rbody, 0)
        return carry

    lax.fori_loop(0, 80, s_body, 0)

    for sp in range(2):
        ca, cb = tail_copies(sp, sp)
        ca.start()
        cb.start()
    tail_runs = [(32 * (40 + v), 16 * v, 0) for v in range(5)] + \
        [(32 * 45, 73, 7)]

    def s5_body(px, carry):
        j = lax.rem(px, 4)

        @pl.when(px + 2 < 16)
        def _pref():
            ca, cb = tail_copies(px + 2, lax.rem(px + 2, 4))
            ca.start()
            cb.start()

        ca, cb = tail_copies(px, j)
        ca.wait()
        cb.wait()
        scatter_runs(px, j, tail_runs)
        return carry

    lax.fori_loop(0, 16, s5_body, 0)

    def rbody5(r, c2):
        complete_row(r)
        return c2
    lax.fori_loop(23, 28, rbody5, 0)

    pltpu.make_async_copy(stg.at[0], out_ref.at[b, 0], so.at[0]).wait()
    pltpu.make_async_copy(stg.at[1], out_ref.at[b, 0], so.at[1]).wait()


def kernel(x):
    xt = jnp.transpose(x, (0, 2, 3, 4, 1))
    xtail = jnp.pad(xt[:, :, :, :, 640:], ((0, 0),) * 4 + ((0, 39),))
    tbl = jnp.asarray(
        np.stack([np.stack([_BASE_A[i], _BASE_B[i]])
                  for i in range(len(_SPECS))]).reshape(-1))
    out = _overlap_add_sc(xt, xtail, tbl)
    return jnp.transpose(out, (0, 1, 3, 2))

# --- scband reference (transcript-rebuilt; emitter-appended) ---
"""Pipeline reference for scband-image-from-patches2-d-2087354106287 (READ-ONLY COPY).

The authoritative reference and input builder live on the scoring server;
editing this copy changes nothing except your own understanding.
"""

import jax, jax.numpy as jnp
import numpy as np

IMAGE_SIZE = (224, 224)
STRIDE = 8
PATCH = 16
BATCH = 4
CHANNELS = 32
NY = (IMAGE_SIZE[0] - PATCH) // STRIDE + 1
NX = (IMAGE_SIZE[1] - PATCH) // STRIDE + 1
N_PATCHES = NY * NX


def _flat_indices():
    # flattened H*W pixel index for every pixel of every patch
    iy = np.arange(NY) * STRIDE
    ix = np.arange(NX) * STRIDE
    ys = iy[:, None] + np.arange(PATCH)[None, :]            # [NY, PATCH]
    xs = ix[:, None] + np.arange(PATCH)[None, :]            # [NX, PATCH]
    flat = ys[:, None, :, None] * IMAGE_SIZE[1] + xs[None, :, None, :]  # [NY, NX, PATCH, PATCH]
    return jnp.asarray(flat.reshape(-1), dtype=jnp.int32)


def setup_inputs(seed: int = 0) -> dict:
    key = jax.random.key(seed)
    x = jax.random.normal(key, (BATCH, N_PATCHES, PATCH, PATCH, CHANNELS), dtype=jnp.float32)
    return {"x": x}


def _patches_to_image_2d(patches):
    # patches: [N_PATCHES, PATCH, PATCH, C] -> image [H, W, C], averaging overlaps
    H, W = IMAGE_SIZE
    c = patches.shape[-1]
    flat = _flat_indices()
    vals = patches.reshape(-1, c)
    img_sum = jnp.zeros((H * W, c), dtype=patches.dtype).at[flat].add(vals)
    cnt = jnp.zeros((H * W, 1), dtype=patches.dtype).at[flat].add(
        jnp.ones((flat.shape[0], 1), dtype=patches.dtype))
    img = img_sum / cnt
    return img.reshape(H, W, c)


def reference(x):
    # equivalent of tf.map_fn(patches_to_image_2D, x)
    return jax.vmap(_patches_to_image_2d)(x)

if __name__ == "__main__":
    import jax
    _d = setup_inputs()
    print(jax.jit(kernel)(*tuple(_d.values())))

</pallas_src>

<mosaic_0001>
#map = affine_map<(d0, d1) -> (0, 0, 0, 0, 0)>
#map1 = affine_map<(d0, d1) -> (0)>
#map2 = affine_map<(d0, d1) -> (0, 0, 0, 0)>
module attributes {stable_mosaic.version = 14 : i64} {
  func.func @_overlap_add_sc(%arg0: i32, %arg1: i32, %arg2: memref<4x16x16x32x729xf32, #tpu.memory_space<hbm>>, %arg3: memref<4x16x16x32x128xf32, #tpu.memory_space<hbm>>, %arg4: memref<1472xi32, #tpu.memory_space<hbm>>, %arg5: memref<4x224x32x224xf32, #tpu.memory_space<hbm>>, %arg6: memref<2x4x32x128xf32, #tpu.memory_space<vmem>>, %arg7: memref<57600xf32, #tpu.memory_space<vmem>>, %arg8: memref<2x32x224xf32, #tpu.memory_space<vmem>>, %arg9: memref<1472xi32, #tpu.memory_space<vmem>>, %arg10: memref<4x!tpu.dma_semaphore, #tpu.memory_space<semaphore_mem>>, %arg11: memref<4x!tpu.dma_semaphore, #tpu.memory_space<semaphore_mem>>, %arg12: memref<2x!tpu.dma_semaphore, #tpu.memory_space<semaphore_mem>>, %arg13: memref<!tpu.dma_semaphore, #tpu.memory_space<semaphore_mem>>) attributes {dimension_semantics = [#tpu.dimension_semantics<core_parallel>, #tpu.dimension_semantics<subcore_parallel>], iteration_bounds = array<i64: 2, 16>, scalar_prefetch = 0 : i64, scratch_operands = 8 : i64, tpu.core_type = #tpu.core_type<sc_vector_subcore>, window_params = [{transform_indices = #map}, {transform_indices = #map}, {transform_indices = #map1}, {transform_indices = #map2}]} {
    %iota3A = tpu.iota {dimensions = array<i32: 0>} : vector<16xi32>
    %div3A = arith.constant 8 : i32
    %div3A_0 = vector.broadcast %div3A : i32 to vector<16xi32>
    %div3A_1 = arith.divsi %iota3A, %div3A_0 : vector<16xi32>
    %mul3A = arith.constant 257 : i32
    %mul3A_2 = vector.broadcast %mul3A : i32 to vector<16xi32>
    %mul3A_3 = arith.muli %div3A_1, %mul3A_2 : vector<16xi32>
    %rem3A = arith.constant 8 : i32
    %rem3A_4 = vector.broadcast %rem3A : i32 to vector<16xi32>
    %rem3A_5 = arith.remsi %iota3A, %rem3A_4 : vector<16xi32>
    %add3A = arith.addi %mul3A_3, %rem3A_5 : vector<16xi32>
    %mul3A_6 = arith.constant 16 : i32
    %mul3A_7 = arith.muli %arg0, %mul3A_6 : i32
    %add3A_8 = arith.addi %mul3A_7, %arg1 : i32
    %jit3A = arith.constant 8 : i32
    %div3A_9 = arith.divsi %add3A_8, %jit3A : i32
    %sign3A = arith.constant 0 : i32
    %sign3A_10 = arith.cmpi sgt, %add3A_8, %sign3A : i32
    %sign3A_11 = arith.extui %sign3A_10 : i1 to i32
    %sign3A_12 = arith.constant 0 : i32
    %sign3A_13 = arith.cmpi slt, %add3A_8, %sign3A_12 : i32
    %sign3A_14 = arith.extui %sign3A_13 : i1 to i32
    %sign3A_15 = arith.subi %sign3A_11, %sign3A_14 : i32
    %sign3A_16 = arith.constant 0 : i32
    %sign3A_17 = arith.cmpi sgt, %jit3A, %sign3A_16 : i32
    %sign3A_18 = arith.extui %sign3A_17 : i1 to i32
    %sign3A_19 = arith.constant 0 : i32
    %sign3A_20 = arith.cmpi slt, %jit3A, %sign3A_19 : i32
    %sign3A_21 = arith.extui %sign3A_20 : i1 to i32
    %sign3A_22 = arith.subi %sign3A_18, %sign3A_21 : i32
    %ne3A = arith.cmpi ne, %sign3A_15, %sign3A_22 : i32
    %rem3A_23 = arith.remsi %add3A_8, %jit3A : i32
    %ne3A_24 = arith.constant 0 : i32
    %ne3A_25 = arith.cmpi ne, %rem3A_23, %ne3A_24 : i32
    %and3A = arith.andi %ne3A, %ne3A_25 : i1
    %sub3A = arith.constant 1 : i32
    %sub3A_26 = arith.subi %div3A_9, %sub3A : i32
    %select_n3A = arith.select %and3A, %sub3A_26, %div3A_9 : i32
    %jit3A_27 = arith.constant 8 : i32
    %eq3A = arith.constant 0 : i32
    %eq3A_28 = arith.cmpi eq, %jit3A_27, %eq3A : i32
    %jit3A_29 = arith.constant 1 : i32
    %select_n3A_30 = arith.select %eq3A_28, %jit3A_29, %jit3A_27 : i32
    %rem3A_31 = arith.remsi %add3A_8, %select_n3A_30 : i32
    %ne3A_32 = arith.constant 0 : i32
    %ne3A_33 = arith.cmpi ne, %rem3A_31, %ne3A_32 : i32
    %lt3A = arith.constant 0 : i32
    %lt3A_34 = arith.cmpi slt, %rem3A_31, %lt3A : i32
    %lt3A_35 = arith.constant 0 : i32
    %lt3A_36 = arith.cmpi slt, %select_n3A_30, %lt3A_35 : i32
    %ne3A_37 = arith.xori %lt3A_34, %lt3A_36 : i1
    %and3A_38 = arith.andi %ne3A_37, %ne3A_33 : i1
    %add3A_39 = arith.addi %rem3A_31, %select_n3A_30 : i32
    %select_n3A_40 = arith.select %and3A_38, %add3A_39, %rem3A_31 : i32
    tpu.enqueue_dma source(%arg4 : memref<1472xi32, #tpu.memory_space<hbm>>) target(%arg9 : memref<1472xi32, #tpu.memory_space<vmem>>) target_semaphore(%arg13 : memref<!tpu.dma_semaphore, #tpu.memory_space<semaphore_mem>>)
    %parallel_loop3A = arith.constant 0 : i32
    %parallel_loop3A_41 = arith.constant 3600 : i32
    %parallel_loop3A_42 = arith.constant 1 : i32
    scf.for %parallel_loop3A_289 = %parallel_loop3A to %parallel_loop3A_41 step %parallel_loop3A_42  : i32 {
      %parallel_loop3A_290 = arith.constant 0.000000e+00 : f32
      %parallel_loop3A_291 = vector.broadcast %parallel_loop3A_290 : f32 to vector<16xf32>
      %parallel_loop3A_292 = arith.constant 16 : i32
      %parallel_loop3A_293 = arith.muli %parallel_loop3A_289, %parallel_loop3A_292 : i32
      %parallel_loop3A_294 = arith.index_cast %parallel_loop3A_293 : i32 to index
      %parallel_loop3A_295 = tpu.vector_load %arg7[%parallel_loop3A_294] {strides = array<i32>} : memref<57600xf32, #tpu.memory_space<vmem>>, vector<16xf32>,
      tpu.vector_store %arg7[%parallel_loop3A_294], %parallel_loop3A_291 {strides = array<i32>} : memref<57600xf32, #tpu.memory_space<vmem>>, vector<16xf32>,
    } {sc.loop_unroll_factor = 4 : i64, sc.parallel_access}
    tpu.wait_dma2 semaphore(%arg13 : memref<!tpu.dma_semaphore, #tpu.memory_space<semaphore_mem>>) src(%arg4 : memref<1472xi32, #tpu.memory_space<hbm>>) dst(%arg9 : memref<1472xi32, #tpu.memory_space<vmem>>)
    %div3A_43 = arith.constant 0 : i32
    %div3A_44 = arith.constant 16 : i32
    %div3A_45 = arith.divsi %div3A_43, %div3A_44 : i32
    %rem3A_46 = arith.constant 0 : i32
    %rem3A_47 = arith.constant 16 : i32
    %rem3A_48 = arith.remsi %rem3A_46, %rem3A_47 : i32
    %mul3A_49 = arith.constant 128 : i32
    %mul3A_50 = arith.muli %mul3A_49, %div3A_45 : i32
    %multiple_of3A = tpu.assume_multiple %mul3A_50, 128 : i32
    %add3A_51 = arith.constant 8 : i32
    %add3A_52 = arith.addi %select_n3A_40, %add3A_51 : i32
    %dma_start3A = arith.constant 0 : i32
    %dma_start3A_53 = arith.constant 0 : i32
    %dma_start3A_54 = arith.constant 0 : i32
    %dma_start3A_55 = arith.constant 0 : i32
    %dma_start3A_56 = arith.constant 0 : i32
    %dma_start3A_57 = tpu.memref_slice %arg6[%dma_start3A, %dma_start3A_53, %dma_start3A_55, %dma_start3A_56] : memref<2x4x32x128xf32, #tpu.memory_space<vmem>> -> memref<1x1x32x128xf32, #tpu.memory_space<vmem>>
    %dma_start3A_58 = tpu.memref_squeeze %dma_start3A_57 : memref<1x1x32x128xf32, #tpu.memory_space<vmem>> -> memref<32x128xf32, #tpu.memory_space<vmem>>
    %dma_start3A_59 = arith.constant 0 : i32
    %dma_start3A_60 = tpu.memref_slice %arg2[%select_n3A, %select_n3A_40, %rem3A_48, %dma_start3A_59, %multiple_of3A] : memref<4x16x16x32x729xf32, #tpu.memory_space<hbm>> -> memref<1x1x1x32x128xf32, #tpu.memory_space<hbm>>
    %dma_start3A_61 = tpu.memref_squeeze %dma_start3A_60 : memref<1x1x1x32x128xf32, #tpu.memory_space<hbm>> -> memref<32x128xf32, #tpu.memory_space<hbm>>
    %dma_start3A_62 = tpu.memref_slice %arg10[%dma_start3A_54] : memref<4x!tpu.dma_semaphore, #tpu.memory_space<semaphore_mem>> -> memref<1x!tpu.dma_semaphore, #tpu.memory_space<semaphore_mem>>
    %dma_start3A_63 = tpu.memref_squeeze %dma_start3A_62 : memref<1x!tpu.dma_semaphore, #tpu.memory_space<semaphore_mem>> -> memref<!tpu.dma_semaphore, #tpu.memory_space<semaphore_mem>>
    %dma_start3A_64 = arith.constant 0 : i32
    %dma_start3A_65 = arith.constant 0 : i32
    %dma_start3A_66 = tpu.memref_slice %arg6[%dma_start3A, %dma_start3A_53, %dma_start3A_64, %dma_start3A_65] : memref<2x4x32x128xf32, #tpu.memory_space<vmem>> -> memref<1x1x32x128xf32, #tpu.memory_space<vmem>>
    %dma_start3A_67 = tpu.memref_squeeze %dma_start3A_66 : memref<1x1x32x128xf32, #tpu.memory_space<vmem>> -> memref<32x128xf32, #tpu.memory_space<vmem>>
    %dma_start3A_68 = arith.constant 0 : i32
    %dma_start3A_69 = tpu.memref_slice %arg2[%select_n3A, %select_n3A_40, %rem3A_48, %dma_start3A_68, %multiple_of3A] : memref<4x16x16x32x729xf32, #tpu.memory_space<hbm>> -> memref<1x1x1x32x128xf32, #tpu.memory_space<hbm>>
    %dma_start3A_70 = tpu.memref_squeeze %dma_start3A_69 : memref<1x1x1x32x128xf32, #tpu.memory_space<hbm>> -> memref<32x128xf32, #tpu.memory_space<hbm>>
    tpu.enqueue_dma source(%dma_start3A_70 : memref<32x128xf32, #tpu.memory_space<hbm>>) target(%dma_start3A_67 : memref<32x128xf32, #tpu.memory_space<vmem>>) target_semaphore(%dma_start3A_63 : memref<!tpu.dma_semaphore, #tpu.memory_space<semaphore_mem>>)
    %dma_start3A_71 = arith.constant 1 : i32
    %dma_start3A_72 = arith.constant 0 : i32
    %dma_start3A_73 = arith.constant 0 : i32
    %dma_start3A_74 = arith.constant 0 : i32
    %dma_start3A_75 = arith.constant 0 : i32
    %dma_start3A_76 = tpu.memref_slice %arg6[%dma_start3A_71, %dma_start3A_72, %dma_start3A_74, %dma_start3A_75] : memref<2x4x32x128xf32, #tpu.memory_space<vmem>> -> memref<1x1x32x128xf32, #tpu.memory_space<vmem>>
    %dma_start3A_77 = tpu.memref_squeeze %dma_start3A_76 : memref<1x1x32x128xf32, #tpu.memory_space<vmem>> -> memref<32x128xf32, #tpu.memory_space<vmem>>
    %dma_start3A_78 = arith.constant 0 : i32
    %dma_start3A_79 = tpu.memref_slice %arg2[%select_n3A, %add3A_52, %rem3A_48, %dma_start3A_78, %multiple_of3A] : memref<4x16x16x32x729xf32, #tpu.memory_space<hbm>> -> memref<1x1x1x32x128xf32, #tpu.memory_space<hbm>>
    %dma_start3A_80 = tpu.memref_squeeze %dma_start3A_79 : memref<1x1x1x32x128xf32, #tpu.memory_space<hbm>> -> memref<32x128xf32, #tpu.memory_space<hbm>>
    %dma_start3A_81 = tpu.memref_slice %arg11[%dma_start3A_73] : memref<4x!tpu.dma_semaphore, #tpu.memory_space<semaphore_mem>> -> memref<1x!tpu.dma_semaphore, #tpu.memory_space<semaphore_mem>>
    %dma_start3A_82 = tpu.memref_squeeze %dma_start3A_81 : memref<1x!tpu.dma_semaphore, #tpu.memory_space<semaphore_mem>> -> memref<!tpu.dma_semaphore, #tpu.memory_space<semaphore_mem>>
    %dma_start3A_83 = arith.constant 0 : i32
    %dma_start3A_84 = arith.constant 0 : i32
    %dma_start3A_85 = tpu.memref_slice %arg6[%dma_start3A_71, %dma_start3A_72, %dma_start3A_83, %dma_start3A_84] : memref<2x4x32x128xf32, #tpu.memory_space<vmem>> -> memref<1x1x32x128xf32, #tpu.memory_space<vmem>>
    %dma_start3A_86 = tpu.memref_squeeze %dma_start3A_85 : memref<1x1x32x128xf32, #tpu.memory_space<vmem>> -> memref<32x128xf32, #tpu.memory_space<vmem>>
    %dma_start3A_87 = arith.constant 0 : i32
    %dma_start3A_88 = tpu.memref_slice %arg2[%select_n3A, %add3A_52, %rem3A_48, %dma_start3A_87, %multiple_of3A] : memref<4x16x16x32x729xf32, #tpu.memory_space<hbm>> -> memref<1x1x1x32x128xf32, #tpu.memory_space<hbm>>
    %dma_start3A_89 = tpu.memref_squeeze %dma_start3A_88 : memref<1x1x1x32x128xf32, #tpu.memory_space<hbm>> -> memref<32x128xf32, #tpu.memory_space<hbm>>
    tpu.enqueue_dma source(%dma_start3A_89 : memref<32x128xf32, #tpu.memory_space<hbm>>) target(%dma_start3A_86 : memref<32x128xf32, #tpu.memory_space<vmem>>) target_semaphore(%dma_start3A_82 : memref<!tpu.dma_semaphore, #tpu.memory_space<semaphore_mem>>)
    %div3A_90 = arith.constant 1 : i32
    %div3A_91 = arith.constant 16 : i32
    %div3A_92 = arith.divsi %div3A_90, %div3A_91 : i32
    %rem3A_93 = arith.constant 1 : i32
    %rem3A_94 = arith.constant 16 : i32
    %rem3A_95 = arith.remsi %rem3A_93, %rem3A_94 : i32
    %mul3A_96 = arith.constant 128 : i32
    %mul3A_97 = arith.muli %mul3A_96, %div3A_92 : i32
    %multiple_of3A_98 = tpu.assume_multiple %mul3A_97, 128 : i32
    %add3A_99 = arith.constant 8 : i32
    %add3A_100 = arith.addi %select_n3A_40, %add3A_99 : i32
    %dma_start3A_101 = arith.constant 0 : i32
    %dma_start3A_102 = arith.constant 1 : i32
    %dma_start3A_103 = arith.constant 1 : i32
    %dma_start3A_104 = arith.constant 0 : i32
    %dma_start3A_105 = arith.constant 0 : i32
    %dma_start3A_106 = tpu.memref_slice %arg6[%dma_start3A_101, %dma_start3A_102, %dma_start3A_104, %dma_start3A_105] : memref<2x4x32x128xf32, #tpu.memory_space<vmem>> -> memref<1x1x32x128xf32, #tpu.memory_space<vmem>>
    %dma_start3A_107 = tpu.memref_squeeze %dma_start3A_106 : memref<1x1x32x128xf32, #tpu.memory_space<vmem>> -> memref<32x128xf32, #tpu.memory_space<vmem>>
    %dma_start3A_108 = arith.constant 0 : i32
    %dma_start3A_109 = tpu.memref_slice %arg2[%select_n3A, %select_n3A_40, %rem3A_95, %dma_start3A_108, %multiple_of3A_98] : memref<4x16x16x32x729xf32, #tpu.memory_space<hbm>> -> memref<1x1x1x32x128xf32, #tpu.memory_space<hbm>>
    %dma_start3A_110 = tpu.memref_squeeze %dma_start3A_109 : memref<1x1x1x32x128xf32, #tpu.memory_space<hbm>> -> memref<32x128xf32, #tpu.memory_space<hbm>>
    %dma_start3A_111 = tpu.memref_slice %arg10[%dma_start3A_103] : memref<4x!tpu.dma_semaphore, #tpu.memory_space<semaphore_mem>> -> memref<1x!tpu.dma_semaphore, #tpu.memory_space<semaphore_mem>>
    %dma_start3A_112 = tpu.memref_squeeze %dma_start3A_111 : memref<1x!tpu.dma_semaphore, #tpu.memory_space<semaphore_mem>> -> memref<!tpu.dma_semaphore, #tpu.memory_space<semaphore_mem>>
    %dma_start3A_113 = arith.constant 0 : i32
    %dma_start3A_114 = arith.constant 0 : i32
    %dma_start3A_115 = tpu.memref_slice %arg6[%dma_start3A_101, %dma_start3A_102, %dma_start3A_113, %dma_start3A_114] : memref<2x4x32x128xf32, #tpu.memory_space<vmem>> -> memref<1x1x32x128xf32, #tpu.memory_space<vmem>>
    %dma_start3A_116 = tpu.memref_squeeze %dma_start3A_115 : memref<1x1x32x128xf32, #tpu.memory_space<vmem>> -> memref<32x128xf32, #tpu.memory_space<vmem>>
    %dma_start3A_117 = arith.constant 0 : i32
    %dma_start3A_118 = tpu.memref_slice %arg2[%select_n3A, %select_n3A_40, %rem3A_95, %dma_start3A_117, %multiple_of3A_98] : memref<4x16x16x32x729xf32, #tpu.memory_space<hbm>> -> memref<1x1x1x32x128xf32, #tpu.memory_space<hbm>>
    %dma_start3A_119 = tpu.memref_squeeze %dma_start3A_118 : memref<1x1x1x32x128xf32, #tpu.memory_space<hbm>> -> memref<32x128xf32, #tpu.memory_space<hbm>>
    tpu.enqueue_dma source(%dma_start3A_119 : memref<32x128xf32, #tpu.memory_space<hbm>>) target(%dma_start3A_116 : memref<32x128xf32, #tpu.memory_space<vmem>>) target_semaphore(%dma_start3A_112 : memref<!tpu.dma_semaphore, #tpu.memory_space<semaphore_mem>>)
    %dma_start3A_120 = arith.constant 1 : i32
    %dma_start3A_121 = arith.constant 1 : i32
    %dma_start3A_122 = arith.constant 1 : i32
    %dma_start3A_123 = arith.constant 0 : i32
    %dma_start3A_124 = arith.constant 0 : i32
    %dma_start3A_125 = tpu.memref_slice %arg6[%dma_start3A_120, %dma_start3A_121, %dma_start3A_123, %dma_start3A_124] : memref<2x4x32x128xf32, #tpu.memory_space<vmem>> -> memref<1x1x32x128xf32, #tpu.memory_space<vmem>>
    %dma_start3A_126 = tpu.memref_squeeze %dma_start3A_125 : memref<1x1x32x128xf32, #tpu.memory_space<vmem>> -> memref<32x128xf32, #tpu.memory_space<vmem>>
    %dma_start3A_127 = arith.constant 0 : i32
    %dma_start3A_128 = tpu.memref_slice %arg2[%select_n3A, %add3A_100, %rem3A_95, %dma_start3A_127, %multiple_of3A_98] : memref<4x16x16x32x729xf32, #tpu.memory_space<hbm>> -> memref<1x1x1x32x128xf32, #tpu.memory_space<hbm>>
    %dma_start3A_129 = tpu.memref_squeeze %dma_start3A_128 : memref<1x1x1x32x128xf32, #tpu.memory_space<hbm>> -> memref<32x128xf32, #tpu.memory_space<hbm>>
    %dma_start3A_130 = tpu.memref_slice %arg11[%dma_start3A_122] : memref<4x!tpu.dma_semaphore, #tpu.memory_space<semaphore_mem>> -> memref<1x!tpu.dma_semaphore, #tpu.memory_space<semaphore_mem>>
    %dma_start3A_131 = tpu.memref_squeeze %dma_start3A_130 : memref<1x!tpu.dma_semaphore, #tpu.memory_space<semaphore_mem>> -> memref<!tpu.dma_semaphore, #tpu.memory_space<semaphore_mem>>
    %dma_start3A_132 = arith.constant 0 : i32
    %dma_start3A_133 = arith.constant 0 : i32
    %dma_start3A_134 = tpu.memref_slice %arg6[%dma_start3A_120, %dma_start3A_121, %dma_start3A_132, %dma_start3A_133] : memref<2x4x32x128xf32, #tpu.memory_space<vmem>> -> memref<1x1x32x128xf32, #tpu.memory_space<vmem>>
    %dma_start3A_135 = tpu.memref_squeeze %dma_start3A_134 : memref<1x1x32x128xf32, #tpu.memory_space<vmem>> -> memref<32x128xf32, #tpu.memory_space<vmem>>
    %dma_start3A_136 = arith.constant 0 : i32
    %dma_start3A_137 = tpu.memref_slice %arg2[%select_n3A, %add3A_100, %rem3A_95, %dma_start3A_136, %multiple_of3A_98] : memref<4x16x16x32x729xf32, #tpu.memory_space<hbm>> -> memref<1x1x1x32x128xf32, #tpu.memory_space<hbm>>
    %dma_start3A_138 = tpu.memref_squeeze %dma_start3A_137 : memref<1x1x1x32x128xf32, #tpu.memory_space<hbm>> -> memref<32x128xf32, #tpu.memory_space<hbm>>
    tpu.enqueue_dma source(%dma_start3A_138 : memref<32x128xf32, #tpu.memory_space<hbm>>) target(%dma_start3A_135 : memref<32x128xf32, #tpu.memory_space<vmem>>) target_semaphore(%dma_start3A_131 : memref<!tpu.dma_semaphore, #tpu.memory_space<semaphore_mem>>)
    %scan3A = arith.constant 0 : i32
    %scan3A_139 = arith.constant 0 : i32
    %scan3A_140 = arith.constant 80 : i32
    %scan3A_141 = arith.addi %scan3A_139, %scan3A_140 : i32
    %scan3A_142 = arith.constant 1 : i32
    scf.for %scan3A_289 = %scan3A_139 to %scan3A_141 step %scan3A_142  : i32 {
      %rem3A_290 = arith.constant 4 : i32
      %rem3A_291 = arith.remsi %scan3A_289, %rem3A_290 : i32
      %add3A_292 = arith.constant 2 : i32
      %add3A_293 = arith.addi %scan3A_289, %add3A_292 : i32
      %lt3A_294 = arith.constant 80 : i32
      %lt3A_295 = arith.cmpi slt, %add3A_293, %lt3A_294 : i32
      %convert_element_type3A = arith.extui %lt3A_295 : i1 to i32
      %cond3A = arith.constant 0 : i32
      %cond3A_296 = arith.cmpi ne, %convert_element_type3A, %cond3A : i32
      scf.if %cond3A_296 {
        %add3A_402 = arith.constant 2 : i32
        %add3A_403 = arith.addi %scan3A_289, %add3A_402 : i32
        %add3A_404 = arith.constant 2 : i32
        %add3A_405 = arith.addi %scan3A_289, %add3A_404 : i32
        %rem3A_406 = arith.constant 4 : i32
        %rem3A_407 = arith.remsi %add3A_405, %rem3A_406 : i32
        %div3A_408 = arith.constant 16 : i32
        %div3A_409 = arith.divsi %add3A_403, %div3A_408 : i32
        %rem3A_410 = arith.constant 16 : i32
        %rem3A_411 = arith.remsi %add3A_403, %rem3A_410 : i32
        %mul3A_412 = arith.constant 128 : i32
        %mul3A_413 = arith.muli %mul3A_412, %div3A_409 : i32
        %multiple_of3A_414 = tpu.assume_multiple %mul3A_413, 128 : i32
        %add3A_415 = arith.constant 8 : i32
        %add3A_416 = arith.addi %select_n3A_40, %add3A_415 : i32
        %dma_start3A_417 = arith.constant 0 : i32
        %dma_start3A_418 = arith.constant 0 : i32
        %dma_start3A_419 = arith.constant 0 : i32
        %dma_start3A_420 = tpu.memref_slice %arg6[%dma_start3A_417, %rem3A_407, %dma_start3A_418, %dma_start3A_419] : memref<2x4x32x128xf32, #tpu.memory_space<vmem>> -> memref<1x1x32x128xf32, #tpu.memory_space<vmem>>
        %dma_start3A_421 = tpu.memref_squeeze %dma_start3A_420 : memref<1x1x32x128xf32, #tpu.memory_space<vmem>> -> memref<32x128xf32, #tpu.memory_space<vmem>>
        %dma_start3A_422 = arith.constant 0 : i32
        %dma_start3A_423 = tpu.memref_slice %arg2[%select_n3A, %select_n3A_40, %rem3A_411, %dma_start3A_422, %multiple_of3A_414] : memref<4x16x16x32x729xf32, #tpu.memory_space<hbm>> -> memref<1x1x1x32x128xf32, #tpu.memory_space<hbm>>
        %dma_start3A_424 = tpu.memref_squeeze %dma_start3A_423 : memref<1x1x1x32x128xf32, #tpu.memory_space<hbm>> -> memref<32x128xf32, #tpu.memory_space<hbm>>
        %dma_start3A_425 = tpu.memref_slice %arg10[%rem3A_407] : memref<4x!tpu.dma_semaphore, #tpu.memory_space<semaphore_mem>> -> memref<1x!tpu.dma_semaphore, #tpu.memory_space<semaphore_mem>>
        %dma_start3A_426 = tpu.memref_squeeze %dma_start3A_425 : memref<1x!tpu.dma_semaphore, #tpu.memory_space<semaphore_mem>> -> memref<!tpu.dma_semaphore, #tpu.memory_space<semaphore_mem>>
        %dma_start3A_427 = arith.constant 0 : i32
        %dma_start3A_428 = arith.constant 0 : i32
        %dma_start3A_429 = tpu.memref_slice %arg6[%dma_start3A_417, %rem3A_407, %dma_start3A_427, %dma_start3A_428] : memref<2x4x32x128xf32, #tpu.memory_space<vmem>> -> memref<1x1x32x128xf32, #tpu.memory_space<vmem>>
        %dma_start3A_430 = tpu.memref_squeeze %dma_start3A_429 : memref<1x1x32x128xf32, #tpu.memory_space<vmem>> -> memref<32x128xf32, #tpu.memory_space<vmem>>
        %dma_start3A_431 = arith.constant 0 : i32
        %dma_start3A_432 = tpu.memref_slice %arg2[%select_n3A, %select_n3A_40, %rem3A_411, %dma_start3A_431, %multiple_of3A_414] : memref<4x16x16x32x729xf32, #tpu.memory_space<hbm>> -> memref<1x1x1x32x128xf32, #tpu.memory_space<hbm>>
        %dma_start3A_433 = tpu.memref_squeeze %dma_start3A_432 : memref<1x1x1x32x128xf32, #tpu.memory_space<hbm>> -> memref<32x128xf32, #tpu.memory_space<hbm>>
        tpu.enqueue_dma source(%dma_start3A_433 : memref<32x128xf32, #tpu.memory_space<hbm>>) target(%dma_start3A_430 : memref<32x128xf32, #tpu.memory_space<vmem>>) target_semaphore(%dma_start3A_426 : memref<!tpu.dma_semaphore, #tpu.memory_space<semaphore_mem>>)
        %dma_start3A_434 = arith.constant 1 : i32
        %dma_start3A_435 = arith.constant 0 : i32
        %dma_start3A_436 = arith.constant 0 : i32
        %dma_start3A_437 = tpu.memref_slice %arg6[%dma_start3A_434, %rem3A_407, %dma_start3A_435, %dma_start3A_436] : memref<2x4x32x128xf32, #tpu.memory_space<vmem>> -> memref<1x1x32x128xf32, #tpu.memory_space<vmem>>
        %dma_start3A_438 = tpu.memref_squeeze %dma_start3A_437 : memref<1x1x32x128xf32, #tpu.memory_space<vmem>> -> memref<32x128xf32, #tpu.memory_space<vmem>>
        %dma_start3A_439 = arith.constant 0 : i32
        %dma_start3A_440 = tpu.memref_slice %arg2[%select_n3A, %add3A_416, %rem3A_411, %dma_start3A_439, %multiple_of3A_414] : memref<4x16x16x32x729xf32, #tpu.memory_space<hbm>> -> memref<1x1x1x32x128xf32, #tpu.memory_space<hbm>>
        %dma_start3A_441 = tpu.memref_squeeze %dma_start3A_440 : memref<1x1x1x32x128xf32, #tpu.memory_space<hbm>> -> memref<32x128xf32, #tpu.memory_space<hbm>>
        %dma_start3A_442 = tpu.memref_slice %arg11[%rem3A_407] : memref<4x!tpu.dma_semaphore, #tpu.memory_space<semaphore_mem>> -> memref<1x!tpu.dma_semaphore, #tpu.memory_space<semaphore_mem>>
        %dma_start3A_443 = tpu.memref_squeeze %dma_start3A_442 : memref<1x!tpu.dma_semaphore, #tpu.memory_space<semaphore_mem>> -> memref<!tpu.dma_semaphore, #tpu.memory_space<semaphore_mem>>
        %dma_start3A_444 = arith.constant 0 : i32
        %dma_start3A_445 = arith.constant 0 : i32
        %dma_start3A_446 = tpu.memref_slice %arg6[%dma_start3A_434, %rem3A_407, %dma_start3A_444, %dma_start3A_445] : memref<2x4x32x128xf32, #tpu.memory_space<vmem>> -> memref<1x1x32x128xf32, #tpu.memory_space<vmem>>
        %dma_start3A_447 = tpu.memref_squeeze %dma_start3A_446 : memref<1x1x32x128xf32, #tpu.memory_space<vmem>> -> memref<32x128xf32, #tpu.memory_space<vmem>>
        %dma_start3A_448 = arith.constant 0 : i32
        %dma_start3A_449 = tpu.memref_slice %arg2[%select_n3A, %add3A_416, %rem3A_411, %dma_start3A_448, %multiple_of3A_414] : memref<4x16x16x32x729xf32, #tpu.memory_space<hbm>> -> memref<1x1x1x32x128xf32, #tpu.memory_space<hbm>>
        %dma_start3A_450 = tpu.memref_squeeze %dma_start3A_449 : memref<1x1x1x32x128xf32, #tpu.memory_space<hbm>> -> memref<32x128xf32, #tpu.memory_space<hbm>>
        tpu.enqueue_dma source(%dma_start3A_450 : memref<32x128xf32, #tpu.memory_space<hbm>>) target(%dma_start3A_447 : memref<32x128xf32, #tpu.memory_space<vmem>>) target_semaphore(%dma_start3A_443 : memref<!tpu.dma_semaphore, #tpu.memory_space<semaphore_mem>>)
      } else {
      }
      %div3A_297 = arith.constant 16 : i32
      %div3A_298 = arith.divsi %scan3A_289, %div3A_297 : i32
      %rem3A_299 = arith.constant 16 : i32
      %rem3A_300 = arith.remsi %scan3A_289, %rem3A_299 : i32
      %mul3A_301 = arith.constant 128 : i32
      %mul3A_302 = arith.muli %mul3A_301, %div3A_298 : i32
      %multiple_of3A_303 = tpu.assume_multiple %mul3A_302, 128 : i32
      %add3A_304 = arith.constant 8 : i32
      %add3A_305 = arith.addi %select_n3A_40, %add3A_304 : i32
      %dma_wait3A_306 = arith.constant 0 : i32
      %dma_wait3A_307 = arith.constant 0 : i32
      %dma_wait3A_308 = arith.constant 0 : i32
      %dma_wait3A_309 = tpu.memref_slice %arg6[%dma_wait3A_306, %rem3A_291, %dma_wait3A_307, %dma_wait3A_308] : memref<2x4x32x128xf32, #tpu.memory_space<vmem>> -> memref<1x1x32x128xf32, #tpu.memory_space<vmem>>
      %dma_wait3A_310 = tpu.memref_squeeze %dma_wait3A_309 : memref<1x1x32x128xf32, #tpu.memory_space<vmem>> -> memref<32x128xf32, #tpu.memory_space<vmem>>
      %dma_wait3A_311 = arith.constant 0 : i32
      %dma_wait3A_312 = tpu.memref_slice %arg2[%select_n3A, %select_n3A_40, %rem3A_300, %dma_wait3A_311, %multiple_of3A_303] : memref<4x16x16x32x729xf32, #tpu.memory_space<hbm>> -> memref<1x1x1x32x128xf32, #tpu.memory_space<hbm>>
      %dma_wait3A_313 = tpu.memref_squeeze %dma_wait3A_312 : memref<1x1x1x32x128xf32, #tpu.memory_space<hbm>> -> memref<32x128xf32, #tpu.memory_space<hbm>>
      %dma_wait3A_314 = tpu.memref_slice %arg10[%rem3A_291] : memref<4x!tpu.dma_semaphore, #tpu.memory_space<semaphore_mem>> -> memref<1x!tpu.dma_semaphore, #tpu.memory_space<semaphore_mem>>
      %dma_wait3A_315 = tpu.memref_squeeze %dma_wait3A_314 : memref<1x!tpu.dma_semaphore, #tpu.memory_space<semaphore_mem>> -> memref<!tpu.dma_semaphore, #tpu.memory_space<semaphore_mem>>
      %dma_wait3A_316 = arith.constant 0 : i32
      %dma_wait3A_317 = arith.constant 0 : i32
      %dma_wait3A_318 = tpu.memref_slice %arg6[%dma_wait3A_306, %rem3A_291, %dma_wait3A_316, %dma_wait3A_317] : memref<2x4x32x128xf32, #tpu.memory_space<vmem>> -> memref<1x1x32x128xf32, #tpu.memory_space<vmem>>
      %dma_wait3A_319 = tpu.memref_squeeze %dma_wait3A_318 : memref<1x1x32x128xf32, #tpu.memory_space<vmem>> -> memref<32x128xf32, #tpu.memory_space<vmem>>
      %dma_wait3A_320 = arith.constant 0 : i32
      %dma_wait3A_321 = tpu.memref_slice %arg2[%select_n3A, %select_n3A_40, %rem3A_300, %dma_wait3A_320, %multiple_of3A_303] : memref<4x16x16x32x729xf32, #tpu.memory_space<hbm>> -> memref<1x1x1x32x128xf32, #tpu.memory_space<hbm>>
      %dma_wait3A_322 = tpu.memref_squeeze %dma_wait3A_321 : memref<1x1x1x32x128xf32, #tpu.memory_space<hbm>> -> memref<32x128xf32, #tpu.memory_space<hbm>>
      tpu.wait_dma2 semaphore(%dma_wait3A_315 : memref<!tpu.dma_semaphore, #tpu.memory_space<semaphore_mem>>) src(%dma_wait3A_322 : memref<32x128xf32, #tpu.memory_space<hbm>>) dst(%dma_wait3A_319 : memref<32x128xf32, #tpu.memory_space<vmem>>)
      %dma_wait3A_323 = arith.constant 1 : i32
      %dma_wait3A_324 = arith.constant 0 : i32
      %dma_wait3A_325 = arith.constant 0 : i32
      %dma_wait3A_326 = tpu.memref_slice %arg6[%dma_wait3A_323, %rem3A_291, %dma_wait3A_324, %dma_wait3A_325] : memref<2x4x32x128xf32, #tpu.memory_space<vmem>> -> memref<1x1x32x128xf32, #tpu.memory_space<vmem>>
      %dma_wait3A_327 = tpu.memref_squeeze %dma_wait3A_326 : memref<1x1x32x128xf32, #tpu.memory_space<vmem>> -> memref<32x128xf32, #tpu.memory_space<vmem>>
      %dma_wait3A_328 = arith.constant 0 : i32
      %dma_wait3A_329 = tpu.memref_slice %arg2[%select_n3A, %add3A_305, %rem3A_300, %dma_wait3A_328, %multiple_of3A_303] : memref<4x16x16x32x729xf32, #tpu.memory_space<hbm>> -> memref<1x1x1x32x128xf32, #tpu.memory_space<hbm>>
      %dma_wait3A_330 = tpu.memref_squeeze %dma_wait3A_329 : memref<1x1x1x32x128xf32, #tpu.memory_space<hbm>> -> memref<32x128xf32, #tpu.memory_space<hbm>>
      %dma_wait3A_331 = tpu.memref_slice %arg11[%rem3A_291] : memref<4x!tpu.dma_semaphore, #tpu.memory_space<semaphore_mem>> -> memref<1x!tpu.dma_semaphore, #tpu.memory_space<semaphore_mem>>
      %dma_wait3A_332 = tpu.memref_squeeze %dma_wait3A_331 : memref<1x!tpu.dma_semaphore, #tpu.memory_space<semaphore_mem>> -> memref<!tpu.dma_semaphore, #tpu.memory_space<semaphore_mem>>
      %dma_wait3A_333 = arith.constant 0 : i32
      %dma_wait3A_334 = arith.constant 0 : i32
      %dma_wait3A_335 = tpu.memref_slice %arg6[%dma_wait3A_323, %rem3A_291, %dma_wait3A_333, %dma_wait3A_334] : memref<2x4x32x128xf32, #tpu.memory_space<vmem>> -> memref<1x1x32x128xf32, #tpu.memory_space<vmem>>
      %dma_wait3A_336 = tpu.memref_squeeze %dma_wait3A_335 : memref<1x1x32x128xf32, #tpu.memory_space<vmem>> -> memref<32x128xf32, #tpu.memory_space<vmem>>
      %dma_wait3A_337 = arith.constant 0 : i32
      %dma_wait3A_338 = tpu.memref_slice %arg2[%select_n3A, %add3A_305, %rem3A_300, %dma_wait3A_337, %multiple_of3A_303] : memref<4x16x16x32x729xf32, #tpu.memory_space<hbm>> -> memref<1x1x1x32x128xf32, #tpu.memory_space<hbm>>
      %dma_wait3A_339 = tpu.memref_squeeze %dma_wait3A_338 : memref<1x1x1x32x128xf32, #tpu.memory_space<hbm>> -> memref<32x128xf32, #tpu.memory_space<hbm>>
      tpu.wait_dma2 semaphore(%dma_wait3A_332 : memref<!tpu.dma_semaphore, #tpu.memory_space<semaphore_mem>>) src(%dma_wait3A_339 : memref<32x128xf32, #tpu.memory_space<hbm>>) dst(%dma_wait3A_336 : memref<32x128xf32, #tpu.memory_space<vmem>>)
      %div3A_340 = arith.constant 16 : i32
      %div3A_341 = arith.divsi %scan3A_289, %div3A_340 : i32
      %rem3A_342 = arith.constant 16 : i32
      %rem3A_343 = arith.remsi %scan3A_289, %rem3A_342 : i32
      %mul3A_344 = arith.constant 8 : i32
      %mul3A_345 = arith.muli %mul3A_344, %div3A_341 : i32
      %add3A_346 = arith.constant 0 : i32
      %add3A_347 = arith.addi %mul3A_345, %add3A_346 : i32
      %mul3A_348 = arith.constant 32 : i32
      %mul3A_349 = arith.muli %mul3A_348, %add3A_347 : i32
      %mul3A_350 = arith.constant 8 : i32
      %mul3A_351 = arith.muli %mul3A_350, %div3A_341 : i32
      %add3A_352 = arith.constant 1 : i32
      %add3A_353 = arith.addi %mul3A_351, %add3A_352 : i32
      %mul3A_354 = arith.constant 32 : i32
      %mul3A_355 = arith.muli %mul3A_354, %add3A_353 : i32
      %mul3A_356 = arith.constant 8 : i32
      %mul3A_357 = arith.muli %mul3A_356, %div3A_341 : i32
      %add3A_358 = arith.constant 2 : i32
      %add3A_359 = arith.addi %mul3A_357, %add3A_358 : i32
      %mul3A_360 = arith.constant 32 : i32
      %mul3A_361 = arith.muli %mul3A_360, %add3A_359 : i32
      %mul3A_362 = arith.constant 8 : i32
      %mul3A_363 = arith.muli %mul3A_362, %div3A_341 : i32
      %add3A_364 = arith.constant 3 : i32
      %add3A_365 = arith.addi %mul3A_363, %add3A_364 : i32
      %mul3A_366 = arith.constant 32 : i32
      %mul3A_367 = arith.muli %mul3A_366, %add3A_365 : i32
      %mul3A_368 = arith.constant 8 : i32
      %mul3A_369 = arith.muli %mul3A_368, %div3A_341 : i32
      %add3A_370 = arith.constant 4 : i32
      %add3A_371 = arith.addi %mul3A_369, %add3A_370 : i32
      %mul3A_372 = arith.constant 32 : i32
      %mul3A_373 = arith.muli %mul3A_372, %add3A_371 : i32
      %mul3A_374 = arith.constant 8 : i32
      %mul3A_375 = arith.muli %mul3A_374, %div3A_341 : i32
      %add3A_376 = arith.constant 5 : i32
      %add3A_377 = arith.addi %mul3A_375, %add3A_376 : i32
      %mul3A_378 = arith.constant 32 : i32
      %mul3A_379 = arith.muli %mul3A_378, %add3A_377 : i32
      %mul3A_380 = arith.constant 8 : i32
      %mul3A_381 = arith.muli %mul3A_380, %div3A_341 : i32
      %add3A_382 = arith.constant 6 : i32
      %add3A_383 = arith.addi %mul3A_381, %add3A_382 : i32
      %mul3A_384 = arith.constant 32 : i32
      %mul3A_385 = arith.muli %mul3A_384, %add3A_383 : i32
      %mul3A_386 = arith.constant 8 : i32
      %mul3A_387 = arith.muli %mul3A_386, %div3A_341 : i32
      %add3A_388 = arith.constant 7 : i32
      %add3A_389 = arith.addi %mul3A_387, %add3A_388 : i32
      %mul3A_390 = arith.constant 32 : i32
      %mul3A_391 = arith.muli %mul3A_390, %add3A_389 : i32
      %parallel_loop3A_392 = arith.constant 0 : i32
      %parallel_loop3A_393 = arith.constant 32 : i32
      %parallel_loop3A_394 = arith.constant 1 : i32
      scf.for %parallel_loop3A_402 = %parallel_loop3A_392 to %parallel_loop3A_393 step %parallel_loop3A_394  : i32 {
        %parallel_loop3A_403 = arith.constant 8 : i32
        %parallel_loop3A_404 = arith.divsi %rem3A_343, %parallel_loop3A_403 : i32
        %parallel_loop3A_405 = arith.constant 257 : i32
        %parallel_loop3A_406 = arith.muli %parallel_loop3A_405, %parallel_loop3A_404 : i32
        %parallel_loop3A_407 = arith.constant 8 : i32
        %parallel_loop3A_408 = arith.muli %parallel_loop3A_407, %parallel_loop3A_402 : i32
        %parallel_loop3A_409 = arith.addi %parallel_loop3A_406, %parallel_loop3A_408 : i32
        %parallel_loop3A_410 = arith.constant 8 : i32
        %parallel_loop3A_411 = arith.remsi %rem3A_343, %parallel_loop3A_410 : i32
        %parallel_loop3A_412 = arith.addi %parallel_loop3A_409, %parallel_loop3A_411 : i32
        %parallel_loop3A_413 = arith.constant 0 : i32
        %parallel_loop3A_414 = arith.addi %mul3A_349, %parallel_loop3A_413 : i32
        %parallel_loop3A_415 = arith.index_cast %parallel_loop3A_414 : i32 to index
        %parallel_loop3A_416 = tpu.vector_load %arg9[%parallel_loop3A_415] {strides = array<i32>} : memref<1472xi32, #tpu.memory_space<vmem>>, vector<16xi32>,
        %parallel_loop3A_417 = vector.broadcast %parallel_loop3A_412 : i32 to vector<16xi32>
        %parallel_loop3A_418 = arith.addi %parallel_loop3A_416, %parallel_loop3A_417 : vector<16xi32>
        %parallel_loop3A_419 = arith.constant 0 : i32
        %parallel_loop3A_420 = arith.index_cast %parallel_loop3A_419 : i32 to index
        %parallel_loop3A_421 = arith.index_cast %rem3A_291 : i32 to index
        %parallel_loop3A_422 = arith.index_cast %parallel_loop3A_402 : i32 to index
        %parallel_loop3A_423 = arith.constant 0 : index
        %parallel_loop3A_424 = tpu.vector_load %arg6[%parallel_loop3A_420, %parallel_loop3A_421, %parallel_loop3A_422, %parallel_loop3A_423] {strides = array<i32>} : memref<2x4x32x128xf32, #tpu.memory_space<vmem>>, vector<16xf32>,
        tpu.vector_store_idx %arg7[%parallel_loop3A_418], %parallel_loop3A_424 {add = true} : memref<57600xf32, #tpu.memory_space<vmem>>[vector<16xi32>], vector<16xf32>,
        %parallel_loop3A_425 = arith.constant 0 : i32
        %parallel_loop3A_426 = arith.addi %mul3A_355, %parallel_loop3A_425 : i32
        %parallel_loop3A_427 = arith.index_cast %parallel_loop3A_426 : i32 to index
        %parallel_loop3A_428 = tpu.vector_load %arg9[%parallel_loop3A_427] {strides = array<i32>} : memref<1472xi32, #tpu.memory_space<vmem>>, vector<16xi32>,
        %parallel_loop3A_429 = vector.broadcast %parallel_loop3A_412 : i32 to vector<16xi32>
        %parallel_loop3A_430 = arith.addi %parallel_loop3A_428, %parallel_loop3A_429 : vector<16xi32>
        %parallel_loop3A_431 = arith.constant 0 : i32
        %parallel_loop3A_432 = arith.index_cast %parallel_loop3A_431 : i32 to index
        %parallel_loop3A_433 = arith.index_cast %rem3A_291 : i32 to index
        %parallel_loop3A_434 = arith.index_cast %parallel_loop3A_402 : i32 to index
        %parallel_loop3A_435 = arith.constant 16 : index
        %parallel_loop3A_436 = tpu.vector_load %arg6[%parallel_loop3A_432, %parallel_loop3A_433, %parallel_loop3A_434, %parallel_loop3A_435] {strides = array<i32>} : memref<2x4x32x128xf32, #tpu.memory_space<vmem>>, vector<16xf32>,
        tpu.vector_store_idx %arg7[%parallel_loop3A_430], %parallel_loop3A_436 {add = true} : memref<57600xf32, #tpu.memory_space<vmem>>[vector<16xi32>], vector<16xf32>,
        %parallel_loop3A_437 = arith.constant 0 : i32
        %parallel_loop3A_438 = arith.addi %mul3A_361, %parallel_loop3A_437 : i32
        %parallel_loop3A_439 = arith.index_cast %parallel_loop3A_438 : i32 to index
        %parallel_loop3A_440 = tpu.vector_load %arg9[%parallel_loop3A_439] {strides = array<i32>} : memref<1472xi32, #tpu.memory_space<vmem>>, vector<16xi32>,
        %parallel_loop3A_441 = vector.broadcast %parallel_loop3A_412 : i32 to vector<16xi32>
        %parallel_loop3A_442 = arith.addi %parallel_loop3A_440, %parallel_loop3A_441 : vector<16xi32>
        %parallel_loop3A_443 = arith.constant 0 : i32
        %parallel_loop3A_444 = arith.index_cast %parallel_loop3A_443 : i32 to index
        %parallel_loop3A_445 = arith.index_cast %rem3A_291 : i32 to index
        %parallel_loop3A_446 = arith.index_cast %parallel_loop3A_402 : i32 to index
        %parallel_loop3A_447 = arith.constant 32 : index
        %parallel_loop3A_448 = tpu.vector_load %arg6[%parallel_loop3A_444, %parallel_loop3A_445, %parallel_loop3A_446, %parallel_loop3A_447] {strides = array<i32>} : memref<2x4x32x128xf32, #tpu.memory_space<vmem>>, vector<16xf32>,
        tpu.vector_store_idx %arg7[%parallel_loop3A_442], %parallel_loop3A_448 {add = true} : memref<57600xf32, #tpu.memory_space<vmem>>[vector<16xi32>], vector<16xf32>,
        %parallel_loop3A_449 = arith.constant 0 : i32
        %parallel_loop3A_450 = arith.addi %mul3A_367, %parallel_loop3A_449 : i32
        %parallel_loop3A_451 = arith.index_cast %parallel_loop3A_450 : i32 to index
        %parallel_loop3A_452 = tpu.vector_load %arg9[%parallel_loop3A_451] {strides = array<i32>} : memref<1472xi32, #tpu.memory_space<vmem>>, vector<16xi32>,
        %parallel_loop3A_453 = vector.broadcast %parallel_loop3A_412 : i32 to vector<16xi32>
        %parallel_loop3A_454 = arith.addi %parallel_loop3A_452, %parallel_loop3A_453 : vector<16xi32>
        %parallel_loop3A_455 = arith.constant 0 : i32
        %parallel_loop3A_456 = arith.index_cast %parallel_loop3A_455 : i32 to index
        %parallel_loop3A_457 = arith.index_cast %rem3A_291 : i32 to index
        %parallel_loop3A_458 = arith.index_cast %parallel_loop3A_402 : i32 to index
        %parallel_loop3A_459 = arith.constant 48 : index
        %parallel_loop3A_460 = tpu.vector_load %arg6[%parallel_loop3A_456, %parallel_loop3A_457, %parallel_loop3A_458, %parallel_loop3A_459] {strides = array<i32>} : memref<2x4x32x128xf32, #tpu.memory_space<vmem>>, vector<16xf32>,
        tpu.vector_store_idx %arg7[%parallel_loop3A_454], %parallel_loop3A_460 {add = true} : memref<57600xf32, #tpu.memory_space<vmem>>[vector<16xi32>], vector<16xf32>,
        %parallel_loop3A_461 = arith.constant 0 : i32
        %parallel_loop3A_462 = arith.addi %mul3A_373, %parallel_loop3A_461 : i32
        %parallel_loop3A_463 = arith.index_cast %parallel_loop3A_462 : i32 to index
        %parallel_loop3A_464 = tpu.vector_load %arg9[%parallel_loop3A_463] {strides = array<i32>} : memref<1472xi32, #tpu.memory_space<vmem>>, vector<16xi32>,
        %parallel_loop3A_465 = vector.broadcast %parallel_loop3A_412 : i32 to vector<16xi32>
        %parallel_loop3A_466 = arith.addi %parallel_loop3A_464, %parallel_loop3A_465 : vector<16xi32>
        %parallel_loop3A_467 = arith.constant 0 : i32
        %parallel_loop3A_468 = arith.index_cast %parallel_loop3A_467 : i32 to index
        %parallel_loop3A_469 = arith.index_cast %rem3A_291 : i32 to index
        %parallel_loop3A_470 = arith.index_cast %parallel_loop3A_402 : i32 to index
        %parallel_loop3A_471 = arith.constant 64 : index
        %parallel_loop3A_472 = tpu.vector_load %arg6[%parallel_loop3A_468, %parallel_loop3A_469, %parallel_loop3A_470, %parallel_loop3A_471] {strides = array<i32>} : memref<2x4x32x128xf32, #tpu.memory_space<vmem>>, vector<16xf32>,
        tpu.vector_store_idx %arg7[%parallel_loop3A_466], %parallel_loop3A_472 {add = true} : memref<57600xf32, #tpu.memory_space<vmem>>[vector<16xi32>], vector<16xf32>,
        %parallel_loop3A_473 = arith.constant 0 : i32
        %parallel_loop3A_474 = arith.addi %mul3A_379, %parallel_loop3A_473 : i32
        %parallel_loop3A_475 = arith.index_cast %parallel_loop3A_474 : i32 to index
        %parallel_loop3A_476 = tpu.vector_load %arg9[%parallel_loop3A_475] {strides = array<i32>} : memref<1472xi32, #tpu.memory_space<vmem>>, vector<16xi32>,
        %parallel_loop3A_477 = vector.broadcast %parallel_loop3A_412 : i32 to vector<16xi32>
        %parallel_loop3A_478 = arith.addi %parallel_loop3A_476, %parallel_loop3A_477 : vector<16xi32>
        %parallel_loop3A_479 = arith.constant 0 : i32
        %parallel_loop3A_480 = arith.index_cast %parallel_loop3A_479 : i32 to index
        %parallel_loop3A_481 = arith.index_cast %rem3A_291 : i32 to index
        %parallel_loop3A_482 = arith.index_cast %parallel_loop3A_402 : i32 to index
        %parallel_loop3A_483 = arith.constant 80 : index
        %parallel_loop3A_484 = tpu.vector_load %arg6[%parallel_loop3A_480, %parallel_loop3A_481, %parallel_loop3A_482, %parallel_loop3A_483] {strides = array<i32>} : memref<2x4x32x128xf32, #tpu.memory_space<vmem>>, vector<16xf32>,
        tpu.vector_store_idx %arg7[%parallel_loop3A_478], %parallel_loop3A_484 {add = true} : memref<57600xf32, #tpu.memory_space<vmem>>[vector<16xi32>], vector<16xf32>,
        %parallel_loop3A_485 = arith.constant 0 : i32
        %parallel_loop3A_486 = arith.addi %mul3A_385, %parallel_loop3A_485 : i32
        %parallel_loop3A_487 = arith.index_cast %parallel_loop3A_486 : i32 to index
        %parallel_loop3A_488 = tpu.vector_load %arg9[%parallel_loop3A_487] {strides = array<i32>} : memref<1472xi32, #tpu.memory_space<vmem>>, vector<16xi32>,
        %parallel_loop3A_489 = vector.broadcast %parallel_loop3A_412 : i32 to vector<16xi32>
        %parallel_loop3A_490 = arith.addi %parallel_loop3A_488, %parallel_loop3A_489 : vector<16xi32>
        %parallel_loop3A_491 = arith.constant 0 : i32
        %parallel_loop3A_492 = arith.index_cast %parallel_loop3A_491 : i32 to index
        %parallel_loop3A_493 = arith.index_cast %rem3A_291 : i32 to index
        %parallel_loop3A_494 = arith.index_cast %parallel_loop3A_402 : i32 to index
        %parallel_loop3A_495 = arith.constant 96 : index
        %parallel_loop3A_496 = tpu.vector_load %arg6[%parallel_loop3A_492, %parallel_loop3A_493, %parallel_loop3A_494, %parallel_loop3A_495] {strides = array<i32>} : memref<2x4x32x128xf32, #tpu.memory_space<vmem>>, vector<16xf32>,
        tpu.vector_store_idx %arg7[%parallel_loop3A_490], %parallel_loop3A_496 {add = true} : memref<57600xf32, #tpu.memory_space<vmem>>[vector<16xi32>], vector<16xf32>,
        %parallel_loop3A_497 = arith.constant 0 : i32
        %parallel_loop3A_498 = arith.addi %mul3A_391, %parallel_loop3A_497 : i32
        %parallel_loop3A_499 = arith.index_cast %parallel_loop3A_498 : i32 to index
        %parallel_loop3A_500 = tpu.vector_load %arg9[%parallel_loop3A_499] {strides = array<i32>} : memref<1472xi32, #tpu.memory_space<vmem>>, vector<16xi32>,
        %parallel_loop3A_501 = vector.broadcast %parallel_loop3A_412 : i32 to vector<16xi32>
        %parallel_loop3A_502 = arith.addi %parallel_loop3A_500, %parallel_loop3A_501 : vector<16xi32>
        %parallel_loop3A_503 = arith.constant 0 : i32
        %parallel_loop3A_504 = arith.index_cast %parallel_loop3A_503 : i32 to index
        %parallel_loop3A_505 = arith.index_cast %rem3A_291 : i32 to index
        %parallel_loop3A_506 = arith.index_cast %parallel_loop3A_402 : i32 to index
        %parallel_loop3A_507 = arith.constant 112 : index
        %parallel_loop3A_508 = tpu.vector_load %arg6[%parallel_loop3A_504, %parallel_loop3A_505, %parallel_loop3A_506, %parallel_loop3A_507] {strides = array<i32>} : memref<2x4x32x128xf32, #tpu.memory_space<vmem>>, vector<16xf32>,
        tpu.vector_store_idx %arg7[%parallel_loop3A_502], %parallel_loop3A_508 {add = true} : memref<57600xf32, #tpu.memory_space<vmem>>[vector<16xi32>], vector<16xf32>,
        %parallel_loop3A_509 = arith.constant 16 : i32
        %parallel_loop3A_510 = arith.addi %mul3A_349, %parallel_loop3A_509 : i32
        %parallel_loop3A_511 = arith.index_cast %parallel_loop3A_510 : i32 to index
        %parallel_loop3A_512 = tpu.vector_load %arg9[%parallel_loop3A_511] {strides = array<i32>} : memref<1472xi32, #tpu.memory_space<vmem>>, vector<16xi32>,
        %parallel_loop3A_513 = vector.broadcast %parallel_loop3A_412 : i32 to vector<16xi32>
        %parallel_loop3A_514 = arith.addi %parallel_loop3A_512, %parallel_loop3A_513 : vector<16xi32>
        %parallel_loop3A_515 = arith.constant 1 : i32
        %parallel_loop3A_516 = arith.index_cast %parallel_loop3A_515 : i32 to index
        %parallel_loop3A_517 = arith.index_cast %rem3A_291 : i32 to index
        %parallel_loop3A_518 = arith.index_cast %parallel_loop3A_402 : i32 to index
        %parallel_loop3A_519 = arith.constant 0 : index
        %parallel_loop3A_520 = tpu.vector_load %arg6[%parallel_loop3A_516, %parallel_loop3A_517, %parallel_loop3A_518, %parallel_loop3A_519] {strides = array<i32>} : memref<2x4x32x128xf32, #tpu.memory_space<vmem>>, vector<16xf32>,
        tpu.vector_store_idx %arg7[%parallel_loop3A_514], %parallel_loop3A_520 {add = true} : memref<57600xf32, #tpu.memory_space<vmem>>[vector<16xi32>], vector<16xf32>,
        %parallel_loop3A_521 = arith.constant 16 : i32
        %parallel_loop3A_522 = arith.addi %mul3A_355, %parallel_loop3A_521 : i32
        %parallel_loop3A_523 = arith.index_cast %parallel_loop3A_522 : i32 to index
        %parallel_loop3A_524 = tpu.vector_load %arg9[%parallel_loop3A_523] {strides = array<i32>} : memref<1472xi32, #tpu.memory_space<vmem>>, vector<16xi32>,
        %parallel_loop3A_525 = vector.broadcast %parallel_loop3A_412 : i32 to vector<16xi32>
        %parallel_loop3A_526 = arith.addi %parallel_loop3A_524, %parallel_loop3A_525 : vector<16xi32>
        %parallel_loop3A_527 = arith.constant 1 : i32
        %parallel_loop3A_528 = arith.index_cast %parallel_loop3A_527 : i32 to index
        %parallel_loop3A_529 = arith.index_cast %rem3A_291 : i32 to index
        %parallel_loop3A_530 = arith.index_cast %parallel_loop3A_402 : i32 to index
        %parallel_loop3A_531 = arith.constant 16 : index
        %parallel_loop3A_532 = tpu.vector_load %arg6[%parallel_loop3A_528, %parallel_loop3A_529, %parallel_loop3A_530, %parallel_loop3A_531] {strides = array<i32>} : memref<2x4x32x128xf32, #tpu.memory_space<vmem>>, vector<16xf32>,
        tpu.vector_store_idx %arg7[%parallel_loop3A_526], %parallel_loop3A_532 {add = true} : memref<57600xf32, #tpu.memory_space<vmem>>[vector<16xi32>], vector<16xf32>,
        %parallel_loop3A_533 = arith.constant 16 : i32
        %parallel_loop3A_534 = arith.addi %mul3A_361, %parallel_loop3A_533 : i32
        %parallel_loop3A_535 = arith.index_cast %parallel_loop3A_534 : i32 to index
        %parallel_loop3A_536 = tpu.vector_load %arg9[%parallel_loop3A_535] {strides = array<i32>} : memref<1472xi32, #tpu.memory_space<vmem>>, vector<16xi32>,
        %parallel_loop3A_537 = vector.broadcast %parallel_loop3A_412 : i32 to vector<16xi32>
        %parallel_loop3A_538 = arith.addi %parallel_loop3A_536, %parallel_loop3A_537 : vector<16xi32>
        %parallel_loop3A_539 = arith.constant 1 : i32
        %parallel_loop3A_540 = arith.index_cast %parallel_loop3A_539 : i32 to index
        %parallel_loop3A_541 = arith.index_cast %rem3A_291 : i32 to index
        %parallel_loop3A_542 = arith.index_cast %parallel_loop3A_402 : i32 to index
        %parallel_loop3A_543 = arith.constant 32 : index
        %parallel_loop3A_544 = tpu.vector_load %arg6[%parallel_loop3A_540, %parallel_loop3A_541, %parallel_loop3A_542, %parallel_loop3A_543] {strides = array<i32>} : memref<2x4x32x128xf32, #tpu.memory_space<vmem>>, vector<16xf32>,
        tpu.vector_store_idx %arg7[%parallel_loop3A_538], %parallel_loop3A_544 {add = true} : memref<57600xf32, #tpu.memory_space<vmem>>[vector<16xi32>], vector<16xf32>,
        %parallel_loop3A_545 = arith.constant 16 : i32
        %parallel_loop3A_546 = arith.addi %mul3A_367, %parallel_loop3A_545 : i32
        %parallel_loop3A_547 = arith.index_cast %parallel_loop3A_546 : i32 to index
        %parallel_loop3A_548 = tpu.vector_load %arg9[%parallel_loop3A_547] {strides = array<i32>} : memref<1472xi32, #tpu.memory_space<vmem>>, vector<16xi32>,
        %parallel_loop3A_549 = vector.broadcast %parallel_loop3A_412 : i32 to vector<16xi32>
        %parallel_loop3A_550 = arith.addi %parallel_loop3A_548, %parallel_loop3A_549 : vector<16xi32>
        %parallel_loop3A_551 = arith.constant 1 : i32
        %parallel_loop3A_552 = arith.index_cast %parallel_loop3A_551 : i32 to index
        %parallel_loop3A_553 = arith.index_cast %rem3A_291 : i32 to index
        %parallel_loop3A_554 = arith.index_cast %parallel_loop3A_402 : i32 to index
        %parallel_loop3A_555 = arith.constant 48 : index
        %parallel_loop3A_556 = tpu.vector_load %arg6[%parallel_loop3A_552, %parallel_loop3A_553, %parallel_loop3A_554, %parallel_loop3A_555] {strides = array<i32>} : memref<2x4x32x128xf32, #tpu.memory_space<vmem>>, vector<16xf32>,
        tpu.vector_store_idx %arg7[%parallel_loop3A_550], %parallel_loop3A_556 {add = true} : memref<57600xf32, #tpu.memory_space<vmem>>[vector<16xi32>], vector<16xf32>,
        %parallel_loop3A_557 = arith.constant 16 : i32
        %parallel_loop3A_558 = arith.addi %mul3A_373, %parallel_loop3A_557 : i32
        %parallel_loop3A_559 = arith.index_cast %parallel_loop3A_558 : i32 to index
        %parallel_loop3A_560 = tpu.vector_load %arg9[%parallel_loop3A_559] {strides = array<i32>} : memref<1472xi32, #tpu.memory_space<vmem>>, vector<16xi32>,
        %parallel_loop3A_561 = vector.broadcast %parallel_loop3A_412 : i32 to vector<16xi32>
        %parallel_loop3A_562 = arith.addi %parallel_loop3A_560, %parallel_loop3A_561 : vector<16xi32>
        %parallel_loop3A_563 = arith.constant 1 : i32
        %parallel_loop3A_564 = arith.index_cast %parallel_loop3A_563 : i32 to index
        %parallel_loop3A_565 = arith.index_cast %rem3A_291 : i32 to index
        %parallel_loop3A_566 = arith.index_cast %parallel_loop3A_402 : i32 to index
        %parallel_loop3A_567 = arith.constant 64 : index
        %parallel_loop3A_568 = tpu.vector_load %arg6[%parallel_loop3A_564, %parallel_loop3A_565, %parallel_loop3A_566, %parallel_loop3A_567] {strides = array<i32>} : memref<2x4x32x128xf32, #tpu.memory_space<vmem>>, vector<16xf32>,
        tpu.vector_store_idx %arg7[%parallel_loop3A_562], %parallel_loop3A_568 {add = true} : memref<57600xf32, #tpu.memory_space<vmem>>[vector<16xi32>], vector<16xf32>,
        %parallel_loop3A_569 = arith.constant 16 : i32
        %parallel_loop3A_570 = arith.addi %mul3A_379, %parallel_loop3A_569 : i32
        %parallel_loop3A_571 = arith.index_cast %parallel_loop3A_570 : i32 to index
        %parallel_loop3A_572 = tpu.vector_load %arg9[%parallel_loop3A_571] {strides = array<i32>} : memref<1472xi32, #tpu.memory_space<vmem>>, vector<16xi32>,
        %parallel_loop3A_573 = vector.broadcast %parallel_loop3A_412 : i32 to vector<16xi32>
        %parallel_loop3A_574 = arith.addi %parallel_loop3A_572, %parallel_loop3A_573 : vector<16xi32>
        %parallel_loop3A_575 = arith.constant 1 : i32
        %parallel_loop3A_576 = arith.index_cast %parallel_loop3A_575 : i32 to index
        %parallel_loop3A_577 = arith.index_cast %rem3A_291 : i32 to index
        %parallel_loop3A_578 = arith.index_cast %parallel_loop3A_402 : i32 to index
        %parallel_loop3A_579 = arith.constant 80 : index
        %parallel_loop3A_580 = tpu.vector_load %arg6[%parallel_loop3A_576, %parallel_loop3A_577, %parallel_loop3A_578, %parallel_loop3A_579] {strides = array<i32>} : memref<2x4x32x128xf32, #tpu.memory_space<vmem>>, vector<16xf32>,
        tpu.vector_store_idx %arg7[%parallel_loop3A_574], %parallel_loop3A_580 {add = true} : memref<57600xf32, #tpu.memory_space<vmem>>[vector<16xi32>], vector<16xf32>,
        %parallel_loop3A_581 = arith.constant 16 : i32
        %parallel_loop3A_582 = arith.addi %mul3A_385, %parallel_loop3A_581 : i32
        %parallel_loop3A_583 = arith.index_cast %parallel_loop3A_582 : i32 to index
        %parallel_loop3A_584 = tpu.vector_load %arg9[%parallel_loop3A_583] {strides = array<i32>} : memref<1472xi32, #tpu.memory_space<vmem>>, vector<16xi32>,
        %parallel_loop3A_585 = vector.broadcast %parallel_loop3A_412 : i32 to vector<16xi32>
        %parallel_loop3A_586 = arith.addi %parallel_loop3A_584, %parallel_loop3A_585 : vector<16xi32>
        %parallel_loop3A_587 = arith.constant 1 : i32
        %parallel_loop3A_588 = arith.index_cast %parallel_loop3A_587 : i32 to index
        %parallel_loop3A_589 = arith.index_cast %rem3A_291 : i32 to index
        %parallel_loop3A_590 = arith.index_cast %parallel_loop3A_402 : i32 to index
        %parallel_loop3A_591 = arith.constant 96 : index
        %parallel_loop3A_592 = tpu.vector_load %arg6[%parallel_loop3A_588, %parallel_loop3A_589, %parallel_loop3A_590, %parallel_loop3A_591] {strides = array<i32>} : memref<2x4x32x128xf32, #tpu.memory_space<vmem>>, vector<16xf32>,
        tpu.vector_store_idx %arg7[%parallel_loop3A_586], %parallel_loop3A_592 {add = true} : memref<57600xf32, #tpu.memory_space<vmem>>[vector<16xi32>], vector<16xf32>,
        %parallel_loop3A_593 = arith.constant 16 : i32
        %parallel_loop3A_594 = arith.addi %mul3A_391, %parallel_loop3A_593 : i32
        %parallel_loop3A_595 = arith.index_cast %parallel_loop3A_594 : i32 to index
        %parallel_loop3A_596 = tpu.vector_load %arg9[%parallel_loop3A_595] {strides = array<i32>} : memref<1472xi32, #tpu.memory_space<vmem>>, vector<16xi32>,
        %parallel_loop3A_597 = vector.broadcast %parallel_loop3A_412 : i32 to vector<16xi32>
        %parallel_loop3A_598 = arith.addi %parallel_loop3A_596, %parallel_loop3A_597 : vector<16xi32>
        %parallel_loop3A_599 = arith.constant 1 : i32
        %parallel_loop3A_600 = arith.index_cast %parallel_loop3A_599 : i32 to index
        %parallel_loop3A_601 = arith.index_cast %rem3A_291 : i32 to index
        %parallel_loop3A_602 = arith.index_cast %parallel_loop3A_402 : i32 to index
        %parallel_loop3A_603 = arith.constant 112 : index
        %parallel_loop3A_604 = tpu.vector_load %arg6[%parallel_loop3A_600, %parallel_loop3A_601, %parallel_loop3A_602, %parallel_loop3A_603] {strides = array<i32>} : memref<2x4x32x128xf32, #tpu.memory_space<vmem>>, vector<16xf32>,
        tpu.vector_store_idx %arg7[%parallel_loop3A_598], %parallel_loop3A_604 {add = true} : memref<57600xf32, #tpu.memory_space<vmem>>[vector<16xi32>], vector<16xf32>,
      } {sc.loop_unroll_factor = 2 : i64, sc.parallel_access}
      %rem3A_395 = arith.constant 16 : i32
      %rem3A_396 = arith.remsi %scan3A_289, %rem3A_395 : i32
      %eq3A_397 = arith.constant 15 : i32
      %eq3A_398 = arith.cmpi eq, %rem3A_396, %eq3A_397 : i32
      %convert_element_type3A_399 = arith.extui %eq3A_398 : i1 to i32
      %cond3A_400 = arith.constant 0 : i32
      %cond3A_401 = arith.cmpi ne, %convert_element_type3A_399, %cond3A_400 : i32
      scf.if %cond3A_401 {
        %gt3A = arith.constant 0 : i32
        %gt3A_402 = arith.cmpi sgt, %div3A_341, %gt3A : i32
        %sub3A_403 = arith.constant 1 : i32
        %sub3A_404 = arith.subi %div3A_341, %sub3A_403 : i32
        %mul3A_405 = arith.constant 128 : i32
        %mul3A_406 = arith.muli %mul3A_405, %sub3A_404 : i32
        %add3A_407 = arith.constant 101 : i32
        %add3A_408 = arith.addi %mul3A_406, %add3A_407 : i32
        %div3A_409 = arith.constant 27 : i32
        %div3A_410 = arith.divsi %add3A_408, %div3A_409 : i32
        %add3A_411 = arith.constant 1 : i32
        %add3A_412 = arith.addi %div3A_410, %add3A_411 : i32
        %jit3A_413 = arith.constant 0 : i32
        %select_n3A_414 = arith.select %gt3A_402, %add3A_412, %jit3A_413 : i32
        %mul3A_415 = arith.constant 128 : i32
        %mul3A_416 = arith.muli %mul3A_415, %div3A_341 : i32
        %add3A_417 = arith.constant 101 : i32
        %add3A_418 = arith.addi %mul3A_416, %add3A_417 : i32
        %div3A_419 = arith.constant 27 : i32
        %div3A_420 = arith.divsi %add3A_418, %div3A_419 : i32
        %add3A_421 = arith.constant 1 : i32
        %add3A_422 = arith.addi %div3A_420, %add3A_421 : i32
        %while3A = arith.constant 0 : i32
        %while3A_423 = arith.subi %add3A_422, %select_n3A_414 : i32
        %while3A_424 = arith.addi %select_n3A_414, %while3A_423 : i32
        %while3A_425 = arith.constant 1 : i32
        %while3A_426 = arith.divsi %while3A_423, %while3A_425 : i32
        %while3A_427 = arith.muli %while3A_426, %while3A_425 : i32
        %while3A_428 = arith.addi %select_n3A_414, %while3A_427 : i32
        %while3A_429 = arith.constant 1 : i32
        scf.for %while3A_431 = %select_n3A_414 to %while3A_428 step %while3A_429  : i32 {
          %rem3A_432 = arith.constant 2 : i32
          %rem3A_433 = arith.remsi %while3A_431, %rem3A_432 : i32
          %rem3A_434 = arith.constant 8 : i32
          %rem3A_435 = arith.remsi %while3A_431, %rem3A_434 : i32
          %mul3A_436 = arith.constant 8 : i32
          %mul3A_437 = arith.muli %mul3A_436, %while3A_431 : i32
          %add3A_438 = arith.addi %mul3A_437, %select_n3A_40 : i32
          %ge3A = arith.constant 1 : i32
          %ge3A_439 = arith.cmpi sge, %while3A_431, %ge3A : i32
          %le3A = arith.constant 26 : i32
          %le3A_440 = arith.cmpi sle, %while3A_431, %le3A : i32
          %and3A_441 = arith.andi %ge3A_439, %le3A_440 : i1
          %jit3A_442 = arith.constant 5.000000e-01 : f32
          %jit3A_443 = arith.constant 1.000000e+00 : f32
          %select_n3A_444 = arith.select %and3A_441, %jit3A_442, %jit3A_443 : f32
          %mul3A_445 = arith.constant 5.000000e-01 : f32
          %mul3A_446 = arith.mulf %select_n3A_444, %mul3A_445 : f32
          %broadcast_in_dim3A = vector.broadcast %mul3A_446 : f32 to vector<16xf32>
          %lt3A_447 = arith.constant 8 : i32
          %lt3A_448 = vector.broadcast %lt3A_447 : i32 to vector<16xi32>
          %lt3A_449 = arith.cmpi slt, %iota3A, %lt3A_448 : vector<16xi32>
          %mul3A_450 = arith.constant 5.000000e-01 : f32
          %mul3A_451 = arith.mulf %select_n3A_444, %mul3A_450 : f32
          %broadcast_in_dim3A_452 = vector.broadcast %select_n3A_444 : f32 to vector<16xf32>
          %broadcast_in_dim3A_453 = vector.broadcast %mul3A_451 : f32 to vector<16xf32>
          %select_n3A_454 = arith.select %lt3A_449, %broadcast_in_dim3A_452, %broadcast_in_dim3A_453 : vector<16xi1>, vector<16xf32>
          %lt3A_455 = arith.constant 8 : i32
          %lt3A_456 = vector.broadcast %lt3A_455 : i32 to vector<16xi32>
          %lt3A_457 = arith.cmpi slt, %iota3A, %lt3A_456 : vector<16xi32>
          %mul3A_458 = arith.constant 5.000000e-01 : f32
          %mul3A_459 = arith.mulf %select_n3A_444, %mul3A_458 : f32
          %broadcast_in_dim3A_460 = vector.broadcast %mul3A_459 : f32 to vector<16xf32>
          %broadcast_in_dim3A_461 = vector.broadcast %select_n3A_444 : f32 to vector<16xf32>
          %select_n3A_462 = arith.select %lt3A_457, %broadcast_in_dim3A_460, %broadcast_in_dim3A_461 : vector<16xi1>, vector<16xf32>
          %ge3A_463 = arith.constant 2 : i32
          %ge3A_464 = arith.cmpi sge, %while3A_431, %ge3A_463 : i32
          %convert_element_type3A_465 = arith.extui %ge3A_464 : i1 to i32
          %cond3A_466 = arith.constant 0 : i32
          %cond3A_467 = arith.cmpi ne, %convert_element_type3A_465, %cond3A_466 : i32
          scf.if %cond3A_467 {
            %dma_wait3A_492 = arith.constant 0 : i32
            %dma_wait3A_493 = arith.constant 0 : i32
            %dma_wait3A_494 = arith.constant 0 : i32
            %dma_wait3A_495 = tpu.memref_slice %arg8[%rem3A_433, %dma_wait3A_493, %dma_wait3A_494] : memref<2x32x224xf32, #tpu.memory_space<vmem>> -> memref<1x32x224xf32, #tpu.memory_space<vmem>>
            %dma_wait3A_496 = tpu.memref_squeeze %dma_wait3A_495 : memref<1x32x224xf32, #tpu.memory_space<vmem>> -> memref<32x224xf32, #tpu.memory_space<vmem>>
            %dma_wait3A_497 = arith.constant 0 : i32
            %dma_wait3A_498 = arith.constant 0 : i32
            %dma_wait3A_499 = tpu.memref_slice %arg5[%select_n3A, %dma_wait3A_492, %dma_wait3A_497, %dma_wait3A_498] : memref<4x224x32x224xf32, #tpu.memory_space<hbm>> -> memref<1x1x32x224xf32, #tpu.memory_space<hbm>>
            %dma_wait3A_500 = tpu.memref_squeeze %dma_wait3A_499 : memref<1x1x32x224xf32, #tpu.memory_space<hbm>> -> memref<32x224xf32, #tpu.memory_space<hbm>>
            %dma_wait3A_501 = tpu.memref_slice %arg12[%rem3A_433] : memref<2x!tpu.dma_semaphore, #tpu.memory_space<semaphore_mem>> -> memref<1x!tpu.dma_semaphore, #tpu.memory_space<semaphore_mem>>
            %dma_wait3A_502 = tpu.memref_squeeze %dma_wait3A_501 : memref<1x!tpu.dma_semaphore, #tpu.memory_space<semaphore_mem>> -> memref<!tpu.dma_semaphore, #tpu.memory_space<semaphore_mem>>
            %dma_wait3A_503 = arith.constant 0 : i32
            %dma_wait3A_504 = arith.constant 0 : i32
            %dma_wait3A_505 = tpu.memref_slice %arg5[%select_n3A, %dma_wait3A_492, %dma_wait3A_503, %dma_wait3A_504] : memref<4x224x32x224xf32, #tpu.memory_space<hbm>> -> memref<1x1x32x224xf32, #tpu.memory_space<hbm>>
            %dma_wait3A_506 = tpu.memref_squeeze %dma_wait3A_505 : memref<1x1x32x224xf32, #tpu.memory_space<hbm>> -> memref<32x224xf32, #tpu.memory_space<hbm>>
            %dma_wait3A_507 = arith.constant 0 : i32
            %dma_wait3A_508 = arith.constant 0 : i32
            %dma_wait3A_509 = tpu.memref_slice %arg8[%rem3A_433, %dma_wait3A_507, %dma_wait3A_508] : memref<2x32x224xf32, #tpu.memory_space<vmem>> -> memref<1x32x224xf32, #tpu.memory_space<vmem>>
            %dma_wait3A_510 = tpu.memref_squeeze %dma_wait3A_509 : memref<1x32x224xf32, #tpu.memory_space<vmem>> -> memref<32x224xf32, #tpu.memory_space<vmem>>
            tpu.wait_dma2 semaphore(%dma_wait3A_502 : memref<!tpu.dma_semaphore, #tpu.memory_space<semaphore_mem>>) src(%dma_wait3A_510 : memref<32x224xf32, #tpu.memory_space<vmem>>) dst(%dma_wait3A_506 : memref<32x224xf32, #tpu.memory_space<hbm>>)
          } else {
          }
          %parallel_loop3A_468 = arith.constant 0 : i32
          %parallel_loop3A_469 = arith.constant 32 : i32
          %parallel_loop3A_470 = arith.constant 1 : i32
          scf.for %parallel_loop3A_492 = %parallel_loop3A_468 to %parallel_loop3A_469 step %parallel_loop3A_470  : i32 {
            %parallel_loop3A_493 = arith.constant 7200 : i32
            %parallel_loop3A_494 = arith.muli %rem3A_435, %parallel_loop3A_493 : i32
            %parallel_loop3A_495 = arith.constant 8 : i32
            %parallel_loop3A_496 = arith.muli %parallel_loop3A_495, %parallel_loop3A_492 : i32
            %parallel_loop3A_497 = arith.addi %parallel_loop3A_494, %parallel_loop3A_496 : i32
            %parallel_loop3A_498 = arith.constant 0 : i32
            %parallel_loop3A_499 = arith.addi %parallel_loop3A_497, %parallel_loop3A_498 : i32
            %parallel_loop3A_500 = vector.broadcast %parallel_loop3A_499 : i32 to vector<16xi32>
            %parallel_loop3A_501 = arith.addi %add3A, %parallel_loop3A_500 : vector<16xi32>
            %parallel_loop3A_502 = tpu.vector_load_idx %arg7[%parallel_loop3A_501] : memref<57600xf32, #tpu.memory_space<vmem>>[vector<16xi32>], vector<16xf32>,
            %parallel_loop3A_503 = arith.mulf %parallel_loop3A_502, %select_n3A_454 : vector<16xf32>
            %parallel_loop3A_504 = arith.index_cast %rem3A_433 : i32 to index
            %parallel_loop3A_505 = arith.index_cast %parallel_loop3A_492 : i32 to index
            %parallel_loop3A_506 = arith.constant 0 : index
            %parallel_loop3A_507 = tpu.vector_load %arg8[%parallel_loop3A_504, %parallel_loop3A_505, %parallel_loop3A_506] {strides = array<i32>} : memref<2x32x224xf32, #tpu.memory_space<vmem>>, vector<16xf32>,
            tpu.vector_store %arg8[%parallel_loop3A_504, %parallel_loop3A_505, %parallel_loop3A_506], %parallel_loop3A_503 {strides = array<i32>} : memref<2x32x224xf32, #tpu.memory_space<vmem>>, vector<16xf32>,
            %parallel_loop3A_508 = arith.constant 514 : i32
            %parallel_loop3A_509 = arith.addi %parallel_loop3A_497, %parallel_loop3A_508 : i32
            %parallel_loop3A_510 = vector.broadcast %parallel_loop3A_509 : i32 to vector<16xi32>
            %parallel_loop3A_511 = arith.addi %add3A, %parallel_loop3A_510 : vector<16xi32>
            %parallel_loop3A_512 = tpu.vector_load_idx %arg7[%parallel_loop3A_511] : memref<57600xf32, #tpu.memory_space<vmem>>[vector<16xi32>], vector<16xf32>,
            %parallel_loop3A_513 = arith.mulf %parallel_loop3A_512, %broadcast_in_dim3A : vector<16xf32>
            %parallel_loop3A_514 = arith.index_cast %rem3A_433 : i32 to index
            %parallel_loop3A_515 = arith.index_cast %parallel_loop3A_492 : i32 to index
            %parallel_loop3A_516 = arith.constant 16 : index
            %parallel_loop3A_517 = tpu.vector_load %arg8[%parallel_loop3A_514, %parallel_loop3A_515, %parallel_loop3A_516] {strides = array<i32>} : memref<2x32x224xf32, #tpu.memory_space<vmem>>, vector<16xf32>,
            tpu.vector_store %arg8[%parallel_loop3A_514, %parallel_loop3A_515, %parallel_loop3A_516], %parallel_loop3A_513 {strides = array<i32>} : memref<2x32x224xf32, #tpu.memory_space<vmem>>, vector<16xf32>,
            %parallel_loop3A_518 = arith.constant 1028 : i32
            %parallel_loop3A_519 = arith.addi %parallel_loop3A_497, %parallel_loop3A_518 : i32
            %parallel_loop3A_520 = vector.broadcast %parallel_loop3A_519 : i32 to vector<16xi32>
            %parallel_loop3A_521 = arith.addi %add3A, %parallel_loop3A_520 : vector<16xi32>
            %parallel_loop3A_522 = tpu.vector_load_idx %arg7[%parallel_loop3A_521] : memref<57600xf32, #tpu.memory_space<vmem>>[vector<16xi32>], vector<16xf32>,
            %parallel_loop3A_523 = arith.mulf %parallel_loop3A_522, %broadcast_in_dim3A : vector<16xf32>
            %parallel_loop3A_524 = arith.index_cast %rem3A_433 : i32 to index
            %parallel_loop3A_525 = arith.index_cast %parallel_loop3A_492 : i32 to index
            %parallel_loop3A_526 = arith.constant 32 : index
            %parallel_loop3A_527 = tpu.vector_load %arg8[%parallel_loop3A_524, %parallel_loop3A_525, %parallel_loop3A_526] {strides = array<i32>} : memref<2x32x224xf32, #tpu.memory_space<vmem>>, vector<16xf32>,
            tpu.vector_store %arg8[%parallel_loop3A_524, %parallel_loop3A_525, %parallel_loop3A_526], %parallel_loop3A_523 {strides = array<i32>} : memref<2x32x224xf32, #tpu.memory_space<vmem>>, vector<16xf32>,
            %parallel_loop3A_528 = arith.constant 1542 : i32
            %parallel_loop3A_529 = arith.addi %parallel_loop3A_497, %parallel_loop3A_528 : i32
            %parallel_loop3A_530 = vector.broadcast %parallel_loop3A_529 : i32 to vector<16xi32>
            %parallel_loop3A_531 = arith.addi %add3A, %parallel_loop3A_530 : vector<16xi32>
            %parallel_loop3A_532 = tpu.vector_load_idx %arg7[%parallel_loop3A_531] : memref<57600xf32, #tpu.memory_space<vmem>>[vector<16xi32>], vector<16xf32>,
            %parallel_loop3A_533 = arith.mulf %parallel_loop3A_532, %broadcast_in_dim3A : vector<16xf32>
            %parallel_loop3A_534 = arith.index_cast %rem3A_433 : i32 to index
            %parallel_loop3A_535 = arith.index_cast %parallel_loop3A_492 : i32 to index
            %parallel_loop3A_536 = arith.constant 48 : index
            %parallel_loop3A_537 = tpu.vector_load %arg8[%parallel_loop3A_534, %parallel_loop3A_535, %parallel_loop3A_536] {strides = array<i32>} : memref<2x32x224xf32, #tpu.memory_space<vmem>>, vector<16xf32>,
            tpu.vector_store %arg8[%parallel_loop3A_534, %parallel_loop3A_535, %parallel_loop3A_536], %parallel_loop3A_533 {strides = array<i32>} : memref<2x32x224xf32, #tpu.memory_space<vmem>>, vector<16xf32>,
            %parallel_loop3A_538 = arith.constant 2056 : i32
            %parallel_loop3A_539 = arith.addi %parallel_loop3A_497, %parallel_loop3A_538 : i32
            %parallel_loop3A_540 = vector.broadcast %parallel_loop3A_539 : i32 to vector<16xi32>
            %parallel_loop3A_541 = arith.addi %add3A, %parallel_loop3A_540 : vector<16xi32>
            %parallel_loop3A_542 = tpu.vector_load_idx %arg7[%parallel_loop3A_541] : memref<57600xf32, #tpu.memory_space<vmem>>[vector<16xi32>], vector<16xf32>,
            %parallel_loop3A_543 = arith.mulf %parallel_loop3A_542, %broadcast_in_dim3A : vector<16xf32>
            %parallel_loop3A_544 = arith.index_cast %rem3A_433 : i32 to index
            %parallel_loop3A_545 = arith.index_cast %parallel_loop3A_492 : i32 to index
            %parallel_loop3A_546 = arith.constant 64 : index
            %parallel_loop3A_547 = tpu.vector_load %arg8[%parallel_loop3A_544, %parallel_loop3A_545, %parallel_loop3A_546] {strides = array<i32>} : memref<2x32x224xf32, #tpu.memory_space<vmem>>, vector<16xf32>,
            tpu.vector_store %arg8[%parallel_loop3A_544, %parallel_loop3A_545, %parallel_loop3A_546], %parallel_loop3A_543 {strides = array<i32>} : memref<2x32x224xf32, #tpu.memory_space<vmem>>, vector<16xf32>,
            %parallel_loop3A_548 = arith.constant 2570 : i32
            %parallel_loop3A_549 = arith.addi %parallel_loop3A_497, %parallel_loop3A_548 : i32
            %parallel_loop3A_550 = vector.broadcast %parallel_loop3A_549 : i32 to vector<16xi32>
            %parallel_loop3A_551 = arith.addi %add3A, %parallel_loop3A_550 : vector<16xi32>
            %parallel_loop3A_552 = tpu.vector_load_idx %arg7[%parallel_loop3A_551] : memref<57600xf32, #tpu.memory_space<vmem>>[vector<16xi32>], vector<16xf32>,
            %parallel_loop3A_553 = arith.mulf %parallel_loop3A_552, %broadcast_in_dim3A : vector<16xf32>
            %parallel_loop3A_554 = arith.index_cast %rem3A_433 : i32 to index
            %parallel_loop3A_555 = arith.index_cast %parallel_loop3A_492 : i32 to index
            %parallel_loop3A_556 = arith.constant 80 : index
            %parallel_loop3A_557 = tpu.vector_load %arg8[%parallel_loop3A_554, %parallel_loop3A_555, %parallel_loop3A_556] {strides = array<i32>} : memref<2x32x224xf32, #tpu.memory_space<vmem>>, vector<16xf32>,
            tpu.vector_store %arg8[%parallel_loop3A_554, %parallel_loop3A_555, %parallel_loop3A_556], %parallel_loop3A_553 {strides = array<i32>} : memref<2x32x224xf32, #tpu.memory_space<vmem>>, vector<16xf32>,
            %parallel_loop3A_558 = arith.constant 3084 : i32
            %parallel_loop3A_559 = arith.addi %parallel_loop3A_497, %parallel_loop3A_558 : i32
            %parallel_loop3A_560 = vector.broadcast %parallel_loop3A_559 : i32 to vector<16xi32>
            %parallel_loop3A_561 = arith.addi %add3A, %parallel_loop3A_560 : vector<16xi32>
            %parallel_loop3A_562 = tpu.vector_load_idx %arg7[%parallel_loop3A_561] : memref<57600xf32, #tpu.memory_space<vmem>>[vector<16xi32>], vector<16xf32>,
            %parallel_loop3A_563 = arith.mulf %parallel_loop3A_562, %broadcast_in_dim3A : vector<16xf32>
            %parallel_loop3A_564 = arith.index_cast %rem3A_433 : i32 to index
            %parallel_loop3A_565 = arith.index_cast %parallel_loop3A_492 : i32 to index
            %parallel_loop3A_566 = arith.constant 96 : index
            %parallel_loop3A_567 = tpu.vector_load %arg8[%parallel_loop3A_564, %parallel_loop3A_565, %parallel_loop3A_566] {strides = array<i32>} : memref<2x32x224xf32, #tpu.memory_space<vmem>>, vector<16xf32>,
            tpu.vector_store %arg8[%parallel_loop3A_564, %parallel_loop3A_565, %parallel_loop3A_566], %parallel_loop3A_563 {strides = array<i32>} : memref<2x32x224xf32, #tpu.memory_space<vmem>>, vector<16xf32>,
            %parallel_loop3A_568 = arith.constant 3598 : i32
            %parallel_loop3A_569 = arith.addi %parallel_loop3A_497, %parallel_loop3A_568 : i32
            %parallel_loop3A_570 = vector.broadcast %parallel_loop3A_569 : i32 to vector<16xi32>
            %parallel_loop3A_571 = arith.addi %add3A, %parallel_loop3A_570 : vector<16xi32>
            %parallel_loop3A_572 = tpu.vector_load_idx %arg7[%parallel_loop3A_571] : memref<57600xf32, #tpu.memory_space<vmem>>[vector<16xi32>], vector<16xf32>,
            %parallel_loop3A_573 = arith.mulf %parallel_loop3A_572, %broadcast_in_dim3A : vector<16xf32>
            %parallel_loop3A_574 = arith.index_cast %rem3A_433 : i32 to index
            %parallel_loop3A_575 = arith.index_cast %parallel_loop3A_492 : i32 to index
            %parallel_loop3A_576 = arith.constant 112 : index
            %parallel_loop3A_577 = tpu.vector_load %arg8[%parallel_loop3A_574, %parallel_loop3A_575, %parallel_loop3A_576] {strides = array<i32>} : memref<2x32x224xf32, #tpu.memory_space<vmem>>, vector<16xf32>,
            tpu.vector_store %arg8[%parallel_loop3A_574, %parallel_loop3A_575, %parallel_loop3A_576], %parallel_loop3A_573 {strides = array<i32>} : memref<2x32x224xf32, #tpu.memory_space<vmem>>, vector<16xf32>,
            %parallel_loop3A_578 = arith.constant 4112 : i32
            %parallel_loop3A_579 = arith.addi %parallel_loop3A_497, %parallel_loop3A_578 : i32
            %parallel_loop3A_580 = vector.broadcast %parallel_loop3A_579 : i32 to vector<16xi32>
            %parallel_loop3A_581 = arith.addi %add3A, %parallel_loop3A_580 : vector<16xi32>
            %parallel_loop3A_582 = tpu.vector_load_idx %arg7[%parallel_loop3A_581] : memref<57600xf32, #tpu.memory_space<vmem>>[vector<16xi32>], vector<16xf32>,
            %parallel_loop3A_583 = arith.mulf %parallel_loop3A_582, %broadcast_in_dim3A : vector<16xf32>
            %parallel_loop3A_584 = arith.index_cast %rem3A_433 : i32 to index
            %parallel_loop3A_585 = arith.index_cast %parallel_loop3A_492 : i32 to index
            %parallel_loop3A_586 = arith.constant 128 : index
            %parallel_loop3A_587 = tpu.vector_load %arg8[%parallel_loop3A_584, %parallel_loop3A_585, %parallel_loop3A_586] {strides = array<i32>} : memref<2x32x224xf32, #tpu.memory_space<vmem>>, vector<16xf32>,
            tpu.vector_store %arg8[%parallel_loop3A_584, %parallel_loop3A_585, %parallel_loop3A_586], %parallel_loop3A_583 {strides = array<i32>} : memref<2x32x224xf32, #tpu.memory_space<vmem>>, vector<16xf32>,
            %parallel_loop3A_588 = arith.constant 4626 : i32
            %parallel_loop3A_589 = arith.addi %parallel_loop3A_497, %parallel_loop3A_588 : i32
            %parallel_loop3A_590 = vector.broadcast %parallel_loop3A_589 : i32 to vector<16xi32>
            %parallel_loop3A_591 = arith.addi %add3A, %parallel_loop3A_590 : vector<16xi32>
            %parallel_loop3A_592 = tpu.vector_load_idx %arg7[%parallel_loop3A_591] : memref<57600xf32, #tpu.memory_space<vmem>>[vector<16xi32>], vector<16xf32>,
            %parallel_loop3A_593 = arith.mulf %parallel_loop3A_592, %broadcast_in_dim3A : vector<16xf32>
            %parallel_loop3A_594 = arith.index_cast %rem3A_433 : i32 to index
            %parallel_loop3A_595 = arith.index_cast %parallel_loop3A_492 : i32 to index
            %parallel_loop3A_596 = arith.constant 144 : index
            %parallel_loop3A_597 = tpu.vector_load %arg8[%parallel_loop3A_594, %parallel_loop3A_595, %parallel_loop3A_596] {strides = array<i32>} : memref<2x32x224xf32, #tpu.memory_space<vmem>>, vector<16xf32>,
            tpu.vector_store %arg8[%parallel_loop3A_594, %parallel_loop3A_595, %parallel_loop3A_596], %parallel_loop3A_593 {strides = array<i32>} : memref<2x32x224xf32, #tpu.memory_space<vmem>>, vector<16xf32>,
            %parallel_loop3A_598 = arith.constant 5140 : i32
            %parallel_loop3A_599 = arith.addi %parallel_loop3A_497, %parallel_loop3A_598 : i32
            %parallel_loop3A_600 = vector.broadcast %parallel_loop3A_599 : i32 to vector<16xi32>
            %parallel_loop3A_601 = arith.addi %add3A, %parallel_loop3A_600 : vector<16xi32>
            %parallel_loop3A_602 = tpu.vector_load_idx %arg7[%parallel_loop3A_601] : memref<57600xf32, #tpu.memory_space<vmem>>[vector<16xi32>], vector<16xf32>,
            %parallel_loop3A_603 = arith.mulf %parallel_loop3A_602, %broadcast_in_dim3A : vector<16xf32>
            %parallel_loop3A_604 = arith.index_cast %rem3A_433 : i32 to index
            %parallel_loop3A_605 = arith.index_cast %parallel_loop3A_492 : i32 to index
            %parallel_loop3A_606 = arith.constant 160 : index
            %parallel_loop3A_607 = tpu.vector_load %arg8[%parallel_loop3A_604, %parallel_loop3A_605, %parallel_loop3A_606] {strides = array<i32>} : memref<2x32x224xf32, #tpu.memory_space<vmem>>, vector<16xf32>,
            tpu.vector_store %arg8[%parallel_loop3A_604, %parallel_loop3A_605, %parallel_loop3A_606], %parallel_loop3A_603 {strides = array<i32>} : memref<2x32x224xf32, #tpu.memory_space<vmem>>, vector<16xf32>,
            %parallel_loop3A_608 = arith.constant 5654 : i32
            %parallel_loop3A_609 = arith.addi %parallel_loop3A_497, %parallel_loop3A_608 : i32
            %parallel_loop3A_610 = vector.broadcast %parallel_loop3A_609 : i32 to vector<16xi32>
            %parallel_loop3A_611 = arith.addi %add3A, %parallel_loop3A_610 : vector<16xi32>
            %parallel_loop3A_612 = tpu.vector_load_idx %arg7[%parallel_loop3A_611] : memref<57600xf32, #tpu.memory_space<vmem>>[vector<16xi32>], vector<16xf32>,
            %parallel_loop3A_613 = arith.mulf %parallel_loop3A_612, %broadcast_in_dim3A : vector<16xf32>
            %parallel_loop3A_614 = arith.index_cast %rem3A_433 : i32 to index
            %parallel_loop3A_615 = arith.index_cast %parallel_loop3A_492 : i32 to index
            %parallel_loop3A_616 = arith.constant 176 : index
            %parallel_loop3A_617 = tpu.vector_load %arg8[%parallel_loop3A_614, %parallel_loop3A_615, %parallel_loop3A_616] {strides = array<i32>} : memref<2x32x224xf32, #tpu.memory_space<vmem>>, vector<16xf32>,
            tpu.vector_store %arg8[%parallel_loop3A_614, %parallel_loop3A_615, %parallel_loop3A_616], %parallel_loop3A_613 {strides = array<i32>} : memref<2x32x224xf32, #tpu.memory_space<vmem>>, vector<16xf32>,
            %parallel_loop3A_618 = arith.constant 6168 : i32
            %parallel_loop3A_619 = arith.addi %parallel_loop3A_497, %parallel_loop3A_618 : i32
            %parallel_loop3A_620 = vector.broadcast %parallel_loop3A_619 : i32 to vector<16xi32>
            %parallel_loop3A_621 = arith.addi %add3A, %parallel_loop3A_620 : vector<16xi32>
            %parallel_loop3A_622 = tpu.vector_load_idx %arg7[%parallel_loop3A_621] : memref<57600xf32, #tpu.memory_space<vmem>>[vector<16xi32>], vector<16xf32>,
            %parallel_loop3A_623 = arith.mulf %parallel_loop3A_622, %broadcast_in_dim3A : vector<16xf32>
            %parallel_loop3A_624 = arith.index_cast %rem3A_433 : i32 to index
            %parallel_loop3A_625 = arith.index_cast %parallel_loop3A_492 : i32 to index
            %parallel_loop3A_626 = arith.constant 192 : index
            %parallel_loop3A_627 = tpu.vector_load %arg8[%parallel_loop3A_624, %parallel_loop3A_625, %parallel_loop3A_626] {strides = array<i32>} : memref<2x32x224xf32, #tpu.memory_space<vmem>>, vector<16xf32>,
            tpu.vector_store %arg8[%parallel_loop3A_624, %parallel_loop3A_625, %parallel_loop3A_626], %parallel_loop3A_623 {strides = array<i32>} : memref<2x32x224xf32, #tpu.memory_space<vmem>>, vector<16xf32>,
            %parallel_loop3A_628 = arith.constant 6682 : i32
            %parallel_loop3A_629 = arith.addi %parallel_loop3A_497, %parallel_loop3A_628 : i32
            %parallel_loop3A_630 = vector.broadcast %parallel_loop3A_629 : i32 to vector<16xi32>
            %parallel_loop3A_631 = arith.addi %add3A, %parallel_loop3A_630 : vector<16xi32>
            %parallel_loop3A_632 = tpu.vector_load_idx %arg7[%parallel_loop3A_631] : memref<57600xf32, #tpu.memory_space<vmem>>[vector<16xi32>], vector<16xf32>,
            %parallel_loop3A_633 = arith.mulf %parallel_loop3A_632, %select_n3A_462 : vector<16xf32>
            %parallel_loop3A_634 = arith.index_cast %rem3A_433 : i32 to index
            %parallel_loop3A_635 = arith.index_cast %parallel_loop3A_492 : i32 to index
            %parallel_loop3A_636 = arith.constant 208 : index
            %parallel_loop3A_637 = tpu.vector_load %arg8[%parallel_loop3A_634, %parallel_loop3A_635, %parallel_loop3A_636] {strides = array<i32>} : memref<2x32x224xf32, #tpu.memory_space<vmem>>, vector<16xf32>,
            tpu.vector_store %arg8[%parallel_loop3A_634, %parallel_loop3A_635, %parallel_loop3A_636], %parallel_loop3A_633 {strides = array<i32>} : memref<2x32x224xf32, #tpu.memory_space<vmem>>, vector<16xf32>,
          } {sc.loop_unroll_factor = 2 : i64, sc.parallel_access}
          %dma_start3A_471 = arith.constant 0 : i32
          %dma_start3A_472 = arith.constant 0 : i32
          %dma_start3A_473 = tpu.memref_slice %arg8[%rem3A_433, %dma_start3A_471, %dma_start3A_472] : memref<2x32x224xf32, #tpu.memory_space<vmem>> -> memref<1x32x224xf32, #tpu.memory_space<vmem>>
          %dma_start3A_474 = tpu.memref_squeeze %dma_start3A_473 : memref<1x32x224xf32, #tpu.memory_space<vmem>> -> memref<32x224xf32, #tpu.memory_space<vmem>>
          %dma_start3A_475 = arith.constant 0 : i32
          %dma_start3A_476 = arith.constant 0 : i32
          %dma_start3A_477 = tpu.memref_slice %arg5[%select_n3A, %add3A_438, %dma_start3A_475, %dma_start3A_476] : memref<4x224x32x224xf32, #tpu.memory_space<hbm>> -> memref<1x1x32x224xf32, #tpu.memory_space<hbm>>
          %dma_start3A_478 = tpu.memref_squeeze %dma_start3A_477 : memref<1x1x32x224xf32, #tpu.memory_space<hbm>> -> memref<32x224xf32, #tpu.memory_space<hbm>>
          %dma_start3A_479 = tpu.memref_slice %arg12[%rem3A_433] : memref<2x!tpu.dma_semaphore, #tpu.memory_space<semaphore_mem>> -> memref<1x!tpu.dma_semaphore, #tpu.memory_space<semaphore_mem>>
          %dma_start3A_480 = tpu.memref_squeeze %dma_start3A_479 : memref<1x!tpu.dma_semaphore, #tpu.memory_space<semaphore_mem>> -> memref<!tpu.dma_semaphore, #tpu.memory_space<semaphore_mem>>
          %dma_start3A_481 = arith.constant 0 : i32
          %dma_start3A_482 = arith.constant 0 : i32
          %dma_start3A_483 = tpu.memref_slice %arg5[%select_n3A, %add3A_438, %dma_start3A_481, %dma_start3A_482] : memref<4x224x32x224xf32, #tpu.memory_space<hbm>> -> memref<1x1x32x224xf32, #tpu.memory_space<hbm>>
          %dma_start3A_484 = tpu.memref_squeeze %dma_start3A_483 : memref<1x1x32x224xf32, #tpu.memory_space<hbm>> -> memref<32x224xf32, #tpu.memory_space<hbm>>
          %dma_start3A_485 = arith.constant 0 : i32
          %dma_start3A_486 = arith.constant 0 : i32
          %dma_start3A_487 = tpu.memref_slice %arg8[%rem3A_433, %dma_start3A_485, %dma_start3A_486] : memref<2x32x224xf32, #tpu.memory_space<vmem>> -> memref<1x32x224xf32, #tpu.memory_space<vmem>>
          %dma_start3A_488 = tpu.memref_squeeze %dma_start3A_487 : memref<1x32x224xf32, #tpu.memory_space<vmem>> -> memref<32x224xf32, #tpu.memory_space<vmem>>
          tpu.enqueue_dma source(%dma_start3A_488 : memref<32x224xf32, #tpu.memory_space<vmem>>) target(%dma_start3A_484 : memref<32x224xf32, #tpu.memory_space<hbm>>) target_semaphore(%dma_start3A_480 : memref<!tpu.dma_semaphore, #tpu.memory_space<semaphore_mem>>)
          %parallel_loop3A_489 = arith.constant 0 : i32
          %parallel_loop3A_490 = arith.constant 450 : i32
          %parallel_loop3A_491 = arith.constant 1 : i32
          scf.for %parallel_loop3A_492 = %parallel_loop3A_489 to %parallel_loop3A_490 step %parallel_loop3A_491  : i32 {
            %parallel_loop3A_493 = arith.constant 0.000000e+00 : f32
            %parallel_loop3A_494 = vector.broadcast %parallel_loop3A_493 : f32 to vector<16xf32>
            %parallel_loop3A_495 = arith.constant 7200 : i32
            %parallel_loop3A_496 = arith.muli %rem3A_435, %parallel_loop3A_495 : i32
            %parallel_loop3A_497 = arith.constant 16 : i32
            %parallel_loop3A_498 = arith.muli %parallel_loop3A_492, %parallel_loop3A_497 : i32
            %parallel_loop3A_499 = arith.addi %parallel_loop3A_496, %parallel_loop3A_498 : i32
            %parallel_loop3A_500 = arith.index_cast %parallel_loop3A_499 : i32 to index
            %parallel_loop3A_501 = tpu.vector_load %arg7[%parallel_loop3A_500] {strides = array<i32>} : memref<57600xf32, #tpu.memory_space<vmem>>, vector<16xf32>,
            tpu.vector_store %arg7[%parallel_loop3A_500], %parallel_loop3A_494 {strides = array<i32>} : memref<57600xf32, #tpu.memory_space<vmem>>, vector<16xf32>,
          } {sc.loop_unroll_factor = 4 : i64, sc.parallel_access}
        }
        %while3A_430 = arith.constant 1 : i32
        scf.for %while3A_431 = %while3A_428 to %while3A_424 step %while3A_430  : i32 {
          %rem3A_432 = arith.constant 2 : i32
          %rem3A_433 = arith.remsi %while3A_431, %rem3A_432 : i32
          %rem3A_434 = arith.constant 8 : i32
          %rem3A_435 = arith.remsi %while3A_431, %rem3A_434 : i32
          %mul3A_436 = arith.constant 8 : i32
          %mul3A_437 = arith.muli %mul3A_436, %while3A_431 : i32
          %add3A_438 = arith.addi %mul3A_437, %select_n3A_40 : i32
          %ge3A = arith.constant 1 : i32
          %ge3A_439 = arith.cmpi sge, %while3A_431, %ge3A : i32
          %le3A = arith.constant 26 : i32
          %le3A_440 = arith.cmpi sle, %while3A_431, %le3A : i32
          %and3A_441 = arith.andi %ge3A_439, %le3A_440 : i1
          %jit3A_442 = arith.constant 5.000000e-01 : f32
          %jit3A_443 = arith.constant 1.000000e+00 : f32
          %select_n3A_444 = arith.select %and3A_441, %jit3A_442, %jit3A_443 : f32
          %mul3A_445 = arith.constant 5.000000e-01 : f32
          %mul3A_446 = arith.mulf %select_n3A_444, %mul3A_445 : f32
          %broadcast_in_dim3A = vector.broadcast %mul3A_446 : f32 to vector<16xf32>
          %lt3A_447 = arith.constant 8 : i32
          %lt3A_448 = vector.broadcast %lt3A_447 : i32 to vector<16xi32>
          %lt3A_449 = arith.cmpi slt, %iota3A, %lt3A_448 : vector<16xi32>
          %mul3A_450 = arith.constant 5.000000e-01 : f32
          %mul3A_451 = arith.mulf %select_n3A_444, %mul3A_450 : f32
          %broadcast_in_dim3A_452 = vector.broadcast %select_n3A_444 : f32 to vector<16xf32>
          %broadcast_in_dim3A_453 = vector.broadcast %mul3A_451 : f32 to vector<16xf32>
          %select_n3A_454 = arith.select %lt3A_449, %broadcast_in_dim3A_452, %broadcast_in_dim3A_453 : vector<16xi1>, vector<16xf32>
          %lt3A_455 = arith.constant 8 : i32
          %lt3A_456 = vector.broadcast %lt3A_455 : i32 to vector<16xi32>
          %lt3A_457 = arith.cmpi slt, %iota3A, %lt3A_456 : vector<16xi32>
          %mul3A_458 = arith.constant 5.000000e-01 : f32
          %mul3A_459 = arith.mulf %select_n3A_444, %mul3A_458 : f32
          %broadcast_in_dim3A_460 = vector.broadcast %mul3A_459 : f32 to vector<16xf32>
          %broadcast_in_dim3A_461 = vector.broadcast %select_n3A_444 : f32 to vector<16xf32>
          %select_n3A_462 = arith.select %lt3A_457, %broadcast_in_dim3A_460, %broadcast_in_dim3A_461 : vector<16xi1>, vector<16xf32>
          %ge3A_463 = arith.constant 2 : i32
          %ge3A_464 = arith.cmpi sge, %while3A_431, %ge3A_463 : i32
          %convert_element_type3A_465 = arith.extui %ge3A_464 : i1 to i32
          %cond3A_466 = arith.constant 0 : i32
          %cond3A_467 = arith.cmpi ne, %convert_element_type3A_465, %cond3A_466 : i32
          scf.if %cond3A_467 {
            %dma_wait3A_492 = arith.constant 0 : i32
            %dma_wait3A_493 = arith.constant 0 : i32
            %dma_wait3A_494 = arith.constant 0 : i32
            %dma_wait3A_495 = tpu.memref_slice %arg8[%rem3A_433, %dma_wait3A_493, %dma_wait3A_494] : memref<2x32x224xf32, #tpu.memory_space<vmem>> -> memref<1x32x224xf32, #tpu.memory_space<vmem>>
            %dma_wait3A_496 = tpu.memref_squeeze %dma_wait3A_495 : memref<1x32x224xf32, #tpu.memory_space<vmem>> -> memref<32x224xf32, #tpu.memory_space<vmem>>
            %dma_wait3A_497 = arith.constant 0 : i32
            %dma_wait3A_498 = arith.constant 0 : i32
            %dma_wait3A_499 = tpu.memref_slice %arg5[%select_n3A, %dma_wait3A_492, %dma_wait3A_497, %dma_wait3A_498] : memref<4x224x32x224xf32, #tpu.memory_space<hbm>> -> memref<1x1x32x224xf32, #tpu.memory_space<hbm>>
            %dma_wait3A_500 = tpu.memref_squeeze %dma_wait3A_499 : memref<1x1x32x224xf32, #tpu.memory_space<hbm>> -> memref<32x224xf32, #tpu.memory_space<hbm>>
            %dma_wait3A_501 = tpu.memref_slice %arg12[%rem3A_433] : memref<2x!tpu.dma_semaphore, #tpu.memory_space<semaphore_mem>> -> memref<1x!tpu.dma_semaphore, #tpu.memory_space<semaphore_mem>>
            %dma_wait3A_502 = tpu.memref_squeeze %dma_wait3A_501 : memref<1x!tpu.dma_semaphore, #tpu.memory_space<semaphore_mem>> -> memref<!tpu.dma_semaphore, #tpu.memory_space<semaphore_mem>>
            %dma_wait3A_503 = arith.constant 0 : i32
            %dma_wait3A_504 = arith.constant 0 : i32
            %dma_wait3A_505 = tpu.memref_slice %arg5[%select_n3A, %dma_wait3A_492, %dma_wait3A_503, %dma_wait3A_504] : memref<4x224x32x224xf32, #tpu.memory_space<hbm>> -> memref<1x1x32x224xf32, #tpu.memory_space<hbm>>
            %dma_wait3A_506 = tpu.memref_squeeze %dma_wait3A_505 : memref<1x1x32x224xf32, #tpu.memory_space<hbm>> -> memref<32x224xf32, #tpu.memory_space<hbm>>
            %dma_wait3A_507 = arith.constant 0 : i32
            %dma_wait3A_508 = arith.constant 0 : i32
            %dma_wait3A_509 = tpu.memref_slice %arg8[%rem3A_433, %dma_wait3A_507, %dma_wait3A_508] : memref<2x32x224xf32, #tpu.memory_space<vmem>> -> memref<1x32x224xf32, #tpu.memory_space<vmem>>
            %dma_wait3A_510 = tpu.memref_squeeze %dma_wait3A_509 : memref<1x32x224xf32, #tpu.memory_space<vmem>> -> memref<32x224xf32, #tpu.memory_space<vmem>>
            tpu.wait_dma2 semaphore(%dma_wait3A_502 : memref<!tpu.dma_semaphore, #tpu.memory_space<semaphore_mem>>) src(%dma_wait3A_510 : memref<32x224xf32, #tpu.memory_space<vmem>>) dst(%dma_wait3A_506 : memref<32x224xf32, #tpu.memory_space<hbm>>)
          } else {
          }
          %parallel_loop3A_468 = arith.constant 0 : i32
          %parallel_loop3A_469 = arith.constant 32 : i32
          %parallel_loop3A_470 = arith.constant 1 : i32
          scf.for %parallel_loop3A_492 = %parallel_loop3A_468 to %parallel_loop3A_469 step %parallel_loop3A_470  : i32 {
            %parallel_loop3A_493 = arith.constant 7200 : i32
            %parallel_loop3A_494 = arith.muli %rem3A_435, %parallel_loop3A_493 : i32
            %parallel_loop3A_495 = arith.constant 8 : i32
            %parallel_loop3A_496 = arith.muli %parallel_loop3A_495, %parallel_loop3A_492 : i32
            %parallel_loop3A_497 = arith.addi %parallel_loop3A_494, %parallel_loop3A_496 : i32
            %parallel_loop3A_498 = arith.constant 0 : i32
            %parallel_loop3A_499 = arith.addi %parallel_loop3A_497, %parallel_loop3A_498 : i32
            %parallel_loop3A_500 = vector.broadcast %parallel_loop3A_499 : i32 to vector<16xi32>
            %parallel_loop3A_501 = arith.addi %add3A, %parallel_loop3A_500 : vector<16xi32>
            %parallel_loop3A_502 = tpu.vector_load_idx %arg7[%parallel_loop3A_501] : memref<57600xf32, #tpu.memory_space<vmem>>[vector<16xi32>], vector<16xf32>,
            %parallel_loop3A_503 = arith.mulf %parallel_loop3A_502, %select_n3A_454 : vector<16xf32>
            %parallel_loop3A_504 = arith.index_cast %rem3A_433 : i32 to index
            %parallel_loop3A_505 = arith.index_cast %parallel_loop3A_492 : i32 to index
            %parallel_loop3A_506 = arith.constant 0 : index
            %parallel_loop3A_507 = tpu.vector_load %arg8[%parallel_loop3A_504, %parallel_loop3A_505, %parallel_loop3A_506] {strides = array<i32>} : memref<2x32x224xf32, #tpu.memory_space<vmem>>, vector<16xf32>,
            tpu.vector_store %arg8[%parallel_loop3A_504, %parallel_loop3A_505, %parallel_loop3A_506], %parallel_loop3A_503 {strides = array<i32>} : memref<2x32x224xf32, #tpu.memory_space<vmem>>, vector<16xf32>,
            %parallel_loop3A_508 = arith.constant 514 : i32
            %parallel_loop3A_509 = arith.addi %parallel_loop3A_497, %parallel_loop3A_508 : i32
            %parallel_loop3A_510 = vector.broadcast %parallel_loop3A_509 : i32 to vector<16xi32>
            %parallel_loop3A_511 = arith.addi %add3A, %parallel_loop3A_510 : vector<16xi32>
            %parallel_loop3A_512 = tpu.vector_load_idx %arg7[%parallel_loop3A_511] : memref<57600xf32, #tpu.memory_space<vmem>>[vector<16xi32>], vector<16xf32>,
            %parallel_loop3A_513 = arith.mulf %parallel_loop3A_512, %broadcast_in_dim3A : vector<16xf32>
            %parallel_loop3A_514 = arith.index_cast %rem3A_433 : i32 to index
            %parallel_loop3A_515 = arith.index_cast %parallel_loop3A_492 : i32 to index
            %parallel_loop3A_516 = arith.constant 16 : index
            %parallel_loop3A_517 = tpu.vector_load %arg8[%parallel_loop3A_514, %parallel_loop3A_515, %parallel_loop3A_516] {strides = array<i32>} : memref<2x32x224xf32, #tpu.memory_space<vmem>>, vector<16xf32>,
            tpu.vector_store %arg8[%parallel_loop3A_514, %parallel_loop3A_515, %parallel_loop3A_516], %parallel_loop3A_513 {strides = array<i32>} : memref<2x32x224xf32, #tpu.memory_space<vmem>>, vector<16xf32>,
            %parallel_loop3A_518 = arith.constant 1028 : i32
            %parallel_loop3A_519 = arith.addi %parallel_loop3A_497, %parallel_loop3A_518 : i32
            %parallel_loop3A_520 = vector.broadcast %parallel_loop3A_519 : i32 to vector<16xi32>
            %parallel_loop3A_521 = arith.addi %add3A, %parallel_loop3A_520 : vector<16xi32>
            %parallel_loop3A_522 = tpu.vector_load_idx %arg7[%parallel_loop3A_521] : memref<57600xf32, #tpu.memory_space<vmem>>[vector<16xi32>], vector<16xf32>,
            %parallel_loop3A_523 = arith.mulf %parallel_loop3A_522, %broadcast_in_dim3A : vector<16xf32>
            %parallel_loop3A_524 = arith.index_cast %rem3A_433 : i32 to index
            %parallel_loop3A_525 = arith.index_cast %parallel_loop3A_492 : i32 to index
            %parallel_loop3A_526 = arith.constant 32 : index
            %parallel_loop3A_527 = tpu.vector_load %arg8[%parallel_loop3A_524, %parallel_loop3A_525, %parallel_loop3A_526] {strides = array<i32>} : memref<2x32x224xf32, #tpu.memory_space<vmem>>, vector<16xf32>,
            tpu.vector_store %arg8[%parallel_loop3A_524, %parallel_loop3A_525, %parallel_loop3A_526], %parallel_loop3A_523 {strides = array<i32>} : memref<2x32x224xf32, #tpu.memory_space<vmem>>, vector<16xf32>,
            %parallel_loop3A_528 = arith.constant 1542 : i32
            %parallel_loop3A_529 = arith.addi %parallel_loop3A_497, %parallel_loop3A_528 : i32
            %parallel_loop3A_530 = vector.broadcast %parallel_loop3A_529 : i32 to vector<16xi32>
            %parallel_loop3A_531 = arith.addi %add3A, %parallel_loop3A_530 : vector<16xi32>
            %parallel_loop3A_532 = tpu.vector_load_idx %arg7[%parallel_loop3A_531] : memref<57600xf32, #tpu.memory_space<vmem>>[vector<16xi32>], vector<16xf32>,
            %parallel_loop3A_533 = arith.mulf %parallel_loop3A_532, %broadcast_in_dim3A : vector<16xf32>
            %parallel_loop3A_534 = arith.index_cast %rem3A_433 : i32 to index
            %parallel_loop3A_535 = arith.index_cast %parallel_loop3A_492 : i32 to index
            %parallel_loop3A_536 = arith.constant 48 : index
            %parallel_loop3A_537 = tpu.vector_load %arg8[%parallel_loop3A_534, %parallel_loop3A_535, %parallel_loop3A_536] {strides = array<i32>} : memref<2x32x224xf32, #tpu.memory_space<vmem>>, vector<16xf32>,
            tpu.vector_store %arg8[%parallel_loop3A_534, %parallel_loop3A_535, %parallel_loop3A_536], %parallel_loop3A_533 {strides = array<i32>} : memref<2x32x224xf32, #tpu.memory_space<vmem>>, vector<16xf32>,
            %parallel_loop3A_538 = arith.constant 2056 : i32
            %parallel_loop3A_539 = arith.addi %parallel_loop3A_497, %parallel_loop3A_538 : i32
            %parallel_loop3A_540 = vector.broadcast %parallel_loop3A_539 : i32 to vector<16xi32>
            %parallel_loop3A_541 = arith.addi %add3A, %parallel_loop3A_540 : vector<16xi32>
            %parallel_loop3A_542 = tpu.vector_load_idx %arg7[%parallel_loop3A_541] : memref<57600xf32, #tpu.memory_space<vmem>>[vector<16xi32>], vector<16xf32>,
            %parallel_loop3A_543 = arith.mulf %parallel_loop3A_542, %broadcast_in_dim3A : vector<16xf32>
            %parallel_loop3A_544 = arith.index_cast %rem3A_433 : i32 to index
            %parallel_loop3A_545 = arith.index_cast %parallel_loop3A_492 : i32 to index
            %parallel_loop3A_546 = arith.constant 64 : index
            %parallel_loop3A_547 = tpu.vector_load %arg8[%parallel_loop3A_544, %parallel_loop3A_545, %parallel_loop3A_546] {strides = array<i32>} : memref<2x32x224xf32, #tpu.memory_space<vmem>>, vector<16xf32>,
            tpu.vector_store %arg8[%parallel_loop3A_544, %parallel_loop3A_545, %parallel_loop3A_546], %parallel_loop3A_543 {strides = array<i32>} : memref<2x32x224xf32, #tpu.memory_space<vmem>>, vector<16xf32>,
            %parallel_loop3A_548 = arith.constant 2570 : i32
            %parallel_loop3A_549 = arith.addi %parallel_loop3A_497, %parallel_loop3A_548 : i32
            %parallel_loop3A_550 = vector.broadcast %parallel_loop3A_549 : i32 to vector<16xi32>
            %parallel_loop3A_551 = arith.addi %add3A, %parallel_loop3A_550 : vector<16xi32>
            %parallel_loop3A_552 = tpu.vector_load_idx %arg7[%parallel_loop3A_551] : memref<57600xf32, #tpu.memory_space<vmem>>[vector<16xi32>], vector<16xf32>,
            %parallel_loop3A_553 = arith.mulf %parallel_loop3A_552, %broadcast_in_dim3A : vector<16xf32>
            %parallel_loop3A_554 = arith.index_cast %rem3A_433 : i32 to index
            %parallel_loop3A_555 = arith.index_cast %parallel_loop3A_492 : i32 to index
            %parallel_loop3A_556 = arith.constant 80 : index
            %parallel_loop3A_557 = tpu.vector_load %arg8[%parallel_loop3A_554, %parallel_loop3A_555, %parallel_loop3A_556] {strides = array<i32>} : memref<2x32x224xf32, #tpu.memory_space<vmem>>, vector<16xf32>,
            tpu.vector_store %arg8[%parallel_loop3A_554, %parallel_loop3A_555, %parallel_loop3A_556], %parallel_loop3A_553 {strides = array<i32>} : memref<2x32x224xf32, #tpu.memory_space<vmem>>, vector<16xf32>,
            %parallel_loop3A_558 = arith.constant 3084 : i32
            %parallel_loop3A_559 = arith.addi %parallel_loop3A_497, %parallel_loop3A_558 : i32
            %parallel_loop3A_560 = vector.broadcast %parallel_loop3A_559 : i32 to vector<16xi32>
            %parallel_loop3A_561 = arith.addi %add3A, %parallel_loop3A_560 : vector<16xi32>
            %parallel_loop3A_562 = tpu.vector_load_idx %arg7[%parallel_loop3A_561] : memref<57600xf32, #tpu.memory_space<vmem>>[vector<16xi32>], vector<16xf32>,
            %parallel_loop3A_563 = arith.mulf %parallel_loop3A_562, %broadcast_in_dim3A : vector<16xf32>
            %parallel_loop3A_564 = arith.index_cast %rem3A_433 : i32 to index
            %parallel_loop3A_565 = arith.index_cast %parallel_loop3A_492 : i32 to index
            %parallel_loop3A_566 = arith.constant 96 : index
            %parallel_loop3A_567 = tpu.vector_load %arg8[%parallel_loop3A_564, %parallel_loop3A_565, %parallel_loop3A_566] {strides = array<i32>} : memref<2x32x224xf32, #tpu.memory_space<vmem>>, vector<16xf32>,
            tpu.vector_store %arg8[%parallel_loop3A_564, %parallel_loop3A_565, %parallel_loop3A_566], %parallel_loop3A_563 {strides = array<i32>} : memref<2x32x224xf32, #tpu.memory_space<vmem>>, vector<16xf32>,
            %parallel_loop3A_568 = arith.constant 3598 : i32
            %parallel_loop3A_569 = arith.addi %parallel_loop3A_497, %parallel_loop3A_568 : i32
            %parallel_loop3A_570 = vector.broadcast %parallel_loop3A_569 : i32 to vector<16xi32>
            %parallel_loop3A_571 = arith.addi %add3A, %parallel_loop3A_570 : vector<16xi32>
            %parallel_loop3A_572 = tpu.vector_load_idx %arg7[%parallel_loop3A_571] : memref<57600xf32, #tpu.memory_space<vmem>>[vector<16xi32>], vector<16xf32>,
            %parallel_loop3A_573 = arith.mulf %parallel_loop3A_572, %broadcast_in_dim3A : vector<16xf32>
            %parallel_loop3A_574 = arith.index_cast %rem3A_433 : i32 to index
            %parallel_loop3A_575 = arith.index_cast %parallel_loop3A_492 : i32 to index
            %parallel_loop3A_576 = arith.constant 112 : index
            %parallel_loop3A_577 = tpu.vector_load %arg8[%parallel_loop3A_574, %parallel_loop3A_575, %parallel_loop3A_576] {strides = array<i32>} : memref<2x32x224xf32, #tpu.memory_space<vmem>>, vector<16xf32>,
            tpu.vector_store %arg8[%parallel_loop3A_574, %parallel_loop3A_575, %parallel_loop3A_576], %parallel_loop3A_573 {strides = array<i32>} : memref<2x32x224xf32, #tpu.memory_space<vmem>>, vector<16xf32>,
            %parallel_loop3A_578 = arith.constant 4112 : i32
            %parallel_loop3A_579 = arith.addi %parallel_loop3A_497, %parallel_loop3A_578 : i32
            %parallel_loop3A_580 = vector.broadcast %parallel_loop3A_579 : i32 to vector<16xi32>
            %parallel_loop3A_581 = arith.addi %add3A, %parallel_loop3A_580 : vector<16xi32>
            %parallel_loop3A_582 = tpu.vector_load_idx %arg7[%parallel_loop3A_581] : memref<57600xf32, #tpu.memory_space<vmem>>[vector<16xi32>], vector<16xf32>,
            %parallel_loop3A_583 = arith.mulf %parallel_loop3A_582, %broadcast_in_dim3A : vector<16xf32>
            %parallel_loop3A_584 = arith.index_cast %rem3A_433 : i32 to index
            %parallel_loop3A_585 = arith.index_cast %parallel_loop3A_492 : i32 to index
            %parallel_loop3A_586 = arith.constant 128 : index
            %parallel_loop3A_587 = tpu.vector_load %arg8[%parallel_loop3A_584, %parallel_loop3A_585, %parallel_loop3A_586] {strides = array<i32>} : memref<2x32x224xf32, #tpu.memory_space<vmem>>, vector<16xf32>,
            tpu.vector_store %arg8[%parallel_loop3A_584, %parallel_loop3A_585, %parallel_loop3A_586], %parallel_loop3A_583 {strides = array<i32>} : memref<2x32x224xf32, #tpu.memory_space<vmem>>, vector<16xf32>,
            %parallel_loop3A_588 = arith.constant 4626 : i32
            %parallel_loop3A_589 = arith.addi %parallel_loop3A_497, %parallel_loop3A_588 : i32
            %parallel_loop3A_590 = vector.broadcast %parallel_loop3A_589 : i32 to vector<16xi32>
            %parallel_loop3A_591 = arith.addi %add3A, %parallel_loop3A_590 : vector<16xi32>
            %parallel_loop3A_592 = tpu.vector_load_idx %arg7[%parallel_loop3A_591] : memref<57600xf32, #tpu.memory_space<vmem>>[vector<16xi32>], vector<16xf32>,
            %parallel_loop3A_593 = arith.mulf %parallel_loop3A_592, %broadcast_in_dim3A : vector<16xf32>
            %parallel_loop3A_594 = arith.index_cast %rem3A_433 : i32 to index
            %parallel_loop3A_595 = arith.index_cast %parallel_loop3A_492 : i32 to index
            %parallel_loop3A_596 = arith.constant 144 : index
            %parallel_loop3A_597 = tpu.vector_load %arg8[%parallel_loop3A_594, %parallel_loop3A_595, %parallel_loop3A_596] {strides = array<i32>} : memref<2x32x224xf32, #tpu.memory_space<vmem>>, vector<16xf32>,
            tpu.vector_store %arg8[%parallel_loop3A_594, %parallel_loop3A_595, %parallel_loop3A_596], %parallel_loop3A_593 {strides = array<i32>} : memref<2x32x224xf32, #tpu.memory_space<vmem>>, vector<16xf32>,
            %parallel_loop3A_598 = arith.constant 5140 : i32
            %parallel_loop3A_599 = arith.addi %parallel_loop3A_497, %parallel_loop3A_598 : i32
            %parallel_loop3A_600 = vector.broadcast %parallel_loop3A_599 : i32 to vector<16xi32>
            %parallel_loop3A_601 = arith.addi %add3A, %parallel_loop3A_600 : vector<16xi32>
            %parallel_loop3A_602 = tpu.vector_load_idx %arg7[%parallel_loop3A_601] : memref<57600xf32, #tpu.memory_space<vmem>>[vector<16xi32>], vector<16xf32>,
            %parallel_loop3A_603 = arith.mulf %parallel_loop3A_602, %broadcast_in_dim3A : vector<16xf32>
            %parallel_loop3A_604 = arith.index_cast %rem3A_433 : i32 to index
            %parallel_loop3A_605 = arith.index_cast %parallel_loop3A_492 : i32 to index
            %parallel_loop3A_606 = arith.constant 160 : index
            %parallel_loop3A_607 = tpu.vector_load %arg8[%parallel_loop3A_604, %parallel_loop3A_605, %parallel_loop3A_606] {strides = array<i32>} : memref<2x32x224xf32, #tpu.memory_space<vmem>>, vector<16xf32>,
            tpu.vector_store %arg8[%parallel_loop3A_604, %parallel_loop3A_605, %parallel_loop3A_606], %parallel_loop3A_603 {strides = array<i32>} : memref<2x32x224xf32, #tpu.memory_space<vmem>>, vector<16xf32>,
            %parallel_loop3A_608 = arith.constant 5654 : i32
            %parallel_loop3A_609 = arith.addi %parallel_loop3A_497, %parallel_loop3A_608 : i32
            %parallel_loop3A_610 = vector.broadcast %parallel_loop3A_609 : i32 to vector<16xi32>
            %parallel_loop3A_611 = arith.addi %add3A, %parallel_loop3A_610 : vector<16xi32>
            %parallel_loop3A_612 = tpu.vector_load_idx %arg7[%parallel_loop3A_611] : memref<57600xf32, #tpu.memory_space<vmem>>[vector<16xi32>], vector<16xf32>,
            %parallel_loop3A_613 = arith.mulf %parallel_loop3A_612, %broadcast_in_dim3A : vector<16xf32>
            %parallel_loop3A_614 = arith.index_cast %rem3A_433 : i32 to index
            %parallel_loop3A_615 = arith.index_cast %parallel_loop3A_492 : i32 to index
            %parallel_loop3A_616 = arith.constant 176 : index
            %parallel_loop3A_617 = tpu.vector_load %arg8[%parallel_loop3A_614, %parallel_loop3A_615, %parallel_loop3A_616] {strides = array<i32>} : memref<2x32x224xf32, #tpu.memory_space<vmem>>, vector<16xf32>,
            tpu.vector_store %arg8[%parallel_loop3A_614, %parallel_loop3A_615, %parallel_loop3A_616], %parallel_loop3A_613 {strides = array<i32>} : memref<2x32x224xf32, #tpu.memory_space<vmem>>, vector<16xf32>,
            %parallel_loop3A_618 = arith.constant 6168 : i32
            %parallel_loop3A_619 = arith.addi %parallel_loop3A_497, %parallel_loop3A_618 : i32
            %parallel_loop3A_620 = vector.broadcast %parallel_loop3A_619 : i32 to vector<16xi32>
            %parallel_loop3A_621 = arith.addi %add3A, %parallel_loop3A_620 : vector<16xi32>
            %parallel_loop3A_622 = tpu.vector_load_idx %arg7[%parallel_loop3A_621] : memref<57600xf32, #tpu.memory_space<vmem>>[vector<16xi32>], vector<16xf32>,
            %parallel_loop3A_623 = arith.mulf %parallel_loop3A_622, %broadcast_in_dim3A : vector<16xf32>
            %parallel_loop3A_624 = arith.index_cast %rem3A_433 : i32 to index
            %parallel_loop3A_625 = arith.index_cast %parallel_loop3A_492 : i32 to index
            %parallel_loop3A_626 = arith.constant 192 : index
            %parallel_loop3A_627 = tpu.vector_load %arg8[%parallel_loop3A_624, %parallel_loop3A_625, %parallel_loop3A_626] {strides = array<i32>} : memref<2x32x224xf32, #tpu.memory_space<vmem>>, vector<16xf32>,
            tpu.vector_store %arg8[%parallel_loop3A_624, %parallel_loop3A_625, %parallel_loop3A_626], %parallel_loop3A_623 {strides = array<i32>} : memref<2x32x224xf32, #tpu.memory_space<vmem>>, vector<16xf32>,
            %parallel_loop3A_628 = arith.constant 6682 : i32
            %parallel_loop3A_629 = arith.addi %parallel_loop3A_497, %parallel_loop3A_628 : i32
            %parallel_loop3A_630 = vector.broadcast %parallel_loop3A_629 : i32 to vector<16xi32>
            %parallel_loop3A_631 = arith.addi %add3A, %parallel_loop3A_630 : vector<16xi32>
            %parallel_loop3A_632 = tpu.vector_load_idx %arg7[%parallel_loop3A_631] : memref<57600xf32, #tpu.memory_space<vmem>>[vector<16xi32>], vector<16xf32>,
            %parallel_loop3A_633 = arith.mulf %parallel_loop3A_632, %select_n3A_462 : vector<16xf32>
            %parallel_loop3A_634 = arith.index_cast %rem3A_433 : i32 to index
            %parallel_loop3A_635 = arith.index_cast %parallel_loop3A_492 : i32 to index
            %parallel_loop3A_636 = arith.constant 208 : index
            %parallel_loop3A_637 = tpu.vector_load %arg8[%parallel_loop3A_634, %parallel_loop3A_635, %parallel_loop3A_636] {strides = array<i32>} : memref<2x32x224xf32, #tpu.memory_space<vmem>>, vector<16xf32>,
            tpu.vector_store %arg8[%parallel_loop3A_634, %parallel_loop3A_635, %parallel_loop3A_636], %parallel_loop3A_633 {strides = array<i32>} : memref<2x32x224xf32, #tpu.memory_space<vmem>>, vector<16xf32>,
          } {sc.loop_unroll_factor = 2 : i64, sc.parallel_access}
          %dma_start3A_471 = arith.constant 0 : i32
          %dma_start3A_472 = arith.constant 0 : i32
          %dma_start3A_473 = tpu.memref_slice %arg8[%rem3A_433, %dma_start3A_471, %dma_start3A_472] : memref<2x32x224xf32, #tpu.memory_space<vmem>> -> memref<1x32x224xf32, #tpu.memory_space<vmem>>
          %dma_start3A_474 = tpu.memref_squeeze %dma_start3A_473 : memref<1x32x224xf32, #tpu.memory_space<vmem>> -> memref<32x224xf32, #tpu.memory_space<vmem>>
          %dma_start3A_475 = arith.constant 0 : i32
          %dma_start3A_476 = arith.constant 0 : i32
          %dma_start3A_477 = tpu.memref_slice %arg5[%select_n3A, %add3A_438, %dma_start3A_475, %dma_start3A_476] : memref<4x224x32x224xf32, #tpu.memory_space<hbm>> -> memref<1x1x32x224xf32, #tpu.memory_space<hbm>>
          %dma_start3A_478 = tpu.memref_squeeze %dma_start3A_477 : memref<1x1x32x224xf32, #tpu.memory_space<hbm>> -> memref<32x224xf32, #tpu.memory_space<hbm>>
          %dma_start3A_479 = tpu.memref_slice %arg12[%rem3A_433] : memref<2x!tpu.dma_semaphore, #tpu.memory_space<semaphore_mem>> -> memref<1x!tpu.dma_semaphore, #tpu.memory_space<semaphore_mem>>
          %dma_start3A_480 = tpu.memref_squeeze %dma_start3A_479 : memref<1x!tpu.dma_semaphore, #tpu.memory_space<semaphore_mem>> -> memref<!tpu.dma_semaphore, #tpu.memory_space<semaphore_mem>>
          %dma_start3A_481 = arith.constant 0 : i32
          %dma_start3A_482 = arith.constant 0 : i32
          %dma_start3A_483 = tpu.memref_slice %arg5[%select_n3A, %add3A_438, %dma_start3A_481, %dma_start3A_482] : memref<4x224x32x224xf32, #tpu.memory_space<hbm>> -> memref<1x1x32x224xf32, #tpu.memory_space<hbm>>
          %dma_start3A_484 = tpu.memref_squeeze %dma_start3A_483 : memref<1x1x32x224xf32, #tpu.memory_space<hbm>> -> memref<32x224xf32, #tpu.memory_space<hbm>>
          %dma_start3A_485 = arith.constant 0 : i32
          %dma_start3A_486 = arith.constant 0 : i32
          %dma_start3A_487 = tpu.memref_slice %arg8[%rem3A_433, %dma_start3A_485, %dma_start3A_486] : memref<2x32x224xf32, #tpu.memory_space<vmem>> -> memref<1x32x224xf32, #tpu.memory_space<vmem>>
          %dma_start3A_488 = tpu.memref_squeeze %dma_start3A_487 : memref<1x32x224xf32, #tpu.memory_space<vmem>> -> memref<32x224xf32, #tpu.memory_space<vmem>>
          tpu.enqueue_dma source(%dma_start3A_488 : memref<32x224xf32, #tpu.memory_space<vmem>>) target(%dma_start3A_484 : memref<32x224xf32, #tpu.memory_space<hbm>>) target_semaphore(%dma_start3A_480 : memref<!tpu.dma_semaphore, #tpu.memory_space<semaphore_mem>>)
          %parallel_loop3A_489 = arith.constant 0 : i32
          %parallel_loop3A_490 = arith.constant 450 : i32
          %parallel_loop3A_491 = arith.constant 1 : i32
          scf.for %parallel_loop3A_492 = %parallel_loop3A_489 to %parallel_loop3A_490 step %parallel_loop3A_491  : i32 {
            %parallel_loop3A_493 = arith.constant 0.000000e+00 : f32
            %parallel_loop3A_494 = vector.broadcast %parallel_loop3A_493 : f32 to vector<16xf32>
            %parallel_loop3A_495 = arith.constant 7200 : i32
            %parallel_loop3A_496 = arith.muli %rem3A_435, %parallel_loop3A_495 : i32
            %parallel_loop3A_497 = arith.constant 16 : i32
            %parallel_loop3A_498 = arith.muli %parallel_loop3A_492, %parallel_loop3A_497 : i32
            %parallel_loop3A_499 = arith.addi %parallel_loop3A_496, %parallel_loop3A_498 : i32
            %parallel_loop3A_500 = arith.index_cast %parallel_loop3A_499 : i32 to index
            %parallel_loop3A_501 = tpu.vector_load %arg7[%parallel_loop3A_500] {strides = array<i32>} : memref<57600xf32, #tpu.memory_space<vmem>>, vector<16xf32>,
            tpu.vector_store %arg7[%parallel_loop3A_500], %parallel_loop3A_494 {strides = array<i32>} : memref<57600xf32, #tpu.memory_space<vmem>>, vector<16xf32>,
          } {sc.loop_unroll_factor = 4 : i64, sc.parallel_access}
        }
      } else {
      }
    }
    %scan3A_143 = arith.constant 80 : i32
    %add3A_144 = arith.constant 8 : i32
    %add3A_145 = arith.addi %select_n3A_40, %add3A_144 : i32
    %dma_start3A_146 = arith.constant 0 : i32
    %dma_start3A_147 = arith.constant 0 : i32
    %dma_start3A_148 = arith.constant 0 : i32
    %dma_start3A_149 = arith.constant 0 : i32
    %dma_start3A_150 = arith.constant 0 : i32
    %dma_start3A_151 = arith.constant 0 : i32
    %dma_start3A_152 = tpu.memref_slice %arg6[%dma_start3A_147, %dma_start3A_148, %dma_start3A_150, %dma_start3A_151] : memref<2x4x32x128xf32, #tpu.memory_space<vmem>> -> memref<1x1x32x128xf32, #tpu.memory_space<vmem>>
    %dma_start3A_153 = tpu.memref_squeeze %dma_start3A_152 : memref<1x1x32x128xf32, #tpu.memory_space<vmem>> -> memref<32x128xf32, #tpu.memory_space<vmem>>
    %dma_start3A_154 = arith.constant 0 : i32
    %dma_start3A_155 = arith.constant 0 : i32
    %dma_start3A_156 = tpu.memref_slice %arg3[%select_n3A, %select_n3A_40, %dma_start3A_146, %dma_start3A_154, %dma_start3A_155] : memref<4x16x16x32x128xf32, #tpu.memory_space<hbm>> -> memref<1x1x1x32x128xf32, #tpu.memory_space<hbm>>
    %dma_start3A_157 = tpu.memref_squeeze %dma_start3A_156 : memref<1x1x1x32x128xf32, #tpu.memory_space<hbm>> -> memref<32x128xf32, #tpu.memory_space<hbm>>
    %dma_start3A_158 = tpu.memref_slice %arg10[%dma_start3A_149] : memref<4x!tpu.dma_semaphore, #tpu.memory_space<semaphore_mem>> -> memref<1x!tpu.dma_semaphore, #tpu.memory_space<semaphore_mem>>
    %dma_start3A_159 = tpu.memref_squeeze %dma_start3A_158 : memref<1x!tpu.dma_semaphore, #tpu.memory_space<semaphore_mem>> -> memref<!tpu.dma_semaphore, #tpu.memory_space<semaphore_mem>>
    %dma_start3A_160 = arith.constant 0 : i32
    %dma_start3A_161 = arith.constant 0 : i32
    %dma_start3A_162 = tpu.memref_slice %arg6[%dma_start3A_147, %dma_start3A_148, %dma_start3A_160, %dma_start3A_161] : memref<2x4x32x128xf32, #tpu.memory_space<vmem>> -> memref<1x1x32x128xf32, #tpu.memory_space<vmem>>
    %dma_start3A_163 = tpu.memref_squeeze %dma_start3A_162 : memref<1x1x32x128xf32, #tpu.memory_space<vmem>> -> memref<32x128xf32, #tpu.memory_space<vmem>>
    %dma_start3A_164 = arith.constant 0 : i32
    %dma_start3A_165 = arith.constant 0 : i32
    %dma_start3A_166 = tpu.memref_slice %arg3[%select_n3A, %select_n3A_40, %dma_start3A_146, %dma_start3A_164, %dma_start3A_165] : memref<4x16x16x32x128xf32, #tpu.memory_space<hbm>> -> memref<1x1x1x32x128xf32, #tpu.memory_space<hbm>>
    %dma_start3A_167 = tpu.memref_squeeze %dma_start3A_166 : memref<1x1x1x32x128xf32, #tpu.memory_space<hbm>> -> memref<32x128xf32, #tpu.memory_space<hbm>>
    tpu.enqueue_dma source(%dma_start3A_167 : memref<32x128xf32, #tpu.memory_space<hbm>>) target(%dma_start3A_163 : memref<32x128xf32, #tpu.memory_space<vmem>>) target_semaphore(%dma_start3A_159 : memref<!tpu.dma_semaphore, #tpu.memory_space<semaphore_mem>>)
    %dma_start3A_168 = arith.constant 0 : i32
    %dma_start3A_169 = arith.constant 1 : i32
    %dma_start3A_170 = arith.constant 0 : i32
    %dma_start3A_171 = arith.constant 0 : i32
    %dma_start3A_172 = arith.constant 0 : i32
    %dma_start3A_173 = arith.constant 0 : i32
    %dma_start3A_174 = tpu.memref_slice %arg6[%dma_start3A_169, %dma_start3A_170, %dma_start3A_172, %dma_start3A_173] : memref<2x4x32x128xf32, #tpu.memory_space<vmem>> -> memref<1x1x32x128xf32, #tpu.memory_space<vmem>>
    %dma_start3A_175 = tpu.memref_squeeze %dma_start3A_174 : memref<1x1x32x128xf32, #tpu.memory_space<vmem>> -> memref<32x128xf32, #tpu.memory_space<vmem>>
    %dma_start3A_176 = arith.constant 0 : i32
    %dma_start3A_177 = arith.constant 0 : i32
    %dma_start3A_178 = tpu.memref_slice %arg3[%select_n3A, %add3A_145, %dma_start3A_168, %dma_start3A_176, %dma_start3A_177] : memref<4x16x16x32x128xf32, #tpu.memory_space<hbm>> -> memref<1x1x1x32x128xf32, #tpu.memory_space<hbm>>
    %dma_start3A_179 = tpu.memref_squeeze %dma_start3A_178 : memref<1x1x1x32x128xf32, #tpu.memory_space<hbm>> -> memref<32x128xf32, #tpu.memory_space<hbm>>
    %dma_start3A_180 = tpu.memref_slice %arg11[%dma_start3A_171] : memref<4x!tpu.dma_semaphore, #tpu.memory_space<semaphore_mem>> -> memref<1x!tpu.dma_semaphore, #tpu.memory_space<semaphore_mem>>
    %dma_start3A_181 = tpu.memref_squeeze %dma_start3A_180 : memref<1x!tpu.dma_semaphore, #tpu.memory_space<semaphore_mem>> -> memref<!tpu.dma_semaphore, #tpu.memory_space<semaphore_mem>>
    %dma_start3A_182 = arith.constant 0 : i32
    %dma_start3A_183 = arith.constant 0 : i32
    %dma_start3A_184 = tpu.memref_slice %arg6[%dma_start3A_169, %dma_start3A_170, %dma_start3A_182, %dma_start3A_183] : memref<2x4x32x128xf32, #tpu.memory_space<vmem>> -> memref<1x1x32x128xf32, #tpu.memory_space<vmem>>
    %dma_start3A_185 = tpu.memref_squeeze %dma_start3A_184 : memref<1x1x32x128xf32, #tpu.memory_space<vmem>> -> memref<32x128xf32, #tpu.memory_space<vmem>>
    %dma_start3A_186 = arith.constant 0 : i32
    %dma_start3A_187 = arith.constant 0 : i32
    %dma_start3A_188 = tpu.memref_slice %arg3[%select_n3A, %add3A_145, %dma_start3A_168, %dma_start3A_186, %dma_start3A_187] : memref<4x16x16x32x128xf32, #tpu.memory_space<hbm>> -> memref<1x1x1x32x128xf32, #tpu.memory_space<hbm>>
    %dma_start3A_189 = tpu.memref_squeeze %dma_start3A_188 : memref<1x1x1x32x128xf32, #tpu.memory_space<hbm>> -> memref<32x128xf32, #tpu.memory_space<hbm>>
    tpu.enqueue_dma source(%dma_start3A_189 : memref<32x128xf32, #tpu.memory_space<hbm>>) target(%dma_start3A_185 : memref<32x128xf32, #tpu.memory_space<vmem>>) target_semaphore(%dma_start3A_181 : memref<!tpu.dma_semaphore, #tpu.memory_space<semaphore_mem>>)
    %add3A_190 = arith.constant 8 : i32
    %add3A_191 = arith.addi %select_n3A_40, %add3A_190 : i32
    %dma_start3A_192 = arith.constant 1 : i32
    %dma_start3A_193 = arith.constant 0 : i32
    %dma_start3A_194 = arith.constant 1 : i32
    %dma_start3A_195 = arith.constant 1 : i32
    %dma_start3A_196 = arith.constant 0 : i32
    %dma_start3A_197 = arith.constant 0 : i32
    %dma_start3A_198 = tpu.memref_slice %arg6[%dma_start3A_193, %dma_start3A_194, %dma_start3A_196, %dma_start3A_197] : memref<2x4x32x128xf32, #tpu.memory_space<vmem>> -> memref<1x1x32x128xf32, #tpu.memory_space<vmem>>
    %dma_start3A_199 = tpu.memref_squeeze %dma_start3A_198 : memref<1x1x32x128xf32, #tpu.memory_space<vmem>> -> memref<32x128xf32, #tpu.memory_space<vmem>>
    %dma_start3A_200 = arith.constant 0 : i32
    %dma_start3A_201 = arith.constant 0 : i32
    %dma_start3A_202 = tpu.memref_slice %arg3[%select_n3A, %select_n3A_40, %dma_start3A_192, %dma_start3A_200, %dma_start3A_201] : memref<4x16x16x32x128xf32, #tpu.memory_space<hbm>> -> memref<1x1x1x32x128xf32, #tpu.memory_space<hbm>>
    %dma_start3A_203 = tpu.memref_squeeze %dma_start3A_202 : memref<1x1x1x32x128xf32, #tpu.memory_space<hbm>> -> memref<32x128xf32, #tpu.memory_space<hbm>>
    %dma_start3A_204 = tpu.memref_slice %arg10[%dma_start3A_195] : memref<4x!tpu.dma_semaphore, #tpu.memory_space<semaphore_mem>> -> memref<1x!tpu.dma_semaphore, #tpu.memory_space<semaphore_mem>>
    %dma_start3A_205 = tpu.memref_squeeze %dma_start3A_204 : memref<1x!tpu.dma_semaphore, #tpu.memory_space<semaphore_mem>> -> memref<!tpu.dma_semaphore, #tpu.memory_space<semaphore_mem>>
    %dma_start3A_206 = arith.constant 0 : i32
    %dma_start3A_207 = arith.constant 0 : i32
    %dma_start3A_208 = tpu.memref_slice %arg6[%dma_start3A_193, %dma_start3A_194, %dma_start3A_206, %dma_start3A_207] : memref<2x4x32x128xf32, #tpu.memory_space<vmem>> -> memref<1x1x32x128xf32, #tpu.memory_space<vmem>>
    %dma_start3A_209 = tpu.memref_squeeze %dma_start3A_208 : memref<1x1x32x128xf32, #tpu.memory_space<vmem>> -> memref<32x128xf32, #tpu.memory_space<vmem>>
    %dma_start3A_210 = arith.constant 0 : i32
    %dma_start3A_211 = arith.constant 0 : i32
    %dma_start3A_212 = tpu.memref_slice %arg3[%select_n3A, %select_n3A_40, %dma_start3A_192, %dma_start3A_210, %dma_start3A_211] : memref<4x16x16x32x128xf32, #tpu.memory_space<hbm>> -> memref<1x1x1x32x128xf32, #tpu.memory_space<hbm>>
    %dma_start3A_213 = tpu.memref_squeeze %dma_start3A_212 : memref<1x1x1x32x128xf32, #tpu.memory_space<hbm>> -> memref<32x128xf32, #tpu.memory_space<hbm>>
    tpu.enqueue_dma source(%dma_start3A_213 : memref<32x128xf32, #tpu.memory_space<hbm>>) target(%dma_start3A_209 : memref<32x128xf32, #tpu.memory_space<vmem>>) target_semaphore(%dma_start3A_205 : memref<!tpu.dma_semaphore, #tpu.memory_space<semaphore_mem>>)
    %dma_start3A_214 = arith.constant 1 : i32
    %dma_start3A_215 = arith.constant 1 : i32
    %dma_start3A_216 = arith.constant 1 : i32
    %dma_start3A_217 = arith.constant 1 : i32
    %dma_start3A_218 = arith.constant 0 : i32
    %dma_start3A_219 = arith.constant 0 : i32
    %dma_start3A_220 = tpu.memref_slice %arg6[%dma_start3A_215, %dma_start3A_216, %dma_start3A_218, %dma_start3A_219] : memref<2x4x32x128xf32, #tpu.memory_space<vmem>> -> memref<1x1x32x128xf32, #tpu.memory_space<vmem>>
    %dma_start3A_221 = tpu.memref_squeeze %dma_start3A_220 : memref<1x1x32x128xf32, #tpu.memory_space<vmem>> -> memref<32x128xf32, #tpu.memory_space<vmem>>
    %dma_start3A_222 = arith.constant 0 : i32
    %dma_start3A_223 = arith.constant 0 : i32
    %dma_start3A_224 = tpu.memref_slice %arg3[%select_n3A, %add3A_191, %dma_start3A_214, %dma_start3A_222, %dma_start3A_223] : memref<4x16x16x32x128xf32, #tpu.memory_space<hbm>> -> memref<1x1x1x32x128xf32, #tpu.memory_space<hbm>>
    %dma_start3A_225 = tpu.memref_squeeze %dma_start3A_224 : memref<1x1x1x32x128xf32, #tpu.memory_space<hbm>> -> memref<32x128xf32, #tpu.memory_space<hbm>>
    %dma_start3A_226 = tpu.memref_slice %arg11[%dma_start3A_217] : memref<4x!tpu.dma_semaphore, #tpu.memory_space<semaphore_mem>> -> memref<1x!tpu.dma_semaphore, #tpu.memory_space<semaphore_mem>>
    %dma_start3A_227 = tpu.memref_squeeze %dma_start3A_226 : memref<1x!tpu.dma_semaphore, #tpu.memory_space<semaphore_mem>> -> memref<!tpu.dma_semaphore, #tpu.memory_space<semaphore_mem>>
    %dma_start3A_228 = arith.constant 0 : i32
    %dma_start3A_229 = arith.constant 0 : i32
    %dma_start3A_230 = tpu.memref_slice %arg6[%dma_start3A_215, %dma_start3A_216, %dma_start3A_228, %dma_start3A_229] : memref<2x4x32x128xf32, #tpu.memory_space<vmem>> -> memref<1x1x32x128xf32, #tpu.memory_space<vmem>>
    %dma_start3A_231 = tpu.memref_squeeze %dma_start3A_230 : memref<1x1x32x128xf32, #tpu.memory_space<vmem>> -> memref<32x128xf32, #tpu.memory_space<vmem>>
    %dma_start3A_232 = arith.constant 0 : i32
    %dma_start3A_233 = arith.constant 0 : i32
    %dma_start3A_234 = tpu.memref_slice %arg3[%select_n3A, %add3A_191, %dma_start3A_214, %dma_start3A_232, %dma_start3A_233] : memref<4x16x16x32x128xf32, #tpu.memory_space<hbm>> -> memref<1x1x1x32x128xf32, #tpu.memory_space<hbm>>
    %dma_start3A_235 = tpu.memref_squeeze %dma_start3A_234 : memref<1x1x1x32x128xf32, #tpu.memory_space<hbm>> -> memref<32x128xf32, #tpu.memory_space<hbm>>
    tpu.enqueue_dma source(%dma_start3A_235 : memref<32x128xf32, #tpu.memory_space<hbm>>) target(%dma_start3A_231 : memref<32x128xf32, #tpu.memory_space<vmem>>) target_semaphore(%dma_start3A_227 : memref<!tpu.dma_semaphore, #tpu.memory_space<semaphore_mem>>)
    %scan3A_236 = arith.constant 0 : i32
    %scan3A_237 = arith.constant 0 : i32
    %scan3A_238 = arith.constant 16 : i32
    %scan3A_239 = arith.addi %scan3A_237, %scan3A_238 : i32
    %scan3A_240 = arith.constant 1 : i32
    scf.for %scan3A_289 = %scan3A_237 to %scan3A_239 step %scan3A_240  : i32 {
      %rem3A_290 = arith.constant 4 : i32
      %rem3A_291 = arith.remsi %scan3A_289, %rem3A_290 : i32
      %add3A_292 = arith.constant 2 : i32
      %add3A_293 = arith.addi %scan3A_289, %add3A_292 : i32
      %lt3A_294 = arith.constant 16 : i32
      %lt3A_295 = arith.cmpi slt, %add3A_293, %lt3A_294 : i32
      %convert_element_type3A = arith.extui %lt3A_295 : i1 to i32
      %cond3A = arith.constant 0 : i32
      %cond3A_296 = arith.cmpi ne, %convert_element_type3A, %cond3A : i32
      scf.if %cond3A_296 {
        %add3A_340 = arith.constant 2 : i32
        %add3A_341 = arith.addi %scan3A_289, %add3A_340 : i32
        %add3A_342 = arith.constant 2 : i32
        %add3A_343 = arith.addi %scan3A_289, %add3A_342 : i32
        %rem3A_344 = arith.constant 4 : i32
        %rem3A_345 = arith.remsi %add3A_343, %rem3A_344 : i32
        %add3A_346 = arith.constant 8 : i32
        %add3A_347 = arith.addi %select_n3A_40, %add3A_346 : i32
        %dma_start3A_348 = arith.constant 0 : i32
        %dma_start3A_349 = arith.constant 0 : i32
        %dma_start3A_350 = arith.constant 0 : i32
        %dma_start3A_351 = tpu.memref_slice %arg6[%dma_start3A_348, %rem3A_345, %dma_start3A_349, %dma_start3A_350] : memref<2x4x32x128xf32, #tpu.memory_space<vmem>> -> memref<1x1x32x128xf32, #tpu.memory_space<vmem>>
        %dma_start3A_352 = tpu.memref_squeeze %dma_start3A_351 : memref<1x1x32x128xf32, #tpu.memory_space<vmem>> -> memref<32x128xf32, #tpu.memory_space<vmem>>
        %dma_start3A_353 = arith.constant 0 : i32
        %dma_start3A_354 = arith.constant 0 : i32
        %dma_start3A_355 = tpu.memref_slice %arg3[%select_n3A, %select_n3A_40, %add3A_341, %dma_start3A_353, %dma_start3A_354] : memref<4x16x16x32x128xf32, #tpu.memory_space<hbm>> -> memref<1x1x1x32x128xf32, #tpu.memory_space<hbm>>
        %dma_start3A_356 = tpu.memref_squeeze %dma_start3A_355 : memref<1x1x1x32x128xf32, #tpu.memory_space<hbm>> -> memref<32x128xf32, #tpu.memory_space<hbm>>
        %dma_start3A_357 = tpu.memref_slice %arg10[%rem3A_345] : memref<4x!tpu.dma_semaphore, #tpu.memory_space<semaphore_mem>> -> memref<1x!tpu.dma_semaphore, #tpu.memory_space<semaphore_mem>>
        %dma_start3A_358 = tpu.memref_squeeze %dma_start3A_357 : memref<1x!tpu.dma_semaphore, #tpu.memory_space<semaphore_mem>> -> memref<!tpu.dma_semaphore, #tpu.memory_space<semaphore_mem>>
        %dma_start3A_359 = arith.constant 0 : i32
        %dma_start3A_360 = arith.constant 0 : i32
        %dma_start3A_361 = tpu.memref_slice %arg6[%dma_start3A_348, %rem3A_345, %dma_start3A_359, %dma_start3A_360] : memref<2x4x32x128xf32, #tpu.memory_space<vmem>> -> memref<1x1x32x128xf32, #tpu.memory_space<vmem>>
        %dma_start3A_362 = tpu.memref_squeeze %dma_start3A_361 : memref<1x1x32x128xf32, #tpu.memory_space<vmem>> -> memref<32x128xf32, #tpu.memory_space<vmem>>
        %dma_start3A_363 = arith.constant 0 : i32
        %dma_start3A_364 = arith.constant 0 : i32
        %dma_start3A_365 = tpu.memref_slice %arg3[%select_n3A, %select_n3A_40, %add3A_341, %dma_start3A_363, %dma_start3A_364] : memref<4x16x16x32x128xf32, #tpu.memory_space<hbm>> -> memref<1x1x1x32x128xf32, #tpu.memory_space<hbm>>
        %dma_start3A_366 = tpu.memref_squeeze %dma_start3A_365 : memref<1x1x1x32x128xf32, #tpu.memory_space<hbm>> -> memref<32x128xf32, #tpu.memory_space<hbm>>
        tpu.enqueue_dma source(%dma_start3A_366 : memref<32x128xf32, #tpu.memory_space<hbm>>) target(%dma_start3A_362 : memref<32x128xf32, #tpu.memory_space<vmem>>) target_semaphore(%dma_start3A_358 : memref<!tpu.dma_semaphore, #tpu.memory_space<semaphore_mem>>)
        %dma_start3A_367 = arith.constant 1 : i32
        %dma_start3A_368 = arith.constant 0 : i32
        %dma_start3A_369 = arith.constant 0 : i32
        %dma_start3A_370 = tpu.memref_slice %arg6[%dma_start3A_367, %rem3A_345, %dma_start3A_368, %dma_start3A_369] : memref<2x4x32x128xf32, #tpu.memory_space<vmem>> -> memref<1x1x32x128xf32, #tpu.memory_space<vmem>>
        %dma_start3A_371 = tpu.memref_squeeze %dma_start3A_370 : memref<1x1x32x128xf32, #tpu.memory_space<vmem>> -> memref<32x128xf32, #tpu.memory_space<vmem>>
        %dma_start3A_372 = arith.constant 0 : i32
        %dma_start3A_373 = arith.constant 0 : i32
        %dma_start3A_374 = tpu.memref_slice %arg3[%select_n3A, %add3A_347, %add3A_341, %dma_start3A_372, %dma_start3A_373] : memref<4x16x16x32x128xf32, #tpu.memory_space<hbm>> -> memref<1x1x1x32x128xf32, #tpu.memory_space<hbm>>
        %dma_start3A_375 = tpu.memref_squeeze %dma_start3A_374 : memref<1x1x1x32x128xf32, #tpu.memory_space<hbm>> -> memref<32x128xf32, #tpu.memory_space<hbm>>
        %dma_start3A_376 = tpu.memref_slice %arg11[%rem3A_345] : memref<4x!tpu.dma_semaphore, #tpu.memory_space<semaphore_mem>> -> memref<1x!tpu.dma_semaphore, #tpu.memory_space<semaphore_mem>>
        %dma_start3A_377 = tpu.memref_squeeze %dma_start3A_376 : memref<1x!tpu.dma_semaphore, #tpu.memory_space<semaphore_mem>> -> memref<!tpu.dma_semaphore, #tpu.memory_space<semaphore_mem>>
        %dma_start3A_378 = arith.constant 0 : i32
        %dma_start3A_379 = arith.constant 0 : i32
        %dma_start3A_380 = tpu.memref_slice %arg6[%dma_start3A_367, %rem3A_345, %dma_start3A_378, %dma_start3A_379] : memref<2x4x32x128xf32, #tpu.memory_space<vmem>> -> memref<1x1x32x128xf32, #tpu.memory_space<vmem>>
        %dma_start3A_381 = tpu.memref_squeeze %dma_start3A_380 : memref<1x1x32x128xf32, #tpu.memory_space<vmem>> -> memref<32x128xf32, #tpu.memory_space<vmem>>
        %dma_start3A_382 = arith.constant 0 : i32
        %dma_start3A_383 = arith.constant 0 : i32
        %dma_start3A_384 = tpu.memref_slice %arg3[%select_n3A, %add3A_347, %add3A_341, %dma_start3A_382, %dma_start3A_383] : memref<4x16x16x32x128xf32, #tpu.memory_space<hbm>> -> memref<1x1x1x32x128xf32, #tpu.memory_space<hbm>>
        %dma_start3A_385 = tpu.memref_squeeze %dma_start3A_384 : memref<1x1x1x32x128xf32, #tpu.memory_space<hbm>> -> memref<32x128xf32, #tpu.memory_space<hbm>>
        tpu.enqueue_dma source(%dma_start3A_385 : memref<32x128xf32, #tpu.memory_space<hbm>>) target(%dma_start3A_381 : memref<32x128xf32, #tpu.memory_space<vmem>>) target_semaphore(%dma_start3A_377 : memref<!tpu.dma_semaphore, #tpu.memory_space<semaphore_mem>>)
      } else {
      }
      %add3A_297 = arith.constant 8 : i32
      %add3A_298 = arith.addi %select_n3A_40, %add3A_297 : i32
      %dma_wait3A_299 = arith.constant 0 : i32
      %dma_wait3A_300 = arith.constant 0 : i32
      %dma_wait3A_301 = arith.constant 0 : i32
      %dma_wait3A_302 = tpu.memref_slice %arg6[%dma_wait3A_299, %rem3A_291, %dma_wait3A_300, %dma_wait3A_301] : memref<2x4x32x128xf32, #tpu.memory_space<vmem>> -> memref<1x1x32x128xf32, #tpu.memory_space<vmem>>
      %dma_wait3A_303 = tpu.memref_squeeze %dma_wait3A_302 : memref<1x1x32x128xf32, #tpu.memory_space<vmem>> -> memref<32x128xf32, #tpu.memory_space<vmem>>
      %dma_wait3A_304 = arith.constant 0 : i32
      %dma_wait3A_305 = arith.constant 0 : i32
      %dma_wait3A_306 = tpu.memref_slice %arg3[%select_n3A, %select_n3A_40, %scan3A_289, %dma_wait3A_304, %dma_wait3A_305] : memref<4x16x16x32x128xf32, #tpu.memory_space<hbm>> -> memref<1x1x1x32x128xf32, #tpu.memory_space<hbm>>
      %dma_wait3A_307 = tpu.memref_squeeze %dma_wait3A_306 : memref<1x1x1x32x128xf32, #tpu.memory_space<hbm>> -> memref<32x128xf32, #tpu.memory_space<hbm>>
      %dma_wait3A_308 = tpu.memref_slice %arg10[%rem3A_291] : memref<4x!tpu.dma_semaphore, #tpu.memory_space<semaphore_mem>> -> memref<1x!tpu.dma_semaphore, #tpu.memory_space<semaphore_mem>>
      %dma_wait3A_309 = tpu.memref_squeeze %dma_wait3A_308 : memref<1x!tpu.dma_semaphore, #tpu.memory_space<semaphore_mem>> -> memref<!tpu.dma_semaphore, #tpu.memory_space<semaphore_mem>>
      %dma_wait3A_310 = arith.constant 0 : i32
      %dma_wait3A_311 = arith.constant 0 : i32
      %dma_wait3A_312 = tpu.memref_slice %arg6[%dma_wait3A_299, %rem3A_291, %dma_wait3A_310, %dma_wait3A_311] : memref<2x4x32x128xf32, #tpu.memory_space<vmem>> -> memref<1x1x32x128xf32, #tpu.memory_space<vmem>>
      %dma_wait3A_313 = tpu.memref_squeeze %dma_wait3A_312 : memref<1x1x32x128xf32, #tpu.memory_space<vmem>> -> memref<32x128xf32, #tpu.memory_space<vmem>>
      %dma_wait3A_314 = arith.constant 0 : i32
      %dma_wait3A_315 = arith.constant 0 : i32
      %dma_wait3A_316 = tpu.memref_slice %arg3[%select_n3A, %select_n3A_40, %scan3A_289, %dma_wait3A_314, %dma_wait3A_315] : memref<4x16x16x32x128xf32, #tpu.memory_space<hbm>> -> memref<1x1x1x32x128xf32, #tpu.memory_space<hbm>>
      %dma_wait3A_317 = tpu.memref_squeeze %dma_wait3A_316 : memref<1x1x1x32x128xf32, #tpu.memory_space<hbm>> -> memref<32x128xf32, #tpu.memory_space<hbm>>
      tpu.wait_dma2 semaphore(%dma_wait3A_309 : memref<!tpu.dma_semaphore, #tpu.memory_space<semaphore_mem>>) src(%dma_wait3A_317 : memref<32x128xf32, #tpu.memory_space<hbm>>) dst(%dma_wait3A_313 : memref<32x128xf32, #tpu.memory_space<vmem>>)
      %dma_wait3A_318 = arith.constant 1 : i32
      %dma_wait3A_319 = arith.constant 0 : i32
      %dma_wait3A_320 = arith.constant 0 : i32
      %dma_wait3A_321 = tpu.memref_slice %arg6[%dma_wait3A_318, %rem3A_291, %dma_wait3A_319, %dma_wait3A_320] : memref<2x4x32x128xf32, #tpu.memory_space<vmem>> -> memref<1x1x32x128xf32, #tpu.memory_space<vmem>>
      %dma_wait3A_322 = tpu.memref_squeeze %dma_wait3A_321 : memref<1x1x32x128xf32, #tpu.memory_space<vmem>> -> memref<32x128xf32, #tpu.memory_space<vmem>>
      %dma_wait3A_323 = arith.constant 0 : i32
      %dma_wait3A_324 = arith.constant 0 : i32
      %dma_wait3A_325 = tpu.memref_slice %arg3[%select_n3A, %add3A_298, %scan3A_289, %dma_wait3A_323, %dma_wait3A_324] : memref<4x16x16x32x128xf32, #tpu.memory_space<hbm>> -> memref<1x1x1x32x128xf32, #tpu.memory_space<hbm>>
      %dma_wait3A_326 = tpu.memref_squeeze %dma_wait3A_325 : memref<1x1x1x32x128xf32, #tpu.memory_space<hbm>> -> memref<32x128xf32, #tpu.memory_space<hbm>>
      %dma_wait3A_327 = tpu.memref_slice %arg11[%rem3A_291] : memref<4x!tpu.dma_semaphore, #tpu.memory_space<semaphore_mem>> -> memref<1x!tpu.dma_semaphore, #tpu.memory_space<semaphore_mem>>
      %dma_wait3A_328 = tpu.memref_squeeze %dma_wait3A_327 : memref<1x!tpu.dma_semaphore, #tpu.memory_space<semaphore_mem>> -> memref<!tpu.dma_semaphore, #tpu.memory_space<semaphore_mem>>
      %dma_wait3A_329 = arith.constant 0 : i32
      %dma_wait3A_330 = arith.constant 0 : i32
      %dma_wait3A_331 = tpu.memref_slice %arg6[%dma_wait3A_318, %rem3A_291, %dma_wait3A_329, %dma_wait3A_330] : memref<2x4x32x128xf32, #tpu.memory_space<vmem>> -> memref<1x1x32x128xf32, #tpu.memory_space<vmem>>
      %dma_wait3A_332 = tpu.memref_squeeze %dma_wait3A_331 : memref<1x1x32x128xf32, #tpu.memory_space<vmem>> -> memref<32x128xf32, #tpu.memory_space<vmem>>
      %dma_wait3A_333 = arith.constant 0 : i32
      %dma_wait3A_334 = arith.constant 0 : i32
      %dma_wait3A_335 = tpu.memref_slice %arg3[%select_n3A, %add3A_298, %scan3A_289, %dma_wait3A_333, %dma_wait3A_334] : memref<4x16x16x32x128xf32, #tpu.memory_space<hbm>> -> memref<1x1x1x32x128xf32, #tpu.memory_space<hbm>>
      %dma_wait3A_336 = tpu.memref_squeeze %dma_wait3A_335 : memref<1x1x1x32x128xf32, #tpu.memory_space<hbm>> -> memref<32x128xf32, #tpu.memory_space<hbm>>
      tpu.wait_dma2 semaphore(%dma_wait3A_328 : memref<!tpu.dma_semaphore, #tpu.memory_space<semaphore_mem>>) src(%dma_wait3A_336 : memref<32x128xf32, #tpu.memory_space<hbm>>) dst(%dma_wait3A_332 : memref<32x128xf32, #tpu.memory_space<vmem>>)
      %parallel_loop3A_337 = arith.constant 0 : i32
      %parallel_loop3A_338 = arith.constant 32 : i32
      %parallel_loop3A_339 = arith.constant 1 : i32
      scf.for %parallel_loop3A_340 = %parallel_loop3A_337 to %parallel_loop3A_338 step %parallel_loop3A_339  : i32 {
        %parallel_loop3A_341 = arith.constant 8 : i32
        %parallel_loop3A_342 = arith.divsi %scan3A_289, %parallel_loop3A_341 : i32
        %parallel_loop3A_343 = arith.constant 257 : i32
        %parallel_loop3A_344 = arith.muli %parallel_loop3A_343, %parallel_loop3A_342 : i32
        %parallel_loop3A_345 = arith.constant 8 : i32
        %parallel_loop3A_346 = arith.muli %parallel_loop3A_345, %parallel_loop3A_340 : i32
        %parallel_loop3A_347 = arith.addi %parallel_loop3A_344, %parallel_loop3A_346 : i32
        %parallel_loop3A_348 = arith.constant 8 : i32
        %parallel_loop3A_349 = arith.remsi %scan3A_289, %parallel_loop3A_348 : i32
        %parallel_loop3A_350 = arith.addi %parallel_loop3A_347, %parallel_loop3A_349 : i32
        %parallel_loop3A_351 = arith.constant 1280 : index
        %parallel_loop3A_352 = tpu.vector_load %arg9[%parallel_loop3A_351] {strides = array<i32>} : memref<1472xi32, #tpu.memory_space<vmem>>, vector<16xi32>,
        %parallel_loop3A_353 = vector.broadcast %parallel_loop3A_350 : i32 to vector<16xi32>
        %parallel_loop3A_354 = arith.addi %parallel_loop3A_352, %parallel_loop3A_353 : vector<16xi32>
        %parallel_loop3A_355 = arith.constant 0 : i32
        %parallel_loop3A_356 = arith.index_cast %parallel_loop3A_355 : i32 to index
        %parallel_loop3A_357 = arith.index_cast %rem3A_291 : i32 to index
        %parallel_loop3A_358 = arith.index_cast %parallel_loop3A_340 : i32 to index
        %parallel_loop3A_359 = arith.constant 0 : index
        %parallel_loop3A_360 = tpu.vector_load %arg6[%parallel_loop3A_356, %parallel_loop3A_357, %parallel_loop3A_358, %parallel_loop3A_359] {strides = array<i32>} : memref<2x4x32x128xf32, #tpu.memory_space<vmem>>, vector<16xf32>,
        tpu.vector_store_idx %arg7[%parallel_loop3A_354], %parallel_loop3A_360 {add = true} : memref<57600xf32, #tpu.memory_space<vmem>>[vector<16xi32>], vector<16xf32>,
        %parallel_loop3A_361 = arith.constant 1312 : index
        %parallel_loop3A_362 = tpu.vector_load %arg9[%parallel_loop3A_361] {strides = array<i32>} : memref<1472xi32, #tpu.memory_space<vmem>>, vector<16xi32>,
        %parallel_loop3A_363 = vector.broadcast %parallel_loop3A_350 : i32 to vector<16xi32>
        %parallel_loop3A_364 = arith.addi %parallel_loop3A_362, %parallel_loop3A_363 : vector<16xi32>
        %parallel_loop3A_365 = arith.constant 0 : i32
        %parallel_loop3A_366 = arith.index_cast %parallel_loop3A_365 : i32 to index
        %parallel_loop3A_367 = arith.index_cast %rem3A_291 : i32 to index
        %parallel_loop3A_368 = arith.index_cast %parallel_loop3A_340 : i32 to index
        %parallel_loop3A_369 = arith.constant 16 : index
        %parallel_loop3A_370 = tpu.vector_load %arg6[%parallel_loop3A_366, %parallel_loop3A_367, %parallel_loop3A_368, %parallel_loop3A_369] {strides = array<i32>} : memref<2x4x32x128xf32, #tpu.memory_space<vmem>>, vector<16xf32>,
        tpu.vector_store_idx %arg7[%parallel_loop3A_364], %parallel_loop3A_370 {add = true} : memref<57600xf32, #tpu.memory_space<vmem>>[vector<16xi32>], vector<16xf32>,
        %parallel_loop3A_371 = arith.constant 1344 : index
        %parallel_loop3A_372 = tpu.vector_load %arg9[%parallel_loop3A_371] {strides = array<i32>} : memref<1472xi32, #tpu.memory_space<vmem>>, vector<16xi32>,
        %parallel_loop3A_373 = vector.broadcast %parallel_loop3A_350 : i32 to vector<16xi32>
        %parallel_loop3A_374 = arith.addi %parallel_loop3A_372, %parallel_loop3A_373 : vector<16xi32>
        %parallel_loop3A_375 = arith.constant 0 : i32
        %parallel_loop3A_376 = arith.index_cast %parallel_loop3A_375 : i32 to index
        %parallel_loop3A_377 = arith.index_cast %rem3A_291 : i32 to index
        %parallel_loop3A_378 = arith.index_cast %parallel_loop3A_340 : i32 to index
        %parallel_loop3A_379 = arith.constant 32 : index
        %parallel_loop3A_380 = tpu.vector_load %arg6[%parallel_loop3A_376, %parallel_loop3A_377, %parallel_loop3A_378, %parallel_loop3A_379] {strides = array<i32>} : memref<2x4x32x128xf32, #tpu.memory_space<vmem>>, vector<16xf32>,
        tpu.vector_store_idx %arg7[%parallel_loop3A_374], %parallel_loop3A_380 {add = true} : memref<57600xf32, #tpu.memory_space<vmem>>[vector<16xi32>], vector<16xf32>,
        %parallel_loop3A_381 = arith.constant 1376 : index
        %parallel_loop3A_382 = tpu.vector_load %arg9[%parallel_loop3A_381] {strides = array<i32>} : memref<1472xi32, #tpu.memory_space<vmem>>, vector<16xi32>,
        %parallel_loop3A_383 = vector.broadcast %parallel_loop3A_350 : i32 to vector<16xi32>
        %parallel_loop3A_384 = arith.addi %parallel_loop3A_382, %parallel_loop3A_383 : vector<16xi32>
        %parallel_loop3A_385 = arith.constant 0 : i32
        %parallel_loop3A_386 = arith.index_cast %parallel_loop3A_385 : i32 to index
        %parallel_loop3A_387 = arith.index_cast %rem3A_291 : i32 to index
        %parallel_loop3A_388 = arith.index_cast %parallel_loop3A_340 : i32 to index
        %parallel_loop3A_389 = arith.constant 48 : index
        %parallel_loop3A_390 = tpu.vector_load %arg6[%parallel_loop3A_386, %parallel_loop3A_387, %parallel_loop3A_388, %parallel_loop3A_389] {strides = array<i32>} : memref<2x4x32x128xf32, #tpu.memory_space<vmem>>, vector<16xf32>,
        tpu.vector_store_idx %arg7[%parallel_loop3A_384], %parallel_loop3A_390 {add = true} : memref<57600xf32, #tpu.memory_space<vmem>>[vector<16xi32>], vector<16xf32>,
        %parallel_loop3A_391 = arith.constant 1408 : index
        %parallel_loop3A_392 = tpu.vector_load %arg9[%parallel_loop3A_391] {strides = array<i32>} : memref<1472xi32, #tpu.memory_space<vmem>>, vector<16xi32>,
        %parallel_loop3A_393 = vector.broadcast %parallel_loop3A_350 : i32 to vector<16xi32>
        %parallel_loop3A_394 = arith.addi %parallel_loop3A_392, %parallel_loop3A_393 : vector<16xi32>
        %parallel_loop3A_395 = arith.constant 0 : i32
        %parallel_loop3A_396 = arith.index_cast %parallel_loop3A_395 : i32 to index
        %parallel_loop3A_397 = arith.index_cast %rem3A_291 : i32 to index
        %parallel_loop3A_398 = arith.index_cast %parallel_loop3A_340 : i32 to index
        %parallel_loop3A_399 = arith.constant 64 : index
        %parallel_loop3A_400 = tpu.vector_load %arg6[%parallel_loop3A_396, %parallel_loop3A_397, %parallel_loop3A_398, %parallel_loop3A_399] {strides = array<i32>} : memref<2x4x32x128xf32, #tpu.memory_space<vmem>>, vector<16xf32>,
        tpu.vector_store_idx %arg7[%parallel_loop3A_394], %parallel_loop3A_400 {add = true} : memref<57600xf32, #tpu.memory_space<vmem>>[vector<16xi32>], vector<16xf32>,
        %parallel_loop3A_401 = arith.constant 1440 : index
        %parallel_loop3A_402 = tpu.vector_load %arg9[%parallel_loop3A_401] {strides = array<i32>} : memref<1472xi32, #tpu.memory_space<vmem>>, vector<16xi32>,
        %parallel_loop3A_403 = vector.broadcast %parallel_loop3A_350 : i32 to vector<16xi32>
        %parallel_loop3A_404 = arith.addi %parallel_loop3A_402, %parallel_loop3A_403 : vector<16xi32>
        %parallel_loop3A_405 = arith.constant 0 : i32
        %parallel_loop3A_406 = arith.index_cast %parallel_loop3A_405 : i32 to index
        %parallel_loop3A_407 = arith.index_cast %rem3A_291 : i32 to index
        %parallel_loop3A_408 = arith.index_cast %parallel_loop3A_340 : i32 to index
        %parallel_loop3A_409 = arith.constant 73 : index
        %parallel_loop3A_410 = tpu.vector_load %arg6[%parallel_loop3A_406, %parallel_loop3A_407, %parallel_loop3A_408, %parallel_loop3A_409] {strides = array<i32>} : memref<2x4x32x128xf32, #tpu.memory_space<vmem>>, vector<16xf32>,
        %parallel_loop3A_411 = arith.constant 7 : i32
        %parallel_loop3A_412 = vector.broadcast %parallel_loop3A_411 : i32 to vector<16xi32>
        %parallel_loop3A_413 = arith.cmpi sge, %iota3A, %parallel_loop3A_412 : vector<16xi32>
        tpu.vector_store_idx %arg7[%parallel_loop3A_404], %parallel_loop3A_410 masked %parallel_loop3A_413 {add = true} : memref<57600xf32, #tpu.memory_space<vmem>>[vector<16xi32>], vector<16xf32>, vector<16xi1>
        %parallel_loop3A_414 = arith.constant 1296 : index
        %parallel_loop3A_415 = tpu.vector_load %arg9[%parallel_loop3A_414] {strides = array<i32>} : memref<1472xi32, #tpu.memory_space<vmem>>, vector<16xi32>,
        %parallel_loop3A_416 = vector.broadcast %parallel_loop3A_350 : i32 to vector<16xi32>
        %parallel_loop3A_417 = arith.addi %parallel_loop3A_415, %parallel_loop3A_416 : vector<16xi32>
        %parallel_loop3A_418 = arith.constant 1 : i32
        %parallel_loop3A_419 = arith.index_cast %parallel_loop3A_418 : i32 to index
        %parallel_loop3A_420 = arith.index_cast %rem3A_291 : i32 to index
        %parallel_loop3A_421 = arith.index_cast %parallel_loop3A_340 : i32 to index
        %parallel_loop3A_422 = arith.constant 0 : index
        %parallel_loop3A_423 = tpu.vector_load %arg6[%parallel_loop3A_419, %parallel_loop3A_420, %parallel_loop3A_421, %parallel_loop3A_422] {strides = array<i32>} : memref<2x4x32x128xf32, #tpu.memory_space<vmem>>, vector<16xf32>,
        tpu.vector_store_idx %arg7[%parallel_loop3A_417], %parallel_loop3A_423 {add = true} : memref<57600xf32, #tpu.memory_space<vmem>>[vector<16xi32>], vector<16xf32>,
        %parallel_loop3A_424 = arith.constant 1328 : index
        %parallel_loop3A_425 = tpu.vector_load %arg9[%parallel_loop3A_424] {strides = array<i32>} : memref<1472xi32, #tpu.memory_space<vmem>>, vector<16xi32>,
        %parallel_loop3A_426 = vector.broadcast %parallel_loop3A_350 : i32 to vector<16xi32>
        %parallel_loop3A_427 = arith.addi %parallel_loop3A_425, %parallel_loop3A_426 : vector<16xi32>
        %parallel_loop3A_428 = arith.constant 1 : i32
        %parallel_loop3A_429 = arith.index_cast %parallel_loop3A_428 : i32 to index
        %parallel_loop3A_430 = arith.index_cast %rem3A_291 : i32 to index
        %parallel_loop3A_431 = arith.index_cast %parallel_loop3A_340 : i32 to index
        %parallel_loop3A_432 = arith.constant 16 : index
        %parallel_loop3A_433 = tpu.vector_load %arg6[%parallel_loop3A_429, %parallel_loop3A_430, %parallel_loop3A_431, %parallel_loop3A_432] {strides = array<i32>} : memref<2x4x32x128xf32, #tpu.memory_space<vmem>>, vector<16xf32>,
        tpu.vector_store_idx %arg7[%parallel_loop3A_427], %parallel_loop3A_433 {add = true} : memref<57600xf32, #tpu.memory_space<vmem>>[vector<16xi32>], vector<16xf32>,
        %parallel_loop3A_434 = arith.constant 1360 : index
        %parallel_loop3A_435 = tpu.vector_load %arg9[%parallel_loop3A_434] {strides = array<i32>} : memref<1472xi32, #tpu.memory_space<vmem>>, vector<16xi32>,
        %parallel_loop3A_436 = vector.broadcast %parallel_loop3A_350 : i32 to vector<16xi32>
        %parallel_loop3A_437 = arith.addi %parallel_loop3A_435, %parallel_loop3A_436 : vector<16xi32>
        %parallel_loop3A_438 = arith.constant 1 : i32
        %parallel_loop3A_439 = arith.index_cast %parallel_loop3A_438 : i32 to index
        %parallel_loop3A_440 = arith.index_cast %rem3A_291 : i32 to index
        %parallel_loop3A_441 = arith.index_cast %parallel_loop3A_340 : i32 to index
        %parallel_loop3A_442 = arith.constant 32 : index
        %parallel_loop3A_443 = tpu.vector_load %arg6[%parallel_loop3A_439, %parallel_loop3A_440, %parallel_loop3A_441, %parallel_loop3A_442] {strides = array<i32>} : memref<2x4x32x128xf32, #tpu.memory_space<vmem>>, vector<16xf32>,
        tpu.vector_store_idx %arg7[%parallel_loop3A_437], %parallel_loop3A_443 {add = true} : memref<57600xf32, #tpu.memory_space<vmem>>[vector<16xi32>], vector<16xf32>,
        %parallel_loop3A_444 = arith.constant 1392 : index
        %parallel_loop3A_445 = tpu.vector_load %arg9[%parallel_loop3A_444] {strides = array<i32>} : memref<1472xi32, #tpu.memory_space<vmem>>, vector<16xi32>,
        %parallel_loop3A_446 = vector.broadcast %parallel_loop3A_350 : i32 to vector<16xi32>
        %parallel_loop3A_447 = arith.addi %parallel_loop3A_445, %parallel_loop3A_446 : vector<16xi32>
        %parallel_loop3A_448 = arith.constant 1 : i32
        %parallel_loop3A_449 = arith.index_cast %parallel_loop3A_448 : i32 to index
        %parallel_loop3A_450 = arith.index_cast %rem3A_291 : i32 to index
        %parallel_loop3A_451 = arith.index_cast %parallel_loop3A_340 : i32 to index
        %parallel_loop3A_452 = arith.constant 48 : index
        %parallel_loop3A_453 = tpu.vector_load %arg6[%parallel_loop3A_449, %parallel_loop3A_450, %parallel_loop3A_451, %parallel_loop3A_452] {strides = array<i32>} : memref<2x4x32x128xf32, #tpu.memory_space<vmem>>, vector<16xf32>,
        tpu.vector_store_idx %arg7[%parallel_loop3A_447], %parallel_loop3A_453 {add = true} : memref<57600xf32, #tpu.memory_space<vmem>>[vector<16xi32>], vector<16xf32>,
        %parallel_loop3A_454 = arith.constant 1424 : index
        %parallel_loop3A_455 = tpu.vector_load %arg9[%parallel_loop3A_454] {strides = array<i32>} : memref<1472xi32, #tpu.memory_space<vmem>>, vector<16xi32>,
        %parallel_loop3A_456 = vector.broadcast %parallel_loop3A_350 : i32 to vector<16xi32>
        %parallel_loop3A_457 = arith.addi %parallel_loop3A_455, %parallel_loop3A_456 : vector<16xi32>
        %parallel_loop3A_458 = arith.constant 1 : i32
        %parallel_loop3A_459 = arith.index_cast %parallel_loop3A_458 : i32 to index
        %parallel_loop3A_460 = arith.index_cast %rem3A_291 : i32 to index
        %parallel_loop3A_461 = arith.index_cast %parallel_loop3A_340 : i32 to index
        %parallel_loop3A_462 = arith.constant 64 : index
        %parallel_loop3A_463 = tpu.vector_load %arg6[%parallel_loop3A_459, %parallel_loop3A_460, %parallel_loop3A_461, %parallel_loop3A_462] {strides = array<i32>} : memref<2x4x32x128xf32, #tpu.memory_space<vmem>>, vector<16xf32>,
        tpu.vector_store_idx %arg7[%parallel_loop3A_457], %parallel_loop3A_463 {add = true} : memref<57600xf32, #tpu.memory_space<vmem>>[vector<16xi32>], vector<16xf32>,
        %parallel_loop3A_464 = arith.constant 1456 : index
        %parallel_loop3A_465 = tpu.vector_load %arg9[%parallel_loop3A_464] {strides = array<i32>} : memref<1472xi32, #tpu.memory_space<vmem>>, vector<16xi32>,
        %parallel_loop3A_466 = vector.broadcast %parallel_loop3A_350 : i32 to vector<16xi32>
        %parallel_loop3A_467 = arith.addi %parallel_loop3A_465, %parallel_loop3A_466 : vector<16xi32>
        %parallel_loop3A_468 = arith.constant 1 : i32
        %parallel_loop3A_469 = arith.index_cast %parallel_loop3A_468 : i32 to index
        %parallel_loop3A_470 = arith.index_cast %rem3A_291 : i32 to index
        %parallel_loop3A_471 = arith.index_cast %parallel_loop3A_340 : i32 to index
        %parallel_loop3A_472 = arith.constant 73 : index
        %parallel_loop3A_473 = tpu.vector_load %arg6[%parallel_loop3A_469, %parallel_loop3A_470, %parallel_loop3A_471, %parallel_loop3A_472] {strides = array<i32>} : memref<2x4x32x128xf32, #tpu.memory_space<vmem>>, vector<16xf32>,
        %parallel_loop3A_474 = arith.constant 7 : i32
        %parallel_loop3A_475 = vector.broadcast %parallel_loop3A_474 : i32 to vector<16xi32>
        %parallel_loop3A_476 = arith.cmpi sge, %iota3A, %parallel_loop3A_475 : vector<16xi32>
        tpu.vector_store_idx %arg7[%parallel_loop3A_467], %parallel_loop3A_473 masked %parallel_loop3A_476 {add = true} : memref<57600xf32, #tpu.memory_space<vmem>>[vector<16xi32>], vector<16xf32>, vector<16xi1>
      } {sc.loop_unroll_factor = 2 : i64, sc.parallel_access}
    }
    %scan3A_241 = arith.constant 16 : i32
    %scan3A_242 = arith.constant 0 : i32
    %scan3A_243 = arith.constant 23 : i32
    %scan3A_244 = arith.constant 5 : i32
    %scan3A_245 = arith.addi %scan3A_243, %scan3A_244 : i32
    %scan3A_246 = arith.constant 1 : i32
    scf.for %scan3A_289 = %scan3A_243 to %scan3A_245 step %scan3A_246  : i32 {
      %rem3A_290 = arith.constant 2 : i32
      %rem3A_291 = arith.remsi %scan3A_289, %rem3A_290 : i32
      %rem3A_292 = arith.constant 8 : i32
      %rem3A_293 = arith.remsi %scan3A_289, %rem3A_292 : i32
      %mul3A_294 = arith.constant 8 : i32
      %mul3A_295 = arith.muli %mul3A_294, %scan3A_289 : i32
      %add3A_296 = arith.addi %mul3A_295, %select_n3A_40 : i32
      %ge3A = arith.constant 1 : i32
      %ge3A_297 = arith.cmpi sge, %scan3A_289, %ge3A : i32
      %le3A = arith.constant 26 : i32
      %le3A_298 = arith.cmpi sle, %scan3A_289, %le3A : i32
      %and3A_299 = arith.andi %ge3A_297, %le3A_298 : i1
      %jit3A_300 = arith.constant 5.000000e-01 : f32
      %jit3A_301 = arith.constant 1.000000e+00 : f32
      %select_n3A_302 = arith.select %and3A_299, %jit3A_300, %jit3A_301 : f32
      %mul3A_303 = arith.constant 5.000000e-01 : f32
      %mul3A_304 = arith.mulf %select_n3A_302, %mul3A_303 : f32
      %broadcast_in_dim3A = vector.broadcast %mul3A_304 : f32 to vector<16xf32>
      %lt3A_305 = arith.constant 8 : i32
      %lt3A_306 = vector.broadcast %lt3A_305 : i32 to vector<16xi32>
      %lt3A_307 = arith.cmpi slt, %iota3A, %lt3A_306 : vector<16xi32>
      %mul3A_308 = arith.constant 5.000000e-01 : f32
      %mul3A_309 = arith.mulf %select_n3A_302, %mul3A_308 : f32
      %broadcast_in_dim3A_310 = vector.broadcast %select_n3A_302 : f32 to vector<16xf32>
      %broadcast_in_dim3A_311 = vector.broadcast %mul3A_309 : f32 to vector<16xf32>
      %select_n3A_312 = arith.select %lt3A_307, %broadcast_in_dim3A_310, %broadcast_in_dim3A_311 : vector<16xi1>, vector<16xf32>
      %lt3A_313 = arith.constant 8 : i32
      %lt3A_314 = vector.broadcast %lt3A_313 : i32 to vector<16xi32>
      %lt3A_315 = arith.cmpi slt, %iota3A, %lt3A_314 : vector<16xi32>
      %mul3A_316 = arith.constant 5.000000e-01 : f32
      %mul3A_317 = arith.mulf %select_n3A_302, %mul3A_316 : f32
      %broadcast_in_dim3A_318 = vector.broadcast %mul3A_317 : f32 to vector<16xf32>
      %broadcast_in_dim3A_319 = vector.broadcast %select_n3A_302 : f32 to vector<16xf32>
      %select_n3A_320 = arith.select %lt3A_315, %broadcast_in_dim3A_318, %broadcast_in_dim3A_319 : vector<16xi1>, vector<16xf32>
      %ge3A_321 = arith.constant 2 : i32
      %ge3A_322 = arith.cmpi sge, %scan3A_289, %ge3A_321 : i32
      %convert_element_type3A = arith.extui %ge3A_322 : i1 to i32
      %cond3A = arith.constant 0 : i32
      %cond3A_323 = arith.cmpi ne, %convert_element_type3A, %cond3A : i32
      scf.if %cond3A_323 {
        %dma_wait3A_348 = arith.constant 0 : i32
        %dma_wait3A_349 = arith.constant 0 : i32
        %dma_wait3A_350 = arith.constant 0 : i32
        %dma_wait3A_351 = tpu.memref_slice %arg8[%rem3A_291, %dma_wait3A_349, %dma_wait3A_350] : memref<2x32x224xf32, #tpu.memory_space<vmem>> -> memref<1x32x224xf32, #tpu.memory_space<vmem>>
        %dma_wait3A_352 = tpu.memref_squeeze %dma_wait3A_351 : memref<1x32x224xf32, #tpu.memory_space<vmem>> -> memref<32x224xf32, #tpu.memory_space<vmem>>
        %dma_wait3A_353 = arith.constant 0 : i32
        %dma_wait3A_354 = arith.constant 0 : i32
        %dma_wait3A_355 = tpu.memref_slice %arg5[%select_n3A, %dma_wait3A_348, %dma_wait3A_353, %dma_wait3A_354] : memref<4x224x32x224xf32, #tpu.memory_space<hbm>> -> memref<1x1x32x224xf32, #tpu.memory_space<hbm>>
        %dma_wait3A_356 = tpu.memref_squeeze %dma_wait3A_355 : memref<1x1x32x224xf32, #tpu.memory_space<hbm>> -> memref<32x224xf32, #tpu.memory_space<hbm>>
        %dma_wait3A_357 = tpu.memref_slice %arg12[%rem3A_291] : memref<2x!tpu.dma_semaphore, #tpu.memory_space<semaphore_mem>> -> memref<1x!tpu.dma_semaphore, #tpu.memory_space<semaphore_mem>>
        %dma_wait3A_358 = tpu.memref_squeeze %dma_wait3A_357 : memref<1x!tpu.dma_semaphore, #tpu.memory_space<semaphore_mem>> -> memref<!tpu.dma_semaphore, #tpu.memory_space<semaphore_mem>>
        %dma_wait3A_359 = arith.constant 0 : i32
        %dma_wait3A_360 = arith.constant 0 : i32
        %dma_wait3A_361 = tpu.memref_slice %arg5[%select_n3A, %dma_wait3A_348, %dma_wait3A_359, %dma_wait3A_360] : memref<4x224x32x224xf32, #tpu.memory_space<hbm>> -> memref<1x1x32x224xf32, #tpu.memory_space<hbm>>
        %dma_wait3A_362 = tpu.memref_squeeze %dma_wait3A_361 : memref<1x1x32x224xf32, #tpu.memory_space<hbm>> -> memref<32x224xf32, #tpu.memory_space<hbm>>
        %dma_wait3A_363 = arith.constant 0 : i32
        %dma_wait3A_364 = arith.constant 0 : i32
        %dma_wait3A_365 = tpu.memref_slice %arg8[%rem3A_291, %dma_wait3A_363, %dma_wait3A_364] : memref<2x32x224xf32, #tpu.memory_space<vmem>> -> memref<1x32x224xf32, #tpu.memory_space<vmem>>
        %dma_wait3A_366 = tpu.memref_squeeze %dma_wait3A_365 : memref<1x32x224xf32, #tpu.memory_space<vmem>> -> memref<32x224xf32, #tpu.memory_space<vmem>>
        tpu.wait_dma2 semaphore(%dma_wait3A_358 : memref<!tpu.dma_semaphore, #tpu.memory_space<semaphore_mem>>) src(%dma_wait3A_366 : memref<32x224xf32, #tpu.memory_space<vmem>>) dst(%dma_wait3A_362 : memref<32x224xf32, #tpu.memory_space<hbm>>)
      } else {
      }
      %parallel_loop3A_324 = arith.constant 0 : i32
      %parallel_loop3A_325 = arith.constant 32 : i32
      %parallel_loop3A_326 = arith.constant 1 : i32
      scf.for %parallel_loop3A_348 = %parallel_loop3A_324 to %parallel_loop3A_325 step %parallel_loop3A_326  : i32 {
        %parallel_loop3A_349 = arith.constant 7200 : i32
        %parallel_loop3A_350 = arith.muli %rem3A_293, %parallel_loop3A_349 : i32
        %parallel_loop3A_351 = arith.constant 8 : i32
        %parallel_loop3A_352 = arith.muli %parallel_loop3A_351, %parallel_loop3A_348 : i32
        %parallel_loop3A_353 = arith.addi %parallel_loop3A_350, %parallel_loop3A_352 : i32
        %parallel_loop3A_354 = arith.constant 0 : i32
        %parallel_loop3A_355 = arith.addi %parallel_loop3A_353, %parallel_loop3A_354 : i32
        %parallel_loop3A_356 = vector.broadcast %parallel_loop3A_355 : i32 to vector<16xi32>
        %parallel_loop3A_357 = arith.addi %add3A, %parallel_loop3A_356 : vector<16xi32>
        %parallel_loop3A_358 = tpu.vector_load_idx %arg7[%parallel_loop3A_357] : memref<57600xf32, #tpu.memory_space<vmem>>[vector<16xi32>], vector<16xf32>,
        %parallel_loop3A_359 = arith.mulf %parallel_loop3A_358, %select_n3A_312 : vector<16xf32>
        %parallel_loop3A_360 = arith.index_cast %rem3A_291 : i32 to index
        %parallel_loop3A_361 = arith.index_cast %parallel_loop3A_348 : i32 to index
        %parallel_loop3A_362 = arith.constant 0 : index
        %parallel_loop3A_363 = tpu.vector_load %arg8[%parallel_loop3A_360, %parallel_loop3A_361, %parallel_loop3A_362] {strides = array<i32>} : memref<2x32x224xf32, #tpu.memory_space<vmem>>, vector<16xf32>,
        tpu.vector_store %arg8[%parallel_loop3A_360, %parallel_loop3A_361, %parallel_loop3A_362], %parallel_loop3A_359 {strides = array<i32>} : memref<2x32x224xf32, #tpu.memory_space<vmem>>, vector<16xf32>,
        %parallel_loop3A_364 = arith.constant 514 : i32
        %parallel_loop3A_365 = arith.addi %parallel_loop3A_353, %parallel_loop3A_364 : i32
        %parallel_loop3A_366 = vector.broadcast %parallel_loop3A_365 : i32 to vector<16xi32>
        %parallel_loop3A_367 = arith.addi %add3A, %parallel_loop3A_366 : vector<16xi32>
        %parallel_loop3A_368 = tpu.vector_load_idx %arg7[%parallel_loop3A_367] : memref<57600xf32, #tpu.memory_space<vmem>>[vector<16xi32>], vector<16xf32>,
        %parallel_loop3A_369 = arith.mulf %parallel_loop3A_368, %broadcast_in_dim3A : vector<16xf32>
        %parallel_loop3A_370 = arith.index_cast %rem3A_291 : i32 to index
        %parallel_loop3A_371 = arith.index_cast %parallel_loop3A_348 : i32 to index
        %parallel_loop3A_372 = arith.constant 16 : index
        %parallel_loop3A_373 = tpu.vector_load %arg8[%parallel_loop3A_370, %parallel_loop3A_371, %parallel_loop3A_372] {strides = array<i32>} : memref<2x32x224xf32, #tpu.memory_space<vmem>>, vector<16xf32>,
        tpu.vector_store %arg8[%parallel_loop3A_370, %parallel_loop3A_371, %parallel_loop3A_372], %parallel_loop3A_369 {strides = array<i32>} : memref<2x32x224xf32, #tpu.memory_space<vmem>>, vector<16xf32>,
        %parallel_loop3A_374 = arith.constant 1028 : i32
        %parallel_loop3A_375 = arith.addi %parallel_loop3A_353, %parallel_loop3A_374 : i32
        %parallel_loop3A_376 = vector.broadcast %parallel_loop3A_375 : i32 to vector<16xi32>
        %parallel_loop3A_377 = arith.addi %add3A, %parallel_loop3A_376 : vector<16xi32>
        %parallel_loop3A_378 = tpu.vector_load_idx %arg7[%parallel_loop3A_377] : memref<57600xf32, #tpu.memory_space<vmem>>[vector<16xi32>], vector<16xf32>,
        %parallel_loop3A_379 = arith.mulf %parallel_loop3A_378, %broadcast_in_dim3A : vector<16xf32>
        %parallel_loop3A_380 = arith.index_cast %rem3A_291 : i32 to index
        %parallel_loop3A_381 = arith.index_cast %parallel_loop3A_348 : i32 to index
        %parallel_loop3A_382 = arith.constant 32 : index
        %parallel_loop3A_383 = tpu.vector_load %arg8[%parallel_loop3A_380, %parallel_loop3A_381, %parallel_loop3A_382] {strides = array<i32>} : memref<2x32x224xf32, #tpu.memory_space<vmem>>, vector<16xf32>,
        tpu.vector_store %arg8[%parallel_loop3A_380, %parallel_loop3A_381, %parallel_loop3A_382], %parallel_loop3A_379 {strides = array<i32>} : memref<2x32x224xf32, #tpu.memory_space<vmem>>, vector<16xf32>,
        %parallel_loop3A_384 = arith.constant 1542 : i32
        %parallel_loop3A_385 = arith.addi %parallel_loop3A_353, %parallel_loop3A_384 : i32
        %parallel_loop3A_386 = vector.broadcast %parallel_loop3A_385 : i32 to vector<16xi32>
        %parallel_loop3A_387 = arith.addi %add3A, %parallel_loop3A_386 : vector<16xi32>
        %parallel_loop3A_388 = tpu.vector_load_idx %arg7[%parallel_loop3A_387] : memref<57600xf32, #tpu.memory_space<vmem>>[vector<16xi32>], vector<16xf32>,
        %parallel_loop3A_389 = arith.mulf %parallel_loop3A_388, %broadcast_in_dim3A : vector<16xf32>
        %parallel_loop3A_390 = arith.index_cast %rem3A_291 : i32 to index
        %parallel_loop3A_391 = arith.index_cast %parallel_loop3A_348 : i32 to index
        %parallel_loop3A_392 = arith.constant 48 : index
        %parallel_loop3A_393 = tpu.vector_load %arg8[%parallel_loop3A_390, %parallel_loop3A_391, %parallel_loop3A_392] {strides = array<i32>} : memref<2x32x224xf32, #tpu.memory_space<vmem>>, vector<16xf32>,
        tpu.vector_store %arg8[%parallel_loop3A_390, %parallel_loop3A_391, %parallel_loop3A_392], %parallel_loop3A_389 {strides = array<i32>} : memref<2x32x224xf32, #tpu.memory_space<vmem>>, vector<16xf32>,
        %parallel_loop3A_394 = arith.constant 2056 : i32
        %parallel_loop3A_395 = arith.addi %parallel_loop3A_353, %parallel_loop3A_394 : i32
        %parallel_loop3A_396 = vector.broadcast %parallel_loop3A_395 : i32 to vector<16xi32>
        %parallel_loop3A_397 = arith.addi %add3A, %parallel_loop3A_396 : vector<16xi32>
        %parallel_loop3A_398 = tpu.vector_load_idx %arg7[%parallel_loop3A_397] : memref<57600xf32, #tpu.memory_space<vmem>>[vector<16xi32>], vector<16xf32>,
        %parallel_loop3A_399 = arith.mulf %parallel_loop3A_398, %broadcast_in_dim3A : vector<16xf32>
        %parallel_loop3A_400 = arith.index_cast %rem3A_291 : i32 to index
        %parallel_loop3A_401 = arith.index_cast %parallel_loop3A_348 : i32 to index
        %parallel_loop3A_402 = arith.constant 64 : index
        %parallel_loop3A_403 = tpu.vector_load %arg8[%parallel_loop3A_400, %parallel_loop3A_401, %parallel_loop3A_402] {strides = array<i32>} : memref<2x32x224xf32, #tpu.memory_space<vmem>>, vector<16xf32>,
        tpu.vector_store %arg8[%parallel_loop3A_400, %parallel_loop3A_401, %parallel_loop3A_402], %parallel_loop3A_399 {strides = array<i32>} : memref<2x32x224xf32, #tpu.memory_space<vmem>>, vector<16xf32>,
        %parallel_loop3A_404 = arith.constant 2570 : i32
        %parallel_loop3A_405 = arith.addi %parallel_loop3A_353, %parallel_loop3A_404 : i32
        %parallel_loop3A_406 = vector.broadcast %parallel_loop3A_405 : i32 to vector<16xi32>
        %parallel_loop3A_407 = arith.addi %add3A, %parallel_loop3A_406 : vector<16xi32>
        %parallel_loop3A_408 = tpu.vector_load_idx %arg7[%parallel_loop3A_407] : memref<57600xf32, #tpu.memory_space<vmem>>[vector<16xi32>], vector<16xf32>,
        %parallel_loop3A_409 = arith.mulf %parallel_loop3A_408, %broadcast_in_dim3A : vector<16xf32>
        %parallel_loop3A_410 = arith.index_cast %rem3A_291 : i32 to index
        %parallel_loop3A_411 = arith.index_cast %parallel_loop3A_348 : i32 to index
        %parallel_loop3A_412 = arith.constant 80 : index
        %parallel_loop3A_413 = tpu.vector_load %arg8[%parallel_loop3A_410, %parallel_loop3A_411, %parallel_loop3A_412] {strides = array<i32>} : memref<2x32x224xf32, #tpu.memory_space<vmem>>, vector<16xf32>,
        tpu.vector_store %arg8[%parallel_loop3A_410, %parallel_loop3A_411, %parallel_loop3A_412], %parallel_loop3A_409 {strides = array<i32>} : memref<2x32x224xf32, #tpu.memory_space<vmem>>, vector<16xf32>,
        %parallel_loop3A_414 = arith.constant 3084 : i32
        %parallel_loop3A_415 = arith.addi %parallel_loop3A_353, %parallel_loop3A_414 : i32
        %parallel_loop3A_416 = vector.broadcast %parallel_loop3A_415 : i32 to vector<16xi32>
        %parallel_loop3A_417 = arith.addi %add3A, %parallel_loop3A_416 : vector<16xi32>
        %parallel_loop3A_418 = tpu.vector_load_idx %arg7[%parallel_loop3A_417] : memref<57600xf32, #tpu.memory_space<vmem>>[vector<16xi32>], vector<16xf32>,
        %parallel_loop3A_419 = arith.mulf %parallel_loop3A_418, %broadcast_in_dim3A : vector<16xf32>
        %parallel_loop3A_420 = arith.index_cast %rem3A_291 : i32 to index
        %parallel_loop3A_421 = arith.index_cast %parallel_loop3A_348 : i32 to index
        %parallel_loop3A_422 = arith.constant 96 : index
        %parallel_loop3A_423 = tpu.vector_load %arg8[%parallel_loop3A_420, %parallel_loop3A_421, %parallel_loop3A_422] {strides = array<i32>} : memref<2x32x224xf32, #tpu.memory_space<vmem>>, vector<16xf32>,
        tpu.vector_store %arg8[%parallel_loop3A_420, %parallel_loop3A_421, %parallel_loop3A_422], %parallel_loop3A_419 {strides = array<i32>} : memref<2x32x224xf32, #tpu.memory_space<vmem>>, vector<16xf32>,
        %parallel_loop3A_424 = arith.constant 3598 : i32
        %parallel_loop3A_425 = arith.addi %parallel_loop3A_353, %parallel_loop3A_424 : i32
        %parallel_loop3A_426 = vector.broadcast %parallel_loop3A_425 : i32 to vector<16xi32>
        %parallel_loop3A_427 = arith.addi %add3A, %parallel_loop3A_426 : vector<16xi32>
        %parallel_loop3A_428 = tpu.vector_load_idx %arg7[%parallel_loop3A_427] : memref<57600xf32, #tpu.memory_space<vmem>>[vector<16xi32>], vector<16xf32>,
        %parallel_loop3A_429 = arith.mulf %parallel_loop3A_428, %broadcast_in_dim3A : vector<16xf32>
        %parallel_loop3A_430 = arith.index_cast %rem3A_291 : i32 to index
        %parallel_loop3A_431 = arith.index_cast %parallel_loop3A_348 : i32 to index
        %parallel_loop3A_432 = arith.constant 112 : index
        %parallel_loop3A_433 = tpu.vector_load %arg8[%parallel_loop3A_430, %parallel_loop3A_431, %parallel_loop3A_432] {strides = array<i32>} : memref<2x32x224xf32, #tpu.memory_space<vmem>>, vector<16xf32>,
        tpu.vector_store %arg8[%parallel_loop3A_430, %parallel_loop3A_431, %parallel_loop3A_432], %parallel_loop3A_429 {strides = array<i32>} : memref<2x32x224xf32, #tpu.memory_space<vmem>>, vector<16xf32>,
        %parallel_loop3A_434 = arith.constant 4112 : i32
        %parallel_loop3A_435 = arith.addi %parallel_loop3A_353, %parallel_loop3A_434 : i32
        %parallel_loop3A_436 = vector.broadcast %parallel_loop3A_435 : i32 to vector<16xi32>
        %parallel_loop3A_437 = arith.addi %add3A, %parallel_loop3A_436 : vector<16xi32>
        %parallel_loop3A_438 = tpu.vector_load_idx %arg7[%parallel_loop3A_437] : memref<57600xf32, #tpu.memory_space<vmem>>[vector<16xi32>], vector<16xf32>,
        %parallel_loop3A_439 = arith.mulf %parallel_loop3A_438, %broadcast_in_dim3A : vector<16xf32>
        %parallel_loop3A_440 = arith.index_cast %rem3A_291 : i32 to index
        %parallel_loop3A_441 = arith.index_cast %parallel_loop3A_348 : i32 to index
        %parallel_loop3A_442 = arith.constant 128 : index
        %parallel_loop3A_443 = tpu.vector_load %arg8[%parallel_loop3A_440, %parallel_loop3A_441, %parallel_loop3A_442] {strides = array<i32>} : memref<2x32x224xf32, #tpu.memory_space<vmem>>, vector<16xf32>,
        tpu.vector_store %arg8[%parallel_loop3A_440, %parallel_loop3A_441, %parallel_loop3A_442], %parallel_loop3A_439 {strides = array<i32>} : memref<2x32x224xf32, #tpu.memory_space<vmem>>, vector<16xf32>,
        %parallel_loop3A_444 = arith.constant 4626 : i32
        %parallel_loop3A_445 = arith.addi %parallel_loop3A_353, %parallel_loop3A_444 : i32
        %parallel_loop3A_446 = vector.broadcast %parallel_loop3A_445 : i32 to vector<16xi32>
        %parallel_loop3A_447 = arith.addi %add3A, %parallel_loop3A_446 : vector<16xi32>
        %parallel_loop3A_448 = tpu.vector_load_idx %arg7[%parallel_loop3A_447] : memref<57600xf32, #tpu.memory_space<vmem>>[vector<16xi32>], vector<16xf32>,
        %parallel_loop3A_449 = arith.mulf %parallel_loop3A_448, %broadcast_in_dim3A : vector<16xf32>
        %parallel_loop3A_450 = arith.index_cast %rem3A_291 : i32 to index
        %parallel_loop3A_451 = arith.index_cast %parallel_loop3A_348 : i32 to index
        %parallel_loop3A_452 = arith.constant 144 : index
        %parallel_loop3A_453 = tpu.vector_load %arg8[%parallel_loop3A_450, %parallel_loop3A_451, %parallel_loop3A_452] {strides = array<i32>} : memref<2x32x224xf32, #tpu.memory_space<vmem>>, vector<16xf32>,
        tpu.vector_store %arg8[%parallel_loop3A_450, %parallel_loop3A_451, %parallel_loop3A_452], %parallel_loop3A_449 {strides = array<i32>} : memref<2x32x224xf32, #tpu.memory_space<vmem>>, vector<16xf32>,
        %parallel_loop3A_454 = arith.constant 5140 : i32
        %parallel_loop3A_455 = arith.addi %parallel_loop3A_353, %parallel_loop3A_454 : i32
        %parallel_loop3A_456 = vector.broadcast %parallel_loop3A_455 : i32 to vector<16xi32>
        %parallel_loop3A_457 = arith.addi %add3A, %parallel_loop3A_456 : vector<16xi32>
        %parallel_loop3A_458 = tpu.vector_load_idx %arg7[%parallel_loop3A_457] : memref<57600xf32, #tpu.memory_space<vmem>>[vector<16xi32>], vector<16xf32>,
        %parallel_loop3A_459 = arith.mulf %parallel_loop3A_458, %broadcast_in_dim3A : vector<16xf32>
        %parallel_loop3A_460 = arith.index_cast %rem3A_291 : i32 to index
        %parallel_loop3A_461 = arith.index_cast %parallel_loop3A_348 : i32 to index
        %parallel_loop3A_462 = arith.constant 160 : index
        %parallel_loop3A_463 = tpu.vector_load %arg8[%parallel_loop3A_460, %parallel_loop3A_461, %parallel_loop3A_462] {strides = array<i32>} : memref<2x32x224xf32, #tpu.memory_space<vmem>>, vector<16xf32>,
        tpu.vector_store %arg8[%parallel_loop3A_460, %parallel_loop3A_461, %parallel_loop3A_462], %parallel_loop3A_459 {strides = array<i32>} : memref<2x32x224xf32, #tpu.memory_space<vmem>>, vector<16xf32>,
        %parallel_loop3A_464 = arith.constant 5654 : i32
        %parallel_loop3A_465 = arith.addi %parallel_loop3A_353, %parallel_loop3A_464 : i32
        %parallel_loop3A_466 = vector.broadcast %parallel_loop3A_465 : i32 to vector<16xi32>
        %parallel_loop3A_467 = arith.addi %add3A, %parallel_loop3A_466 : vector<16xi32>
        %parallel_loop3A_468 = tpu.vector_load_idx %arg7[%parallel_loop3A_467] : memref<57600xf32, #tpu.memory_space<vmem>>[vector<16xi32>], vector<16xf32>,
        %parallel_loop3A_469 = arith.mulf %parallel_loop3A_468, %broadcast_in_dim3A : vector<16xf32>
        %parallel_loop3A_470 = arith.index_cast %rem3A_291 : i32 to index
        %parallel_loop3A_471 = arith.index_cast %parallel_loop3A_348 : i32 to index
        %parallel_loop3A_472 = arith.constant 176 : index
        %parallel_loop3A_473 = tpu.vector_load %arg8[%parallel_loop3A_470, %parallel_loop3A_471, %parallel_loop3A_472] {strides = array<i32>} : memref<2x32x224xf32, #tpu.memory_space<vmem>>, vector<16xf32>,
        tpu.vector_store %arg8[%parallel_loop3A_470, %parallel_loop3A_471, %parallel_loop3A_472], %parallel_loop3A_469 {strides = array<i32>} : memref<2x32x224xf32, #tpu.memory_space<vmem>>, vector<16xf32>,
        %parallel_loop3A_474 = arith.constant 6168 : i32
        %parallel_loop3A_475 = arith.addi %parallel_loop3A_353, %parallel_loop3A_474 : i32
        %parallel_loop3A_476 = vector.broadcast %parallel_loop3A_475 : i32 to vector<16xi32>
        %parallel_loop3A_477 = arith.addi %add3A, %parallel_loop3A_476 : vector<16xi32>
        %parallel_loop3A_478 = tpu.vector_load_idx %arg7[%parallel_loop3A_477] : memref<57600xf32, #tpu.memory_space<vmem>>[vector<16xi32>], vector<16xf32>,
        %parallel_loop3A_479 = arith.mulf %parallel_loop3A_478, %broadcast_in_dim3A : vector<16xf32>
        %parallel_loop3A_480 = arith.index_cast %rem3A_291 : i32 to index
        %parallel_loop3A_481 = arith.index_cast %parallel_loop3A_348 : i32 to index
        %parallel_loop3A_482 = arith.constant 192 : index
        %parallel_loop3A_483 = tpu.vector_load %arg8[%parallel_loop3A_480, %parallel_loop3A_481, %parallel_loop3A_482] {strides = array<i32>} : memref<2x32x224xf32, #tpu.memory_space<vmem>>, vector<16xf32>,
        tpu.vector_store %arg8[%parallel_loop3A_480, %parallel_loop3A_481, %parallel_loop3A_482], %parallel_loop3A_479 {strides = array<i32>} : memref<2x32x224xf32, #tpu.memory_space<vmem>>, vector<16xf32>,
        %parallel_loop3A_484 = arith.constant 6682 : i32
        %parallel_loop3A_485 = arith.addi %parallel_loop3A_353, %parallel_loop3A_484 : i32
        %parallel_loop3A_486 = vector.broadcast %parallel_loop3A_485 : i32 to vector<16xi32>
        %parallel_loop3A_487 = arith.addi %add3A, %parallel_loop3A_486 : vector<16xi32>
        %parallel_loop3A_488 = tpu.vector_load_idx %arg7[%parallel_loop3A_487] : memref<57600xf32, #tpu.memory_space<vmem>>[vector<16xi32>], vector<16xf32>,
        %parallel_loop3A_489 = arith.mulf %parallel_loop3A_488, %select_n3A_320 : vector<16xf32>
        %parallel_loop3A_490 = arith.index_cast %rem3A_291 : i32 to index
        %parallel_loop3A_491 = arith.index_cast %parallel_loop3A_348 : i32 to index
        %parallel_loop3A_492 = arith.constant 208 : index
        %parallel_loop3A_493 = tpu.vector_load %arg8[%parallel_loop3A_490, %parallel_loop3A_491, %parallel_loop3A_492] {strides = array<i32>} : memref<2x32x224xf32, #tpu.memory_space<vmem>>, vector<16xf32>,
        tpu.vector_store %arg8[%parallel_loop3A_490, %parallel_loop3A_491, %parallel_loop3A_492], %parallel_loop3A_489 {strides = array<i32>} : memref<2x32x224xf32, #tpu.memory_space<vmem>>, vector<16xf32>,
      } {sc.loop_unroll_factor = 2 : i64, sc.parallel_access}
      %dma_start3A_327 = arith.constant 0 : i32
      %dma_start3A_328 = arith.constant 0 : i32
      %dma_start3A_329 = tpu.memref_slice %arg8[%rem3A_291, %dma_start3A_327, %dma_start3A_328] : memref<2x32x224xf32, #tpu.memory_space<vmem>> -> memref<1x32x224xf32, #tpu.memory_space<vmem>>
      %dma_start3A_330 = tpu.memref_squeeze %dma_start3A_329 : memref<1x32x224xf32, #tpu.memory_space<vmem>> -> memref<32x224xf32, #tpu.memory_space<vmem>>
      %dma_start3A_331 = arith.constant 0 : i32
      %dma_start3A_332 = arith.constant 0 : i32
      %dma_start3A_333 = tpu.memref_slice %arg5[%select_n3A, %add3A_296, %dma_start3A_331, %dma_start3A_332] : memref<4x224x32x224xf32, #tpu.memory_space<hbm>> -> memref<1x1x32x224xf32, #tpu.memory_space<hbm>>
      %dma_start3A_334 = tpu.memref_squeeze %dma_start3A_333 : memref<1x1x32x224xf32, #tpu.memory_space<hbm>> -> memref<32x224xf32, #tpu.memory_space<hbm>>
      %dma_start3A_335 = tpu.memref_slice %arg12[%rem3A_291] : memref<2x!tpu.dma_semaphore, #tpu.memory_space<semaphore_mem>> -> memref<1x!tpu.dma_semaphore, #tpu.memory_space<semaphore_mem>>
      %dma_start3A_336 = tpu.memref_squeeze %dma_start3A_335 : memref<1x!tpu.dma_semaphore, #tpu.memory_space<semaphore_mem>> -> memref<!tpu.dma_semaphore, #tpu.memory_space<semaphore_mem>>
      %dma_start3A_337 = arith.constant 0 : i32
      %dma_start3A_338 = arith.constant 0 : i32
      %dma_start3A_339 = tpu.memref_slice %arg5[%select_n3A, %add3A_296, %dma_start3A_337, %dma_start3A_338] : memref<4x224x32x224xf32, #tpu.memory_space<hbm>> -> memref<1x1x32x224xf32, #tpu.memory_space<hbm>>
      %dma_start3A_340 = tpu.memref_squeeze %dma_start3A_339 : memref<1x1x32x224xf32, #tpu.memory_space<hbm>> -> memref<32x224xf32, #tpu.memory_space<hbm>>
      %dma_start3A_341 = arith.constant 0 : i32
      %dma_start3A_342 = arith.constant 0 : i32
      %dma_start3A_343 = tpu.memref_slice %arg8[%rem3A_291, %dma_start3A_341, %dma_start3A_342] : memref<2x32x224xf32, #tpu.memory_space<vmem>> -> memref<1x32x224xf32, #tpu.memory_space<vmem>>
      %dma_start3A_344 = tpu.memref_squeeze %dma_start3A_343 : memref<1x32x224xf32, #tpu.memory_space<vmem>> -> memref<32x224xf32, #tpu.memory_space<vmem>>
      tpu.enqueue_dma source(%dma_start3A_344 : memref<32x224xf32, #tpu.memory_space<vmem>>) target(%dma_start3A_340 : memref<32x224xf32, #tpu.memory_space<hbm>>) target_semaphore(%dma_start3A_336 : memref<!tpu.dma_semaphore, #tpu.memory_space<semaphore_mem>>)
      %parallel_loop3A_345 = arith.constant 0 : i32
      %parallel_loop3A_346 = arith.constant 450 : i32
      %parallel_loop3A_347 = arith.constant 1 : i32
      scf.for %parallel_loop3A_348 = %parallel_loop3A_345 to %parallel_loop3A_346 step %parallel_loop3A_347  : i32 {
        %parallel_loop3A_349 = arith.constant 0.000000e+00 : f32
        %parallel_loop3A_350 = vector.broadcast %parallel_loop3A_349 : f32 to vector<16xf32>
        %parallel_loop3A_351 = arith.constant 7200 : i32
        %parallel_loop3A_352 = arith.muli %rem3A_293, %parallel_loop3A_351 : i32
        %parallel_loop3A_353 = arith.constant 16 : i32
        %parallel_loop3A_354 = arith.muli %parallel_loop3A_348, %parallel_loop3A_353 : i32
        %parallel_loop3A_355 = arith.addi %parallel_loop3A_352, %parallel_loop3A_354 : i32
        %parallel_loop3A_356 = arith.index_cast %parallel_loop3A_355 : i32 to index
        %parallel_loop3A_357 = tpu.vector_load %arg7[%parallel_loop3A_356] {strides = array<i32>} : memref<57600xf32, #tpu.memory_space<vmem>>, vector<16xf32>,
        tpu.vector_store %arg7[%parallel_loop3A_356], %parallel_loop3A_350 {strides = array<i32>} : memref<57600xf32, #tpu.memory_space<vmem>>, vector<16xf32>,
      } {sc.loop_unroll_factor = 4 : i64, sc.parallel_access}
    }
    %scan3A_247 = arith.constant 5 : i32
    %dma_wait3A = arith.constant 0 : i32
    %dma_wait3A_248 = arith.constant 0 : i32
    %dma_wait3A_249 = arith.constant 0 : i32
    %dma_wait3A_250 = arith.constant 0 : i32
    %dma_wait3A_251 = arith.constant 0 : i32
    %dma_wait3A_252 = tpu.memref_slice %arg8[%dma_wait3A, %dma_wait3A_250, %dma_wait3A_251] : memref<2x32x224xf32, #tpu.memory_space<vmem>> -> memref<1x32x224xf32, #tpu.memory_space<vmem>>
    %dma_wait3A_253 = tpu.memref_squeeze %dma_wait3A_252 : memref<1x32x224xf32, #tpu.memory_space<vmem>> -> memref<32x224xf32, #tpu.memory_space<vmem>>
    %dma_wait3A_254 = arith.constant 0 : i32
    %dma_wait3A_255 = arith.constant 0 : i32
    %dma_wait3A_256 = tpu.memref_slice %arg5[%select_n3A, %dma_wait3A_248, %dma_wait3A_254, %dma_wait3A_255] : memref<4x224x32x224xf32, #tpu.memory_space<hbm>> -> memref<1x1x32x224xf32, #tpu.memory_space<hbm>>
    %dma_wait3A_257 = tpu.memref_squeeze %dma_wait3A_256 : memref<1x1x32x224xf32, #tpu.memory_space<hbm>> -> memref<32x224xf32, #tpu.memory_space<hbm>>
    %dma_wait3A_258 = tpu.memref_slice %arg12[%dma_wait3A_249] : memref<2x!tpu.dma_semaphore, #tpu.memory_space<semaphore_mem>> -> memref<1x!tpu.dma_semaphore, #tpu.memory_space<semaphore_mem>>
    %dma_wait3A_259 = tpu.memref_squeeze %dma_wait3A_258 : memref<1x!tpu.dma_semaphore, #tpu.memory_space<semaphore_mem>> -> memref<!tpu.dma_semaphore, #tpu.memory_space<semaphore_mem>>
    %dma_wait3A_260 = arith.constant 0 : i32
    %dma_wait3A_261 = arith.constant 0 : i32
    %dma_wait3A_262 = tpu.memref_slice %arg5[%select_n3A, %dma_wait3A_248, %dma_wait3A_260, %dma_wait3A_261] : memref<4x224x32x224xf32, #tpu.memory_space<hbm>> -> memref<1x1x32x224xf32, #tpu.memory_space<hbm>>
    %dma_wait3A_263 = tpu.memref_squeeze %dma_wait3A_262 : memref<1x1x32x224xf32, #tpu.memory_space<hbm>> -> memref<32x224xf32, #tpu.memory_space<hbm>>
    %dma_wait3A_264 = arith.constant 0 : i32
    %dma_wait3A_265 = arith.constant 0 : i32
    %dma_wait3A_266 = tpu.memref_slice %arg8[%dma_wait3A, %dma_wait3A_264, %dma_wait3A_265] : memref<2x32x224xf32, #tpu.memory_space<vmem>> -> memref<1x32x224xf32, #tpu.memory_space<vmem>>
    %dma_wait3A_267 = tpu.memref_squeeze %dma_wait3A_266 : memref<1x32x224xf32, #tpu.memory_space<vmem>> -> memref<32x224xf32, #tpu.memory_space<vmem>>
    tpu.wait_dma2 semaphore(%dma_wait3A_259 : memref<!tpu.dma_semaphore, #tpu.memory_space<semaphore_mem>>) src(%dma_wait3A_267 : memref<32x224xf32, #tpu.memory_space<vmem>>) dst(%dma_wait3A_263 : memref<32x224xf32, #tpu.memory_space<hbm>>)
    %dma_wait3A_268 = arith.constant 1 : i32
    %dma_wait3A_269 = arith.constant 0 : i32
    %dma_wait3A_270 = arith.constant 1 : i32
    %dma_wait3A_271 = arith.constant 0 : i32
    %dma_wait3A_272 = arith.constant 0 : i32
    %dma_wait3A_273 = tpu.memref_slice %arg8[%dma_wait3A_268, %dma_wait3A_271, %dma_wait3A_272] : memref<2x32x224xf32, #tpu.memory_space<vmem>> -> memref<1x32x224xf32, #tpu.memory_space<vmem>>
    %dma_wait3A_274 = tpu.memref_squeeze %dma_wait3A_273 : memref<1x32x224xf32, #tpu.memory_space<vmem>> -> memref<32x224xf32, #tpu.memory_space<vmem>>
    %dma_wait3A_275 = arith.constant 0 : i32
    %dma_wait3A_276 = arith.constant 0 : i32
    %dma_wait3A_277 = tpu.memref_slice %arg5[%select_n3A, %dma_wait3A_269, %dma_wait3A_275, %dma_wait3A_276] : memref<4x224x32x224xf32, #tpu.memory_space<hbm>> -> memref<1x1x32x224xf32, #tpu.memory_space<hbm>>
    %dma_wait3A_278 = tpu.memref_squeeze %dma_wait3A_277 : memref<1x1x32x224xf32, #tpu.memory_space<hbm>> -> memref<32x224xf32, #tpu.memory_space<hbm>>
    %dma_wait3A_279 = tpu.memref_slice %arg12[%dma_wait3A_270] : memref<2x!tpu.dma_semaphore, #tpu.memory_space<semaphore_mem>> -> memref<1x!tpu.dma_semaphore, #tpu.memory_space<semaphore_mem>>
    %dma_wait3A_280 = tpu.memref_squeeze %dma_wait3A_279 : memref<1x!tpu.dma_semaphore, #tpu.memory_space<semaphore_mem>> -> memref<!tpu.dma_semaphore, #tpu.memory_space<semaphore_mem>>
    %dma_wait3A_281 = arith.constant 0 : i32
    %dma_wait3A_282 = arith.constant 0 : i32
    %dma_wait3A_283 = tpu.memref_slice %arg5[%select_n3A, %dma_wait3A_269, %dma_wait3A_281, %dma_wait3A_282] : memref<4x224x32x224xf32, #tpu.memory_space<hbm>> -> memref<1x1x32x224xf32, #tpu.memory_space<hbm>>
    %dma_wait3A_284 = tpu.memref_squeeze %dma_wait3A_283 : memref<1x1x32x224xf32, #tpu.memory_space<hbm>> -> memref<32x224xf32, #tpu.memory_space<hbm>>
    %dma_wait3A_285 = arith.constant 0 : i32
    %dma_wait3A_286 = arith.constant 0 : i32
    %dma_wait3A_287 = tpu.memref_slice %arg8[%dma_wait3A_268, %dma_wait3A_285, %dma_wait3A_286] : memref<2x32x224xf32, #tpu.memory_space<vmem>> -> memref<1x32x224xf32, #tpu.memory_space<vmem>>
    %dma_wait3A_288 = tpu.memref_squeeze %dma_wait3A_287 : memref<1x32x224xf32, #tpu.memory_space<vmem>> -> memref<32x224xf32, #tpu.memory_space<vmem>>
    tpu.wait_dma2 semaphore(%dma_wait3A_280 : memref<!tpu.dma_semaphore, #tpu.memory_space<semaphore_mem>>) src(%dma_wait3A_288 : memref<32x224xf32, #tpu.memory_space<vmem>>) dst(%dma_wait3A_284 : memref<32x224xf32, #tpu.memory_space<hbm>>)
    return
  }
}

</mosaic_0001>

<sc_bundles>
// kernel: kernel.3.cloned.1.call-start
scs
__scs_entry_jumppad:
0x0: {  	(pc) =	sbr.rel $0x88, $3  }
0x1: {  	(tag) =	ssettag $0x0;
	lr =	simm.s32 $0x1  }
0x2: {  	[smem:$0x3FA0] =	sst lr;
	_ =	strace $0xD0000000  }
0x3: {  	_ = 	snop  }
0x4: {  	_ = 	snop  }
0x5: {  	_ = 	snop  }
0x6: {  	_ = 	snop  }
0x7: {  	_ = 	snop  }
__scs_overlays_trampoline_lowered:
0x8: {  	[smem:$0x3FAF] =	sst s0  }
0x9: {  	[smem:$0x3FB0] =	sst s1  }
0xa: {  	[smem:$0x3FB1] =	sst s2  }
0xb: {  	[smem:$0x3FB2] =	sst s3  }
0xc: {  	[smem:$0x3FB3] =	sst s4  }
0xd: {  	[smem:$0x3FB4] =	sst s5  }
0xe: {  	[smem:$0x3FB5] =	sst s6  }
0xf: {  	[smem:$0x3FB6] =	sst s7  }
0x10: {  	[smem:$0x3FB7] =	sst s8  }
0x11: {  	[smem:$0x3FB8] =	sst s9;
	s0 =	simm.s32 @!p0 $0x0  }
0x12: {  	s1 =	sld [smem:$0x3F9E];
	s0 =	simm.s32 @p0 $0x1  }
0x13: {  	[smem:$0x3FB9] =	sst s0;
	s0 =	simm.s32 @!p1 $0x0  }
0x14: {  	s2 =	sld [smem:$0x3F9D];
	s0 =	simm.s32 @p1 $0x1  }
0x15: {  	[smem:$0x3FBA] =	sst s0;
	s0 =	simm.s32 @!p2 $0x0  }
0x16: {  	s3 =	sld [smem:$0x3FDB];
	s0 =	simm.s32 @p2 $0x1  }
0x17: {  	s4 =	simm.s32 $0x1BF5;
	[smem:$0x3FBC] =	sst s0  }
0x18: {  	s0 =	sld [smem:$0x3F9F];
	_ =	swait.ge [sflag:s4], $0x0  }
0x19: {  	s7 =	sld [smem:$0x3FA0]  }
0x1a: {  	s8 =	sadd.s32 $0xFFFFE003, lr  }
0x1b: {  	s9 =	sadd.s32 $0xFFFFFEF7, lr;
	s5 =	simm.s32 $0xFFFFFFFF;
	p2 =	slt.u32 s8, $0xFFFFF086  }
0x1c: {  	p1 =	slt.u32 s9, $0xF7A;
	s5 =	simm.s32 @!p2 $0x0  }
0x1d: {  	s5 =	simm.s32 @p1 $0x1;
	p0 =	seq.s32 s7, s2  }
0x1e: {  	s7 =	smul.u32 @!p0 $0xF7A, s2;
	p2 =	seq.s32 @!p0 s5, $0x0  }
0x1f: {  	s9 =	smul.u32 $0xF7A, s1;
	s8 =	simm.s32 @!p0 $0x1BF5;
	p2 =	por !p2, p0  }
0x20: {  	[sflag:s8] =	ssyncset.s32 @!p0 $0xFFFFF086;
	s6 =	sadd.s32 @!p0 s3, s7;
	s7 =	simm.s32 @!p0 $0x108  }
0x21: {  	s3 =	sadd.s32 s3, s9;
	s6 =	sadd.s32 @!p0 $0x88, s6;
	s7 =	simm.s32 @p2 $0x1082  }
0x22: {  	[simem:s7], [sflag:s8] =	dma.local @!p0 [hbm:s6], $0xF7A  }
0x23: {  	s9 =	sor.u32 $0xD0000000, s2;
	s6 =	simm.s32 $0x108;
	_ =	swait.ge @!p0 [sflag:s8], $0x0  }
0x24: {  	s3 =	sadd.s32 $0x88, s3;
	s6 =	simm.s32 @!p1 $0x1082;
	[sflag:s4] =	ssyncset.s32 $0xFFFFF086  }
0x25: {  	[simem:s6], [sflag:s4] =	dma.local [hbm:s3], $0xF7A  }
0x26: {  	[smem:$0x3FA0] =	sst s1;
	(tag) =	ssettag s2;
	_ =	strace s9  }
0x27: {  	s1 =	sld [smem:$0x3FB0]  }
0x28: {  	s2 =	sld [smem:$0x3FB1]  }
0x29: {  	s4 =	sld [smem:$0x3FB3]  }
0x2a: {  	p0 =	seq.s32 s5, $0x0;
	s5 =	sld [smem:$0x3FB4]  }
0x2b: {  	s6 =	sld [smem:$0x3FB5]  }
0x2c: {  	s7 =	sld [smem:$0x3FB6]  }
0x2d: {  	s3 =	simm.s32 $0x108;
	s8 =	sld [smem:$0x3FB7]  }
0x2e: {  	s3 =	simm.s32 @!p0 $0x1082;
	s9 =	sld [smem:$0x3FB8]  }
0x2f: {  	lr =	sadd.s32 s0, s3;
	s0 =	sld [smem:$0x3FAF]  }
0x30: {  	s3 =	sld [smem:$0x3FB2]  }
0x31: {  	[smem:$0x3FBB] =	sst s10  }
0x32: {  	s10 =	sld [smem:$0x3FB9];
	_ =	sdelay $0x3  }
0x33: {  	p0 =	seq.s32 s10, $0x1;
	s10 =	sld [smem:$0x3FBB];
	_ =	sdelay $0x3  }
0x34: {  	[smem:$0x3FBB] =	sst s10  }
0x35: {  	s10 =	sld [smem:$0x3FBA];
	_ =	sdelay $0x3  }
0x36: {  	p1 =	seq.s32 s10, $0x1;
	s10 =	sld [smem:$0x3FBB];
	_ =	sdelay $0x3  }
0x37: {  	[smem:$0x3FBB] =	sst s10  }
0x38: {  	s10 =	sld [smem:$0x3FBC]  }
0x39: {  	_ = 	snop;
	(pc) =	sbr.ind lr, $3  }
0x3a: {  	_ = 	snop  }
0x3b: {  	_ = 	snop  }
0x3c: {  	p2 =	seq.s32 s10, $0x1;
	s10 =	sld [smem:$0x3FBB]  }
0x3d: {  	_ =	shalt  }
0x3e: {  	_ =	shalt  }
0x3f: {  	_ =	shalt  }
0x40: {  	_ =	shalt  }
0x41: {  	_ =	shalt  }
0x42: {  	_ =	shalt  }
0x43: {  	_ =	shalt  }
0x44: {  	_ =	shalt  }
0x45: {  	_ =	shalt  }
0x46: {  	_ =	shalt  }
0x47: {  	_ =	shalt  }
0x48: {  	_ =	shalt  }
0x49: {  	_ =	shalt  }
0x4a: {  	_ =	shalt  }
0x4b: {  	_ =	shalt  }
0x4c: {  	_ =	shalt  }
0x4d: {  	_ =	shalt  }
0x4e: {  	_ =	shalt  }
0x4f: {  	_ =	shalt  }
0x50: {  	_ =	shalt  }
0x51: {  	_ =	shalt  }
0x52: {  	_ =	shalt  }
0x53: {  	_ =	shalt  }
0x54: {  	_ =	shalt  }
0x55: {  	_ =	shalt  }
0x56: {  	_ =	shalt  }
0x57: {  	_ =	shalt  }
0x58: {  	_ =	shalt  }
0x59: {  	_ =	shalt  }
0x5a: {  	_ =	shalt  }
0x5b: {  	_ =	shalt  }
0x5c: {  	_ =	shalt  }
0x5d: {  	_ =	shalt  }
0x5e: {  	_ =	shalt  }
0x5f: {  	_ =	shalt  }
0x60: {  	_ =	shalt  }
0x61: {  	_ =	shalt  }
0x62: {  	_ =	shalt  }
0x63: {  	_ =	shalt  }
0x64: {  	_ =	shalt  }
0x65: {  	_ =	shalt  }
0x66: {  	_ =	shalt  }
0x67: {  	_ =	shalt  }
0x68: {  	_ =	shalt  }
0x69: {  	_ =	shalt  }
0x6a: {  	_ =	shalt  }
0x6b: {  	_ =	shalt  }
0x6c: {  	_ =	shalt  }
0x6d: {  	_ =	shalt  }
0x6e: {  	_ =	shalt  }
0x6f: {  	_ =	shalt  }
0x70: {  	_ =	shalt  }
0x71: {  	_ =	shalt  }
0x72: {  	_ =	shalt  }
0x73: {  	_ =	shalt  }
0x74: {  	_ =	shalt  }
0x75: {  	_ =	shalt  }
0x76: {  	_ =	shalt  }
0x77: {  	_ =	shalt  }
0x78: {  	_ =	shalt  }
0x79: {  	_ =	shalt  }
0x7a: {  	_ =	shalt  }
0x7b: {  	_ =	shalt  }
0x7c: {  	_ =	shalt  }
0x7d: {  	_ =	shalt  }
0x7e: {  	_ =	shalt  }
0x7f: {  	_ =	shalt  }
0x80: {  	_ =	shalt  }
0x81: {  	_ =	shalt  }
0x82: {  	_ =	shalt  }
0x83: {  	_ =	shalt  }
0x84: {  	_ =	shalt  }
0x85: {  	_ =	shalt  }
0x86: {  	_ =	shalt  }
0x87: {  	_ =	shalt  }
.Lfunc_end0:
.L_simem_size_0:
called_computation_lowered:
.L_overlay_start_0:
0x88: {  	s2 =	sld [smem:$0x3FD9]  }
0x89: {  	s3 =	sld [smem:$0x3FFE];
	_ =	sdelay $0x1  }
0x8a: {  	s1 =	srdreg.scid  }
0x8b: {  	s0 =	sand.u32 $0x1, s1  }
0x8c: {  	s17 =	sshll.u32 s0, $0xA;
	s2 =	sadd.s32 s3, s2  }
0x8d: {  	s2 =	sadd.s32 s2, s17  }
0x8e: {  	[smem:$0x3FC7] =	sst s2  }
0x8f: {  	_ = 	snop  }
0x90: {  	s2 =	sld [smem:$0x3FC9]  }
0x91: {  	s18 =	sld [smem:$0x3FD0];
	(tm) =	ssettm $0x1  }
0x92: {  	s4 =	sld [smem:$0x3FFB];
	_ =	sdelay $0x3  }
0x93: {  	_ =	strace s4  }
0x94: {  	s4 =	sld [smem:$0x3FFC];
	_ =	sdelay $0x3  }
0x95: {  	_ =	strace s4  }
0x96: {  	s4 =	sld [smem:$0x3FFD];
	_ =	sdelay $0x3  }
0x97: {  	_ =	strace s4  }
0x98: {  	_ =	strace $0x8FFFFFFF  }
0x99: {  	s19 =	sld [smem:$0x3FDB];
	_ =	sdelay $0x1  }
0x9a: {  	s5 =	simm.s32 $_scs_section_size  }
0x9b: {  	s6 =	simm.s32 $_size__tile_overlayer_lowered;
	s7 =	simm.s32 $_tile_overlayer_lowered  }
0x9c: {  	s22 =	simm.s32 $0x1BFF;
	s21 =	sshll.u32 s7, $0x1;
	s4 =	sadd.s32 s5, s19  }
0x9d: {  	s8 =	simm.s32 $0x0;
	s20 =	sshll.u32 s6, $0x1;
	s6 =	sadd.s32 s21, s4  }
0x9e: {  	[timem:s8], [sflag:s22] =	dma.local [hbm:s6], s20  }
0x9f: {  	_ =	swait.ge [sflag:s22], s20  }
0xa0: {  	s5 =	ssub.s32 $0x0, s20;
	[sflag:s22] =	ssyncset.done $0x0  }
0xa1: {  	[sflag:s22] =	ssyncadd.s32 s5;
	_ =	sdelay $0x1  }
0xa2: {  	s23 =	simm.s32 $0x1B8B  }
0xa3: {  	_ =	swait.ge [sflag:s23], $0x1  }
0xa4: {  	[sflag:s23] =	ssyncset.done $0x0  }
0xa5: {  	s25 =	simm.s32 $0x1B8E;
	s24 =	sld [smem:$0x3FFE];
	[sflag:s23] =	ssyncadd.s32 $0xFFFFFFFF  }
0xa6: {  	s26 =	simm.s32 $execute0_lowered;
	[smem:$0x3FD2] =	sst s25  }
0xa7: {  	s6 =	sshll.u32 s26, $0x1;
	_ =	strace $0x80000046;
	[dreg:$0x1] =	wrdreg $0xFFFFFFFF  }
0xa8: {  	s28 =	simm.s32 $_size_execute0_lowered;
	s4 =	sadd.s32 s4, s6;
	[dreg:$0x0] =	wrdreg $0x0  }
0xa9: {  	s6 =	sshll.u32 s28, $0x1;
	[dreg:$0x2] =	wrdreg s4  }
0xaa: {  	[dreg:$0x3] =	wrdreg s6  }
0xab: {  	[dreg:$0x4] =	wrdreg $0xC0  }
0xac: {  	_ =	task [dreg:s8], $0x5FFFF  }
0xad: {  	[dreg:$0x1] =	wrdreg $0xFFFFFFFF  }
0xae: {  	[dreg:$0x0] =	wrdreg $0x60  }
0xaf: {  	[dreg:$0x2] =	wrdreg s2  }
0xb0: {  	[dreg:$0x3] =	wrdreg s24  }
0xb1: {  	[dreg:$0x4] =	wrdreg s18  }
0xb2: {  	[dreg:$0x5] =	wrdreg $0x9  }
0xb3: {  	_ =	task.clear_ibuf [dreg:s8], $0x6FFFF;
	_ =	strace $0x90000046  }
0xb4: {  	s29 =	simm.s32 $0x9;
	_ =	strace $0x80000048  }
0xb5: {  	_ =	swait.ge [sflag:s29], $0x1  }
0xb6: {  	[sflag:s29] =	ssyncadd.s32 $0xFFFFFFFF  }
0xb7: {  	_ =	strace $0x90000048  }
0xb8: {  	_ =	sfence  }
0xb9: {  	s30 =	sld [smem:$0x0];
	_ =	sdelay $0x2  }
0xba: {  	s31 =	sshll.u32 s1, $0xD;
	s1 =	sshrl.u32 s1, $0x2  }
0xbb: {  	s3 =	sand.u32 $0x4000, s31;
	s1 =	sadd.s32 s1, s30  }
0xbc: {  	s0 =	sor.u32 s3, s0;
	s1 =	sshll.u32 s1, $0x11  }
0xbd: {  	s0 =	sor.u32 s1, s0  }
0xbe: {  	s0 =	sadd.s32 $0x8F2B, s0  }
0xbf: {  	[sflag:s0] =	ssyncadd.remote.s32 $0x1  }
0xc0: {  	_ =	sfence.sel $0xFFFF  }
0xc1: {  	[dreg:$0x0] =	wrdreg $0xFFFFFFFF;
	(pc) =	sbr.abs _section_cstart, $3  }
0xc2: {  	[dreg:$0x1] =	wrdreg $0xFFFFFFFF  }
0xc3: {  	_ =	task.clear_ibuf [dreg:s8], $0x2FFFF;
	_ =	strace $0x9FFFFFFF  }
0xc4: {  	(tm) =	ssettm $0x7FFFFFFF  }
0xc5: {  	_ =	shalt  }
tec
execute0_lowered:
.L_overlay_start_1:
0x0: {  	(tag) =	ssettag $0x1  }
0x1: {  	s0 =	srdreg.scid;
	s4 =	rddreg [dreg:$0x0]  }
0x2: {  	s3 =	stileid.u32;
	s5 =	rddreg [dreg:$0x1]  }
0x3: {  	s6 =	simm.s32 $0x1;
	s7 =	simm.s32 $0x0;
	s0 =	sand.u32 $0x1, s0  }
0x4: {  	s2 =	sand.u32 $0x7, s3;
	[smem:$0x7FF] =	sst s7;
	s1 =	sshll.u32 s0, $0x4  }
0x5: {  	s19 =	sor.u32 $0x8, s3;
	s20 =	sadd.s32 $0x600, s5;
	s1 =	sor.u32 s3, s1  }
0x6: {  	s10 =	sadd.s32 $0x80600, s5;
	p1 =	sne.s32 s2, $0x0;
	p0 =	seq.s32 s1, $0x0  }
0x7: {  	s5 =	sadd.s32 $0x800, s5;
	_ =	strace $0x80000047;
	p0 =	por !p1, !p0  }
0x8: {  	s8 =	smul.u32 $0x60000, s2;
	s0 =	ssub.s32 $0x2, s0;
	p0 =	por !p0, !p0  }
0x9: {  	[dreg:$0x5] =	wrdreg s10;
	s1 =	sshrl.u32 s1, $0x3;
	s6 =	simm.s32 @!p0 $0x0  }
0xa: {  	s28 =	sshll.u32 s2, $0x10;
	s21 =	sshrl.u32 s0, $0x1;
	s1 =	ssub.s32 s1, s6  }
0xb: {  	[dreg:$0x4] =	wrdreg s20;
	s0 =	ssub.s32 s0, s21;
	s6 =	smul.u32 $0x600000, s1  }
0xc: {  	s0 =	smax.u32 s0, $0x1;
	s26 =	smul.u32 $0x1C0000, s1;
	s1 =	sshll.u32 s1, $0x14  }
0xd: {  	v0 =	vimm.s32 $0x76543210;
	s7 =	sshll.u32 s19, $0x10;
	[dreg:$0x12] =	wrdreg s0;
	s30 =	sor.u32 s28, s1  }
0xe: {  	v0 =	vunpack.c.l.s4.s8 v0;
	s9 =	smul.u32 $0x60000, s19;
	s1 =	sor.u32 s7, s1;
	[dreg:$0xc] =	wrdreg s30  }
0xf: {  	s2 =	sshll.u32 s2, $0xD;
	s8 =	sadd.s32 s8, s6;
	[dreg:$0xd] =	wrdreg s1  }
0x10: {  	v0 =	vunpack.c.0.s8.s32 v0;
	s6 =	sadd.s32 s9, s6;
	s1 =	sshrl.u32 s1, $0x3;
	[dreg:$0x6] =	wrdreg s8  }
0x11: {  	vm0 =	vcmask $0x1F00;
	s31 =	sshrl.u32 s30, $0x3;
	[dreg:$0x7] =	wrdreg s6;
	s3 =	sadd.s32 s20, s1  }
0x12: {  	v0 =	vnsel vm0, $0x108, v0;
	vm0 =	vcmask $0x2320;
	s14 =	sor.u32 s2, s26;
	s2 =	sadd.s32 s31, s5;
	[dreg:$0xf] =	wrdreg s3  }
0x13: {  	v0 =	vsel vm0, $0x101, v0;
	vm0 =	vcmask $0x2724;
	s8 =	sshrl.u32 s8, $0x3;
	s1 =	sadd.s32 s1, s5;
	[dreg:$0x10] =	wrdreg s2  }
0x14: {  	v0 =	vsel vm0, $0x102, v0;
	vm0 =	vcmask $0x2B28;
	s6 =	sshrl.u32 s6, $0x3;
	s22 =	sadd.s32 s4, s8;
	[dreg:$0x11] =	wrdreg s1  }
0x15: {  	s23 =	sadd.s32 $0xC00, s4;
	v0 =	vsel vm0, $0x103, v0;
	vm0 =	vcmask $0x2F2C;
	s4 =	sadd.s32 s4, s6;
	[dreg:$0x8] =	wrdreg s22  }
0x16: {  	v0 =	vsel vm0, $0x104, v0;
	vm0 =	vcmask $0x3330;
	s24 =	sadd.s32 s8, s23;
	[dreg:$0x9] =	wrdreg s4  }
0x17: {  	v1 =	vsel vm0, $0x105, v0;
	vm0 =	vcmask $0x3734;
	s25 =	sadd.s32 s6, s23;
	[dreg:$0xa] =	wrdreg s24  }
0x18: {  	vm2 =	vcmask $0x3B38;
	vm1 =	vmmov $0xff;
	v1 =	vsel vm0, $0x106, v1;
	[dreg:$0xb] =	wrdreg s25;
	s4 =	sadd.s32 s20, s31  }
0x19: {  	s29 =	simm.s32 $0x8000;
	v0 =	vimm.f32 $0.0e+00;
	vm0 =	vcmask $0x3F1C;
	v1 =	vsel vm2, $0x107, v1;
	s2 =	simm.s32 $0x0;
	[dreg:$0xe] =	wrdreg s4  }
.LBB2_1:
0x1a: {  	s0 =	simm.s32 $0x0;
	s1 =	rddreg [dreg:$0x5];
	s31 =	simm.s32 $0x1A100  }
0x1b: {  	[tilespmem:s31], [sflag:$0xB] =	stream.linear.gather [hbm4b:s1+s0], $0x600, $0x38;
	[tilespmem:$0x1A700] =	vst v63  }
0x1c: {  	[dreg:$0x13] =	wrdreg s2;
	s0 =	simm.s32 $0x8020  }
0x1d: {  	[tilespmem:s0+$0xFFFFFFE0] =	vst v0  }
0x1e: {  	[tilespmem:s0+$0x10] =	vst v0  }
0x1f: {  	s1 =	simm.s32 $0x0;
	[tilespmem:s0+$0x0] =	vst v0  }
.LBB2_2:
0x20: {  	s1 =	sadd.s32 $0x4, s1  }
0x21: {  	[tilespmem:s0+$0xFFFFFFF0] =	vst v0;
	s0 =	sadd.s32 $0x40, s0;
	p0 =	slt.u32 s1, $0xE0C  }
.Ltmp0:
0x22: {  	[tilespmem:s0+$0xFFFFFFE0] =	vst v0;
	(pc) =	sbr.rel @p0 .LBB2_2-.Ltmp0, $3  }
0x23: {  	_ =	sdelay $0x1  }
0x24: {  	[tilespmem:s0+$0x10] =	vst v0  }
0x25: {  	[tilespmem:s0+$0x0] =	vst v0  }
0x26: {  	[tilespmem:s0+$0xFFFFFFF0] =	vst v0;
	s24 =	simm.s32 $0xB  }
0x27: {  	_ =	swait.ge [sflag:s24], $0x600  }
0x28: {  	s0 =	simm.s32 $0x0;
	s2 =	simm.s32 $0x400;
	[sflag:s24] =	ssyncset.done $0x0  }
0x29: {  	s3 =	simm.s32 $0x1800;
	s1 =	rddreg [dreg:$0x8];
	[sflag:s24] =	ssyncadd.s32 $0xFFFFFA00  }
0x2a: {  	[tilespmem:s0], [sflag:$0x1] =	stream.strided.gather [hbm4b:s1+s2], $0x1000, s3, s2, $0x38;
	[tilespmem:$0x1A700] =	vst v63  }
0x2b: {  	s4 =	simm.s32 $0x4000;
	s25 =	rddreg [dreg:$0x9]  }
0x2c: {  	[tilespmem:s4], [sflag:$0x5] =	stream.strided.gather [hbm4b:s25+s2], $0x1000, s3, s2, $0x38;
	[tilespmem:$0x1A700] =	vst v63  }
.Ltmp1:
0x2d: {  	s28 =	simm.s32 $0x1000;
	(pc) =	sbr.rel .LBB2_4-.Ltmp1, $4  }
0x2e: {  	s31 =	simm.s32 $0x5000;
	s10 =	simm.s32 $0x0;
	s26 =	rddreg [dreg:$0xa]  }
0x2f: {  	[tilespmem:s28], [sflag:$0x2] =	stream.strided.gather [hbm4b:s26+s2], $0x1000, s3, s2, $0x38;
	[tilespmem:$0x1A700] =	vst v63  }
0x30: {  	s11 =	simm.s32 $0x0;
	s30 =	rddreg [dreg:$0xb];
	s26 =	simm.s32 $0x0  }
0x31: {  	[tilespmem:s31], [sflag:$0x6] =	stream.strided.gather [hbm4b:s30+s2], $0x1000, s3, s2, $0x38;
	[tilespmem:$0x1A700] =	vst v63  }
.LBB2_14:
0x32: {  	s26 =	sadd.s32 $0x1, s26  }
0x33: {  	p0 =	sne.s32 s26, $0x50  }
.Ltmp2:
0x34: {  	_ = 	snop;
	(pc) =	sbr.rel @!p0 .LBB2_15-.Ltmp2, $4  }
0x35: {  	_ = 	snop  }
0x36: {  	s11 =	rddreg [dreg:$0x15]  }
0x37: {  	s10 =	rddreg [dreg:$0x14]  }
0x38: {  	s0 =	sadd.s32 $0x1, s0;
	s11 =	sadd.s32 $0x1, s11;
	s10 =	sadd.s32 $0x1, s10  }
.LBB2_4:
0x39: {  	p0 =	sgt.u32 s26, $0x4D  }
0x3a: {  	s1 =	sadd.s32 @!p0 $0x2, s26  }
0x3b: {  	s3 =	rddreg [dreg:$0x6];
	s2 =	sand.u32 @!p0 $0xF, s1  }
0x3c: {  	s4 =	rddreg [dreg:$0x7];
	s5 =	sshll.u32 @!p0 s1, $0x6;
	s2 =	smul.u32 @!p0 $0x6000, s2  }
0x3d: {  	s16 =	sand.u32 $0x3, s26;
	s8 =	simm.s32 @!p0 $0x400;
	s5 =	sand.u32 @!p0 $0x3C00, s5  }
0x3e: {  	s9 =	simm.s32 @!p0 $0x1800;
	s1 =	sand.u32 @!p0 $0x3, s1;
	s2 =	sadd.s32 @!p0 s2, s5  }
0x3f: {  	s17 =	sadd.s32 $0x1, s16;
	s6 =	sshll.u32 @!p0 s1, $0xC;
	s5 =	sadd.s32 @!p0 s3, s2  }
0x40: {  	s3 =	rddreg [dreg:$0x0];
	s2 =	sadd.s32 @!p0 s4, s2;
	s5 =	sshrl.u32 @!p0 s5, $0x3  }
0x41: {  	s7 =	sadd.s32 @!p0 $0x1, s1;
	s2 =	sshrl.u32 @!p0 s2, $0x3;
	s5 =	sadd.s32 @!p0 s3, s5  }
0x42: {  	[tilespmem:s6], [sflag:s7] =	stream.strided.gather @!p0 [hbm4b:s5+s8], $0x1000, s9, s8, $0x38;
	[tilespmem:$0x1A700] =	vst v63  }
0x43: {  	s1 =	sadd.s32 @!p0 $0x5, s1;
	s2 =	sadd.s32 @!p0 s3, s2;
	s6 =	sor.u32 @!p0 $0x4000, s6  }
0x44: {  	[tilespmem:s6], [sflag:s1] =	stream.strided.gather @!p0 [hbm4b:s2+s8], $0x1000, s9, s8, $0x38;
	[tilespmem:$0x1A700] =	vst v63  }
0x45: {  	_ =	swait.ge [sflag:s17], $0x1000  }
0x46: {  	[sflag:s17] =	ssyncset.done $0x0  }
0x47: {  	s18 =	sadd.s32 $0x5, s16;
	[sflag:s17] =	ssyncadd.s32 $0xFFFFF000  }
0x48: {  	s19 =	sshrl.u32 s26, $0x4;
	_ =	swait.ge [sflag:s18], $0x1000  }
0x49: {  	s21 =	sand.u32 $0x8, s11;
	s20 =	sshll.u32 s19, $0x8;
	[sflag:s18] =	ssyncset.done $0x0  }
0x4a: {  	s9 =	sand.u32 $0x3FFFFF00, s20;
	[dreg:$0x15] =	wrdreg s11;
	[sflag:s18] =	ssyncadd.s32 $0xFFFFF000  }
0x4b: {  	s22 =	sshrl.u32 s21, $0x3;
	v2 =	vld [tilespmem:s9+$0x1A100]  }
0x4c: {  	s1 =	smul.u32 $0x101, s22  }
0x4d: {  	s23 =	sand.u32 $0x7, s10;
	s24 =	sand.u32 $0x3, s0  }
0x4e: {  	s28 =	sshll.u32 s24, $0xC;
	s25 =	sadd.s32 s23, s1  }
0x4f: {  	s12 =	sor.u32 $0x40F0, s28;
	s30 =	sadd.s32 $0x8, s25;
	[dreg:$0x14] =	wrdreg s10  }
0x50: {  	v4 =	vld [tilespmem:s12+$0xFFFFBF90];
	v3 =	vadd.s32 s30, v2;
	_ =	sdelay $0x4  }
0x51: {  	[tilespmem:v3+s29+$0x0] =	vst.idx.add.f32.msk $0xffff, v4  }
0x52: {  	v3 =	vld [tilespmem:s9+$0x1A120];
	_ =	sdelay $0x4  }
0x53: {  	v4 =	vld [tilespmem:s12+$0xFFFFBFA0];
	v3 =	vadd.s32 s30, v3;
	_ =	sdelay $0x4  }
0x54: {  	[tilespmem:v3+s29+$0x0] =	vst.idx.add.f32.msk $0xffff, v4  }
0x55: {  	v2 =	vadd.s32 s25, v2;
	v4 =	vld [tilespmem:s12+$0xFFFFBF10]  }
0x56: {  	v3 =	vld [tilespmem:s9+$0x1A140];
	_ =	sdelay $0x2  }
0x57: {  	v5 =	vld [tilespmem:s12+$0xFFFFBFB0]  }
0x58: {  	[tilespmem:v2+s29+$0x0] =	vst.idx.add.f32.msk $0xffff, v4  }
0x59: {  	v3 =	vadd.s32 s30, v3;
	v2 =	vld [tilespmem:s9+$0x1A120];
	_ =	sdelay $0x3  }
0x5a: {  	v4 =	vld [tilespmem:s12+$0xFFFFBF20]  }
0x5b: {  	[tilespmem:v3+s29+$0x0] =	vst.idx.add.f32.msk $0xffff, v5;
	v2 =	vadd.s32 s25, v2  }
0x5c: {  	v3 =	vld [tilespmem:s9+$0x1A160];
	_ =	sdelay $0x2  }
0x5d: {  	v5 =	vld [tilespmem:s12+$0xFFFFBFC0]  }
0x5e: {  	[tilespmem:v2+s29+$0x0] =	vst.idx.add.f32.msk $0xffff, v4  }
0x5f: {  	v3 =	vadd.s32 s30, v3;
	v2 =	vld [tilespmem:s9+$0x1A140];
	_ =	sdelay $0x3  }
0x60: {  	v4 =	vld [tilespmem:s12+$0xFFFFBF30]  }
0x61: {  	[tilespmem:v3+s29+$0x0] =	vst.idx.add.f32.msk $0xffff, v5;
	v2 =	vadd.s32 s25, v2  }
0x62: {  	v3 =	vld [tilespmem:s9+$0x1A180];
	_ =	sdelay $0x2  }
0x63: {  	v5 =	vld [tilespmem:s12+$0xFFFFBFD0]  }
0x64: {  	[tilespmem:v2+s29+$0x0] =	vst.idx.add.f32.msk $0xffff, v4  }
0x65: {  	v3 =	vadd.s32 s30, v3;
	v2 =	vld [tilespmem:s9+$0x1A160];
	_ =	sdelay $0x3  }
0x66: {  	v4 =	vld [tilespmem:s12+$0xFFFFBF40]  }
0x67: {  	[tilespmem:v3+s29+$0x0] =	vst.idx.add.f32.msk $0xffff, v5;
	v2 =	vadd.s32 s25, v2  }
0x68: {  	v3 =	vld [tilespmem:s9+$0x1A1A0];
	_ =	sdelay $0x2  }
0x69: {  	v5 =	vld [tilespmem:s12+$0xFFFFBFE0]  }
0x6a: {  	[tilespmem:v2+s29+$0x0] =	vst.idx.add.f32.msk $0xffff, v4  }
0x6b: {  	v3 =	vadd.s32 s30, v3;
	v2 =	vld [tilespmem:s9+$0x1A180];
	_ =	sdelay $0x3  }
0x6c: {  	v4 =	vld [tilespmem:s12+$0xFFFFBF50]  }
0x6d: {  	[tilespmem:v3+s29+$0x0] =	vst.idx.add.f32.msk $0xffff, v5;
	v2 =	vadd.s32 s25, v2  }
0x6e: {  	v3 =	vld [tilespmem:s9+$0x1A1C0];
	_ =	sdelay $0x2  }
0x6f: {  	v5 =	vld [tilespmem:s12+$0xFFFFBFF0]  }
0x70: {  	[tilespmem:v2+s29+$0x0] =	vst.idx.add.f32.msk $0xffff, v4  }
0x71: {  	v3 =	vadd.s32 s30, v3;
	v2 =	vld [tilespmem:s9+$0x1A1A0];
	_ =	sdelay $0x3  }
0x72: {  	v4 =	vld [tilespmem:s12+$0xFFFFBF60]  }
0x73: {  	[tilespmem:v3+s29+$0x0] =	vst.idx.add.f32.msk $0xffff, v5;
	v2 =	vadd.s32 s25, v2  }
0x74: {  	v3 =	vld [tilespmem:s9+$0x1A1E0];
	_ =	sdelay $0x2  }
0x75: {  	v5 =	vld [tilespmem:s12+$0xFFFFC000]  }
0x76: {  	[tilespmem:v2+s29+$0x0] =	vst.idx.add.f32.msk $0xffff, v4  }
0x77: {  	v3 =	vadd.s32 s30, v3;
	v2 =	vld [tilespmem:s9+$0x1A1C0];
	_ =	sdelay $0x3  }
0x78: {  	v4 =	vld [tilespmem:s12+$0xFFFFBF70]  }
0x79: {  	[tilespmem:v3+s29+$0x0] =	vst.idx.add.f32.msk $0xffff, v5;
	v2 =	vadd.s32 s25, v2  }
0x7a: {  	v5 =	vld [tilespmem:s9+$0x1A100]  }
0x7b: {  	v3 =	vld [tilespmem:s9+$0x1A110];
	_ =	sdelay $0x1  }
0x7c: {  	s10 =	sadd.s32 $0x10, s25  }
0x7d: {  	s11 =	sadd.s32 $0x100, s12;
	s13 =	sadd.s32 $0x8, s10;
	[tilespmem:v2+s29+$0x0] =	vst.idx.add.f32.msk $0xffff, v4  }
0x7e: {  	v2 =	vadd.s32 s13, v5;
	v4 =	vld [tilespmem:s11+$0xFFFFBF90]  }
0x7f: {  	v6 =	vld [tilespmem:s12+$0xFFFFFF90];
	v3 =	vadd.s32 s30, v3;
	_ =	sdelay $0x3  }
0x80: {  	[tilespmem:v2+s29+$0x0] =	vst.idx.add.f32.msk $0xffff, v4  }
0x81: {  	[tilespmem:v3+s29+$0x0] =	vst.idx.add.f32.msk $0xffff, v6  }
0x82: {  	v2 =	vld [tilespmem:s9+$0x1A120]  }
0x83: {  	v3 =	vld [tilespmem:s9+$0x1A130]  }
0x84: {  	v5 =	vadd.s32 s10, v5;
	v6 =	vld [tilespmem:s11+$0xFFFFBF10];
	_ =	sdelay $0x1  }
0x85: {  	v7 =	vld [tilespmem:s9+$0x1A1E0]  }
0x86: {  	v8 =	vld [tilespmem:s11+$0xFFFFBFA0];
	v2 =	vadd.s32 s13, v2  }
0x87: {  	v4 =	vld [tilespmem:s12+$0xFFFFFFA0];
	v3 =	vadd.s32 s30, v3  }
0x88: {  	[tilespmem:v5+s29+$0x0] =	vst.idx.add.f32.msk $0xffff, v6  }
0x89: {  	v5 =	vld [tilespmem:s9+$0x1A120]  }
0x8a: {  	v6 =	vld [tilespmem:s12+$0xFFFFBF80]  }
0x8b: {  	v7 =	vadd.s32 s25, v7;
	[tilespmem:v2+s29+$0x0] =	vst.idx.add.f32.msk $0xffff, v8  }
0x8c: {  	[tilespmem:v3+s29+$0x0] =	vst.idx.add.f32.msk $0xffff, v4  }
0x8d: {  	v4 =	vld [tilespmem:s11+$0xFFFFBF20]  }
0x8e: {  	v5 =	vadd.s32 s10, v5;
	v2 =	vld [tilespmem:s9+$0x1A140]  }
0x8f: {  	v3 =	vld [tilespmem:s9+$0x1A150]  }
0x90: {  	[tilespmem:v7+s29+$0x0] =	vst.idx.add.f32.msk $0xffff, v6  }
0x91: {  	v7 =	vld [tilespmem:s11+$0xFFFFBFB0]  }
0x92: {  	v6 =	vld [tilespmem:s12+$0xFFFFFFB0]  }
0x93: {  	[tilespmem:v5+s29+$0x0] =	vst.idx.add.f32.msk $0xffff, v4;
	v2 =	vadd.s32 s13, v2  }
0x94: {  	v5 =	vld [tilespmem:s9+$0x1A110];
	v3 =	vadd.s32 s30, v3;
	_ =	sdelay $0x1  }
0x95: {  	v8 =	vld [tilespmem:s12+$0xFFFFFF10]  }
0x96: {  	v4 =	vld [tilespmem:s9+$0x1A140]  }
0x97: {  	[tilespmem:v2+s29+$0x0] =	vst.idx.add.f32.msk $0xffff, v7  }
0x98: {  	v5 =	vadd.s32 s25, v5;
	[tilespmem:v3+s29+$0x0] =	vst.idx.add.f32.msk $0xffff, v6  }
0x99: {  	v2 =	vld [tilespmem:s9+$0x1A160]  }
0x9a: {  	v3 =	vld [tilespmem:s9+$0x1A170];
	_ =	sdelay $0x1  }
0x9b: {  	v6 =	vld [tilespmem:s11+$0xFFFFBF30];
	v4 =	vadd.s32 s10, v4  }
0x9c: {  	[tilespmem:v5+s29+$0x0] =	vst.idx.add.f32.msk $0xffff, v8  }
0x9d: {  	v5 =	vld [tilespmem:s11+$0xFFFFBFC0];
	v2 =	vadd.s32 s13, v2  }
0x9e: {  	v7 =	vld [tilespmem:s12+$0xFFFFFFC0];
	v3 =	vadd.s32 s30, v3;
	_ =	sdelay $0x1  }
0x9f: {  	[tilespmem:v4+s29+$0x0] =	vst.idx.add.f32.msk $0xffff, v6  }
0xa0: {  	v4 =	vld [tilespmem:s9+$0x1A160]  }
0xa1: {  	[tilespmem:v2+s29+$0x0] =	vst.idx.add.f32.msk $0xffff, v5  }
0xa2: {  	[tilespmem:v3+s29+$0x0] =	vst.idx.add.f32.msk $0xffff, v7  }
0xa3: {  	v2 =	vld [tilespmem:s9+$0x1A180]  }
0xa4: {  	v3 =	vld [tilespmem:s9+$0x1A190]  }
0xa5: {  	v6 =	vld [tilespmem:s11+$0xFFFFBF40];
	v4 =	vadd.s32 s10, v4;
	_ =	sdelay $0x1  }
0xa6: {  	v7 =	vld [tilespmem:s9+$0x1A130]  }
0xa7: {  	v8 =	vld [tilespmem:s11+$0xFFFFBFD0];
	v2 =	vadd.s32 s13, v2  }
0xa8: {  	v5 =	vld [tilespmem:s12+$0xFFFFFFD0];
	v3 =	vadd.s32 s30, v3  }
0xa9: {  	[tilespmem:v4+s29+$0x0] =	vst.idx.add.f32.msk $0xffff, v6  }
0xaa: {  	v4 =	vld [tilespmem:s9+$0x1A180]  }
0xab: {  	v6 =	vadd.s32 s25, v7;
	v7 =	vld [tilespmem:s12+$0xFFFFFF20]  }
0xac: {  	[tilespmem:v2+s29+$0x0] =	vst.idx.add.f32.msk $0xffff, v8  }
0xad: {  	[tilespmem:v3+s29+$0x0] =	vst.idx.add.f32.msk $0xffff, v5  }
0xae: {  	v5 =	vld [tilespmem:s11+$0xFFFFBF50]  }
0xaf: {  	v4 =	vadd.s32 s10, v4;
	v2 =	vld [tilespmem:s9+$0x1A1A0]  }
0xb0: {  	v3 =	vld [tilespmem:s9+$0x1A1B0]  }
0xb1: {  	[tilespmem:v6+s29+$0x0] =	vst.idx.add.f32.msk $0xffff, v7  }
0xb2: {  	v7 =	vld [tilespmem:s11+$0xFFFFBFE0]  }
0xb3: {  	v6 =	vld [tilespmem:s12+$0xFFFFFFE0]  }
0xb4: {  	[tilespmem:v4+s29+$0x0] =	vst.idx.add.f32.msk $0xffff, v5;
	v2 =	vadd.s32 s13, v2  }
0xb5: {  	v5 =	vld [tilespmem:s9+$0x1A150];
	v3 =	vadd.s32 s30, v3;
	_ =	sdelay $0x1  }
0xb6: {  	v4 =	vld [tilespmem:s9+$0x1A1A0]  }
0xb7: {  	v8 =	vld [tilespmem:s12+$0xFFFFFF30]  }
0xb8: {  	[tilespmem:v2+s29+$0x0] =	vst.idx.add.f32.msk $0xffff, v7  }
0xb9: {  	v5 =	vadd.s32 s25, v5;
	[tilespmem:v3+s29+$0x0] =	vst.idx.add.f32.msk $0xffff, v6  }
0xba: {  	v6 =	vld [tilespmem:s11+$0xFFFFBF60]  }
0xbb: {  	v4 =	vadd.s32 s10, v4;
	v2 =	vld [tilespmem:s9+$0x1A1C0];
	_ =	sdelay $0x1  }
0xbc: {  	v3 =	vld [tilespmem:s9+$0x1A1D0]  }
0xbd: {  	[tilespmem:v5+s29+$0x0] =	vst.idx.add.f32.msk $0xffff, v8  }
0xbe: {  	v5 =	vld [tilespmem:s11+$0xFFFFBFF0]  }
0xbf: {  	[tilespmem:v4+s29+$0x0] =	vst.idx.add.f32.msk $0xffff, v6;
	v2 =	vadd.s32 s13, v2  }
0xc0: {  	v6 =	vld [tilespmem:s9+$0x1A170]  }
0xc1: {  	v7 =	vld [tilespmem:s12+$0xFFFFFFF0];
	v3 =	vadd.s32 s30, v3  }
0xc2: {  	v4 =	vld [tilespmem:s9+$0x1A1C0];
	_ =	sdelay $0x1  }
0xc3: {  	[tilespmem:v2+s29+$0x0] =	vst.idx.add.f32.msk $0xffff, v5  }
0xc4: {  	v5 =	vadd.s32 s25, v6;
	v6 =	vld [tilespmem:s12+$0xFFFFFF40]  }
0xc5: {  	[tilespmem:v3+s29+$0x0] =	vst.idx.add.f32.msk $0xffff, v7  }
0xc6: {  	v3 =	vld [tilespmem:s11+$0xFFFFBF70];
	v4 =	vadd.s32 s10, v4  }
0xc7: {  	v2 =	vld [tilespmem:s9+$0x1A1E0]  }
0xc8: {  	v7 =	vld [tilespmem:s9+$0x1A1F0]  }
0xc9: {  	v8 =	vld [tilespmem:s11+$0xFFFFC000]  }
0xca: {  	[tilespmem:v5+s29+$0x0] =	vst.idx.add.f32.msk $0xffff, v6  }
0xcb: {  	[tilespmem:v4+s29+$0x0] =	vst.idx.add.f32.msk $0xffff, v3  }
0xcc: {  	v2 =	vadd.s32 s13, v2;
	v3 =	vld [tilespmem:s9+$0x1A1E0]  }
0xcd: {  	v4 =	vadd.s32 s30, v7;
	v7 =	vld [tilespmem:s12+$0x0]  }
0xce: {  	v5 =	vld [tilespmem:s9+$0x1A190];
	_ =	sdelay $0x1  }
0xcf: {  	v6 =	vld [tilespmem:s11+$0xFFFFBF80]  }
0xd0: {  	[tilespmem:v2+s29+$0x0] =	vst.idx.add.f32.msk $0xffff, v8  }
0xd1: {  	v3 =	vadd.s32 s10, v3;
	[tilespmem:v4+s29+$0x0] =	vst.idx.add.f32.msk $0xffff, v7  }
0xd2: {  	v4 =	vadd.s32 s25, v5;
	v5 =	vld [tilespmem:s12+$0xFFFFFF50]  }
0xd3: {  	v2 =	vld [tilespmem:s9+$0x1A110];
	_ =	sdelay $0x1  }
0xd4: {  	v7 =	vld [tilespmem:s11+$0xFFFFFF90]  }
0xd5: {  	[tilespmem:v3+s29+$0x0] =	vst.idx.add.f32.msk $0xffff, v6  }
0xd6: {  	[tilespmem:v4+s29+$0x0] =	vst.idx.add.f32.msk $0xffff, v5  }
0xd7: {  	v2 =	vadd.s32 s13, v2;
	v4 =	vld [tilespmem:s9+$0x1A100]  }
0xd8: {  	v3 =	vld [tilespmem:s9+$0x1A110];
	_ =	sdelay $0x1  }
0xd9: {  	s7 =	sadd.s32 $0x100, s11;
	s2 =	sadd.s32 $0x10, s10  }
0xda: {  	v9 =	vld [tilespmem:s7+$0xFFFFBF90];
	s1 =	sadd.s32 $0x8, s2  }
0xdb: {  	[tilespmem:v2+s29+$0x0] =	vst.idx.add.f32.msk $0xffff, v7;
	v7 =	vadd.s32 s1, v4  }
0xdc: {  	v6 =	vld [tilespmem:s11+$0xFFFFFF10];
	v3 =	vadd.s32 s10, v3  }
0xdd: {  	v2 =	vld [tilespmem:s9+$0x1A130]  }
0xde: {  	v10 =	vld [tilespmem:s7+$0xFFFFBF10]  }
0xdf: {  	v5 =	vld [tilespmem:s9+$0x1A1B0]  }
0xe0: {  	v4 =	vadd.s32 s2, v4;
	[tilespmem:v7+s29+$0x0] =	vst.idx.add.f32.msk $0xffff, v9  }
0xe1: {  	[tilespmem:v3+s29+$0x0] =	vst.idx.add.f32.msk $0xffff, v6  }
0xe2: {  	v2 =	vadd.s32 s13, v2;
	v6 =	vld [tilespmem:s11+$0xFFFFFFA0]  }
0xe3: {  	v7 =	vld [tilespmem:s9+$0x1A120]  }
0xe4: {  	v8 =	vld [tilespmem:s12+$0xFFFFFF60]  }
0xe5: {  	[tilespmem:v4+s29+$0x0] =	vst.idx.add.f32.msk $0xffff, v10  }
0xe6: {  	v5 =	vadd.s32 s25, v5;
	v4 =	vld [tilespmem:s9+$0x1A120]  }
0xe7: {  	[tilespmem:v2+s29+$0x0] =	vst.idx.add.f32.msk $0xffff, v6  }
0xe8: {  	v6 =	vadd.s32 s1, v7;
	v7 =	vld [tilespmem:s7+$0xFFFFBFA0]  }
0xe9: {  	v2 =	vld [tilespmem:s9+$0x1A150]  }
0xea: {  	v9 =	vld [tilespmem:s7+$0xFFFFBF20]  }
0xeb: {  	[tilespmem:v5+s29+$0x0] =	vst.idx.add.f32.msk $0xffff, v8  }
0xec: {  	v3 =	vld [tilespmem:s9+$0x1A130];
	v4 =	vadd.s32 s2, v4  }
0xed: {  	v5 =	vld [tilespmem:s11+$0xFFFFFFB0]  }
0xee: {  	[tilespmem:v6+s29+$0x0] =	vst.idx.add.f32.msk $0xffff, v7;
	v2 =	vadd.s32 s13, v2  }
0xef: {  	v6 =	vld [tilespmem:s9+$0x1A140]  }
0xf0: {  	v10 =	vld [tilespmem:s11+$0xFFFFFF20]  }
0xf1: {  	[tilespmem:v4+s29+$0x0] =	vst.idx.add.f32.msk $0xffff, v9  }
0xf2: {  	v4 =	vld [tilespmem:s9+$0x1A140]  }
0xf3: {  	v3 =	vadd.s32 s10, v3;
	[tilespmem:v2+s29+$0x0] =	vst.idx.add.f32.msk $0xffff, v5  }
0xf4: {  	v5 =	vadd.s32 s1, v6;
	v6 =	vld [tilespmem:s7+$0xFFFFBFB0]  }
0xf5: {  	v2 =	vld [tilespmem:s9+$0x1A170]  }
0xf6: {  	v9 =	vld [tilespmem:s9+$0x1A1D0]  }
0xf7: {  	v7 =	vld [tilespmem:s7+$0xFFFFBF30];
	v4 =	vadd.s32 s2, v4  }
0xf8: {  	[tilespmem:v3+s29+$0x0] =	vst.idx.add.f32.msk $0xffff, v10  }
0xf9: {  	v8 =	vld [tilespmem:s11+$0xFFFFFFC0]  }
0xfa: {  	[tilespmem:v5+s29+$0x0] =	vst.idx.add.f32.msk $0xffff, v6;
	v2 =	vadd.s32 s13, v2  }
0xfb: {  	v5 =	vld [tilespmem:s9+$0x1A160]  }
0xfc: {  	[tilespmem:v4+s29+$0x0] =	vst.idx.add.f32.msk $0xffff, v7  }
0xfd: {  	v4 =	vld [tilespmem:s9+$0x1A160]  }
0xfe: {  	v6 =	vld [tilespmem:s7+$0xFFFFBFC0]  }
0xff: {  	[tilespmem:v2+s29+$0x0] =	vst.idx.add.f32.msk $0xffff, v8  }
0x100: {  	v5 =	vadd.s32 s1, v5;
	v2 =	vld [tilespmem:s9+$0x1A190]  }
0x101: {  	v3 =	vld [tilespmem:s9+$0x1A150]  }
0x102: {  	v7 =	vld [tilespmem:s7+$0xFFFFBF40];
	v4 =	vadd.s32 s2, v4  }
0x103: {  	v8 =	vld [tilespmem:s11+$0xFFFFFF30]  }
0x104: {  	v10 =	vld [tilespmem:s11+$0xFFFFFFD0]  }
0x105: {  	[tilespmem:v5+s29+$0x0] =	vst.idx.add.f32.msk $0xffff, v6;
	v2 =	vadd.s32 s13, v2  }
0x106: {  	v5 =	vld [tilespmem:s9+$0x1A180]  }
0x107: {  	v3 =	vadd.s32 s10, v3;
	[tilespmem:v4+s29+$0x0] =	vst.idx.add.f32.msk $0xffff, v7  }
0x108: {  	v4 =	vld [tilespmem:s9+$0x1A180]  }
0x109: {  	v6 =	vld [tilespmem:s7+$0xFFFFBFD0]  }
0x10a: {  	[tilespmem:v2+s29+$0x0] =	vst.idx.add.f32.msk $0xffff, v10  }
0x10b: {  	v5 =	vadd.s32 s1, v5;
	v2 =	vld [tilespmem:s9+$0x1A1B0]  }
0x10c: {  	[tilespmem:v3+s29+$0x0] =	vst.idx.add.f32.msk $0xffff, v8  }
0x10d: {  	v7 =	vld [tilespmem:s7+$0xFFFFBF50];
	v4 =	vadd.s32 s2, v4  }
0x10e: {  	v3 =	vld [tilespmem:s9+$0x1A170]  }
0x10f: {  	v8 =	vld [tilespmem:s11+$0xFFFFFFE0]  }
0x110: {  	[tilespmem:v5+s29+$0x0] =	vst.idx.add.f32.msk $0xffff, v6;
	v2 =	vadd.s32 s13, v2  }
0x111: {  	v5 =	vld [tilespmem:s9+$0x1A1A0]  }
0x112: {  	[tilespmem:v4+s29+$0x0] =	vst.idx.add.f32.msk $0xffff, v7  }
0x113: {  	v4 =	vld [tilespmem:s9+$0x1A1A0]  }
0x114: {  	v6 =	vld [tilespmem:s7+$0xFFFFBFE0]  }
0x115: {  	[tilespmem:v2+s29+$0x0] =	vst.idx.add.f32.msk $0xffff, v8  }
0x116: {  	v5 =	vadd.s32 s1, v5;
	v2 =	vld [tilespmem:s9+$0x1A1D0]  }
0x117: {  	v10 =	vld [tilespmem:s12+$0xFFFFFF70]  }
0x118: {  	v7 =	vld [tilespmem:s7+$0xFFFFBF60];
	v4 =	vadd.s32 s2, v4  }
0x119: {  	v8 =	vld [tilespmem:s11+$0xFFFFFF40]  }
0x11a: {  	v11 =	vld [tilespmem:s11+$0xFFFFFFF0]  }
0x11b: {  	[tilespmem:v5+s29+$0x0] =	vst.idx.add.f32.msk $0xffff, v6;
	v2 =	vadd.s32 s13, v2  }
0x11c: {  	v5 =	vld [tilespmem:s9+$0x1A1C0]  }
0x11d: {  	v3 =	vadd.s32 s10, v3;
	[tilespmem:v4+s29+$0x0] =	vst.idx.add.f32.msk $0xffff, v7  }
0x11e: {  	v4 =	vld [tilespmem:s9+$0x1A1C0]  }
0x11f: {  	v6 =	vld [tilespmem:s7+$0xFFFFBFF0]  }
0x120: {  	[tilespmem:v2+s29+$0x0] =	vst.idx.add.f32.msk $0xffff, v11  }
0x121: {  	v5 =	vadd.s32 s1, v5;
	v2 =	vld [tilespmem:s9+$0x1A1F0]  }
0x122: {  	[tilespmem:v3+s29+$0x0] =	vst.idx.add.f32.msk $0xffff, v8  }
0x123: {  	v7 =	vld [tilespmem:s7+$0xFFFFBF70];
	v4 =	vadd.s32 s2, v4  }
0x124: {  	v3 =	vld [tilespmem:s9+$0x1A190]  }
0x125: {  	v8 =	vld [tilespmem:s11+$0x0]  }
0x126: {  	[tilespmem:v5+s29+$0x0] =	vst.idx.add.f32.msk $0xffff, v6;
	v2 =	vadd.s32 s13, v2  }
0x127: {  	v5 =	vld [tilespmem:s9+$0x1A1E0]  }
0x128: {  	[tilespmem:v4+s29+$0x0] =	vst.idx.add.f32.msk $0xffff, v7  }
0x129: {  	v4 =	vadd.s32 s25, v9;
	v6 =	vld [tilespmem:s9+$0x1A1E0]  }
0x12a: {  	v9 =	vld [tilespmem:s11+$0xFFFFFF50]  }
0x12b: {  	[tilespmem:v2+s29+$0x0] =	vst.idx.add.f32.msk $0xffff, v8  }
0x12c: {  	v5 =	vadd.s32 s1, v5;
	v8 =	vld [tilespmem:s7+$0xFFFFC000]  }
0x12d: {  	v7 =	vld [tilespmem:s7+$0xFFFFBF80]  }
0x12e: {  	[tilespmem:v4+s29+$0x0] =	vst.idx.add.f32.msk $0xffff, v10;
	v6 =	vadd.s32 s2, v6  }
0x12f: {  	v4 =	vld [tilespmem:s9+$0x1A1F0]  }
0x130: {  	v3 =	vadd.s32 s10, v3;
	v2 =	vld [tilespmem:s12+$0xFFFFFF80]  }
0x131: {  	[tilespmem:v5+s29+$0x0] =	vst.idx.add.f32.msk $0xffff, v8  }
0x132: {  	v8 =	vld [tilespmem:s9+$0x1A110]  }
0x133: {  	[tilespmem:v6+s29+$0x0] =	vst.idx.add.f32.msk $0xffff, v7  }
0x134: {  	s12 =	sshll.u32 s19, $0x7;
	v6 =	vld [tilespmem:s9+$0x1A110]  }
0x135: {  	[tilespmem:v3+s29+$0x0] =	vst.idx.add.f32.msk $0xffff, v9;
	s31 =	sor.u32 $0x65, s12  }
0x136: {  	s5 =	smulhi.u32 $0x4BDA12F7, s31;
	v3 =	vadd.s32 s25, v4;
	v4 =	vld [tilespmem:s9+$0x1A1B0]  }
0x137: {  	s16 =	sand.u32 $0xF, s26;
	s17 =	simm.s32 $0x4;
	v7 =	vld [tilespmem:s7+$0xFFFFFF90];
	v8 =	vadd.s32 s1, v8  }
0x138: {  	s8 =	smov.u32 s7;
	s13 =	smov.u32 s2;
	s6 =	sshrl.u32 s5, $0x3;
	v5 =	vld [tilespmem:s7+$0xFFFFFF10]  }
.LBB2_5:
0x139: {  	v9 =	vld [tilespmem:s9+$0x1A100];
	s17 =	sadd.s32 $0x2, s17;
	v6 =	vadd.s32 s2, v6  }
0x13a: {  	p0 =	slt.u32 s17, $0x1E;
	v10 =	vld [tilespmem:s11+$0xFFFFFF60]  }
0x13b: {  	[tilespmem:v3+s29+$0x0] =	vst.idx.add.f32.msk $0xffff, v2  }
0x13c: {  	s2 =	sadd.s32 $0x10, s2;
	[tilespmem:v8+s29+$0x0] =	vst.idx.add.f32.msk $0xffff, v7  }
0x13d: {  	s7 =	sadd.s32 $0x100, s7;
	s15 =	sadd.s32 $0x8, s2;
	v2 =	vld [tilespmem:s9+$0x1A130];
	v3 =	vadd.s32 s10, v4  }
0x13e: {  	v4 =	vadd.s32 s2, v9;
	v7 =	vadd.s32 s15, v9;
	v8 =	vld [tilespmem:s7+$0xFFFFBF90]  }
0x13f: {  	v9 =	vld [tilespmem:s7+$0xFFFFBF10]  }
0x140: {  	[tilespmem:v6+s29+$0x0] =	vst.idx.add.f32.msk $0xffff, v5  }
0x141: {  	v5 =	vld [tilespmem:s9+$0x1A130]  }
0x142: {  	v2 =	vadd.s32 s1, v2;
	v6 =	vld [tilespmem:s8+$0xFFFFFFA0]  }
0x143: {  	[tilespmem:v7+s29+$0x0] =	vst.idx.add.f32.msk $0xffff, v8  }
0x144: {  	v7 =	vld [tilespmem:s9+$0x1A120]  }
0x145: {  	[tilespmem:v4+s29+$0x0] =	vst.idx.add.f32.msk $0xffff, v9  }
0x146: {  	v4 =	vld [tilespmem:s9+$0x1A120];
	v5 =	vadd.s32 s13, v5  }
0x147: {  	[tilespmem:v2+s29+$0x0] =	vst.idx.add.f32.msk $0xffff, v6  }
0x148: {  	v2 =	vld [tilespmem:s9+$0x1A150]  }
0x149: {  	v6 =	vadd.s32 s15, v7;
	v7 =	vld [tilespmem:s7+$0xFFFFBFA0]  }
0x14a: {  	v8 =	vld [tilespmem:s7+$0xFFFFBF20]  }
0x14b: {  	v4 =	vadd.s32 s2, v4;
	v9 =	vld [tilespmem:s8+$0xFFFFFF20]  }
0x14c: {  	[tilespmem:v3+s29+$0x0] =	vst.idx.add.f32.msk $0xffff, v10  }
0x14d: {  	v2 =	vadd.s32 s1, v2;
	v3 =	vld [tilespmem:s8+$0xFFFFFFB0]  }
0x14e: {  	[tilespmem:v6+s29+$0x0] =	vst.idx.add.f32.msk $0xffff, v7  }
0x14f: {  	v6 =	vld [tilespmem:s9+$0x1A140]  }
0x150: {  	[tilespmem:v4+s29+$0x0] =	vst.idx.add.f32.msk $0xffff, v8  }
0x151: {  	v4 =	vld [tilespmem:s9+$0x1A140]  }
0x152: {  	[tilespmem:v2+s29+$0x0] =	vst.idx.add.f32.msk $0xffff, v3  }
0x153: {  	v2 =	vld [tilespmem:s9+$0x1A170]  }
0x154: {  	v3 =	vadd.s32 s15, v6;
	v6 =	vld [tilespmem:s7+$0xFFFFBFB0]  }
0x155: {  	v7 =	vld [tilespmem:s7+$0xFFFFBF30]  }
0x156: {  	v4 =	vadd.s32 s2, v4;
	[tilespmem:v5+s29+$0x0] =	vst.idx.add.f32.msk $0xffff, v9  }
0x157: {  	v5 =	vld [tilespmem:s9+$0x1A150]  }
0x158: {  	v2 =	vadd.s32 s1, v2;
	v8 =	vld [tilespmem:s8+$0xFFFFFFC0]  }
0x159: {  	[tilespmem:v3+s29+$0x0] =	vst.idx.add.f32.msk $0xffff, v6  }
0x15a: {  	v3 =	vld [tilespmem:s9+$0x1A160]  }
0x15b: {  	[tilespmem:v4+s29+$0x0] =	vst.idx.add.f32.msk $0xffff, v7  }
0x15c: {  	v4 =	vld [tilespmem:s9+$0x1A160];
	v5 =	vadd.s32 s13, v5  }
0x15d: {  	[tilespmem:v2+s29+$0x0] =	vst.idx.add.f32.msk $0xffff, v8  }
0x15e: {  	v2 =	vld [tilespmem:s9+$0x1A190]  }
0x15f: {  	v3 =	vadd.s32 s15, v3;
	v6 =	vld [tilespmem:s7+$0xFFFFBFC0]  }
0x160: {  	v7 =	vld [tilespmem:s7+$0xFFFFBF40]  }
0x161: {  	v4 =	vadd.s32 s2, v4;
	v8 =	vld [tilespmem:s8+$0xFFFFFF30]  }
0x162: {  	v9 =	vld [tilespmem:s9+$0x1A1D0]  }
0x163: {  	v2 =	vadd.s32 s1, v2;
	v10 =	vld [tilespmem:s8+$0xFFFFFFD0]  }
0x164: {  	[tilespmem:v3+s29+$0x0] =	vst.idx.add.f32.msk $0xffff, v6  }
0x165: {  	v3 =	vld [tilespmem:s9+$0x1A180]  }
0x166: {  	[tilespmem:v4+s29+$0x0] =	vst.idx.add.f32.msk $0xffff, v7  }
0x167: {  	v4 =	vld [tilespmem:s9+$0x1A180];
	v6 =	vadd.s32 s10, v9  }
0x168: {  	[tilespmem:v2+s29+$0x0] =	vst.idx.add.f32.msk $0xffff, v10  }
0x169: {  	v2 =	vld [tilespmem:s9+$0x1A1B0]  }
0x16a: {  	v3 =	vadd.s32 s15, v3;
	v7 =	vld [tilespmem:s7+$0xFFFFBFD0]  }
0x16b: {  	v9 =	vld [tilespmem:s7+$0xFFFFBF50]  }
0x16c: {  	v4 =	vadd.s32 s2, v4;
	[tilespmem:v5+s29+$0x0] =	vst.idx.add.f32.msk $0xffff, v8  }
0x16d: {  	v5 =	vld [tilespmem:s9+$0x1A170]  }
0x16e: {  	v2 =	vadd.s32 s1, v2;
	v8 =	vld [tilespmem:s8+$0xFFFFFFE0]  }
0x16f: {  	[tilespmem:v3+s29+$0x0] =	vst.idx.add.f32.msk $0xffff, v7  }
0x170: {  	v3 =	vld [tilespmem:s9+$0x1A1A0]  }
0x171: {  	[tilespmem:v4+s29+$0x0] =	vst.idx.add.f32.msk $0xffff, v9  }
0x172: {  	v4 =	vld [tilespmem:s9+$0x1A1A0];
	v5 =	vadd.s32 s13, v5  }
0x173: {  	[tilespmem:v2+s29+$0x0] =	vst.idx.add.f32.msk $0xffff, v8  }
0x174: {  	v2 =	vld [tilespmem:s9+$0x1A1D0]  }
0x175: {  	v3 =	vadd.s32 s15, v3;
	v7 =	vld [tilespmem:s7+$0xFFFFBFE0]  }
0x176: {  	v8 =	vld [tilespmem:s7+$0xFFFFBF60]  }
0x177: {  	v4 =	vadd.s32 s2, v4;
	v9 =	vld [tilespmem:s8+$0xFFFFFF40]  }
0x178: {  	v10 =	vld [tilespmem:s11+$0xFFFFFF70]  }
0x179: {  	v2 =	vadd.s32 s1, v2;
	v11 =	vld [tilespmem:s8+$0xFFFFFFF0]  }
0x17a: {  	[tilespmem:v3+s29+$0x0] =	vst.idx.add.f32.msk $0xffff, v7  }
0x17b: {  	v3 =	vld [tilespmem:s9+$0x1A1C0]  }
0x17c: {  	[tilespmem:v4+s29+$0x0] =	vst.idx.add.f32.msk $0xffff, v8  }
0x17d: {  	v4 =	vld [tilespmem:s9+$0x1A1C0]  }
0x17e: {  	[tilespmem:v2+s29+$0x0] =	vst.idx.add.f32.msk $0xffff, v11  }
0x17f: {  	v2 =	vld [tilespmem:s9+$0x1A1F0]  }
0x180: {  	v3 =	vadd.s32 s15, v3;
	v7 =	vld [tilespmem:s7+$0xFFFFBFF0]  }
0x181: {  	v8 =	vld [tilespmem:s7+$0xFFFFBF70]  }
0x182: {  	v4 =	vadd.s32 s2, v4;
	[tilespmem:v5+s29+$0x0] =	vst.idx.add.f32.msk $0xffff, v9  }
0x183: {  	v5 =	vld [tilespmem:s9+$0x1A190]  }
0x184: {  	v2 =	vadd.s32 s1, v2;
	v9 =	vld [tilespmem:s8+$0x0];
	s1 =	smov.u32 s15  }
0x185: {  	[tilespmem:v3+s29+$0x0] =	vst.idx.add.f32.msk $0xffff, v7  }
0x186: {  	v3 =	vld [tilespmem:s9+$0x1A1E0]  }
0x187: {  	[tilespmem:v4+s29+$0x0] =	vst.idx.add.f32.msk $0xffff, v8  }
0x188: {  	v4 =	vld [tilespmem:s9+$0x1A1E0];
	v7 =	vadd.s32 s13, v5  }
0x189: {  	[tilespmem:v2+s29+$0x0] =	vst.idx.add.f32.msk $0xffff, v9  }
0x18a: {  	v5 =	vld [tilespmem:s7+$0xFFFFBF80]  }
0x18b: {  	v3 =	vadd.s32 s1, v3;
	v8 =	vld [tilespmem:s7+$0xFFFFC000]  }
0x18c: {  	v9 =	vld [tilespmem:s8+$0xFFFFFF50]  }
0x18d: {  	v4 =	vadd.s32 s2, v4;
	[tilespmem:v6+s29+$0x0] =	vst.idx.add.f32.msk $0xffff, v10  }
0x18e: {  	v10 =	vld [tilespmem:s9+$0x1A1F0]  }
0x18f: {  	v2 =	vld [tilespmem:s11+$0xFFFFFF80];
	s11 =	smov.u32 s8;
	s8 =	smov.u32 s7  }
0x190: {  	[tilespmem:v3+s29+$0x0] =	vst.idx.add.f32.msk $0xffff, v8  }
0x191: {  	v8 =	vld [tilespmem:s9+$0x1A110]  }
0x192: {  	[tilespmem:v4+s29+$0x0] =	vst.idx.add.f32.msk $0xffff, v5  }
.Ltmp3:
0x193: {  	v6 =	vld [tilespmem:s9+$0x1A110];
	v3 =	vadd.s32 s10, v10;
	s10 =	smov.u32 s13;
	s13 =	smov.u32 s2;
	(pc) =	sbr.rel @p0 .LBB2_5-.Ltmp3, $4  }
0x194: {  	v5 =	vld [tilespmem:s7+$0xFFFFFF10]  }
0x195: {  	[tilespmem:v7+s29+$0x0] =	vst.idx.add.f32.msk $0xffff, v9  }
0x196: {  	v8 =	vadd.s32 s1, v8;
	v7 =	vld [tilespmem:s7+$0xFFFFFF90]  }
0x197: {  	v4 =	vld [tilespmem:s9+$0x1A1B0]  }
0x198: {  	_ =	sdelay $0x3  }
0x199: {  	[tilespmem:v8+s29+$0x0] =	vst.idx.add.f32.msk $0xffff, v7  }
0x19a: {  	v6 =	vadd.s32 s2, v6;
	v7 =	vld [tilespmem:s9+$0x1A130];
	_ =	sdelay $0x3  }
0x19b: {  	v61 =	vld [tilespmem:s8+$0xFFFFFFA0]  }
0x19c: {  	[tilespmem:v6+s29+$0x0] =	vst.idx.add.f32.msk $0xffff, v5;
	v60 =	vadd.s32 s1, v7  }
0x19d: {  	v5 =	vld [tilespmem:s9+$0x1A130];
	_ =	sdelay $0x2  }
0x19e: {  	v62 =	vld [tilespmem:s8+$0xFFFFFF20]  }
0x19f: {  	[tilespmem:v60+s29+$0x0] =	vst.idx.add.f32.msk $0xffff, v61  }
0x1a0: {  	v5 =	vadd.s32 s13, v5;
	v6 =	vld [tilespmem:s9+$0x1A150];
	_ =	sdelay $0x3  }
0x1a1: {  	v7 =	vld [tilespmem:s8+$0xFFFFFFB0]  }
0x1a2: {  	[tilespmem:v5+s29+$0x0] =	vst.idx.add.f32.msk $0xffff, v62;
	v6 =	vadd.s32 s1, v6  }
0x1a3: {  	v5 =	vld [tilespmem:s9+$0x1A150];
	_ =	sdelay $0x2  }
0x1a4: {  	v8 =	vld [tilespmem:s8+$0xFFFFFF30]  }
0x1a5: {  	[tilespmem:v6+s29+$0x0] =	vst.idx.add.f32.msk $0xffff, v7  }
0x1a6: {  	v5 =	vadd.s32 s13, v5;
	v6 =	vld [tilespmem:s9+$0x1A170];
	_ =	sdelay $0x3  }
0x1a7: {  	v7 =	vld [tilespmem:s8+$0xFFFFFFC0]  }
0x1a8: {  	[tilespmem:v5+s29+$0x0] =	vst.idx.add.f32.msk $0xffff, v8;
	v6 =	vadd.s32 s1, v6  }
0x1a9: {  	v5 =	vld [tilespmem:s9+$0x1A170];
	_ =	sdelay $0x2  }
0x1aa: {  	v8 =	vld [tilespmem:s8+$0xFFFFFF40]  }
0x1ab: {  	[tilespmem:v6+s29+$0x0] =	vst.idx.add.f32.msk $0xffff, v7  }
0x1ac: {  	v5 =	vadd.s32 s13, v5;
	v6 =	vld [tilespmem:s9+$0x1A190];
	_ =	sdelay $0x3  }
0x1ad: {  	v7 =	vld [tilespmem:s8+$0xFFFFFFD0]  }
0x1ae: {  	[tilespmem:v5+s29+$0x0] =	vst.idx.add.f32.msk $0xffff, v8;
	v6 =	vadd.s32 s1, v6  }
0x1af: {  	v5 =	vld [tilespmem:s9+$0x1A190];
	_ =	sdelay $0x2  }
0x1b0: {  	v8 =	vld [tilespmem:s8+$0xFFFFFF50]  }
0x1b1: {  	[tilespmem:v6+s29+$0x0] =	vst.idx.add.f32.msk $0xffff, v7  }
0x1b2: {  	v5 =	vadd.s32 s13, v5;
	v6 =	vld [tilespmem:s9+$0x1A1B0];
	_ =	sdelay $0x3  }
0x1b3: {  	v7 =	vld [tilespmem:s8+$0xFFFFFFE0]  }
0x1b4: {  	[tilespmem:v5+s29+$0x0] =	vst.idx.add.f32.msk $0xffff, v8;
	v6 =	vadd.s32 s1, v6  }
0x1b5: {  	v5 =	vld [tilespmem:s9+$0x1A1B0];
	_ =	sdelay $0x1  }
0x1b6: {  	v63 =	vld [tilespmem:s11+$0xFFFFFF60];
	v4 =	vadd.s32 s10, v4  }
0x1b7: {  	v9 =	vld [tilespmem:s8+$0xFFFFFF60]  }
0x1b8: {  	[tilespmem:v6+s29+$0x0] =	vst.idx.add.f32.msk $0xffff, v7  }
0x1b9: {  	v5 =	vadd.s32 s13, v5;
	v6 =	vld [tilespmem:s9+$0x1A1D0];
	_ =	sdelay $0x1  }
0x1ba: {  	[tilespmem:v4+s29+$0x0] =	vst.idx.add.f32.msk $0xffff, v63  }
0x1bb: {  	v4 =	vld [tilespmem:s9+$0x1A1D0]  }
0x1bc: {  	v7 =	vld [tilespmem:s8+$0xFFFFFFF0]  }
0x1bd: {  	[tilespmem:v5+s29+$0x0] =	vst.idx.add.f32.msk $0xffff, v9;
	v6 =	vadd.s32 s1, v6  }
0x1be: {  	v5 =	vld [tilespmem:s9+$0x1A1D0];
	_ =	sdelay $0x1  }
0x1bf: {  	v8 =	vld [tilespmem:s11+$0xFFFFFF70]  }
0x1c0: {  	v4 =	vadd.s32 s10, v4;
	v9 =	vld [tilespmem:s8+$0xFFFFFF70]  }
0x1c1: {  	[tilespmem:v6+s29+$0x0] =	vst.idx.add.f32.msk $0xffff, v7  }
0x1c2: {  	p0 =	sne.s32 s16, $0xF;
	v5 =	vadd.s32 s13, v5;
	v6 =	vld [tilespmem:s9+$0x1A1F0]  }
0x1c3: {  	s2 =	sadd.s32 @!p0 $0xFFFFFFE5, s12  }
0x1c4: {  	s5 =	smulhi.u32 @!p0 $0x4BDA12F7, s2;
	s2 =	sshra.s32 @!p0 s2, $0x1F  }
0x1c5: {  	s2 =	smul.u32 @!p0 $0x4BDA12F7, s2;
	[tilespmem:v4+s29+$0x0] =	vst.idx.add.f32.msk $0xffff, v8  }
0x1c6: {  	v4 =	vld [tilespmem:s9+$0x1A1F0]  }
0x1c7: {  	[tilespmem:v5+s29+$0x0] =	vst.idx.add.f32.msk $0xffff, v9;
	v6 =	vadd.s32 s1, v6;
	s1 =	sadd.s32 @!p0 s2, s5  }
0x1c8: {  	v5 =	vld [tilespmem:s9+$0x1A1F0];
	s2 =	sshrl.u32 @!p0 s1, $0x1F;
	s1 =	sshra.s32 @!p0 s1, $0x3  }
0x1c9: {  	p1 =	sgt.u32 @!p0 s26, $0xF;
	s1 =	sadd.s32 @!p0 s2, s1  }
0x1ca: {  	p1 =	por !p1, p0;
	s28 =	sadd.s32 @!p0 $0x1, s1  }
0x1cb: {  	v8 =	vld [tilespmem:s11+$0xFFFFFF80];
	v4 =	vadd.s32 s10, v4;
	s28 =	simm.s32 @p1 $0x0  }
0x1cc: {  	v7 =	vld [tilespmem:s8+$0x0];
	p1 =	sgt.u32 @!p0 s28, s6  }
0x1cd: {  	v9 =	vld [tilespmem:s8+$0xFFFFFF80];
	v5 =	vadd.s32 s13, v5;
	p0 =	por p0, p1  }
.Ltmp4:
0x1ce: {  	_ = 	snop;
	(pc) =	sbr.rel @p0 .LBB2_14-.Ltmp4, $4  }
0x1cf: {  	[tilespmem:v3+s29+$0x0] =	vst.idx.add.f32.msk $0xffff, v2  }
0x1d0: {  	[tilespmem:v4+s29+$0x0] =	vst.idx.add.f32.msk $0xffff, v8  }
0x1d1: {  	[tilespmem:v6+s29+$0x0] =	vst.idx.add.f32.msk $0xffff, v7  }
0x1d2: {  	[tilespmem:v5+s29+$0x0] =	vst.idx.add.f32.msk $0xffff, v9  }
.LBB2_7:
0x1d3: {  	s1 =	sshra.s32 s28, $0x1F  }
0x1d4: {  	s1 =	sshrl.u32 s1, $0x1D  }
0x1d5: {  	s1 =	sadd.s32 s1, s28  }
0x1d6: {  	s1 =	sand.u32 $0xFFFFFFF8, s1  }
0x1d7: {  	s9 =	ssub.s32 s28, s1  }
0x1d8: {  	s1 =	smul.u32 $0x1C20, s9  }
0x1d9: {  	s2 =	sshrl.u32 s28, $0x1F  }
0x1da: {  	s2 =	sadd.s32 s2, s28;
	s1 =	sadd.s32 $0x1A22, s1  }
0x1db: {  	s2 =	sand.u32 $0xFFFFFFFE, s2;
	s5 =	sadd.s32 $0xFFFFE5E6, s1  }
0x1dc: {  	p0 =	slt.s32 s28, $0x2;
	s10 =	ssub.s32 s28, s2;
	v2 =	vadd.s32 s5, v1  }
0x1dd: {  	s2 =	sadd.s32 @!p0 $0x9, s10  }
0x1de: {  	_ =	swait.ge @!p0 [sflag:s2], $0x2000  }
0x1df: {  	s12 =	sadd.s32 $0xFFFFFFFF, s28;
	[sflag:s2] =	ssyncset.done @!p0 $0x0  }
0x1e0: {  	s8 =	simm.f32 $5.000000000e-01;
	[sflag:s2] =	ssyncadd.s32 @!p0 $0xFFFFE000;
	p0 =	slt.u32 s12, $0x1A  }
0x1e1: {  	s8 =	simm.s32 @!p0 $0x3F800000;
	v4 =	vld.idx.msk [tilespmem:v2+s29+$0x0], $0xffff  }
0x1e2: {  	s13 =	sadd.s32 $0xFFFFE5DE, s1;
	s2 =	smul.f32 $5.000000000e-01, s8  }
0x1e3: {  	s7 =	sshll.u32 s10, $0xF;
	s15 =	sadd.s32 $0xFFFFE7E8, s1;
	v5 =	vadd.s32 s13, v1  }
0x1e4: {  	s7 =	sshra.s32 s7, $0x2;
	s12 =	simm.s32 $0x0;
	v6 =	vadd.s32 s15, v1;
	v2 =	vmov s2  }
0x1e5: {  	s16 =	simm.s32 $0x80;
	s11 =	sadd.s32 $0x16100, s7;
	s17 =	sand.u32 $0x1800, s12;
	v3 =	vsel vm1, s8, v2  }
0x1e6: {  	s12 =	sadd.s32 s17, s11;
	s5 =	sand.u32 $0x380, s16;
	v4 =	vmul.f32 v4, v3  }
0x1e7: {  	s7 =	sadd.s32 s5, s12  }
0x1e8: {  	v5 =	vld.idx.msk [tilespmem:v5+s29+$0x0], $0xffff;
	[tilespmem:s7+$0x0] =	vst v4  }
0x1e9: {  	v4 =	vld.idx.msk [tilespmem:v6+s29+$0x0], $0xffff  }
0x1ea: {  	s18 =	sadd.s32 $0xFFFFE7E0, s1  }
0x1eb: {  	s19 =	sadd.s32 $0xFFFFE9EA, s1;
	v6 =	vadd.s32 s18, v1  }
0x1ec: {  	s13 =	simm.s32 $0x0;
	v7 =	vadd.s32 s19, v1  }
0x1ed: {  	s20 =	sand.u32 $0x300, s13;
	v5 =	vmul.f32 v5, v3  }
0x1ee: {  	s17 =	sadd.s32 s20, s12;
	v4 =	vmul.f32 v4, v2  }
0x1ef: {  	[tilespmem:s17+$0x0] =	vst v5  }
0x1f0: {  	v5 =	vld.idx.msk [tilespmem:v6+s29+$0x0], $0xffff;
	[tilespmem:s7+$0x10] =	vst v4  }
0x1f1: {  	v4 =	vld.idx.msk [tilespmem:v7+s29+$0x0], $0xffff  }
0x1f2: {  	s21 =	sadd.s32 $0xFFFFE9E2, s1  }
0x1f3: {  	s22 =	sadd.s32 $0xFFFFEBEC, s1;
	s16 =	sadd.s32 $0x10, s1;
	v6 =	vadd.s32 s21, v1  }
0x1f4: {  	s23 =	sadd.s32 $0xFFFFE5E6, s16;
	v7 =	vadd.s32 s22, v1  }
0x1f5: {  	v8 =	vadd.s32 s23, v1;
	v5 =	vmul.f32 v5, v2  }
0x1f6: {  	v4 =	vmul.f32 v4, v2  }
0x1f7: {  	[tilespmem:s17+$0x10] =	vst v5  }
0x1f8: {  	v5 =	vld.idx.msk [tilespmem:v6+s29+$0x0], $0xffff;
	[tilespmem:s7+$0x20] =	vst v4  }
0x1f9: {  	s24 =	sadd.s32 $0xFFFFE5DE, s16;
	v4 =	vld.idx.msk [tilespmem:v7+s29+$0x0], $0xffff  }
0x1fa: {  	s25 =	sadd.s32 $0xFFFFEBE4, s1;
	v6 =	vadd.s32 s24, v1;
	v7 =	vld.idx.msk [tilespmem:v8+s29+$0x0], $0xffff  }
0x1fb: {  	s3 =	sadd.s32 $0xFFFFEDEE, s1;
	v8 =	vadd.s32 s25, v1  }
0x1fc: {  	v9 =	vadd.s32 s3, v1;
	s4 =	sadd.s32 $0xFFFFE7E8, s16  }
0x1fd: {  	s13 =	simm.s32 $0x200;
	v10 =	vadd.s32 s4, v1;
	v5 =	vmul.f32 v5, v2  }
0x1fe: {  	s15 =	simm.s32 $0x180;
	s5 =	sand.u32 $0x1800, s13;
	v4 =	vmul.f32 v4, v2  }
0x1ff: {  	s12 =	sand.u32 $0x380, s15;
	s5 =	sadd.s32 s5, s11;
	[tilespmem:s17+$0x20] =	vst v5;
	v5 =	vld.idx.msk [tilespmem:v6+s29+$0x0], $0xffff;
	v6 =	vmul.f32 v7, v3  }
0x200: {  	s12 =	sadd.s32 s12, s5;
	v7 =	vld.idx.msk [tilespmem:v8+s29+$0x0], $0xffff;
	[tilespmem:s7+$0x30] =	vst v4  }
0x201: {  	s18 =	sadd.s32 $0xFFFFE7E0, s16;
	[tilespmem:s12+$0x0] =	vst v6;
	v4 =	vld.idx.msk [tilespmem:v9+s29+$0x0], $0xffff  }
0x202: {  	s15 =	sadd.s32 $0xFFFFEDE6, s1;
	v6 =	vadd.s32 s18, v1;
	v8 =	vld.idx.msk [tilespmem:v10+s29+$0x0], $0xffff  }
0x203: {  	s19 =	simm.s32 $0x100;
	s20 =	sadd.s32 $0xFFFFEFF0, s1;
	v9 =	vadd.s32 s15, v1  }
0x204: {  	s13 =	sand.u32 $0x300, s19;
	s19 =	sadd.s32 $0xFFFFE9EA, s16;
	v10 =	vadd.s32 s20, v1;
	v5 =	vmul.f32 v5, v3  }
0x205: {  	v11 =	vadd.s32 s19, v1;
	s18 =	sadd.s32 s13, s5;
	v7 =	vmul.f32 v7, v2  }
0x206: {  	[tilespmem:s18+$0x0] =	vst v5;
	v4 =	vmul.f32 v4, v2  }
0x207: {  	v5 =	vld.idx.msk [tilespmem:v6+s29+$0x0], $0xffff;
	[tilespmem:s17+$0x30] =	vst v7;
	v6 =	vmul.f32 v8, v2  }
0x208: {  	v7 =	vld.idx.msk [tilespmem:v9+s29+$0x0], $0xffff;
	[tilespmem:s7+$0x40] =	vst v4  }
0x209: {  	s21 =	sadd.s32 $0xFFFFE9E2, s16;
	[tilespmem:s12+$0x10] =	vst v6;
	v4 =	vld.idx.msk [tilespmem:v10+s29+$0x0], $0xffff  }
0x20a: {  	s22 =	sadd.s32 $0xFFFFEFE8, s1;
	v6 =	vadd.s32 s21, v1;
	v8 =	vld.idx.msk [tilespmem:v11+s29+$0x0], $0xffff  }
0x20b: {  	s23 =	sadd.s32 $0xFFFFF1F2, s1;
	v9 =	vadd.s32 s22, v1  }
0x20c: {  	s19 =	sadd.s32 $0x10, s16;
	s24 =	sadd.s32 $0xFFFFEBEC, s16;
	v10 =	vadd.s32 s23, v1;
	v5 =	vmul.f32 v5, v2  }
0x20d: {  	s25 =	sadd.s32 $0xFFFFE5E6, s19;
	v11 =	vadd.s32 s24, v1;
	v7 =	vmul.f32 v7, v2  }
0x20e: {  	[tilespmem:s18+$0x10] =	vst v5;
	v5 =	vadd.s32 s25, v1;
	v4 =	vmul.f32 v4, v2  }
0x20f: {  	v6 =	vld.idx.msk [tilespmem:v6+s29+$0x0], $0xffff;
	[tilespmem:s17+$0x40] =	vst v7;
	v7 =	vmul.f32 v8, v2  }
0x210: {  	s3 =	sadd.s32 $0xFFFFE5DE, s19;
	v8 =	vld.idx.msk [tilespmem:v9+s29+$0x0], $0xffff;
	[tilespmem:s7+$0x50] =	vst v4  }
0x211: {  	s4 =	sadd.s32 $0xFFFFEBE4, s16;
	v4 =	vadd.s32 s3, v1;
	[tilespmem:s12+$0x20] =	vst v7;
	v7 =	vld.idx.msk [tilespmem:v10+s29+$0x0], $0xffff  }
0x212: {  	s15 =	sadd.s32 $0xFFFFF1EA, s1;
	v9 =	vadd.s32 s4, v1;
	v10 =	vld.idx.msk [tilespmem:v11+s29+$0x0], $0xffff  }
0x213: {  	s20 =	sadd.s32 $0xFFFFF3F4, s1;
	v11 =	vadd.s32 s15, v1;
	v5 =	vld.idx.msk [tilespmem:v5+s29+$0x0], $0xffff  }
0x214: {  	v12 =	vadd.s32 s20, v1;
	s21 =	sadd.s32 $0xFFFFEDEE, s16;
	v6 =	vmul.f32 v6, v2  }
0x215: {  	s22 =	sadd.s32 $0xFFFFE7E8, s19;
	v13 =	vadd.s32 s21, v1;
	v8 =	vmul.f32 v8, v2  }
0x216: {  	s23 =	simm.s32 $0x400;
	[tilespmem:s18+$0x20] =	vst v6;
	v6 =	vadd.s32 s22, v1;
	v4 =	vld.idx.msk [tilespmem:v4+s29+$0x0], $0xffff;
	v7 =	vmul.f32 v7, v2  }
0x217: {  	s24 =	simm.s32 $0x280;
	s5 =	sand.u32 $0x1800, s23;
	[tilespmem:s17+$0x50] =	vst v8;
	v8 =	vld.idx.msk [tilespmem:v9+s29+$0x0], $0xffff;
	v9 =	vmul.f32 v10, v2  }
0x218: {  	s13 =	sand.u32 $0x380, s24;
	s5 =	sadd.s32 s5, s11;
	s25 =	sadd.s32 $0xFFFFE7E0, s19;
	v10 =	vld.idx.msk [tilespmem:v11+s29+$0x0], $0xffff;
	v5 =	vmul.f32 v5, v3;
	[tilespmem:s7+$0x60] =	vst v7  }
0x219: {  	s20 =	sadd.s32 s13, s5;
	s22 =	sadd.s32 $0xFFFFEDE6, s16;
	v7 =	vadd.s32 s25, v1;
	[tilespmem:s12+$0x30] =	vst v9;
	v9 =	vld.idx.msk [tilespmem:v12+s29+$0x0], $0xffff  }
0x21a: {  	s4 =	simm.s32 $0x200;
	s3 =	sadd.s32 $0xFFFFF3EC, s1;
	v11 =	vadd.s32 s22, v1;
	[tilespmem:s20+$0x0] =	vst v5;
	v5 =	vld.idx.msk [tilespmem:v13+s29+$0x0], $0xffff  }
0x21b: {  	s21 =	sadd.s32 $0xFFFFF5F6, s1;
	s15 =	sand.u32 $0x300, s4;
	v12 =	vadd.s32 s3, v1;
	v6 =	vld.idx.msk [tilespmem:v6+s29+$0x0], $0xffff;
	v4 =	vmul.f32 v4, v3  }
0x21c: {  	s23 =	sadd.s32 $0xFFFFEFF0, s16;
	s22 =	sadd.s32 s15, s5;
	v13 =	vadd.s32 s21, v1;
	v8 =	vmul.f32 v8, v2  }
0x21d: {  	s24 =	sadd.s32 $0xFFFFE9EA, s19;
	[tilespmem:s22+$0x0] =	vst v4;
	v4 =	vmul.f32 v10, v2;
	v10 =	vadd.s32 s23, v1  }
0x21e: {  	[tilespmem:s18+$0x30] =	vst v8;
	v8 =	vadd.s32 s24, v1;
	v7 =	vld.idx.msk [tilespmem:v7+s29+$0x0], $0xffff;
	v9 =	vmul.f32 v9, v2  }
0x21f: {  	v11 =	vld.idx.msk [tilespmem:v11+s29+$0x0], $0xffff;
	[tilespmem:s17+$0x60] =	vst v4;
	v4 =	vmul.f32 v5, v2  }
0x220: {  	s25 =	sadd.s32 $0xFFFFE9E2, s19;
	v6 =	vmul.f32 v6, v2;
	v5 =	vld.idx.msk [tilespmem:v12+s29+$0x0], $0xffff;
	[tilespmem:s7+$0x70] =	vst v9  }
0x221: {  	s3 =	sadd.s32 $0xFFFFEFE8, s16;
	v9 =	vadd.s32 s25, v1;
	[tilespmem:s12+$0x40] =	vst v4;
	v4 =	vld.idx.msk [tilespmem:v13+s29+$0x0], $0xffff  }
0x222: {  	s4 =	sadd.s32 $0xFFFFF5EE, s1;
	v12 =	vadd.s32 s3, v1;
	[tilespmem:s20+$0x10] =	vst v6;
	v6 =	vld.idx.msk [tilespmem:v10+s29+$0x0], $0xffff  }
0x223: {  	s13 =	sadd.s32 $0xFFFFF7F8, s1;
	v10 =	vadd.s32 s4, v1;
	v8 =	vld.idx.msk [tilespmem:v8+s29+$0x0], $0xffff;
	v7 =	vmul.f32 v7, v2  }
0x224: {  	s15 =	sadd.s32 $0xFFFFF1F2, s16;
	v13 =	vadd.s32 s13, v1;
	v11 =	vmul.f32 v11, v2  }
0x225: {  	s30 =	sadd.s32 $0x10, s19;
	s21 =	sadd.s32 $0xFFFFEBEC, s19;
	[tilespmem:s22+$0x10] =	vst v7;
	v5 =	vmul.f32 v5, v2;
	v7 =	vadd.s32 s15, v1  }
0x226: {  	s23 =	sadd.s32 $0xFFFFE5E6, s30;
	[tilespmem:s18+$0x40] =	vst v11;
	v11 =	vadd.s32 s21, v1;
	v9 =	vld.idx.msk [tilespmem:v9+s29+$0x0], $0xffff;
	v4 =	vmul.f32 v4, v2  }
0x227: {  	s24 =	sadd.s32 $0xFFFFE5DE, s30;
	v12 =	vld.idx.msk [tilespmem:v12+s29+$0x0], $0xffff;
	[tilespmem:s17+$0x70] =	vst v5;
	v5 =	vadd.s32 s23, v1;
	v6 =	vmul.f32 v6, v2  }
0x228: {  	v14 =	vadd.s32 s24, v1;
	s25 =	sadd.s32 $0xFFFFEBE4, s19;
	v8 =	vmul.f32 v8, v2;
	v10 =	vld.idx.msk [tilespmem:v10+s29+$0x0], $0xffff;
	[tilespmem:s7+$0x400] =	vst v4  }
0x229: {  	s3 =	sadd.s32 $0xFFFFF1EA, s16;
	v4 =	vadd.s32 s25, v1;
	[tilespmem:s12+$0x50] =	vst v6;
	v6 =	vld.idx.msk [tilespmem:v13+s29+$0x0], $0xffff  }
0x22a: {  	s4 =	sadd.s32 $0xFFFFF7F0, s1;
	[tilespmem:s20+$0x20] =	vst v8;
	v13 =	vadd.s32 s3, v1;
	v7 =	vld.idx.msk [tilespmem:v7+s29+$0x0], $0xffff  }
0x22b: {  	s15 =	sadd.s32 $0xFFFFF9FA, s1;
	v8 =	vadd.s32 s4, v1;
	v11 =	vld.idx.msk [tilespmem:v11+s29+$0x0], $0xffff;
	v9 =	vmul.f32 v9, v2  }
0x22c: {  	s21 =	sadd.s32 $0xFFFFF3F4, s16;
	v15 =	vadd.s32 s15, v1;
	v12 =	vmul.f32 v12, v2;
	v5 =	vld.idx.msk [tilespmem:v5+s29+$0x0], $0xffff  }
0x22d: {  	s23 =	sadd.s32 $0xFFFFEDEE, s19;
	[tilespmem:s22+$0x20] =	vst v9;
	v9 =	vmul.f32 v10, v2;
	v10 =	vld.idx.msk [tilespmem:v14+s29+$0x0], $0xffff;
	v14 =	vadd.s32 s21, v1  }
0x22e: {  	s24 =	sadd.s32 $0xFFFFE7E8, s30;
	[tilespmem:s18+$0x50] =	vst v12;
	v12 =	vadd.s32 s23, v1;
	v4 =	vld.idx.msk [tilespmem:v4+s29+$0x0], $0xffff;
	v6 =	vmul.f32 v6, v2  }
0x22f: {  	s5 =	sadd.s32 $0xFFFFF3EC, s16;
	s25 =	sadd.s32 $0xFFFFE7E0, s30;
	s3 =	simm.s32 $0x600;
	[tilespmem:s17+$0x400] =	vst v9;
	v9 =	vld.idx.msk [tilespmem:v13+s29+$0x0], $0xffff;
	v13 =	vadd.s32 s24, v1;
	v7 =	vmul.f32 v7, v2  }
0x230: {  	s4 =	simm.s32 $0x380;
	v16 =	vadd.s32 s25, v1;
	s13 =	sand.u32 $0x1800, s3;
	s23 =	sadd.s32 $0xFFFFEDE6, s19;
	v11 =	vmul.f32 v11, v2;
	v8 =	vld.idx.msk [tilespmem:v8+s29+$0x0], $0xffff;
	[tilespmem:s7+$0x410] =	vst v6  }
0x231: {  	s15 =	sand.u32 $0x380, s4;
	s13 =	sadd.s32 s13, s11;
	s21 =	simm.s32 $0x300;
	v6 =	vadd.s32 s23, v1;
	v5 =	vmul.f32 v5, v3;
	[tilespmem:s12+$0x60] =	vst v7;
	v7 =	vld.idx.msk [tilespmem:v15+s29+$0x0], $0xffff  }
0x232: {  	s31 =	sadd.s32 s15, s13;
	s25 =	sand.u32 $0x300, s21;
	s24 =	sadd.s32 $0xFFFFF9F2, s1;
	[tilespmem:s20+$0x30] =	vst v11;
	v15 =	vadd.s32 s5, v1;
	v10 =	vmul.f32 v10, v3;
	v11 =	vld.idx.msk [tilespmem:v14+s29+$0x0], $0xffff  }
0x233: {  	s3 =	sadd.s32 $0xFFFFFBFC, s1;
	s23 =	sadd.s32 s25, s13;
	v14 =	vadd.s32 s24, v1;
	[tilespmem:s31+$0x0] =	vst v5;
	v4 =	vmul.f32 v4, v2;
	v5 =	vld.idx.msk [tilespmem:v12+s29+$0x0], $0xffff  }
0x234: {  	s4 =	sadd.s32 $0xFFFFF5F6, s16;
	v12 =	vadd.s32 s3, v1;
	[tilespmem:s23+$0x0] =	vst v10;
	v10 =	vld.idx.msk [tilespmem:v13+s29+$0x0], $0xffff;
	v9 =	vmul.f32 v9, v2  }
0x235: {  	s15 =	sadd.s32 $0xFFFFEFF0, s19;
	v13 =	vld.idx.msk [tilespmem:v16+s29+$0x0], $0xffff;
	[tilespmem:s22+$0x30] =	vst v4;
	v4 =	vmul.f32 v8, v2;
	v8 =	vadd.s32 s4, v1  }
0x236: {  	s21 =	sadd.s32 $0xFFFFE9EA, s30;
	v6 =	vld.idx.msk [tilespmem:v6+s29+$0x0], $0xffff;
	[tilespmem:s18+$0x60] =	vst v9;
	v9 =	vadd.s32 s15, v1;
	v7 =	vmul.f32 v7, v2  }
0x237: {  	s24 =	sadd.s32 $0xFFFFE9E2, s30;
	v15 =	vld.idx.msk [tilespmem:v15+s29+$0x0], $0xffff;
	[tilespmem:s17+$0x410] =	vst v4;
	v4 =	vadd.s32 s21, v1;
	v11 =	vmul.f32 v11, v2  }
0x238: {  	s25 =	sadd.s32 $0xFFFFEFE8, s19;
	v16 =	vadd.s32 s24, v1;
	v14 =	vld.idx.msk [tilespmem:v14+s29+$0x0], $0xffff;
	v5 =	vmul.f32 v5, v2;
	[tilespmem:s7+$0x420] =	vst v7  }
0x239: {  	s3 =	sadd.s32 $0xFFFFF5EE, s16;
	v7 =	vadd.s32 s25, v1;
	v10 =	vmul.f32 v10, v2;
	[tilespmem:s12+$0x70] =	vst v11;
	v11 =	vld.idx.msk [tilespmem:v12+s29+$0x0], $0xffff  }
0x23a: {  	s4 =	sadd.s32 $0xFFFFFBF4, s1;
	v12 =	vadd.s32 s3, v1;
	v13 =	vmul.f32 v13, v2;
	[tilespmem:s20+$0x40] =	vst v5;
	v5 =	vld.idx.msk [tilespmem:v8+s29+$0x0], $0xffff  }
0x23b: {  	s13 =	sadd.s32 $0xFFFFFDFE, s1;
	v8 =	vadd.s32 s4, v1;
	[tilespmem:s31+$0x10] =	vst v10;
	v6 =	vmul.f32 v6, v2;
	v9 =	vld.idx.msk [tilespmem:v9+s29+$0x0], $0xffff  }
0x23c: {  	s15 =	sadd.s32 $0xFFFFF7F8, s16;
	[tilespmem:s23+$0x10] =	vst v13;
	v10 =	vld.idx.msk [tilespmem:v4+s29+$0x0], $0xffff;
	v4 =	vmul.f32 v15, v2;
	v13 =	vadd.s32 s13, v1  }
0x23d: {  	s21 =	sadd.s32 $0xFFFFF1F2, s19;
	v15 =	vld.idx.msk [tilespmem:v16+s29+$0x0], $0xffff;
	[tilespmem:s22+$0x40] =	vst v6;
	v6 =	vmul.f32 v14, v2;
	v14 =	vadd.s32 s15, v1  }
0x23e: {  	s24 =	sadd.s32 $0x10, s30;
	v19 =	vadd.s32 s21, v1;
	s25 =	sadd.s32 $0xFFFFEBEC, s30;
	v18 =	vld.idx.msk [tilespmem:v7+s29+$0x0], $0xffff;
	[tilespmem:s18+$0x70] =	vst v4;
	v7 =	vmul.f32 v11, v2  }
0x23f: {  	s4 =	sadd.s32 $0xFFFFE5E6, s24;
	v16 =	vmov s8;
	v11 =	vld.idx.msk [tilespmem:v12+s29+$0x0], $0xffff;
	[tilespmem:s17+$0x420] =	vst v6;
	v12 =	vadd.s32 s25, v1;
	v5 =	vmul.f32 v5, v2  }
0x240: {  	s15 =	sadd.s32 $0xFFFFE5DE, s24;
	v4 =	vsel vm1, s2, v16;
	v16 =	vadd.s32 s4, v1;
	v8 =	vld.idx.msk [tilespmem:v8+s29+$0x0], $0xffff;
	v6 =	vmul.f32 v9, v2;
	[tilespmem:s7+$0x430] =	vst v7  }
0x241: {  	v24 =	vadd.s32 s1, v1;
	s3 =	sadd.s32 $0xFFFFFDF6, s1;
	v20 =	vadd.s32 s15, v1;
	s25 =	sadd.s32 $0xFFFFEBE4, s30;
	v9 =	vmul.f32 v10, v2;
	[tilespmem:s12+$0x400] =	vst v5;
	v10 =	vld.idx.msk [tilespmem:v13+s29+$0x0], $0xffff  }
0x242: {  	v17 =	vadd.s32 s3, v1;
	s3 =	sadd.s32 $0xFFFFF9F2, s16;
	s4 =	sadd.s32 $0xFFFFF1EA, s19;
	v21 =	vadd.s32 s25, v1;
	[tilespmem:s20+$0x50] =	vst v6;
	v14 =	vld.idx.msk [tilespmem:v14+s29+$0x0], $0xffff  }
0x243: {  	s21 =	sadd.s32 $0xFFFFF7F0, s16;
	v23 =	vadd.s32 s3, v1;
	s3 =	sadd.s32 $0xFFFFF5EE, s19;
	v22 =	vadd.s32 s4, v1;
	v15 =	vmul.f32 v15, v2;
	[tilespmem:s31+$0x20] =	vst v9;
	v19 =	vld.idx.msk [tilespmem:v19+s29+$0x0], $0xffff  }
0x244: {  	s13 =	sadd.s32 $0xFFFFFFF8, s1;
	s1 =	sadd.s32 $0xFFFFEDE6, s30;
	v34 =	vadd.s32 s3, v1;
	s3 =	sadd.s32 $0xFFFFE7E8, s24;
	v13 =	vadd.s32 s21, v1;
	v18 =	vmul.f32 v18, v2;
	v12 =	vld.idx.msk [tilespmem:v12+s29+$0x0], $0xffff  }
0x245: {  	s5 =	sadd.s32 $0xFFFFFDF6, s19;
	v32 =	vadd.s32 s1, v1;
	v29 =	vadd.s32 s3, v1;
	s25 =	sadd.s32 $0xFFFFF3EC, s19;
	[tilespmem:s23+$0x20] =	vst v15;
	v11 =	vmul.f32 v11, v2;
	v15 =	vld.idx.msk [tilespmem:v16+s29+$0x0], $0xffff  }
0x246: {  	s8 =	simm.s32 $0x800;
	s4 =	sadd.s32 $0xFFFFF9FA, s16;
	v7 =	vadd.s32 s13, v1;
	v25 =	vadd.s32 s25, v1;
	s21 =	sadd.s32 $0xFFFFFFF8, s16;
	[tilespmem:s22+$0x50] =	vst v18;
	v8 =	vmul.f32 v8, v2;
	v18 =	vld.idx.msk [tilespmem:v20+s29+$0x0], $0xffff  }
0x247: {  	s1 =	simm.s32 $0x400;
	s15 =	sadd.s32 $0xFFFFFDF6, s16;
	v5 =	vadd.s32 s21, v1;
	s21 =	sadd.s32 $0xFFFFF3F4, s19;
	v20 =	vadd.s32 s4, v1;
	v21 =	vld.idx.msk [tilespmem:v21+s29+$0x0], $0xffff;
	[tilespmem:s18+$0x400] =	vst v11;
	v10 =	vmul.f32 v10, v2  }
0x248: {  	s2 =	sadd.s32 $0xFFFFFFF8, s19;
	s13 =	sadd.s32 $0xFFFFFBF4, s16;
	v6 =	vadd.s32 s15, v1;
	v26 =	vadd.s32 s21, v1;
	s4 =	sadd.s32 $0xFFFFEDEE, s30;
	v28 =	vld.idx.msk [tilespmem:v22+s29+$0x0], $0xffff;
	[tilespmem:s17+$0x430] =	vst v8;
	v8 =	vmul.f32 v14, v2  }
0x249: {  	s1 =	sand.u32 $0x300, s1;
	s25 =	sadd.s32 $0xFFFFFBF4, s19;
	v9 =	vadd.s32 s13, v1;
	s13 =	sadd.s32 $0xFFFFF7F0, s19;
	v27 =	vadd.s32 s4, v1;
	v13 =	vld.idx.msk [tilespmem:v13+s29+$0x0], $0xffff;
	v19 =	vmul.f32 v19, v2;
	[tilespmem:s7+$0x440] =	vst v10  }
0x24a: {  	v16 =	vadd.s32 s13, v1;
	s21 =	sadd.s32 $0xFFFFE7E0, s24;
	s13 =	simm.s32 $0x480;
	v11 =	vadd.s32 s25, v1;
	s25 =	sand.u32 $0x1800, s8;
	v46 =	vld.idx.msk [tilespmem:v17+s29+$0x0], $0xffff;
	v12 =	vmul.f32 v12, v2;
	[tilespmem:s12+$0x410] =	vst v8  }
0x24b: {  	v30 =	vadd.s32 s21, v1;
	s21 =	sand.u32 $0x380, s13;
	s4 =	sadd.s32 $0xFFFFEFE8, s30;
	v10 =	vadd.s32 s5, v1;
	s5 =	sadd.s32 s25, s11;
	v15 =	vmul.f32 v15, v3;
	v31 =	vld.idx.msk [tilespmem:v24+s29+$0x0], $0xffff;
	[tilespmem:s20+$0x60] =	vst v19  }
0x24c: {  	s15 =	sadd.s32 $0xFFFFF9F2, s19;
	v35 =	vadd.s32 s4, v1;
	s4 =	sadd.s32 $0xFFFFFBFC, s16;
	v8 =	vadd.s32 s2, v1;
	v19 =	vld.idx.msk [tilespmem:v20+s29+$0x0], $0xffff;
	v18 =	vmul.f32 v18, v3;
	s2 =	sadd.s32 s21, s5;
	[tilespmem:s31+$0x30] =	vst v12  }
0x24d: {  	v14 =	vadd.s32 s15, v1;
	s15 =	sadd.s32 $0xFFFFF5EE, s30;
	v36 =	vadd.s32 s4, v1;
	s25 =	sadd.s32 $0xFFFFF3EC, s30;
	s1 =	sadd.s32 s1, s5;
	v26 =	vld.idx.msk [tilespmem:v26+s29+$0x0], $0xffff;
	[tilespmem:s2+$0x0] =	vst v15;
	v12 =	vmul.f32 v21, v2  }
0x24e: {  	v22 =	vadd.s32 s25, v1;
	s21 =	sadd.s32 $0xFFFFF7F0, s30;
	s25 =	sadd.s32 $0xFFFFF9F2, s30;
	v21 =	vadd.s32 s15, v1;
	v28 =	vmul.f32 v28, v2;
	v27 =	vld.idx.msk [tilespmem:v27+s29+$0x0], $0xffff;
	[tilespmem:s1+$0x0] =	vst v18  }
0x24f: {  	v20 =	vadd.s32 s21, v1;
	s15 =	sadd.s32 $0xFFFFFBF4, s30;
	s21 =	sadd.s32 $0xFFFFF5F6, s19;
	v29 =	vld.idx.msk [tilespmem:v29+s29+$0x0], $0xffff;
	v18 =	vadd.s32 s25, v1;
	[tilespmem:s23+$0x30] =	vst v12;
	v12 =	vmul.f32 v13, v2  }
0x250: {  	s25 =	sadd.s32 $0xFFFFFDF6, s30;
	v15 =	vadd.s32 s15, v1;
	s15 =	sadd.s32 $0xFFFFEFF0, s30;
	v38 =	vadd.s32 s21, v1;
	v33 =	vld.idx.msk [tilespmem:v30+s29+$0x0], $0xffff;
	[tilespmem:s22+$0x60] =	vst v28;
	v28 =	vmul.f32 v31, v4  }
0x251: {  	s3 =	sadd.s32 $0xFFFFF1EA, s30;
	v13 =	vadd.s32 s25, v1;
	s25 =	sadd.s32 $0xFFFFE9EA, s24;
	v39 =	vadd.s32 s15, v1;
	v37 =	vld.idx.msk [tilespmem:v32+s29+$0x0], $0xffff;
	[tilespmem:s18+$0x410] =	vst v12;
	v19 =	vmul.f32 v19, v2  }
0x252: {  	v24 =	vadd.s32 s3, v1;
	s5 =	sadd.s32 $0xFFFFE9E2, s24;
	s15 =	sadd.s32 $0xFFFFEBE4, s24;
	v40 =	vld.idx.msk [tilespmem:v25+s29+$0x0], $0xffff;
	v41 =	vadd.s32 s25, v1;
	v25 =	vmul.f32 v26, v2;
	[tilespmem:s7+$0x450] =	vst v28  }
0x253: {  	v44 =	vadd.s32 s5, v1;
	s21 =	sadd.s32 $0xFFFFFFF8, s30;
	s25 =	sadd.s32 $0xFFFFEFE8, s24;
	v32 =	vadd.s32 s15, v1;
	v43 =	vld.idx.msk [tilespmem:v23+s29+$0x0], $0xffff;
	v23 =	vmul.f32 v27, v2;
	[tilespmem:s12+$0x420] =	vst v19  }
0x254: {  	s15 =	sadd.s32 $0xFFFFF3EC, s24;
	v12 =	vadd.s32 s21, v1;
	s21 =	sadd.s32 $0xFFFFEDE6, s24;
	v30 =	vadd.s32 s25, v1;
	v17 =	vmul.f32 v29, v2;
	[tilespmem:s20+$0x70] =	vst v25;
	v36 =	vld.idx.msk [tilespmem:v36+s29+$0x0], $0xffff  }
0x255: {  	v31 =	vadd.s32 s21, v1;
	s21 =	sadd.s32 $0xFFFFF5EE, s24;
	s7 =	sadd.s32 $0xFFFFF1EA, s24;
	v28 =	vadd.s32 s15, v1;
	v19 =	vmul.f32 v33, v2;
	[tilespmem:s31+$0x40] =	vst v23;
	v38 =	vld.idx.msk [tilespmem:v38+s29+$0x0], $0xffff  }
0x256: {  	s25 =	sadd.s32 $0xFFFFF7F0, s24;
	s15 =	sadd.s32 $0xFFFFFBF4, s24;
	v27 =	vadd.s32 s21, v1;
	v29 =	vadd.s32 s7, v1;
	[tilespmem:s2+$0x10] =	vst v17;
	v62 =	vmul.f32 v37, v2;
	v42 =	vld.idx.msk [tilespmem:v39+s29+$0x0], $0xffff  }
0x257: {  	s21 =	sadd.s32 $0xFFFFFDF6, s24;
	v25 =	vadd.s32 s25, v1;
	v26 =	vadd.s32 s15, v1;
	s15 =	sadd.s32 $0xFFFFFDFE, s16;
	v63 =	vmul.f32 v40, v2;
	[tilespmem:s1+$0x10] =	vst v19;
	v45 =	vld.idx.msk [tilespmem:v41+s29+$0x0], $0xffff  }
0x258: {  	s25 =	sadd.s32 $0xFFFFFFF8, s24;
	v17 =	vadd.s32 s21, v1;
	s21 =	sadd.s32 $0xFFFFF7F8, s19;
	v33 =	vadd.s32 s15, v1;
	v44 =	vld.idx.msk [tilespmem:v44+s29+$0x0], $0xffff;
	[tilespmem:s23+$0x40] =	vst v62;
	v47 =	vmul.f32 v43, v2  }
0x259: {  	s7 =	sadd.s32 $0xFFFFF9F2, s24;
	v37 =	vmul.f32 v46, v2;
	v19 =	vadd.s32 s25, v1;
	s25 =	sadd.s32 $0xFFFFF1F2, s30;
	v40 =	vadd.s32 s21, v1;
	[tilespmem:s22+$0x70] =	vst v63;
	v41 =	vld.idx.msk [tilespmem:v35+s29+$0x0], $0xffff  }
0x25a: {  	s5 =	sadd.s32 $0xFFFFEBEC, s24;
	v23 =	vadd.s32 s7, v1;
	s7 =	simm.s32 $0x8;
	s15 =	sadd.s32 $0x10, s24;
	v43 =	vadd.s32 s25, v1;
	v39 =	vld.idx.msk [tilespmem:v34+s29+$0x0], $0xffff;
	[tilespmem:s18+$0x420] =	vst v47;
	v34 =	vmul.f32 v36, v2  }
.LBB2_8:
0x25b: {  	s3 =	sadd.s32 $0xFFFFE5DE, s15;
	s4 =	sadd.s32 $0xFFFFE5E6, s15;
	s7 =	sadd.s32 $0x2, s7;
	v46 =	vadd.s32 s5, v1;
	v35 =	vmul.f32 v38, v2;
	v38 =	vld.idx.msk [tilespmem:v9+s29+$0x0], $0xffff;
	[tilespmem:s17+$0x440] =	vst v37;
	v9 =	vmovc v11;
	v11 =	vmov v15  }
0x25c: {  	s5 =	sadd.s32 $0xFFFFE9E2, s15;
	v36 =	vmul.f32 v42, v2;
	v15 =	vmovc v26;
	v37 =	vadd.s32 s3, v1;
	s3 =	sadd.s32 $0xFFFFE7E0, s15;
	v47 =	vadd.s32 s4, v1;
	p0 =	slt.u32 s7, $0x1E;
	[tilespmem:s12+$0x430] =	vst v34;
	v42 =	vld.idx.msk [tilespmem:v7+s29+$0x0], $0xffff  }
0x25d: {  	v34 =	vadd.s32 s5, v1;
	s4 =	sadd.s32 $0xFFFFEDE6, s15;
	s5 =	sadd.s32 $0xFFFFEFE8, s15;
	v26 =	vmul.f32 v45, v2;
	v7 =	vmovc v5;
	v48 =	vadd.s32 s3, v1;
	s3 =	sadd.s32 $0xFFFFEBE4, s15;
	[tilespmem:s20+$0x400] =	vst v35;
	v33 =	vld.idx.msk [tilespmem:v33+s29+$0x0], $0xffff  }
0x25e: {  	s21 =	sadd.s32 $0xFFFFF5EE, s15;
	v5 =	vmovc v8;
	v49 =	vadd.s32 s4, v1;
	s4 =	sadd.s32 $0xFFFFF3EC, s15;
	v44 =	vmul.f32 v44, v2;
	v45 =	vadd.s32 s3, v1;
	s3 =	sadd.s32 $0xFFFFF1EA, s15;
	[tilespmem:s31+$0x50] =	vst v36;
	v40 =	vld.idx.msk [tilespmem:v40+s29+$0x0], $0xffff  }
0x25f: {  	s25 =	sadd.s32 $0xFFFFFBF4, s15;
	v8 =	vmovc v12;
	v35 =	vadd.s32 s5, v1;
	s5 =	sadd.s32 $0xFFFFF9F2, s15;
	v50 =	vadd.s32 s3, v1;
	s3 =	sadd.s32 $0xFFFFF7F0, s15;
	[tilespmem:s2+$0x20] =	vst v26;
	v26 =	vmul.f32 v41, v2;
	v41 =	vld.idx.msk [tilespmem:v43+s29+$0x0], $0xffff  }
0x260: {  	v12 =	vmovc v19;
	v36 =	vadd.s32 s21, v1;
	s21 =	sadd.s32 $0xFFFFFFF8, s15;
	v43 =	vadd.s32 s4, v1;
	s4 =	sadd.s32 $0xFFFFFDF6, s15;
	v39 =	vmul.f32 v39, v2;
	[tilespmem:s1+$0x20] =	vst v44;
	v44 =	vld.idx.msk [tilespmem:v46+s29+$0x0], $0xffff  }
0x261: {  	v46 =	vadd.s32 s3, v1;
	s3 =	sadd.s32 $0xFFFFF9FA, s19;
	v19 =	vmul.f32 v38, v2;
	v38 =	vadd.s32 s16, v1;
	s16 =	smov.u32 s19;
	s19 =	smov.u32 s30;
	v47 =	vld.idx.msk [tilespmem:v47+s29+$0x0], $0xffff;
	[tilespmem:s23+$0x50] =	vst v26  }
0x262: {  	v51 =	vadd.s32 s5, v1;
	s30 =	smov.u32 s24;
	s24 =	smov.u32 s15;
	s5 =	sadd.s32 $0xFFFFF3F4, s19;
	v42 =	vmul.f32 v42, v4;
	v37 =	vld.idx.msk [tilespmem:v37+s29+$0x0], $0xffff;
	[tilespmem:s22+$0x400] =	vst v39;
	v39 =	vadd.s32 s3, v1  }
0x263: {  	v26 =	vadd.s32 s25, v1;
	s3 =	sadd.s32 $0xFFFFEDEE, s30;
	v53 =	vadd.s32 s5, v1;
	v33 =	vmul.f32 v33, v2;
	v52 =	vld.idx.msk [tilespmem:v32+s29+$0x0], $0xffff;
	[tilespmem:s18+$0x430] =	vst v19;
	v32 =	vmovc v45  }
0x264: {  	v45 =	vadd.s32 s4, v1;
	s4 =	sadd.s32 $0xFFFFE7E8, s15;
	v54 =	vadd.s32 s3, v1;
	v40 =	vmul.f32 v40, v2;
	v55 =	vld.idx.msk [tilespmem:v24+s29+$0x0], $0xffff;
	[tilespmem:s17+$0x450] =	vst v42;
	v24 =	vmovc v29;
	s17 =	smov.u32 s18;
	s18 =	smov.u32 s22  }
0x265: {  	s8 =	sadd.s32 $0x200, s8;
	v19 =	vadd.s32 s21, v1;
	v42 =	vadd.s32 s4, v1;
	v41 =	vmul.f32 v41, v2;
	v29 =	vmovc v50;
	s22 =	smov.u32 s23;
	s23 =	smov.u32 s1;
	v56 =	vld.idx.msk [tilespmem:v16+s29+$0x0], $0xffff;
	[tilespmem:s12+$0x440] =	vst v33  }
0x266: {  	s13 =	sadd.s32 $0x100, s13;
	s1 =	sand.u32 $0x1800, s8;
	v33 =	vmul.f32 v44, v2;
	v16 =	vmovc v20;
	v20 =	vmov v25;
	v25 =	vmov v46;
	[tilespmem:s20+$0x410] =	vst v40;
	v38 =	vld.idx.msk [tilespmem:v38+s29+$0x0], $0xffff  }
0x267: {  	s3 =	sadd.s32 $0xFFFFFF80, s13;
	s4 =	sand.u32 $0x380, s13;
	s1 =	sadd.s32 s1, s11;
	v40 =	vmul.f32 v47, v3;
	[tilespmem:s31+$0x60] =	vst v41;
	v39 =	vld.idx.msk [tilespmem:v39+s29+$0x0], $0xffff  }
0x268: {  	s3 =	sand.u32 $0x300, s3;
	s4 =	sadd.s32 s4, s1;
	v37 =	vmul.f32 v37, v3;
	[tilespmem:s2+$0x30] =	vst v33;
	v33 =	vld.idx.msk [tilespmem:v53+s29+$0x0], $0xffff  }
0x269: {  	s1 =	sadd.s32 s3, s1;
	[tilespmem:s4+$0x0] =	vst v40;
	v40 =	vmul.f32 v52, v2;
	v41 =	vld.idx.msk [tilespmem:v54+s29+$0x0], $0xffff  }
0x26a: {  	s3 =	sadd.s32 $0xFFFFFBFC, s16;
	[tilespmem:s1+$0x0] =	vst v37;
	v37 =	vld.idx.msk [tilespmem:v42+s29+$0x0], $0xffff;
	v42 =	vmul.f32 v55, v2  }
0x26b: {  	s5 =	sadd.s32 $0xFFFFF5F6, s19;
	v46 =	vadd.s32 s3, v1;
	v44 =	vld.idx.msk [tilespmem:v48+s29+$0x0], $0xffff;
	[tilespmem:s23+$0x30] =	vst v40;
	v40 =	vmul.f32 v56, v2  }
0x26c: {  	s3 =	sadd.s32 $0xFFFFEFF0, s30;
	v38 =	vmul.f32 v38, v4;
	v47 =	vld.idx.msk [tilespmem:v31+s29+$0x0], $0xffff;
	[tilespmem:s22+$0x60] =	vst v42;
	v42 =	vadd.s32 s5, v1;
	v31 =	vmov v49  }
0x26d: {  	v48 =	vadd.s32 s3, v1;
	s5 =	sadd.s32 $0xFFFFE9EA, s15;
	v39 =	vmul.f32 v39, v2;
	v49 =	vld.idx.msk [tilespmem:v22+s29+$0x0], $0xffff;
	[tilespmem:s18+$0x410] =	vst v40;
	v22 =	vmovc v28;
	v28 =	vmov v43  }
0x26e: {  	v40 =	vadd.s32 s5, v1;
	v33 =	vmul.f32 v33, v2;
	v43 =	vld.idx.msk [tilespmem:v14+s29+$0x0], $0xffff;
	[tilespmem:s12+$0x450] =	vst v38;
	v14 =	vmovc v18;
	v18 =	vmov v23;
	s12 =	smov.u32 s20;
	s20 =	smov.u32 s31;
	s31 =	smov.u32 s2  }
0x26f: {  	v38 =	vmul.f32 v41, v2;
	v23 =	vmovc v51;
	s2 =	smov.u32 s4;
	[tilespmem:s12+$0x420] =	vst v39;
	v39 =	vld.idx.msk [tilespmem:v6+s29+$0x0], $0xffff;
	v6 =	vmov v10;
	v10 =	vmov v13  }
0x270: {  	v37 =	vmul.f32 v37, v2;
	v13 =	vmov v17;
	v17 =	vmov v45;
	[tilespmem:s20+$0x70] =	vst v33;
	v46 =	vld.idx.msk [tilespmem:v46+s29+$0x0], $0xffff  }
0x271: {  	v33 =	vmul.f32 v44, v2;
	[tilespmem:s31+$0x40] =	vst v38;
	v38 =	vld.idx.msk [tilespmem:v42+s29+$0x0], $0xffff  }
.Ltmp5:
0x272: {  	[tilespmem:s2+$0x10] =	vst v37;
	v37 =	vmul.f32 v47, v2;
	v42 =	vld.idx.msk [tilespmem:v48+s29+$0x0], $0xffff;
	(pc) =	sbr.rel @p0 .LBB2_8-.Ltmp5, $4  }
0x273: {  	s3 =	sadd.s32 $0xFFFFFDFE, s16;
	[tilespmem:s1+$0x10] =	vst v33;
	v45 =	vld.idx.msk [tilespmem:v40+s29+$0x0], $0xffff;
	v40 =	vmul.f32 v49, v2  }
0x274: {  	s4 =	sadd.s32 $0xFFFFF7F8, s19;
	v33 =	vadd.s32 s3, v1;
	v44 =	vld.idx.msk [tilespmem:v34+s29+$0x0], $0xffff;
	[tilespmem:s23+$0x40] =	vst v37;
	v34 =	vmul.f32 v43, v2  }
0x275: {  	s3 =	sadd.s32 $0xFFFFF1F2, s30;
	v37 =	vmul.f32 v39, v2;
	v41 =	vld.idx.msk [tilespmem:v30+s29+$0x0], $0xffff;
	[tilespmem:s22+$0x70] =	vst v40;
	v40 =	vadd.s32 s4, v1;
	v30 =	vmov v35  }
0x276: {  	s15 =	sadd.s32 $0x10, s15;
	s5 =	sadd.s32 $0xFFFFEBEC, s24;
	v43 =	vadd.s32 s3, v1;
	v39 =	vld.idx.msk [tilespmem:v21+s29+$0x0], $0xffff;
	[tilespmem:s18+$0x420] =	vst v34;
	v34 =	vmul.f32 v46, v2;
	v21 =	vmovc v27;
	v27 =	vmov v36  }
0x277: {  	v3 =	vadd.s32 s5, v1;
	_ =	sdelay $0x1  }
0x278: {  	v35 =	vmul.f32 v45, v2  }
0x279: {  	v36 =	vmul.f32 v44, v2  }
0x27a: {  	[tilespmem:s2+$0x20] =	vst v35  }
0x27b: {  	[tilespmem:s1+$0x20] =	vst v36;
	v3 =	vld.idx.msk [tilespmem:v3+s29+$0x0], $0xffff  }
0x27c: {  	v32 =	vld.idx.msk [tilespmem:v32+s29+$0x0], $0xffff  }
0x27d: {  	s3 =	sadd.s32 $0xFFFFEDEE, s24  }
0x27e: {  	v62 =	vadd.s32 s3, v1;
	_ =	sdelay $0x1  }
0x27f: {  	v3 =	vmul.f32 v3, v2  }
0x280: {  	v32 =	vmul.f32 v32, v2  }
0x281: {  	[tilespmem:s2+$0x30] =	vst v3  }
0x282: {  	[tilespmem:s1+$0x30] =	vst v32;
	v3 =	vld.idx.msk [tilespmem:v62+s29+$0x0], $0xffff  }
0x283: {  	v31 =	vld.idx.msk [tilespmem:v31+s29+$0x0], $0xffff  }
0x284: {  	s21 =	sadd.s32 $0xFFFFEFF0, s24  }
0x285: {  	v63 =	vadd.s32 s21, v1;
	_ =	sdelay $0x1  }
0x286: {  	v3 =	vmul.f32 v3, v2  }
0x287: {  	v31 =	vmul.f32 v31, v2  }
0x288: {  	[tilespmem:s2+$0x40] =	vst v3  }
0x289: {  	[tilespmem:s1+$0x40] =	vst v31;
	v3 =	vld.idx.msk [tilespmem:v63+s29+$0x0], $0xffff  }
0x28a: {  	v30 =	vld.idx.msk [tilespmem:v30+s29+$0x0], $0xffff  }
0x28b: {  	s25 =	sadd.s32 $0xFFFFF1F2, s24  }
0x28c: {  	v36 =	vmul.f32 v42, v2;
	v42 =	vadd.s32 s25, v1  }
0x28d: {  	v44 =	vmul.f32 v41, v2  }
0x28e: {  	[tilespmem:s31+$0x50] =	vst v36;
	v3 =	vmul.f32 v3, v2  }
0x28f: {  	[tilespmem:s23+$0x50] =	vst v44;
	v31 =	vld.idx.msk [tilespmem:v43+s29+$0x0], $0xffff;
	v30 =	vmul.f32 v30, v2  }
0x290: {  	v24 =	vld.idx.msk [tilespmem:v24+s29+$0x0], $0xffff;
	[tilespmem:s2+$0x50] =	vst v3  }
0x291: {  	s4 =	sadd.s32 $0xFFFFF3F4, s30;
	[tilespmem:s1+$0x50] =	vst v30;
	v3 =	vld.idx.msk [tilespmem:v42+s29+$0x0], $0xffff  }
0x292: {  	v45 =	vadd.s32 s4, v1;
	v29 =	vld.idx.msk [tilespmem:v29+s29+$0x0], $0xffff  }
0x293: {  	s5 =	sadd.s32 $0xFFFFF3F4, s24  }
0x294: {  	v46 =	vadd.s32 s5, v1;
	v31 =	vmul.f32 v31, v2  }
0x295: {  	v24 =	vmul.f32 v24, v2  }
0x296: {  	[tilespmem:s31+$0x60] =	vst v31;
	v3 =	vmul.f32 v3, v2  }
0x297: {  	[tilespmem:s23+$0x60] =	vst v24;
	v30 =	vld.idx.msk [tilespmem:v45+s29+$0x0], $0xffff;
	v47 =	vmul.f32 v29, v2  }
0x298: {  	v22 =	vld.idx.msk [tilespmem:v22+s29+$0x0], $0xffff;
	[tilespmem:s2+$0x60] =	vst v3  }
0x299: {  	s7 =	sadd.s32 $0xFFFFF5F6, s30;
	[tilespmem:s1+$0x60] =	vst v47;
	v3 =	vld.idx.msk [tilespmem:v46+s29+$0x0], $0xffff  }
0x29a: {  	v48 =	vadd.s32 s7, v1;
	v28 =	vld.idx.msk [tilespmem:v28+s29+$0x0], $0xffff  }
0x29b: {  	s8 =	sadd.s32 $0xFFFFF5F6, s24  }
0x29c: {  	v50 =	vadd.s32 s8, v1;
	v49 =	vmul.f32 v30, v2  }
0x29d: {  	v22 =	vmul.f32 v22, v2  }
0x29e: {  	[tilespmem:s31+$0x70] =	vst v49;
	v3 =	vmul.f32 v3, v2  }
0x29f: {  	[tilespmem:s23+$0x70] =	vst v22;
	v24 =	vld.idx.msk [tilespmem:v48+s29+$0x0], $0xffff;
	v51 =	vmul.f32 v28, v2  }
0x2a0: {  	v21 =	vld.idx.msk [tilespmem:v21+s29+$0x0], $0xffff;
	[tilespmem:s2+$0x70] =	vst v3  }
0x2a1: {  	s13 =	sadd.s32 $0xFFFFF7F8, s30;
	[tilespmem:s1+$0x70] =	vst v51;
	v3 =	vld.idx.msk [tilespmem:v50+s29+$0x0], $0xffff  }
0x2a2: {  	v52 =	vmul.f32 v38, v2;
	v53 =	vadd.s32 s13, v1;
	v27 =	vld.idx.msk [tilespmem:v27+s29+$0x0], $0xffff  }
0x2a3: {  	s15 =	sadd.s32 $0xFFFFF7F8, s24;
	v54 =	vmul.f32 v39, v2  }
0x2a4: {  	v56 =	vadd.s32 s15, v1;
	[tilespmem:s20+$0x400] =	vst v52;
	v55 =	vmul.f32 v24, v2  }
0x2a5: {  	v57 =	vld.idx.msk [tilespmem:v40+s29+$0x0], $0xffff;
	[tilespmem:s22+$0x400] =	vst v54;
	v21 =	vmul.f32 v21, v2  }
0x2a6: {  	v16 =	vld.idx.msk [tilespmem:v16+s29+$0x0], $0xffff;
	[tilespmem:s31+$0x400] =	vst v55;
	v3 =	vmul.f32 v3, v2  }
0x2a7: {  	s21 =	sadd.s32 $0xFFFFF9FA, s19;
	[tilespmem:s23+$0x400] =	vst v21;
	v22 =	vld.idx.msk [tilespmem:v53+s29+$0x0], $0xffff;
	v58 =	vmul.f32 v27, v2  }
0x2a8: {  	v59 =	vadd.s32 s21, v1;
	v20 =	vld.idx.msk [tilespmem:v20+s29+$0x0], $0xffff;
	[tilespmem:s2+$0x400] =	vst v3  }
0x2a9: {  	s25 =	sadd.s32 $0xFFFFF9FA, s30;
	[tilespmem:s1+$0x400] =	vst v58;
	v3 =	vld.idx.msk [tilespmem:v56+s29+$0x0], $0xffff  }
0x2aa: {  	v61 =	vadd.s32 s25, v1;
	v60 =	vmul.f32 v57, v2;
	v25 =	vld.idx.msk [tilespmem:v25+s29+$0x0], $0xffff  }
0x2ab: {  	s4 =	sadd.s32 $0xFFFFF9FA, s24;
	v16 =	vmul.f32 v16, v2  }
0x2ac: {  	[tilespmem:s20+$0x410] =	vst v60;
	v63 =	vadd.s32 s4, v1;
	v62 =	vmul.f32 v22, v2  }
0x2ad: {  	[tilespmem:s22+$0x410] =	vst v16;
	v29 =	vmul.f32 v20, v2;
	v27 =	vld.idx.msk [tilespmem:v59+s29+$0x0], $0xffff  }
0x2ae: {  	v14 =	vld.idx.msk [tilespmem:v14+s29+$0x0], $0xffff;
	[tilespmem:s31+$0x410] =	vst v62;
	v3 =	vmul.f32 v3, v2  }
0x2af: {  	s5 =	sadd.s32 $0xFFFFFBFC, s19;
	[tilespmem:s23+$0x410] =	vst v29;
	v30 =	vld.idx.msk [tilespmem:v61+s29+$0x0], $0xffff;
	v31 =	vmul.f32 v25, v2  }
0x2b0: {  	v32 =	vadd.s32 s5, v1;
	v18 =	vld.idx.msk [tilespmem:v18+s29+$0x0], $0xffff;
	[tilespmem:s2+$0x410] =	vst v3  }
0x2b1: {  	s7 =	sadd.s32 $0xFFFFFBFC, s30;
	[tilespmem:s1+$0x410] =	vst v31;
	v3 =	vld.idx.msk [tilespmem:v63+s29+$0x0], $0xffff  }
0x2b2: {  	[tilespmem:s17+$0x440] =	vst v37;
	v36 =	vadd.s32 s7, v1;
	v35 =	vmul.f32 v27, v2;
	v23 =	vld.idx.msk [tilespmem:v23+s29+$0x0], $0xffff  }
0x2b3: {  	v9 =	vld.idx.msk [tilespmem:v9+s29+$0x0], $0xffff;
	[tilespmem:s12+$0x430] =	vst v34;
	s8 =	sadd.s32 $0xFFFFFBFC, s24;
	v14 =	vmul.f32 v14, v2  }
0x2b4: {  	v7 =	vld.idx.msk [tilespmem:v7+s29+$0x0], $0xffff;
	v38 =	vadd.s32 s8, v1;
	[tilespmem:s20+$0x420] =	vst v35;
	v37 =	vmul.f32 v30, v2  }
0x2b5: {  	[tilespmem:s22+$0x420] =	vst v14;
	v39 =	vmul.f32 v18, v2;
	v21 =	vld.idx.msk [tilespmem:v32+s29+$0x0], $0xffff  }
0x2b6: {  	v11 =	vld.idx.msk [tilespmem:v11+s29+$0x0], $0xffff;
	[tilespmem:s31+$0x420] =	vst v37;
	v3 =	vmul.f32 v3, v2  }
0x2b7: {  	s13 =	sadd.s32 $0xFFFFFDFE, s19;
	[tilespmem:s23+$0x420] =	vst v39;
	v16 =	vld.idx.msk [tilespmem:v36+s29+$0x0], $0xffff;
	v40 =	vmul.f32 v23, v2  }
0x2b8: {  	v41 =	vadd.s32 s13, v1;
	v9 =	vmul.f32 v9, v2;
	v15 =	vld.idx.msk [tilespmem:v15+s29+$0x0], $0xffff;
	[tilespmem:s2+$0x420] =	vst v3  }
0x2b9: {  	s15 =	sadd.s32 $0xFFFFFDFE, s30;
	v3 =	vmul.f32 v7, v4;
	[tilespmem:s1+$0x420] =	vst v40;
	v42 =	vld.idx.msk [tilespmem:v38+s29+$0x0], $0xffff  }
0x2ba: {  	v44 =	vadd.s32 s15, v1;
	[tilespmem:s18+$0x430] =	vst v9;
	v43 =	vmul.f32 v21, v2;
	v45 =	vld.idx.msk [tilespmem:v26+s29+$0x0], $0xffff  }
0x2bb: {  	s21 =	sadd.s32 $0xFFFFFDFE, s24;
	v46 =	vld.idx.msk [tilespmem:v33+s29+$0x0], $0xffff;
	[tilespmem:s17+$0x450] =	vst v3;
	v3 =	vmul.f32 v11, v2  }
0x2bc: {  	v6 =	vld.idx.msk [tilespmem:v6+s29+$0x0], $0xffff;
	v48 =	vadd.s32 s21, v1;
	[tilespmem:s20+$0x430] =	vst v43;
	v47 =	vmul.f32 v16, v2  }
0x2bd: {  	v49 =	vld.idx.msk [tilespmem:v41+s29+$0x0], $0xffff;
	[tilespmem:s22+$0x430] =	vst v3;
	v3 =	vmul.f32 v15, v2  }
0x2be: {  	v50 =	vadd.s32 s16, v1;
	[tilespmem:s31+$0x430] =	vst v47;
	v10 =	vld.idx.msk [tilespmem:v10+s29+$0x0], $0xffff;
	v7 =	vmul.f32 v42, v2  }
0x2bf: {  	v9 =	vld.idx.msk [tilespmem:v44+s29+$0x0], $0xffff;
	[tilespmem:s23+$0x430] =	vst v3;
	v3 =	vmul.f32 v45, v2  }
0x2c0: {  	v52 =	vadd.s32 s19, v1;
	v51 =	vmul.f32 v46, v2;
	v13 =	vld.idx.msk [tilespmem:v13+s29+$0x0], $0xffff;
	[tilespmem:s2+$0x430] =	vst v7  }
0x2c1: {  	v6 =	vmul.f32 v6, v2;
	[tilespmem:s1+$0x430] =	vst v3;
	v7 =	vld.idx.msk [tilespmem:v48+s29+$0x0], $0xffff  }
0x2c2: {  	v53 =	vadd.s32 s30, v1;
	[tilespmem:s12+$0x440] =	vst v51;
	v3 =	vmul.f32 v49, v2;
	v54 =	vld.idx.msk [tilespmem:v17+s29+$0x0], $0xffff  }
0x2c3: {  	[tilespmem:s18+$0x440] =	vst v6;
	v15 =	vld.idx.msk [tilespmem:v50+s29+$0x0], $0xffff;
	v55 =	vmul.f32 v10, v2  }
0x2c4: {  	v5 =	vld.idx.msk [tilespmem:v5+s29+$0x0], $0xffff;
	v56 =	vadd.s32 s24, v1;
	[tilespmem:s20+$0x440] =	vst v3;
	v3 =	vmul.f32 v9, v2  }
0x2c5: {  	v57 =	vld.idx.msk [tilespmem:v52+s29+$0x0], $0xffff;
	[tilespmem:s22+$0x440] =	vst v55;
	v58 =	vmul.f32 v13, v2  }
0x2c6: {  	[tilespmem:s31+$0x440] =	vst v3;
	v8 =	vld.idx.msk [tilespmem:v8+s29+$0x0], $0xffff;
	v3 =	vmul.f32 v7, v2  }
0x2c7: {  	v59 =	vld.idx.msk [tilespmem:v53+s29+$0x0], $0xffff;
	[tilespmem:s23+$0x440] =	vst v58;
	v2 =	vmul.f32 v54, v2  }
0x2c8: {  	v60 =	vmul.f32 v15, v4;
	v61 =	vld.idx.msk [tilespmem:v12+s29+$0x0], $0xffff;
	[tilespmem:s2+$0x440] =	vst v3  }
0x2c9: {  	v3 =	vmul.f32 v5, v4;
	[tilespmem:s1+$0x440] =	vst v2;
	v62 =	vld.idx.msk [tilespmem:v56+s29+$0x0], $0xffff  }
0x2ca: {  	[tilespmem:s12+$0x450] =	vst v60;
	v2 =	vmul.f32 v57, v4;
	v63 =	vld.idx.msk [tilespmem:v19+s29+$0x0], $0xffff  }
0x2cb: {  	[tilespmem:s18+$0x450] =	vst v3;
	v3 =	vmul.f32 v8, v4  }
0x2cc: {  	[tilespmem:s20+$0x450] =	vst v2;
	v2 =	vmul.f32 v59, v4  }
0x2cd: {  	[tilespmem:s22+$0x450] =	vst v3;
	v3 =	vmul.f32 v61, v4  }
0x2ce: {  	[tilespmem:s31+$0x450] =	vst v2;
	s22 =	sshll.u32 s28, $0x10;
	v2 =	vmul.f32 v62, v4  }
0x2cf: {  	s31 =	smul.u32 $0x7080, s9;
	s3 =	sadd.s32 s22, s14;
	[tilespmem:s23+$0x450] =	vst v3;
	v3 =	vmul.f32 v63, v4  }
0x2d0: {  	s25 =	sadd.s32 $0x9, s10;
	s30 =	rddreg [dreg:$0x2];
	s24 =	sshrl.u32 s3, $0x3;
	[tilespmem:s2+$0x450] =	vst v2  }
0x2d1: {  	s4 =	simm.s32 $0x0;
	[tilespmem:s1+$0x450] =	vst v3;
	s2 =	sadd.s32 s30, s24;
	s1 =	sshra.s32 s31, $0x2  }
0x2d2: {  	[hbm4b:s2+s4] =	stream.linear.scatter [tilespmem:s11], [sflag:s25], $0x2000, $0x38;
	[tilespmem:$0x1A700] =	vst v63  }
0x2d3: {  	s2 =	sadd.s32 $0x8020, s1  }
0x2d4: {  	[tilespmem:s2+$0xFFFFFFE0] =	vst v0  }
0x2d5: {  	[tilespmem:s2+$0x10] =	vst v0  }
0x2d6: {  	s5 =	simm.s32 $0x0;
	[tilespmem:s2+$0x0] =	vst v0  }
.LBB2_10:
0x2d7: {  	s5 =	sadd.s32 $0x4, s5  }
0x2d8: {  	[tilespmem:s2+$0xFFFFFFF0] =	vst v0;
	s2 =	sadd.s32 $0x40, s2;
	p0 =	slt.u32 s5, $0x1BC  }
.Ltmp6:
0x2d9: {  	[tilespmem:s2+$0xFFFFFFE0] =	vst v0;
	(pc) =	sbr.rel @p0 .LBB2_10-.Ltmp6, $3  }
0x2da: {  	_ =	sdelay $0x1  }
0x2db: {  	[tilespmem:s2+$0x10] =	vst v0  }
0x2dc: {  	[tilespmem:s2+$0x0] =	vst v0  }
0x2dd: {  	s3 =	sadd.s32 $0x9C00, s1  }
0x2de: {  	[tilespmem:s2+$0xFFFFFFF0] =	vst v0;
	s1 =	simm.s32 $0x0;
	v2 =	vmov s3  }
.LBB2_12:
0x2df: {  	p0 =	sne.s32 s1, $0x40  }
.Ltmp7:
0x2e0: {  	_ = 	snop;
	(pc) =	sbr.rel @p0 .LBB2_12-.Ltmp7, $3  }
0x2e1: {  	_ =	sdelay $0x1  }
0x2e2: {  	s2 =	sshra.s32 s1, $0x2  }
0x2e3: {  	s1 =	sadd.s32 $0x40, s1;
	[tilespmem:v2+s2+$0x0 ss:$0x1] =	vst.idx.msk $0xffff, v0  }
0x2e4: {  	p0 =	sne.s32 s28, s6  }
.Ltmp8:
0x2e5: {  	_ = 	snop;
	(pc) =	sbr.rel @p0 .LBB2_7-.Ltmp8, $4  }
.Ltmp9:
0x2e6: {  	_ = 	snop;
	(pc) =	sbr.rel @!p0 .LBB2_14-.Ltmp9, $4  }
0x2e7: {  	_ = 	snop  }
0x2e8: {  	s1 =	sadd.s32 $0x1, s28  }
0x2e9: {  	s28 =	smov.u32 s1  }
0x2ea: {  	_ = 	snop  }
.LBB2_15:
0x2eb: {  	s1 =	rddreg [dreg:$0xe]  }
0x2ec: {  	s25 =	rddreg [dreg:$0xf]  }
0x2ed: {  	s26 =	rddreg [dreg:$0x10]  }
0x2ee: {  	s0 =	simm.s32 $0x0;
	s30 =	rddreg [dreg:$0x11]  }
0x2ef: {  	[tilespmem:s0], [sflag:$0x1] =	stream.linear.gather [hbm4b:s1+s0], $0x1000, $0x38;
	[tilespmem:$0x1A700] =	vst v63  }
0x2f0: {  	s2 =	simm.s32 $0x4000;
	s16 =	rddreg [dreg:$0x4]  }
0x2f1: {  	[tilespmem:s2], [sflag:$0x5] =	stream.linear.gather [hbm4b:s25+s0], $0x1000, $0x38;
	[tilespmem:$0x1A700] =	vst v63  }
0x2f2: {  	s28 =	simm.s32 $0x1000;
	s31 =	simm.s32 $0x5000;
	s17 =	rddreg [dreg:$0xc]  }
0x2f3: {  	[tilespmem:s28], [sflag:$0x2] =	stream.linear.gather [hbm4b:s26+s0], $0x1000, $0x38;
	[tilespmem:$0x1A700] =	vst v63  }
0x2f4: {  	s6 =	simm.s32 $0x0;
	s18 =	rddreg [dreg:$0xd];
	s2 =	simm.s32 $0x0  }
0x2f5: {  	[tilespmem:s31], [sflag:$0x6] =	stream.linear.gather [hbm4b:s30+s0], $0x1000, $0x38;
	[tilespmem:$0x1A700] =	vst v63  }
.LBB2_16:
0x2f6: {  	p0 =	sgt.u32 s6, $0xD  }
0x2f7: {  	s1 =	sadd.s32 @!p0 $0x2, s6  }
0x2f8: {  	s22 =	sand.u32 $0x3, s6;
	s8 =	simm.s32 @!p0 $0x0;
	s3 =	sshll.u32 @!p0 s1, $0xC  }
0x2f9: {  	s23 =	sadd.s32 $0x1, s22;
	s1 =	sand.u32 @!p0 $0x3, s1;
	s4 =	sadd.s32 @!p0 s17, s3  }
0x2fa: {  	s5 =	sshll.u32 @!p0 s1, $0xC;
	s3 =	sadd.s32 @!p0 s18, s3;
	s4 =	sshrl.u32 @!p0 s4, $0x3  }
0x2fb: {  	s7 =	sadd.s32 @!p0 $0x1, s1;
	s3 =	sshrl.u32 @!p0 s3, $0x3;
	s4 =	sadd.s32 @!p0 s16, s4  }
0x2fc: {  	[tilespmem:s5], [sflag:s7] =	stream.linear.gather @!p0 [hbm4b:s4+s8], $0x1000, $0x38;
	[tilespmem:$0x1A700] =	vst v63  }
0x2fd: {  	s1 =	sadd.s32 @!p0 $0x5, s1;
	s3 =	sadd.s32 @!p0 s16, s3;
	s5 =	sor.u32 @!p0 $0x4000, s5  }
0x2fe: {  	[tilespmem:s5], [sflag:s1] =	stream.linear.gather @!p0 [hbm4b:s3+s8], $0x1000, $0x38;
	[tilespmem:$0x1A700] =	vst v63  }
0x2ff: {  	_ =	swait.ge [sflag:s23], $0x1000  }
0x300: {  	[sflag:s23] =	ssyncset.done $0x0  }
0x301: {  	s24 =	sadd.s32 $0x5, s22;
	[sflag:s23] =	ssyncadd.s32 $0xFFFFF000  }
0x302: {  	_ =	swait.ge [sflag:s24], $0x1000  }
0x303: {  	[sflag:s24] =	ssyncset.done $0x0  }
0x304: {  	[sflag:s24] =	ssyncadd.s32 $0xFFFFF000  }
0x305: {  	s25 =	sshrl.u32 s6, $0x3;
	v2 =	vld [tilespmem:$0x1A600]  }
0x306: {  	s1 =	smul.u32 $0x101, s25  }
0x307: {  	s26 =	sand.u32 $0x7, s2;
	s28 =	sand.u32 $0x3, s0  }
0x308: {  	s30 =	sshll.u32 s28, $0xC;
	s11 =	sadd.s32 s26, s1  }
0x309: {  	s12 =	sor.u32 $0x40C9, s30;
	s31 =	sadd.s32 $0x8, s11  }
0x30a: {  	v4 =	vld [tilespmem:s12+$0xFFFFBFB7];
	v3 =	vadd.s32 s31, v2;
	_ =	sdelay $0x4  }
0x30b: {  	[tilespmem:v3+s29+$0x0] =	vst.idx.add.f32.msk $0xffff, v4  }
0x30c: {  	v3 =	vld [tilespmem:$0x1A620]  }
0x30d: {  	v2 =	vadd.s32 s11, v2;
	v4 =	vld [tilespmem:s12+$0xFFFFBF37];
	_ =	sdelay $0x3  }
0x30e: {  	v5 =	vld [tilespmem:s12+$0xFFFFBFC7];
	v3 =	vadd.s32 s31, v3  }
0x30f: {  	[tilespmem:v2+s29+$0x0] =	vst.idx.add.f32.msk $0xffff, v4  }
0x310: {  	v2 =	vld [tilespmem:$0x1A620];
	_ =	sdelay $0x2  }
0x311: {  	[tilespmem:v3+s29+$0x0] =	vst.idx.add.f32.msk $0xffff, v5  }
0x312: {  	v3 =	vld [tilespmem:$0x1A640]  }
0x313: {  	v4 =	vld [tilespmem:s12+$0xFFFFBF47];
	v2 =	vadd.s32 s11, v2;
	_ =	sdelay $0x3  }
0x314: {  	v5 =	vld [tilespmem:s12+$0xFFFFBFD7];
	v3 =	vadd.s32 s31, v3  }
0x315: {  	[tilespmem:v2+s29+$0x0] =	vst.idx.add.f32.msk $0xffff, v4  }
0x316: {  	v2 =	vld [tilespmem:$0x1A640];
	_ =	sdelay $0x2  }
0x317: {  	[tilespmem:v3+s29+$0x0] =	vst.idx.add.f32.msk $0xffff, v5  }
0x318: {  	v3 =	vld [tilespmem:$0x1A660]  }
0x319: {  	v4 =	vld [tilespmem:s12+$0xFFFFBF57];
	v2 =	vadd.s32 s11, v2;
	_ =	sdelay $0x3  }
0x31a: {  	v5 =	vld [tilespmem:s12+$0xFFFFBFE7];
	v3 =	vadd.s32 s31, v3  }
0x31b: {  	[tilespmem:v2+s29+$0x0] =	vst.idx.add.f32.msk $0xffff, v4  }
0x31c: {  	v2 =	vld [tilespmem:$0x1A660];
	_ =	sdelay $0x2  }
0x31d: {  	[tilespmem:v3+s29+$0x0] =	vst.idx.add.f32.msk $0xffff, v5  }
0x31e: {  	v3 =	vld [tilespmem:$0x1A680]  }
0x31f: {  	v4 =	vld [tilespmem:s12+$0xFFFFBF67];
	v2 =	vadd.s32 s11, v2;
	_ =	sdelay $0x3  }
0x320: {  	v5 =	vld [tilespmem:s12+$0xFFFFBFF7];
	v3 =	vadd.s32 s31, v3  }
0x321: {  	[tilespmem:v2+s29+$0x0] =	vst.idx.add.f32.msk $0xffff, v4  }
0x322: {  	v2 =	vld [tilespmem:$0x1A680];
	_ =	sdelay $0x2  }
0x323: {  	[tilespmem:v3+s29+$0x0] =	vst.idx.add.f32.msk $0xffff, v5  }
0x324: {  	v3 =	vld [tilespmem:$0x1A6A0]  }
0x325: {  	v4 =	vld [tilespmem:s12+$0xFFFFBF77];
	v2 =	vadd.s32 s11, v2;
	_ =	sdelay $0x3  }
0x326: {  	v5 =	vld [tilespmem:s12+$0xFFFFC000];
	v3 =	vadd.s32 s31, v3  }
0x327: {  	[tilespmem:v2+s29+$0x0] =	vst.idx.add.f32.msk $0xffff, v4  }
0x328: {  	v4 =	vld [tilespmem:$0x1A600]  }
0x329: {  	v2 =	vld [tilespmem:$0x1A6A0];
	_ =	sdelay $0x1  }
0x32a: {  	s1 =	sadd.s32 $0x10, s11;
	[tilespmem:v3+s29+$0x0] =	vst.idx.add.f32.msk vm0, v5  }
0x32b: {  	s7 =	sadd.s32 $0x100, s12;
	s13 =	sadd.s32 $0x8, s1;
	v3 =	vld [tilespmem:$0x1A610]  }
0x32c: {  	v8 =	vld [tilespmem:s7+$0xFFFFBFB7];
	v7 =	vadd.s32 s13, v4  }
0x32d: {  	v5 =	vld [tilespmem:s12+$0xFFFFBF80];
	v2 =	vadd.s32 s11, v2;
	_ =	sdelay $0x2  }
0x32e: {  	v6 =	vld [tilespmem:s12+$0xFFFFFFB7];
	v3 =	vadd.s32 s31, v3  }
0x32f: {  	[tilespmem:v7+s29+$0x0] =	vst.idx.add.f32.msk $0xffff, v8  }
0x330: {  	[tilespmem:v2+s29+$0x0] =	vst.idx.add.f32.msk vm0, v5  }
0x331: {  	v5 =	vld [tilespmem:$0x1A620];
	_ =	sdelay $0x1  }
0x332: {  	[tilespmem:v3+s29+$0x0] =	vst.idx.add.f32.msk $0xffff, v6  }
0x333: {  	v2 =	vadd.s32 s1, v4;
	v3 =	vld [tilespmem:s7+$0xFFFFBF37]  }
0x334: {  	v4 =	vld [tilespmem:$0x1A630]  }
0x335: {  	v7 =	vld [tilespmem:s7+$0xFFFFBFC7];
	v5 =	vadd.s32 s13, v5;
	_ =	sdelay $0x1  }
0x336: {  	v6 =	vld [tilespmem:s12+$0xFFFFFFC7]  }
0x337: {  	[tilespmem:v2+s29+$0x0] =	vst.idx.add.f32.msk $0xffff, v3  }
0x338: {  	v2 =	vadd.s32 s31, v4;
	v3 =	vld [tilespmem:$0x1A620]  }
0x339: {  	[tilespmem:v5+s29+$0x0] =	vst.idx.add.f32.msk $0xffff, v7  }
0x33a: {  	v5 =	vld [tilespmem:$0x1A640]  }
0x33b: {  	v4 =	vld [tilespmem:$0x1A610]  }
0x33c: {  	v9 =	vld [tilespmem:s7+$0xFFFFBF47]  }
0x33d: {  	[tilespmem:v2+s29+$0x0] =	vst.idx.add.f32.msk $0xffff, v6;
	v2 =	vadd.s32 s1, v3  }
0x33e: {  	v3 =	vld [tilespmem:$0x1A650]  }
0x33f: {  	v7 =	vld [tilespmem:s7+$0xFFFFBFD7];
	v5 =	vadd.s32 s13, v5  }
0x340: {  	v8 =	vld [tilespmem:s12+$0xFFFFFF37];
	v4 =	vadd.s32 s11, v4  }
0x341: {  	v6 =	vld [tilespmem:s12+$0xFFFFFFD7]  }
0x342: {  	[tilespmem:v2+s29+$0x0] =	vst.idx.add.f32.msk $0xffff, v9  }
0x343: {  	v2 =	vadd.s32 s31, v3;
	v3 =	vld [tilespmem:$0x1A640]  }
0x344: {  	[tilespmem:v5+s29+$0x0] =	vst.idx.add.f32.msk $0xffff, v7  }
0x345: {  	[tilespmem:v4+s29+$0x0] =	vst.idx.add.f32.msk $0xffff, v8  }
0x346: {  	v5 =	vld [tilespmem:$0x1A660]  }
0x347: {  	v4 =	vld [tilespmem:s7+$0xFFFFBF57]  }
0x348: {  	[tilespmem:v2+s29+$0x0] =	vst.idx.add.f32.msk $0xffff, v6;
	v2 =	vadd.s32 s1, v3;
	_ =	sdelay $0x1  }
0x349: {  	v3 =	vld [tilespmem:$0x1A670]  }
0x34a: {  	v7 =	vld [tilespmem:s7+$0xFFFFBFE7]  }
0x34b: {  	v6 =	vld [tilespmem:s12+$0xFFFFFFE7]  }
0x34c: {  	v5 =	vadd.s32 s13, v5;
	[tilespmem:v2+s29+$0x0] =	vst.idx.add.f32.msk $0xffff, v4  }
0x34d: {  	v4 =	vld [tilespmem:$0x1A630]  }
0x34e: {  	v2 =	vadd.s32 s31, v3;
	v3 =	vld [tilespmem:$0x1A660];
	_ =	sdelay $0x1  }
0x34f: {  	v8 =	vld [tilespmem:s12+$0xFFFFFF47]  }
0x350: {  	[tilespmem:v5+s29+$0x0] =	vst.idx.add.f32.msk $0xffff, v7  }
0x351: {  	v9 =	vld [tilespmem:s7+$0xFFFFBF67];
	v4 =	vadd.s32 s11, v4  }
0x352: {  	[tilespmem:v2+s29+$0x0] =	vst.idx.add.f32.msk $0xffff, v6;
	v2 =	vadd.s32 s1, v3  }
0x353: {  	v3 =	vld [tilespmem:$0x1A690]  }
0x354: {  	v5 =	vld [tilespmem:$0x1A680]  }
0x355: {  	v6 =	vld [tilespmem:s12+$0xFFFFFFF7]  }
0x356: {  	[tilespmem:v4+s29+$0x0] =	vst.idx.add.f32.msk $0xffff, v8  }
0x357: {  	[tilespmem:v2+s29+$0x0] =	vst.idx.add.f32.msk $0xffff, v9  }
0x358: {  	v2 =	vadd.s32 s31, v3;
	v3 =	vld [tilespmem:$0x1A680]  }
0x359: {  	v4 =	vadd.s32 s13, v5;
	v5 =	vld [tilespmem:s7+$0xFFFFBFF7];
	_ =	sdelay $0x1  }
0x35a: {  	v7 =	vld [tilespmem:$0x1A650]  }
0x35b: {  	v8 =	vld [tilespmem:s7+$0xFFFFBF77]  }
0x35c: {  	[tilespmem:v2+s29+$0x0] =	vst.idx.add.f32.msk $0xffff, v6;
	v2 =	vadd.s32 s1, v3  }
0x35d: {  	[tilespmem:v4+s29+$0x0] =	vst.idx.add.f32.msk $0xffff, v5  }
0x35e: {  	v4 =	vld [tilespmem:$0x1A6A0]  }
0x35f: {  	v6 =	vld [tilespmem:s12+$0xFFFFFF57]  }
0x360: {  	v5 =	vadd.s32 s11, v7;
	v3 =	vld [tilespmem:$0x1A6B0]  }
0x361: {  	[tilespmem:v2+s29+$0x0] =	vst.idx.add.f32.msk $0xffff, v8  }
0x362: {  	v8 =	vld [tilespmem:s7+$0xFFFFC000]  }
0x363: {  	v4 =	vadd.s32 s13, v4;
	v2 =	vld [tilespmem:$0x1A6A0]  }
0x364: {  	v7 =	vld [tilespmem:s12+$0x0]  }
0x365: {  	[tilespmem:v5+s29+$0x0] =	vst.idx.add.f32.msk $0xffff, v6;
	v3 =	vadd.s32 s31, v3  }
0x366: {  	v5 =	vld [tilespmem:$0x1A670]  }
0x367: {  	v6 =	vld [tilespmem:s7+$0xFFFFBF80]  }
0x368: {  	[tilespmem:v4+s29+$0x0] =	vst.idx.add.f32.msk vm0, v8;
	v2 =	vadd.s32 s1, v2  }
0x369: {  	v4 =	vld [tilespmem:s12+$0xFFFFFF67]  }
0x36a: {  	[tilespmem:v3+s29+$0x0] =	vst.idx.add.f32.msk vm0, v7  }
0x36b: {  	s10 =	sadd.s32 $0x100, s7;
	v3 =	vld [tilespmem:$0x1A610];
	v5 =	vadd.s32 s11, v5  }
0x36c: {  	v9 =	vld [tilespmem:s10+$0xFFFFBFB7]  }
0x36d: {  	[tilespmem:v2+s29+$0x0] =	vst.idx.add.f32.msk vm0, v6  }
0x36e: {  	v6 =	vld [tilespmem:$0x1A600]  }
0x36f: {  	v7 =	vld [tilespmem:s7+$0xFFFFFFB7]  }
0x370: {  	v3 =	vadd.s32 s13, v3;
	[tilespmem:v5+s29+$0x0] =	vst.idx.add.f32.msk $0xffff, v4  }
0x371: {  	s8 =	sadd.s32 $0x10, s1;
	v2 =	vld [tilespmem:$0x1A610]  }
0x372: {  	s9 =	sadd.s32 $0x8, s8;
	v8 =	vld [tilespmem:s7+$0xFFFFFF37]  }
0x373: {  	v4 =	vld [tilespmem:$0x1A690];
	v5 =	vadd.s32 s9, v6  }
0x374: {  	v10 =	vld [tilespmem:s12+$0xFFFFFF77]  }
0x375: {  	[tilespmem:v3+s29+$0x0] =	vst.idx.add.f32.msk $0xffff, v7  }
0x376: {  	v6 =	vadd.s32 s8, v6;
	v7 =	vld [tilespmem:s10+$0xFFFFBF37]  }
0x377: {  	v3 =	vld [tilespmem:$0x1A630]  }
0x378: {  	v2 =	vadd.s32 s1, v2;
	[tilespmem:v5+s29+$0x0] =	vst.idx.add.f32.msk $0xffff, v9  }
0x379: {  	v5 =	vld [tilespmem:$0x1A620]  }
0x37a: {  	v9 =	vld [tilespmem:s7+$0xFFFFFFC7]  }
0x37b: {  	v4 =	vadd.s32 s11, v4;
	[tilespmem:v6+s29+$0x0] =	vst.idx.add.f32.msk $0xffff, v7  }
0x37c: {  	v3 =	vadd.s32 s13, v3;
	v6 =	vld [tilespmem:$0x1A620]  }
0x37d: {  	[tilespmem:v2+s29+$0x0] =	vst.idx.add.f32.msk $0xffff, v8  }
0x37e: {  	v2 =	vadd.s32 s9, v5;
	v5 =	vld [tilespmem:s10+$0xFFFFBFC7]  }
0x37f: {  	v7 =	vld [tilespmem:s10+$0xFFFFBF47]  }
0x380: {  	[tilespmem:v4+s29+$0x0] =	vst.idx.add.f32.msk $0xffff, v10  }
0x381: {  	[tilespmem:v3+s29+$0x0] =	vst.idx.add.f32.msk $0xffff, v9;
	v6 =	vadd.s32 s8, v6  }
0x382: {  	v3 =	vld [tilespmem:$0x1A650]  }
0x383: {  	[tilespmem:v2+s29+$0x0] =	vst.idx.add.f32.msk $0xffff, v5  }
0x384: {  	v2 =	vld [tilespmem:$0x1A640]  }
0x385: {  	v5 =	vld [tilespmem:s7+$0xFFFFFFD7]  }
0x386: {  	[tilespmem:v6+s29+$0x0] =	vst.idx.add.f32.msk $0xffff, v7  }
0x387: {  	v3 =	vadd.s32 s13, v3;
	v6 =	vld [tilespmem:$0x1A640]  }
0x388: {  	v8 =	vld [tilespmem:$0x1A630]  }
0x389: {  	v9 =	vld [tilespmem:s10+$0xFFFFBFD7];
	v2 =	vadd.s32 s9, v2  }
0x38a: {  	v7 =	vld [tilespmem:s7+$0xFFFFFF47]  }
0x38b: {  	v11 =	vld [tilespmem:s10+$0xFFFFBF57]  }
0x38c: {  	[tilespmem:v3+s29+$0x0] =	vst.idx.add.f32.msk $0xffff, v5;
	v5 =	vadd.s32 s8, v6  }
0x38d: {  	v3 =	vld [tilespmem:$0x1A670]  }
0x38e: {  	v8 =	vadd.s32 s1, v8;
	[tilespmem:v2+s29+$0x0] =	vst.idx.add.f32.msk $0xffff, v9  }
0x38f: {  	v2 =	vld [tilespmem:$0x1A660]  }
0x390: {  	v6 =	vld [tilespmem:s7+$0xFFFFFFE7]  }
0x391: {  	[tilespmem:v5+s29+$0x0] =	vst.idx.add.f32.msk $0xffff, v11  }
0x392: {  	v3 =	vadd.s32 s13, v3;
	v5 =	vld [tilespmem:$0x1A660]  }
0x393: {  	[tilespmem:v8+s29+$0x0] =	vst.idx.add.f32.msk $0xffff, v7  }
0x394: {  	v8 =	vld [tilespmem:s10+$0xFFFFBFE7];
	v2 =	vadd.s32 s9, v2  }
0x395: {  	v10 =	vld [tilespmem:$0x1A6B0]  }
0x396: {  	v9 =	vld [tilespmem:s10+$0xFFFFBF67]  }
0x397: {  	[tilespmem:v3+s29+$0x0] =	vst.idx.add.f32.msk $0xffff, v6;
	v5 =	vadd.s32 s8, v5  }
0x398: {  	v3 =	vld [tilespmem:$0x1A690]  }
0x399: {  	[tilespmem:v2+s29+$0x0] =	vst.idx.add.f32.msk $0xffff, v8  }
0x39a: {  	v2 =	vld [tilespmem:$0x1A680]  }
0x39b: {  	v8 =	vld [tilespmem:s7+$0xFFFFFFF7]  }
0x39c: {  	[tilespmem:v5+s29+$0x0] =	vst.idx.add.f32.msk $0xffff, v9  }
0x39d: {  	v3 =	vadd.s32 s13, v3;
	v5 =	vld [tilespmem:$0x1A680]  }
0x39e: {  	v7 =	vld [tilespmem:$0x1A650]  }
0x39f: {  	v4 =	vld [tilespmem:s10+$0xFFFFBFF7];
	v2 =	vadd.s32 s9, v2  }
0x3a0: {  	v6 =	vld [tilespmem:s7+$0xFFFFFF57]  }
0x3a1: {  	v9 =	vld [tilespmem:s10+$0xFFFFBF77]  }
0x3a2: {  	[tilespmem:v3+s29+$0x0] =	vst.idx.add.f32.msk $0xffff, v8;
	v5 =	vadd.s32 s8, v5  }
0x3a3: {  	v3 =	vld [tilespmem:$0x1A6B0]  }
0x3a4: {  	v7 =	vadd.s32 s1, v7;
	[tilespmem:v2+s29+$0x0] =	vst.idx.add.f32.msk $0xffff, v4  }
0x3a5: {  	v4 =	vld [tilespmem:s7+$0x0]  }
0x3a6: {  	v2 =	vld [tilespmem:$0x1A6A0]  }
0x3a7: {  	[tilespmem:v5+s29+$0x0] =	vst.idx.add.f32.msk $0xffff, v9  }
0x3a8: {  	v3 =	vadd.s32 s13, v3;
	v5 =	vld [tilespmem:$0x1A6A0]  }
0x3a9: {  	[tilespmem:v7+s29+$0x0] =	vst.idx.add.f32.msk $0xffff, v6  }
0x3aa: {  	v6 =	vld [tilespmem:$0x1A670]  }
0x3ab: {  	v7 =	vld [tilespmem:s10+$0xFFFFC000];
	v9 =	vadd.s32 s9, v2  }
0x3ac: {  	v8 =	vld [tilespmem:s10+$0xFFFFBF80]  }
0x3ad: {  	[tilespmem:v3+s29+$0x0] =	vst.idx.add.f32.msk vm0, v4;
	v3 =	vadd.s32 s8, v5  }
0x3ae: {  	v4 =	vld [tilespmem:s7+$0xFFFFFF67]  }
0x3af: {  	v2 =	vld [tilespmem:s12+$0xFFFFFF80]  }
0x3b0: {  	[tilespmem:v9+s29+$0x0] =	vst.idx.add.f32.msk vm0, v7  }
0x3b1: {  	v7 =	vld [tilespmem:$0x1A610]  }
0x3b2: {  	v5 =	vadd.s32 s1, v6;
	[tilespmem:v3+s29+$0x0] =	vst.idx.add.f32.msk vm0, v8  }
0x3b3: {  	v8 =	vld [tilespmem:$0x1A610]  }
0x3b4: {  	s13 =	smov.u32 s8;
	s12 =	simm.s32 $0x4;
	v3 =	vadd.s32 s11, v10;
	s11 =	smov.u32 s10;
	v6 =	vld [tilespmem:s10+$0xFFFFFF37]  }
.LBB2_17:
0x3b5: {  	v9 =	vld [tilespmem:$0x1A600]  }
0x3b6: {  	s12 =	sadd.s32 $0x2, s12;
	v7 =	vadd.s32 s9, v7;
	v10 =	vld [tilespmem:s10+$0xFFFFFFB7]  }
0x3b7: {  	p0 =	slt.u32 s12, $0x1E;
	[tilespmem:v5+s29+$0x0] =	vst.idx.add.f32.msk $0xffff, v4  }
0x3b8: {  	s13 =	sadd.s32 $0x10, s13;
	v4 =	vadd.s32 s8, v8;
	v5 =	vld [tilespmem:$0x1A690]  }
0x3b9: {  	s15 =	sadd.s32 $0x8, s13;
	s10 =	sadd.s32 $0x100, s10;
	v8 =	vld [tilespmem:s7+$0xFFFFFF77]  }
0x3ba: {  	v11 =	vadd.s32 s13, v9;
	v9 =	vadd.s32 s15, v9;
	v12 =	vld [tilespmem:s10+$0xFFFFBFB7]  }
0x3bb: {  	[tilespmem:v7+s29+$0x0] =	vst.idx.add.f32.msk $0xffff, v10  }
0x3bc: {  	v7 =	vld [tilespmem:$0x1A630]  }
0x3bd: {  	v10 =	vld [tilespmem:s10+$0xFFFFBF37];
	v5 =	vadd.s32 s1, v5  }
0x3be: {  	[tilespmem:v4+s29+$0x0] =	vst.idx.add.f32.msk $0xffff, v6  }
0x3bf: {  	[tilespmem:v9+s29+$0x0] =	vst.idx.add.f32.msk $0xffff, v12  }
0x3c0: {  	v4 =	vld [tilespmem:$0x1A620]  }
0x3c1: {  	v6 =	vadd.s32 s9, v7;
	v7 =	vld [tilespmem:s11+$0xFFFFFFC7]  }
0x3c2: {  	[tilespmem:v11+s29+$0x0] =	vst.idx.add.f32.msk $0xffff, v10  }
0x3c3: {  	v9 =	vld [tilespmem:$0x1A620]  }
0x3c4: {  	v10 =	vld [tilespmem:s10+$0xFFFFBF47]  }
0x3c5: {  	v4 =	vadd.s32 s15, v4;
	v11 =	vld [tilespmem:s10+$0xFFFFBFC7]  }
0x3c6: {  	[tilespmem:v6+s29+$0x0] =	vst.idx.add.f32.msk $0xffff, v7  }
0x3c7: {  	v6 =	vld [tilespmem:$0x1A650]  }
0x3c8: {  	v7 =	vadd.s32 s13, v9;
	v9 =	vld [tilespmem:$0x1A630]  }
0x3c9: {  	v12 =	vld [tilespmem:s11+$0xFFFFFF47]  }
0x3ca: {  	[tilespmem:v4+s29+$0x0] =	vst.idx.add.f32.msk $0xffff, v11  }
0x3cb: {  	v4 =	vld [tilespmem:$0x1A640]  }
0x3cc: {  	v6 =	vadd.s32 s9, v6;
	v11 =	vld [tilespmem:s11+$0xFFFFFFD7]  }
0x3cd: {  	[tilespmem:v7+s29+$0x0] =	vst.idx.add.f32.msk $0xffff, v10;
	v7 =	vadd.s32 s8, v9  }
0x3ce: {  	v9 =	vld [tilespmem:$0x1A640]  }
0x3cf: {  	v10 =	vld [tilespmem:s10+$0xFFFFBF57]  }
0x3d0: {  	v4 =	vadd.s32 s15, v4;
	v13 =	vld [tilespmem:s10+$0xFFFFBFD7]  }
0x3d1: {  	[tilespmem:v6+s29+$0x0] =	vst.idx.add.f32.msk $0xffff, v11  }
0x3d2: {  	v6 =	vld [tilespmem:$0x1A670]  }
0x3d3: {  	v9 =	vadd.s32 s13, v9;
	[tilespmem:v7+s29+$0x0] =	vst.idx.add.f32.msk $0xffff, v12  }
0x3d4: {  	v7 =	vld [tilespmem:$0x1A650]  }
0x3d5: {  	[tilespmem:v4+s29+$0x0] =	vst.idx.add.f32.msk $0xffff, v13  }
0x3d6: {  	v4 =	vld [tilespmem:$0x1A660]  }
0x3d7: {  	v6 =	vadd.s32 s9, v6;
	v11 =	vld [tilespmem:s11+$0xFFFFFFE7]  }
0x3d8: {  	[tilespmem:v9+s29+$0x0] =	vst.idx.add.f32.msk $0xffff, v10  }
0x3d9: {  	v9 =	vld [tilespmem:$0x1A660];
	v7 =	vadd.s32 s8, v7  }
0x3da: {  	v10 =	vld [tilespmem:s10+$0xFFFFBF67]  }
0x3db: {  	v4 =	vadd.s32 s15, v4;
	v12 =	vld [tilespmem:s10+$0xFFFFBFE7]  }
0x3dc: {  	[tilespmem:v6+s29+$0x0] =	vst.idx.add.f32.msk $0xffff, v11  }
0x3dd: {  	v6 =	vld [tilespmem:$0x1A690]  }
0x3de: {  	v9 =	vadd.s32 s13, v9;
	v11 =	vld [tilespmem:s11+$0xFFFFFF57]  }
0x3df: {  	[tilespmem:v5+s29+$0x0] =	vst.idx.add.f32.msk $0xffff, v8  }
0x3e0: {  	[tilespmem:v4+s29+$0x0] =	vst.idx.add.f32.msk $0xffff, v12  }
0x3e1: {  	v4 =	vld [tilespmem:$0x1A680]  }
0x3e2: {  	v5 =	vadd.s32 s9, v6;
	v6 =	vld [tilespmem:s11+$0xFFFFFFF7]  }
0x3e3: {  	[tilespmem:v9+s29+$0x0] =	vst.idx.add.f32.msk $0xffff, v10  }
0x3e4: {  	v8 =	vld [tilespmem:$0x1A680]  }
0x3e5: {  	v9 =	vld [tilespmem:s10+$0xFFFFBF77]  }
0x3e6: {  	v4 =	vadd.s32 s15, v4;
	v10 =	vld [tilespmem:s10+$0xFFFFBFF7]  }
0x3e7: {  	[tilespmem:v5+s29+$0x0] =	vst.idx.add.f32.msk $0xffff, v6  }
0x3e8: {  	v5 =	vld [tilespmem:$0x1A6B0]  }
0x3e9: {  	v6 =	vadd.s32 s13, v8;
	[tilespmem:v7+s29+$0x0] =	vst.idx.add.f32.msk $0xffff, v11  }
0x3ea: {  	v7 =	vld [tilespmem:$0x1A670]  }
0x3eb: {  	[tilespmem:v4+s29+$0x0] =	vst.idx.add.f32.msk $0xffff, v10  }
0x3ec: {  	v4 =	vld [tilespmem:$0x1A6A0]  }
0x3ed: {  	v8 =	vadd.s32 s9, v5;
	v10 =	vld [tilespmem:s11+$0x0];
	s9 =	smov.u32 s15  }
0x3ee: {  	[tilespmem:v6+s29+$0x0] =	vst.idx.add.f32.msk $0xffff, v9  }
0x3ef: {  	v6 =	vld [tilespmem:$0x1A6A0];
	v5 =	vadd.s32 s8, v7  }
0x3f0: {  	v9 =	vld [tilespmem:s10+$0xFFFFBF80]  }
0x3f1: {  	v7 =	vld [tilespmem:s10+$0xFFFFC000]  }
0x3f2: {  	v11 =	vadd.s32 s9, v4;
	[tilespmem:v8+s29+$0x0] =	vst.idx.add.f32.msk vm0, v10  }
0x3f3: {  	v4 =	vld [tilespmem:s11+$0xFFFFFF67]  }
0x3f4: {  	v6 =	vadd.s32 s13, v6;
	v8 =	vld [tilespmem:$0x1A6B0]  }
0x3f5: {  	v10 =	vld [tilespmem:s7+$0xFFFFFF80];
	s7 =	smov.u32 s11;
	s11 =	smov.u32 s10  }
0x3f6: {  	[tilespmem:v3+s29+$0x0] =	vst.idx.add.f32.msk vm0, v2  }
.Ltmp10:
0x3f7: {  	[tilespmem:v11+s29+$0x0] =	vst.idx.add.f32.msk vm0, v7;
	(pc) =	sbr.rel @p0 .LBB2_17-.Ltmp10, $4  }
0x3f8: {  	v7 =	vld [tilespmem:$0x1A610]  }
0x3f9: {  	[tilespmem:v6+s29+$0x0] =	vst.idx.add.f32.msk vm0, v9;
	v3 =	vadd.s32 s1, v8;
	s1 =	smov.u32 s8;
	s8 =	smov.u32 s13  }
0x3fa: {  	v8 =	vld [tilespmem:$0x1A610];
	v2 =	vmov v10  }
0x3fb: {  	v6 =	vld [tilespmem:s10+$0xFFFFFF37]  }
0x3fc: {  	_ = 	snop  }
0x3fd: {  	v9 =	vld [tilespmem:s10+$0xFFFFFFB7];
	v7 =	vadd.s32 s9, v7;
	_ =	sdelay $0x1  }
0x3fe: {  	v8 =	vadd.s32 s8, v8;
	_ =	sdelay $0x2  }
0x3ff: {  	[tilespmem:v7+s29+$0x0] =	vst.idx.add.f32.msk $0xffff, v9  }
0x400: {  	v7 =	vld [tilespmem:$0x1A630]  }
0x401: {  	[tilespmem:v8+s29+$0x0] =	vst.idx.add.f32.msk $0xffff, v6  }
0x402: {  	v6 =	vld [tilespmem:$0x1A630];
	_ =	sdelay $0x2  }
0x403: {  	v56 =	vld [tilespmem:s11+$0xFFFFFFC7];
	v7 =	vadd.s32 s9, v7;
	_ =	sdelay $0x1  }
0x404: {  	v57 =	vld [tilespmem:s11+$0xFFFFFF47];
	v6 =	vadd.s32 s8, v6;
	_ =	sdelay $0x2  }
0x405: {  	[tilespmem:v7+s29+$0x0] =	vst.idx.add.f32.msk $0xffff, v56  }
0x406: {  	v7 =	vld [tilespmem:$0x1A650]  }
0x407: {  	[tilespmem:v6+s29+$0x0] =	vst.idx.add.f32.msk $0xffff, v57  }
0x408: {  	v6 =	vld [tilespmem:$0x1A650];
	_ =	sdelay $0x2  }
0x409: {  	v8 =	vld [tilespmem:s11+$0xFFFFFFD7];
	v7 =	vadd.s32 s9, v7;
	_ =	sdelay $0x1  }
0x40a: {  	v9 =	vld [tilespmem:s11+$0xFFFFFF57];
	v6 =	vadd.s32 s8, v6;
	_ =	sdelay $0x2  }
0x40b: {  	[tilespmem:v7+s29+$0x0] =	vst.idx.add.f32.msk $0xffff, v8  }
0x40c: {  	v7 =	vld [tilespmem:$0x1A670]  }
0x40d: {  	[tilespmem:v6+s29+$0x0] =	vst.idx.add.f32.msk $0xffff, v9  }
0x40e: {  	v6 =	vld [tilespmem:$0x1A670];
	_ =	sdelay $0x2  }
0x40f: {  	v8 =	vld [tilespmem:s11+$0xFFFFFFE7];
	v7 =	vadd.s32 s9, v7;
	_ =	sdelay $0x1  }
0x410: {  	v59 =	vld [tilespmem:s11+$0xFFFFFF67];
	v58 =	vadd.s32 s8, v6  }
0x411: {  	[tilespmem:v5+s29+$0x0] =	vst.idx.add.f32.msk $0xffff, v4  }
0x412: {  	v60 =	vld [tilespmem:$0x1A690]  }
0x413: {  	[tilespmem:v7+s29+$0x0] =	vst.idx.add.f32.msk $0xffff, v8  }
0x414: {  	v7 =	vld [tilespmem:$0x1A690]  }
0x415: {  	[tilespmem:v58+s29+$0x0] =	vst.idx.add.f32.msk $0xffff, v59  }
0x416: {  	v4 =	vld [tilespmem:$0x1A690]  }
0x417: {  	v61 =	vld [tilespmem:s7+$0xFFFFFF77];
	v6 =	vadd.s32 s1, v60;
	_ =	sdelay $0x1  }
0x418: {  	v8 =	vld [tilespmem:s11+$0xFFFFFFF7];
	v7 =	vadd.s32 s9, v7;
	_ =	sdelay $0x1  }
0x419: {  	v9 =	vld [tilespmem:s11+$0xFFFFFF77];
	v4 =	vadd.s32 s8, v4  }
0x41a: {  	[tilespmem:v6+s29+$0x0] =	vst.idx.add.f32.msk $0xffff, v61  }
0x41b: {  	v6 =	vld [tilespmem:$0x1A6B0]  }
0x41c: {  	[tilespmem:v7+s29+$0x0] =	vst.idx.add.f32.msk $0xffff, v8  }
0x41d: {  	v62 =	vld [tilespmem:$0x1A6B0]  }
0x41e: {  	[tilespmem:v4+s29+$0x0] =	vst.idx.add.f32.msk $0xffff, v9  }
0x41f: {  	v4 =	vld [tilespmem:$0x1A6B0];
	_ =	sdelay $0x2  }
0x420: {  	v63 =	vld [tilespmem:s7+$0xFFFFFF80];
	v6 =	vadd.s32 s1, v6  }
0x421: {  	s6 =	sadd.s32 $0x1, s6;
	v7 =	vld [tilespmem:s11+$0x0];
	v5 =	vadd.s32 s9, v62  }
0x422: {  	p0 =	sne.s32 s6, $0x10;
	v9 =	vld [tilespmem:s11+$0xFFFFFF80];
	v4 =	vadd.s32 s8, v4  }
.Ltmp11:
0x423: {  	_ = 	snop;
	(pc) =	sbr.rel @p0 .LBB2_16-.Ltmp11, $4  }
0x424: {  	[tilespmem:v3+s29+$0x0] =	vst.idx.add.f32.msk vm0, v2  }
0x425: {  	[tilespmem:v6+s29+$0x0] =	vst.idx.add.f32.msk vm0, v63  }
0x426: {  	[tilespmem:v5+s29+$0x0] =	vst.idx.add.f32.msk vm0, v7  }
0x427: {  	s2 =	sadd.s32 $0x1, s2;
	s0 =	sadd.s32 $0x1, s0;
	[tilespmem:v4+s29+$0x0] =	vst.idx.add.f32.msk vm0, v9  }
0x428: {  	s0 =	simm.s32 $0x17;
	s6 =	simm.s32 $0x7  }
.LBB2_20:
0x429: {  	s26 =	sand.u32 $0x7, s6  }
0x42a: {  	s1 =	smul.u32 $0x1C20, s26;
	_ =	sdelay $0x1  }
0x42b: {  	s2 =	sadd.s32 $0x1A22, s1  }
0x42c: {  	s1 =	sadd.s32 $0xFFFFE5E6, s2  }
0x42d: {  	s3 =	sand.u32 $0x1, s0;
	v2 =	vadd.s32 s1, v1  }
0x42e: {  	s9 =	sadd.s32 $0x9, s3  }
0x42f: {  	_ =	swait.ge [sflag:s9], $0x2000  }
0x430: {  	[sflag:s9] =	ssyncset.done $0x0  }
0x431: {  	p0 =	seq.s32 s0, $0x1B;
	s8 =	simm.f32 $1.000000000e+00;
	[sflag:s9] =	ssyncadd.s32 $0xFFFFE000  }
0x432: {  	s8 =	simm.s32 @!p0 $0x3F000000;
	v4 =	vld.idx.msk [tilespmem:v2+s29+$0x0], $0xffff  }
0x433: {  	s7 =	smul.f32 $5.000000000e-01, s8;
	s17 =	sadd.s32 $0xFFFFE5DE, s2  }
0x434: {  	s18 =	sadd.s32 $0xFFFFE7E8, s2;
	v5 =	vadd.s32 s17, v1  }
0x435: {  	s4 =	simm.s32 $0x0;
	s3 =	sshll.u32 s3, $0xD;
	v6 =	vadd.s32 s18, v1;
	v2 =	vmov s7  }
0x436: {  	s19 =	simm.s32 $0x80;
	s20 =	sand.u32 $0x1800, s4;
	s10 =	sadd.s32 $0x16100, s3;
	v3 =	vsel vm1, s8, v2  }
0x437: {  	s3 =	sadd.s32 s20, s10;
	s1 =	sand.u32 $0x380, s19;
	v4 =	vmul.f32 v4, v3  }
0x438: {  	s1 =	sadd.s32 s1, s3  }
0x439: {  	v5 =	vld.idx.msk [tilespmem:v5+s29+$0x0], $0xffff;
	[tilespmem:s1+$0x0] =	vst v4  }
0x43a: {  	v4 =	vld.idx.msk [tilespmem:v6+s29+$0x0], $0xffff  }
0x43b: {  	s21 =	sadd.s32 $0xFFFFE7E0, s2  }
0x43c: {  	s22 =	sadd.s32 $0xFFFFE9EA, s2;
	v6 =	vadd.s32 s21, v1  }
0x43d: {  	s5 =	simm.s32 $0x0;
	v7 =	vadd.s32 s22, v1  }
0x43e: {  	s23 =	sand.u32 $0x300, s5;
	v5 =	vmul.f32 v5, v3  }
0x43f: {  	s21 =	sadd.s32 s23, s3;
	v4 =	vmul.f32 v4, v2  }
0x440: {  	[tilespmem:s21+$0x0] =	vst v5  }
0x441: {  	v5 =	vld.idx.msk [tilespmem:v6+s29+$0x0], $0xffff;
	[tilespmem:s1+$0x10] =	vst v4  }
0x442: {  	v4 =	vld.idx.msk [tilespmem:v7+s29+$0x0], $0xffff  }
0x443: {  	s24 =	sadd.s32 $0xFFFFE9E2, s2  }
0x444: {  	s25 =	sadd.s32 $0xFFFFEBEC, s2;
	s12 =	sadd.s32 $0x10, s2;
	v6 =	vadd.s32 s24, v1  }
0x445: {  	s28 =	sadd.s32 $0xFFFFE5E6, s12;
	v7 =	vadd.s32 s25, v1  }
0x446: {  	v8 =	vadd.s32 s28, v1;
	v5 =	vmul.f32 v5, v2  }
0x447: {  	v4 =	vmul.f32 v4, v2  }
0x448: {  	[tilespmem:s21+$0x10] =	vst v5  }
0x449: {  	v5 =	vld.idx.msk [tilespmem:v6+s29+$0x0], $0xffff;
	[tilespmem:s1+$0x20] =	vst v4  }
0x44a: {  	s30 =	sadd.s32 $0xFFFFE5DE, s12;
	v4 =	vld.idx.msk [tilespmem:v7+s29+$0x0], $0xffff  }
0x44b: {  	s31 =	sadd.s32 $0xFFFFEBE4, s2;
	v6 =	vadd.s32 s30, v1;
	v7 =	vld.idx.msk [tilespmem:v8+s29+$0x0], $0xffff  }
0x44c: {  	s4 =	sadd.s32 $0xFFFFEDEE, s2;
	v8 =	vadd.s32 s31, v1  }
0x44d: {  	s5 =	sadd.s32 $0xFFFFE7E8, s12;
	v9 =	vadd.s32 s4, v1  }
0x44e: {  	s11 =	simm.s32 $0x200;
	v10 =	vadd.s32 s5, v1;
	v5 =	vmul.f32 v5, v2  }
0x44f: {  	s13 =	simm.s32 $0x180;
	s3 =	sand.u32 $0x1800, s11;
	v4 =	vmul.f32 v4, v2  }
0x450: {  	s4 =	sand.u32 $0x380, s13;
	s3 =	sadd.s32 s3, s10;
	[tilespmem:s21+$0x20] =	vst v5;
	v5 =	vld.idx.msk [tilespmem:v6+s29+$0x0], $0xffff;
	v6 =	vmul.f32 v7, v3  }
0x451: {  	s11 =	sadd.s32 s4, s3;
	v7 =	vld.idx.msk [tilespmem:v8+s29+$0x0], $0xffff;
	[tilespmem:s1+$0x30] =	vst v4  }
0x452: {  	s15 =	sadd.s32 $0xFFFFE7E0, s12;
	[tilespmem:s11+$0x0] =	vst v6;
	v4 =	vld.idx.msk [tilespmem:v9+s29+$0x0], $0xffff  }
0x453: {  	s16 =	sadd.s32 $0xFFFFEDE6, s2;
	v6 =	vadd.s32 s15, v1;
	v8 =	vld.idx.msk [tilespmem:v10+s29+$0x0], $0xffff  }
0x454: {  	s17 =	simm.s32 $0x100;
	s18 =	sadd.s32 $0xFFFFEFF0, s2;
	v9 =	vadd.s32 s16, v1  }
0x455: {  	s13 =	sadd.s32 $0xFFFFE9EA, s12;
	s4 =	sand.u32 $0x300, s17;
	v10 =	vadd.s32 s18, v1;
	v5 =	vmul.f32 v5, v3  }
0x456: {  	v11 =	vadd.s32 s13, v1;
	s25 =	sadd.s32 s4, s3;
	v7 =	vmul.f32 v7, v2  }
0x457: {  	[tilespmem:s25+$0x0] =	vst v5;
	v4 =	vmul.f32 v4, v2  }
0x458: {  	v5 =	vld.idx.msk [tilespmem:v6+s29+$0x0], $0xffff;
	[tilespmem:s21+$0x30] =	vst v7;
	v6 =	vmul.f32 v8, v2  }
0x459: {  	v7 =	vld.idx.msk [tilespmem:v9+s29+$0x0], $0xffff;
	[tilespmem:s1+$0x40] =	vst v4  }
0x45a: {  	s19 =	sadd.s32 $0xFFFFE9E2, s12;
	[tilespmem:s11+$0x10] =	vst v6;
	v4 =	vld.idx.msk [tilespmem:v10+s29+$0x0], $0xffff  }
0x45b: {  	s20 =	sadd.s32 $0xFFFFEFE8, s2;
	v6 =	vadd.s32 s19, v1;
	v8 =	vld.idx.msk [tilespmem:v11+s29+$0x0], $0xffff  }
0x45c: {  	s22 =	sadd.s32 $0xFFFFF1F2, s2;
	v9 =	vadd.s32 s20, v1  }
0x45d: {  	s23 =	sadd.s32 $0xFFFFEBEC, s12;
	s16 =	sadd.s32 $0x10, s12;
	v10 =	vadd.s32 s22, v1;
	v5 =	vmul.f32 v5, v2  }
0x45e: {  	s24 =	sadd.s32 $0xFFFFE5E6, s16;
	v11 =	vadd.s32 s23, v1;
	v7 =	vmul.f32 v7, v2  }
0x45f: {  	[tilespmem:s25+$0x10] =	vst v5;
	v5 =	vadd.s32 s24, v1;
	v4 =	vmul.f32 v4, v2  }
0x460: {  	v6 =	vld.idx.msk [tilespmem:v6+s29+$0x0], $0xffff;
	[tilespmem:s21+$0x40] =	vst v7;
	v7 =	vmul.f32 v8, v2  }
0x461: {  	s28 =	sadd.s32 $0xFFFFE5DE, s16;
	v8 =	vld.idx.msk [tilespmem:v9+s29+$0x0], $0xffff;
	[tilespmem:s1+$0x50] =	vst v4  }
0x462: {  	s30 =	sadd.s32 $0xFFFFEBE4, s12;
	v4 =	vadd.s32 s28, v1;
	[tilespmem:s11+$0x20] =	vst v7;
	v7 =	vld.idx.msk [tilespmem:v10+s29+$0x0], $0xffff  }
0x463: {  	s31 =	sadd.s32 $0xFFFFF1EA, s2;
	v9 =	vadd.s32 s30, v1;
	v10 =	vld.idx.msk [tilespmem:v11+s29+$0x0], $0xffff  }
0x464: {  	s5 =	sadd.s32 $0xFFFFF3F4, s2;
	v11 =	vadd.s32 s31, v1;
	v5 =	vld.idx.msk [tilespmem:v5+s29+$0x0], $0xffff  }
0x465: {  	s13 =	sadd.s32 $0xFFFFEDEE, s12;
	v12 =	vadd.s32 s5, v1;
	v6 =	vmul.f32 v6, v2  }
0x466: {  	v13 =	vadd.s32 s13, v1;
	s15 =	sadd.s32 $0xFFFFE7E8, s16;
	v8 =	vmul.f32 v8, v2  }
0x467: {  	s17 =	simm.s32 $0x400;
	[tilespmem:s25+$0x20] =	vst v6;
	v6 =	vadd.s32 s15, v1;
	v4 =	vld.idx.msk [tilespmem:v4+s29+$0x0], $0xffff;
	v7 =	vmul.f32 v7, v2  }
0x468: {  	s3 =	sand.u32 $0x1800, s17;
	s18 =	simm.s32 $0x280;
	[tilespmem:s21+$0x50] =	vst v8;
	v8 =	vld.idx.msk [tilespmem:v9+s29+$0x0], $0xffff;
	v9 =	vmul.f32 v10, v2  }
0x469: {  	s3 =	sadd.s32 s3, s10;
	s4 =	sand.u32 $0x380, s18;
	s19 =	sadd.s32 $0xFFFFE7E0, s16;
	v10 =	vld.idx.msk [tilespmem:v11+s29+$0x0], $0xffff;
	v5 =	vmul.f32 v5, v3;
	[tilespmem:s1+$0x60] =	vst v7  }
0x46a: {  	s17 =	sadd.s32 s4, s3;
	s20 =	sadd.s32 $0xFFFFEDE6, s12;
	v7 =	vadd.s32 s19, v1;
	[tilespmem:s11+$0x30] =	vst v9;
	v9 =	vld.idx.msk [tilespmem:v12+s29+$0x0], $0xffff  }
0x46b: {  	s22 =	sadd.s32 $0xFFFFF3EC, s2;
	s23 =	simm.s32 $0x200;
	v11 =	vadd.s32 s20, v1;
	[tilespmem:s17+$0x0] =	vst v5;
	v5 =	vld.idx.msk [tilespmem:v13+s29+$0x0], $0xffff  }
0x46c: {  	s24 =	sand.u32 $0x300, s23;
	s28 =	sadd.s32 $0xFFFFF5F6, s2;
	v12 =	vadd.s32 s22, v1;
	v6 =	vld.idx.msk [tilespmem:v6+s29+$0x0], $0xffff;
	v4 =	vmul.f32 v4, v3  }
0x46d: {  	s18 =	sadd.s32 s24, s3;
	s30 =	sadd.s32 $0xFFFFEFF0, s12;
	v13 =	vadd.s32 s28, v1;
	v8 =	vmul.f32 v8, v2  }
0x46e: {  	s31 =	sadd.s32 $0xFFFFE9EA, s16;
	[tilespmem:s18+$0x0] =	vst v4;
	v4 =	vmul.f32 v10, v2;
	v10 =	vadd.s32 s30, v1  }
0x46f: {  	[tilespmem:s25+$0x30] =	vst v8;
	v8 =	vadd.s32 s31, v1;
	v7 =	vld.idx.msk [tilespmem:v7+s29+$0x0], $0xffff;
	v9 =	vmul.f32 v9, v2  }
0x470: {  	v11 =	vld.idx.msk [tilespmem:v11+s29+$0x0], $0xffff;
	[tilespmem:s21+$0x60] =	vst v4;
	v4 =	vmul.f32 v5, v2  }
0x471: {  	s5 =	sadd.s32 $0xFFFFE9E2, s16;
	v6 =	vmul.f32 v6, v2;
	v5 =	vld.idx.msk [tilespmem:v12+s29+$0x0], $0xffff;
	[tilespmem:s1+$0x70] =	vst v9  }
0x472: {  	s13 =	sadd.s32 $0xFFFFEFE8, s12;
	v9 =	vadd.s32 s5, v1;
	[tilespmem:s11+$0x40] =	vst v4;
	v4 =	vld.idx.msk [tilespmem:v13+s29+$0x0], $0xffff  }
0x473: {  	s15 =	sadd.s32 $0xFFFFF5EE, s2;
	v12 =	vadd.s32 s13, v1;
	[tilespmem:s17+$0x10] =	vst v6;
	v6 =	vld.idx.msk [tilespmem:v10+s29+$0x0], $0xffff  }
0x474: {  	s19 =	sadd.s32 $0xFFFFF7F8, s2;
	v10 =	vadd.s32 s15, v1;
	v8 =	vld.idx.msk [tilespmem:v8+s29+$0x0], $0xffff;
	v7 =	vmul.f32 v7, v2  }
0x475: {  	s20 =	sadd.s32 $0xFFFFF1F2, s12;
	v13 =	vadd.s32 s19, v1;
	v11 =	vmul.f32 v11, v2  }
0x476: {  	s22 =	sadd.s32 $0xFFFFEBEC, s16;
	s19 =	sadd.s32 $0x10, s16;
	[tilespmem:s18+$0x10] =	vst v7;
	v5 =	vmul.f32 v5, v2;
	v7 =	vadd.s32 s20, v1  }
0x477: {  	s23 =	sadd.s32 $0xFFFFE5E6, s19;
	[tilespmem:s25+$0x40] =	vst v11;
	v11 =	vadd.s32 s22, v1;
	v9 =	vld.idx.msk [tilespmem:v9+s29+$0x0], $0xffff;
	v4 =	vmul.f32 v4, v2  }
0x478: {  	s24 =	sadd.s32 $0xFFFFE5DE, s19;
	v12 =	vld.idx.msk [tilespmem:v12+s29+$0x0], $0xffff;
	[tilespmem:s21+$0x70] =	vst v5;
	v5 =	vadd.s32 s23, v1;
	v6 =	vmul.f32 v6, v2  }
0x479: {  	s28 =	sadd.s32 $0xFFFFEBE4, s16;
	v14 =	vadd.s32 s24, v1;
	v8 =	vmul.f32 v8, v2;
	v10 =	vld.idx.msk [tilespmem:v10+s29+$0x0], $0xffff;
	[tilespmem:s1+$0x400] =	vst v4  }
0x47a: {  	s30 =	sadd.s32 $0xFFFFF1EA, s12;
	v4 =	vadd.s32 s28, v1;
	[tilespmem:s11+$0x50] =	vst v6;
	v6 =	vld.idx.msk [tilespmem:v13+s29+$0x0], $0xffff  }
0x47b: {  	s31 =	sadd.s32 $0xFFFFF7F0, s2;
	[tilespmem:s17+$0x20] =	vst v8;
	v13 =	vadd.s32 s30, v1;
	v7 =	vld.idx.msk [tilespmem:v7+s29+$0x0], $0xffff  }
0x47c: {  	s5 =	sadd.s32 $0xFFFFF9FA, s2;
	v8 =	vadd.s32 s31, v1;
	v11 =	vld.idx.msk [tilespmem:v11+s29+$0x0], $0xffff;
	v9 =	vmul.f32 v9, v2  }
0x47d: {  	s13 =	sadd.s32 $0xFFFFF3F4, s12;
	v15 =	vadd.s32 s5, v1;
	v12 =	vmul.f32 v12, v2;
	v5 =	vld.idx.msk [tilespmem:v5+s29+$0x0], $0xffff  }
0x47e: {  	s15 =	sadd.s32 $0xFFFFEDEE, s16;
	[tilespmem:s18+$0x20] =	vst v9;
	v9 =	vmul.f32 v10, v2;
	v10 =	vld.idx.msk [tilespmem:v14+s29+$0x0], $0xffff;
	v14 =	vadd.s32 s13, v1  }
0x47f: {  	s20 =	sadd.s32 $0xFFFFE7E8, s19;
	[tilespmem:s25+$0x50] =	vst v12;
	v12 =	vadd.s32 s15, v1;
	v4 =	vld.idx.msk [tilespmem:v4+s29+$0x0], $0xffff;
	v6 =	vmul.f32 v6, v2  }
0x480: {  	s24 =	simm.s32 $0x600;
	s22 =	sadd.s32 $0xFFFFF3EC, s12;
	s23 =	sadd.s32 $0xFFFFE7E0, s19;
	[tilespmem:s21+$0x400] =	vst v9;
	v9 =	vld.idx.msk [tilespmem:v13+s29+$0x0], $0xffff;
	v13 =	vadd.s32 s20, v1;
	v7 =	vmul.f32 v7, v2  }
0x481: {  	s4 =	sand.u32 $0x1800, s24;
	v16 =	vadd.s32 s23, v1;
	s28 =	sadd.s32 $0xFFFFEDE6, s16;
	s30 =	simm.s32 $0x380;
	v11 =	vmul.f32 v11, v2;
	v8 =	vld.idx.msk [tilespmem:v8+s29+$0x0], $0xffff;
	[tilespmem:s1+$0x410] =	vst v6  }
0x482: {  	s4 =	sadd.s32 s4, s10;
	s31 =	simm.s32 $0x300;
	s5 =	sand.u32 $0x380, s30;
	v6 =	vadd.s32 s28, v1;
	v5 =	vmul.f32 v5, v3;
	[tilespmem:s11+$0x60] =	vst v7;
	v7 =	vld.idx.msk [tilespmem:v15+s29+$0x0], $0xffff  }
0x483: {  	s15 =	sadd.s32 $0xFFFFF9F2, s2;
	s13 =	sand.u32 $0x300, s31;
	s20 =	sadd.s32 s5, s4;
	[tilespmem:s17+$0x30] =	vst v11;
	v15 =	vadd.s32 s22, v1;
	v10 =	vmul.f32 v10, v3;
	v11 =	vld.idx.msk [tilespmem:v14+s29+$0x0], $0xffff  }
0x484: {  	v14 =	vadd.s32 s15, v1;
	s22 =	sadd.s32 s13, s4;
	s15 =	sadd.s32 $0xFFFFFBFC, s2;
	[tilespmem:s20+$0x0] =	vst v5;
	v4 =	vmul.f32 v4, v2;
	v5 =	vld.idx.msk [tilespmem:v12+s29+$0x0], $0xffff  }
0x485: {  	s23 =	sadd.s32 $0xFFFFF5F6, s12;
	v12 =	vadd.s32 s15, v1;
	[tilespmem:s22+$0x0] =	vst v10;
	v10 =	vld.idx.msk [tilespmem:v13+s29+$0x0], $0xffff;
	v9 =	vmul.f32 v9, v2  }
0x486: {  	s24 =	sadd.s32 $0xFFFFEFF0, s16;
	v13 =	vld.idx.msk [tilespmem:v16+s29+$0x0], $0xffff;
	[tilespmem:s18+$0x30] =	vst v4;
	v4 =	vmul.f32 v8, v2;
	v8 =	vadd.s32 s23, v1  }
0x487: {  	s28 =	sadd.s32 $0xFFFFE9EA, s19;
	v6 =	vld.idx.msk [tilespmem:v6+s29+$0x0], $0xffff;
	[tilespmem:s25+$0x60] =	vst v9;
	v9 =	vadd.s32 s24, v1;
	v7 =	vmul.f32 v7, v2  }
0x488: {  	s30 =	sadd.s32 $0xFFFFE9E2, s19;
	v15 =	vld.idx.msk [tilespmem:v15+s29+$0x0], $0xffff;
	[tilespmem:s21+$0x410] =	vst v4;
	v4 =	vadd.s32 s28, v1;
	v11 =	vmul.f32 v11, v2  }
0x489: {  	s31 =	sadd.s32 $0xFFFFEFE8, s16;
	v16 =	vadd.s32 s30, v1;
	v14 =	vld.idx.msk [tilespmem:v14+s29+$0x0], $0xffff;
	v5 =	vmul.f32 v5, v2;
	[tilespmem:s1+$0x420] =	vst v7  }
0x48a: {  	s5 =	sadd.s32 $0xFFFFF5EE, s12;
	v7 =	vadd.s32 s31, v1;
	v10 =	vmul.f32 v10, v2;
	[tilespmem:s11+$0x70] =	vst v11;
	v11 =	vld.idx.msk [tilespmem:v12+s29+$0x0], $0xffff  }
0x48b: {  	s13 =	sadd.s32 $0xFFFFFBF4, s2;
	v12 =	vadd.s32 s5, v1;
	v13 =	vmul.f32 v13, v2;
	[tilespmem:s17+$0x40] =	vst v5;
	v5 =	vld.idx.msk [tilespmem:v8+s29+$0x0], $0xffff  }
0x48c: {  	s15 =	sadd.s32 $0xFFFFFDFE, s2;
	v8 =	vadd.s32 s13, v1;
	[tilespmem:s20+$0x10] =	vst v10;
	v6 =	vmul.f32 v6, v2;
	v9 =	vld.idx.msk [tilespmem:v9+s29+$0x0], $0xffff  }
0x48d: {  	s23 =	sadd.s32 $0xFFFFF7F8, s12;
	[tilespmem:s22+$0x10] =	vst v13;
	v10 =	vld.idx.msk [tilespmem:v4+s29+$0x0], $0xffff;
	v4 =	vmul.f32 v15, v2;
	v13 =	vadd.s32 s15, v1  }
0x48e: {  	s24 =	sadd.s32 $0xFFFFF1F2, s16;
	v15 =	vld.idx.msk [tilespmem:v16+s29+$0x0], $0xffff;
	[tilespmem:s18+$0x40] =	vst v6;
	v6 =	vmul.f32 v14, v2;
	v14 =	vadd.s32 s23, v1  }
0x48f: {  	s28 =	sadd.s32 $0xFFFFEBEC, s19;
	v19 =	vadd.s32 s24, v1;
	s23 =	sadd.s32 $0x10, s19;
	v18 =	vld.idx.msk [tilespmem:v7+s29+$0x0], $0xffff;
	[tilespmem:s25+$0x70] =	vst v4;
	v7 =	vmul.f32 v11, v2  }
0x490: {  	v16 =	vmov s8;
	s31 =	sadd.s32 $0xFFFFE5E6, s23;
	v11 =	vld.idx.msk [tilespmem:v12+s29+$0x0], $0xffff;
	[tilespmem:s21+$0x420] =	vst v6;
	v12 =	vadd.s32 s28, v1;
	v5 =	vmul.f32 v5, v2  }
0x491: {  	v4 =	vsel vm1, s7, v16;
	s8 =	sadd.s32 $0xFFFFE5DE, s23;
	v16 =	vadd.s32 s31, v1;
	v8 =	vld.idx.msk [tilespmem:v8+s29+$0x0], $0xffff;
	v6 =	vmul.f32 v9, v2;
	[tilespmem:s1+$0x430] =	vst v7  }
0x492: {  	v24 =	vadd.s32 s2, v1;
	s30 =	sadd.s32 $0xFFFFFDF6, s2;
	s15 =	sadd.s32 $0xFFFFEBE4, s19;
	v20 =	vadd.s32 s8, v1;
	v9 =	vmul.f32 v10, v2;
	[tilespmem:s11+$0x400] =	vst v5;
	v10 =	vld.idx.msk [tilespmem:v13+s29+$0x0], $0xffff  }
0x493: {  	v17 =	vadd.s32 s30, v1;
	s24 =	sadd.s32 $0xFFFFF9F2, s12;
	v21 =	vadd.s32 s15, v1;
	s28 =	sadd.s32 $0xFFFFF1EA, s16;
	[tilespmem:s17+$0x50] =	vst v6;
	v14 =	vld.idx.msk [tilespmem:v14+s29+$0x0], $0xffff  }
0x494: {  	v23 =	vadd.s32 s24, v1;
	s13 =	sadd.s32 $0xFFFFF7F0, s12;
	s5 =	sadd.s32 $0xFFFFF3EC, s16;
	v22 =	vadd.s32 s28, v1;
	v15 =	vmul.f32 v15, v2;
	[tilespmem:s20+$0x20] =	vst v9;
	v19 =	vld.idx.msk [tilespmem:v19+s29+$0x0], $0xffff  }
0x495: {  	v25 =	vadd.s32 s5, v1;
	s7 =	sadd.s32 $0xFFFFFFF8, s2;
	s24 =	sadd.s32 $0xFFFFE7E8, s23;
	v13 =	vadd.s32 s13, v1;
	v18 =	vmul.f32 v18, v2;
	v12 =	vld.idx.msk [tilespmem:v12+s29+$0x0], $0xffff  }
0x496: {  	s3 =	sadd.s32 $0xFFFFFFF8, s16;
	s4 =	sadd.s32 $0xFFFFFFF8, s12;
	v29 =	vadd.s32 s24, v1;
	s28 =	sadd.s32 $0xFFFFF3F4, s16;
	v7 =	vadd.s32 s7, v1;
	[tilespmem:s22+$0x20] =	vst v15;
	v11 =	vmul.f32 v11, v2;
	v15 =	vld.idx.msk [tilespmem:v16+s29+$0x0], $0xffff  }
0x497: {  	s30 =	sadd.s32 $0xFFFFFBF4, s12;
	s31 =	sadd.s32 $0xFFFFFDF6, s12;
	s8 =	sadd.s32 $0xFFFFF9FA, s12;
	v5 =	vadd.s32 s4, v1;
	v26 =	vadd.s32 s28, v1;
	[tilespmem:s18+$0x50] =	vst v18;
	v8 =	vmul.f32 v8, v2;
	v18 =	vld.idx.msk [tilespmem:v20+s29+$0x0], $0xffff  }
0x498: {  	s5 =	sadd.s32 $0xFFFFFBF4, s16;
	s15 =	sadd.s32 $0xFFFFF9F2, s16;
	s7 =	sadd.s32 $0xFFFFF5EE, s16;
	v6 =	vadd.s32 s31, v1;
	v20 =	vadd.s32 s8, v1;
	v21 =	vld.idx.msk [tilespmem:v21+s29+$0x0], $0xffff;
	[tilespmem:s25+$0x400] =	vst v11;
	v10 =	vmul.f32 v10, v2  }
0x499: {  	s4 =	sadd.s32 $0xFFFFFDF6, s16;
	s28 =	sadd.s32 $0xFFFFE7E0, s23;
	v34 =	vadd.s32 s7, v1;
	v9 =	vadd.s32 s30, v1;
	s30 =	sadd.s32 $0xFFFFEDEE, s19;
	v28 =	vld.idx.msk [tilespmem:v22+s29+$0x0], $0xffff;
	[tilespmem:s21+$0x430] =	vst v8;
	v8 =	vmul.f32 v14, v2  }
0x49a: {  	s13 =	sadd.s32 $0xFFFFF7F0, s16;
	s31 =	sadd.s32 $0xFFFFEDE6, s19;
	s7 =	simm.s32 $0x800;
	v30 =	vadd.s32 s28, v1;
	v27 =	vadd.s32 s30, v1;
	v13 =	vld.idx.msk [tilespmem:v13+s29+$0x0], $0xffff;
	v19 =	vmul.f32 v19, v2;
	[tilespmem:s1+$0x440] =	vst v10  }
0x49b: {  	s28 =	sadd.s32 $0xFFFFF3EC, s19;
	v32 =	vadd.s32 s31, v1;
	v16 =	vadd.s32 s13, v1;
	s30 =	sand.u32 $0x1800, s7;
	s8 =	simm.s32 $0x480;
	v46 =	vld.idx.msk [tilespmem:v17+s29+$0x0], $0xffff;
	v12 =	vmul.f32 v12, v2;
	[tilespmem:s11+$0x410] =	vst v8  }
0x49c: {  	s31 =	simm.s32 $0x400;
	v11 =	vadd.s32 s5, v1;
	s24 =	sand.u32 $0x380, s8;
	v10 =	vadd.s32 s4, v1;
	s4 =	sadd.s32 s30, s10;
	v15 =	vmul.f32 v15, v3;
	v31 =	vld.idx.msk [tilespmem:v24+s29+$0x0], $0xffff;
	[tilespmem:s17+$0x60] =	vst v19  }
0x49d: {  	s2 =	sand.u32 $0x300, s31;
	v22 =	vadd.s32 s28, v1;
	v14 =	vadd.s32 s15, v1;
	s15 =	sadd.s32 $0xFFFFEFE8, s19;
	v19 =	vld.idx.msk [tilespmem:v20+s29+$0x0], $0xffff;
	v18 =	vmul.f32 v18, v3;
	s24 =	sadd.s32 s24, s4;
	[tilespmem:s20+$0x30] =	vst v12  }
0x49e: {  	s5 =	sadd.s32 $0xFFFFF1EA, s19;
	v35 =	vadd.s32 s15, v1;
	s15 =	sadd.s32 $0xFFFFF5F6, s16;
	v8 =	vadd.s32 s3, v1;
	s2 =	sadd.s32 s2, s4;
	v26 =	vld.idx.msk [tilespmem:v26+s29+$0x0], $0xffff;
	[tilespmem:s24+$0x0] =	vst v15;
	v12 =	vmul.f32 v21, v2  }
0x49f: {  	s31 =	sadd.s32 $0xFFFFF7F0, s19;
	v37 =	vadd.s32 s15, v1;
	v24 =	vadd.s32 s5, v1;
	s5 =	sadd.s32 $0xFFFFFBFC, s12;
	v28 =	vmul.f32 v28, v2;
	v27 =	vld.idx.msk [tilespmem:v27+s29+$0x0], $0xffff;
	[tilespmem:s2+$0x0] =	vst v18  }
0x4a0: {  	s30 =	sadd.s32 $0xFFFFF5EE, s19;
	s15 =	sadd.s32 $0xFFFFE9E2, s23;
	v20 =	vadd.s32 s31, v1;
	v36 =	vadd.s32 s5, v1;
	v29 =	vld.idx.msk [tilespmem:v29+s29+$0x0], $0xffff;
	[tilespmem:s22+$0x30] =	vst v12;
	v12 =	vmul.f32 v13, v2  }
0x4a1: {  	s13 =	sadd.s32 $0xFFFFFBF4, s19;
	v44 =	vadd.s32 s15, v1;
	v21 =	vadd.s32 s30, v1;
	s30 =	sadd.s32 $0xFFFFEFF0, s19;
	v33 =	vld.idx.msk [tilespmem:v30+s29+$0x0], $0xffff;
	[tilespmem:s18+$0x60] =	vst v28;
	v28 =	vmul.f32 v31, v4  }
0x4a2: {  	s28 =	sadd.s32 $0xFFFFFDF6, s19;
	v15 =	vadd.s32 s13, v1;
	s13 =	sadd.s32 $0xFFFFE9EA, s23;
	v39 =	vadd.s32 s30, v1;
	v38 =	vld.idx.msk [tilespmem:v32+s29+$0x0], $0xffff;
	[tilespmem:s25+$0x410] =	vst v12;
	v19 =	vmul.f32 v19, v2  }
0x4a3: {  	s4 =	sadd.s32 $0xFFFFF9F2, s19;
	v41 =	vadd.s32 s13, v1;
	v13 =	vadd.s32 s28, v1;
	s28 =	sadd.s32 $0xFFFFEBE4, s23;
	v40 =	vld.idx.msk [tilespmem:v25+s29+$0x0], $0xffff;
	v25 =	vmul.f32 v26, v2;
	[tilespmem:s1+$0x450] =	vst v28  }
0x4a4: {  	s31 =	sadd.s32 $0xFFFFFFF8, s19;
	v18 =	vadd.s32 s4, v1;
	s30 =	sadd.s32 $0xFFFFEDE6, s23;
	v32 =	vadd.s32 s28, v1;
	v43 =	vld.idx.msk [tilespmem:v23+s29+$0x0], $0xffff;
	v23 =	vmul.f32 v27, v2;
	[tilespmem:s11+$0x420] =	vst v19  }
0x4a5: {  	s4 =	sadd.s32 $0xFFFFF1EA, s23;
	v12 =	vadd.s32 s31, v1;
	s31 =	sadd.s32 $0xFFFFEFE8, s23;
	v31 =	vadd.s32 s30, v1;
	v17 =	vmul.f32 v29, v2;
	[tilespmem:s17+$0x70] =	vst v25;
	v36 =	vld.idx.msk [tilespmem:v36+s29+$0x0], $0xffff  }
0x4a6: {  	s5 =	sadd.s32 $0xFFFFF3EC, s23;
	s13 =	sadd.s32 $0xFFFFF5EE, s23;
	s28 =	smul.u32 $0x7080, s26;
	v30 =	vadd.s32 s31, v1;
	v29 =	vadd.s32 s4, v1;
	v19 =	vmul.f32 v33, v2;
	[tilespmem:s20+$0x40] =	vst v23;
	v37 =	vld.idx.msk [tilespmem:v37+s29+$0x0], $0xffff  }
0x4a7: {  	s15 =	sadd.s32 $0xFFFFF7F0, s23;
	s31 =	sadd.s32 $0xFFFFFBF4, s23;
	v28 =	vadd.s32 s5, v1;
	v27 =	vadd.s32 s13, v1;
	[tilespmem:s24+$0x10] =	vst v17;
	v62 =	vmul.f32 v38, v2;
	v42 =	vld.idx.msk [tilespmem:v39+s29+$0x0], $0xffff  }
0x4a8: {  	s30 =	sadd.s32 $0xFFFFF9F2, s23;
	v26 =	vadd.s32 s31, v1;
	s4 =	sshrl.u32 s28, $0x2;
	s28 =	sadd.s32 $0xFFFFFDFE, s12;
	v25 =	vadd.s32 s15, v1;
	v63 =	vmul.f32 v40, v2;
	[tilespmem:s2+$0x10] =	vst v19;
	v45 =	vld.idx.msk [tilespmem:v41+s29+$0x0], $0xffff  }
0x4a9: {  	s26 =	sadd.s32 $0xFFFFFFF8, s23;
	s15 =	sadd.s32 $0xFFFFFDF6, s23;
	v33 =	vadd.s32 s28, v1;
	v23 =	vadd.s32 s30, v1;
	s30 =	sadd.s32 $0xFFFFF7F8, s16;
	v44 =	vld.idx.msk [tilespmem:v44+s29+$0x0], $0xffff;
	[tilespmem:s22+$0x40] =	vst v62;
	v47 =	vmul.f32 v43, v2  }
0x4aa: {  	s31 =	sadd.s32 $0xFFFFF1F2, s19;
	s13 =	simm.s32 $0x8;
	s5 =	sadd.s32 $0xFFFFEBEC, s23;
	v17 =	vadd.s32 s15, v1;
	v38 =	vmul.f32 v46, v2;
	v40 =	vadd.s32 s30, v1;
	[tilespmem:s18+$0x70] =	vst v63;
	v41 =	vld.idx.msk [tilespmem:v35+s29+$0x0], $0xffff  }
0x4ab: {  	s1 =	sadd.s32 $0x9C00, s4;
	s15 =	sadd.s32 $0x10, s23;
	v19 =	vadd.s32 s26, v1;
	s26 =	sadd.s32 $0x8020, s4;
	v43 =	vadd.s32 s31, v1;
	v39 =	vld.idx.msk [tilespmem:v34+s29+$0x0], $0xffff;
	[tilespmem:s25+$0x420] =	vst v47;
	v34 =	vmul.f32 v36, v2  }
.LBB2_21:
0x4ac: {  	s3 =	sadd.s32 $0xFFFFE5DE, s15;
	s4 =	sadd.s32 $0xFFFFE5E6, s15;
	s13 =	sadd.s32 $0x2, s13;
	v46 =	vadd.s32 s5, v1;
	v35 =	vmul.f32 v37, v2;
	v37 =	vld.idx.msk [tilespmem:v9+s29+$0x0], $0xffff;
	[tilespmem:s21+$0x440] =	vst v38;
	v9 =	vmovc v11;
	v11 =	vmov v15  }
0x4ad: {  	s5 =	sadd.s32 $0xFFFFE9E2, s15;
	v36 =	vmul.f32 v42, v2;
	v15 =	vmovc v26;
	v38 =	vadd.s32 s3, v1;
	s3 =	sadd.s32 $0xFFFFE7E0, s15;
	v47 =	vadd.s32 s4, v1;
	p0 =	slt.u32 s13, $0x1E;
	[tilespmem:s11+$0x430] =	vst v34;
	v42 =	vld.idx.msk [tilespmem:v7+s29+$0x0], $0xffff  }
0x4ae: {  	v34 =	vadd.s32 s5, v1;
	s4 =	sadd.s32 $0xFFFFEDE6, s15;
	s5 =	sadd.s32 $0xFFFFEFE8, s15;
	v26 =	vmul.f32 v45, v2;
	v7 =	vmovc v5;
	v48 =	vadd.s32 s3, v1;
	s3 =	sadd.s32 $0xFFFFEBE4, s15;
	[tilespmem:s17+$0x400] =	vst v35;
	v33 =	vld.idx.msk [tilespmem:v33+s29+$0x0], $0xffff  }
0x4af: {  	s28 =	sadd.s32 $0xFFFFF5EE, s15;
	v5 =	vmovc v8;
	v49 =	vadd.s32 s4, v1;
	s4 =	sadd.s32 $0xFFFFF3EC, s15;
	v44 =	vmul.f32 v44, v2;
	v45 =	vadd.s32 s3, v1;
	s3 =	sadd.s32 $0xFFFFF1EA, s15;
	[tilespmem:s20+$0x50] =	vst v36;
	v40 =	vld.idx.msk [tilespmem:v40+s29+$0x0], $0xffff  }
0x4b0: {  	s30 =	sadd.s32 $0xFFFFFBF4, s15;
	v8 =	vmovc v12;
	v35 =	vadd.s32 s5, v1;
	s5 =	sadd.s32 $0xFFFFF9F2, s15;
	v50 =	vadd.s32 s3, v1;
	s3 =	sadd.s32 $0xFFFFF7F0, s15;
	[tilespmem:s24+$0x20] =	vst v26;
	v26 =	vmul.f32 v41, v2;
	v41 =	vld.idx.msk [tilespmem:v43+s29+$0x0], $0xffff  }
0x4b1: {  	v12 =	vmovc v19;
	v36 =	vadd.s32 s28, v1;
	s28 =	sadd.s32 $0xFFFFFFF8, s15;
	v43 =	vadd.s32 s4, v1;
	s4 =	sadd.s32 $0xFFFFFDF6, s15;
	v39 =	vmul.f32 v39, v2;
	[tilespmem:s2+$0x20] =	vst v44;
	v44 =	vld.idx.msk [tilespmem:v46+s29+$0x0], $0xffff  }
0x4b2: {  	v46 =	vadd.s32 s3, v1;
	s3 =	sadd.s32 $0xFFFFF9FA, s16;
	v19 =	vmul.f32 v37, v2;
	v37 =	vadd.s32 s12, v1;
	s12 =	smov.u32 s16;
	s16 =	smov.u32 s19;
	v47 =	vld.idx.msk [tilespmem:v47+s29+$0x0], $0xffff;
	[tilespmem:s22+$0x50] =	vst v26  }
0x4b3: {  	v51 =	vadd.s32 s5, v1;
	s19 =	smov.u32 s23;
	s23 =	smov.u32 s15;
	s5 =	sadd.s32 $0xFFFFF3F4, s16;
	v42 =	vmul.f32 v42, v4;
	v38 =	vld.idx.msk [tilespmem:v38+s29+$0x0], $0xffff;
	[tilespmem:s18+$0x400] =	vst v39;
	v39 =	vadd.s32 s3, v1  }
0x4b4: {  	v26 =	vadd.s32 s30, v1;
	s3 =	sadd.s32 $0xFFFFEDEE, s19;
	v53 =	vadd.s32 s5, v1;
	v33 =	vmul.f32 v33, v2;
	v52 =	vld.idx.msk [tilespmem:v32+s29+$0x0], $0xffff;
	[tilespmem:s25+$0x430] =	vst v19;
	v32 =	vmovc v45  }
0x4b5: {  	v45 =	vadd.s32 s4, v1;
	s4 =	sadd.s32 $0xFFFFE7E8, s15;
	v54 =	vadd.s32 s3, v1;
	v40 =	vmul.f32 v40, v2;
	v55 =	vld.idx.msk [tilespmem:v24+s29+$0x0], $0xffff;
	[tilespmem:s21+$0x450] =	vst v42;
	v24 =	vmovc v29;
	s21 =	smov.u32 s25;
	s25 =	smov.u32 s18  }
0x4b6: {  	s7 =	sadd.s32 $0x200, s7;
	v19 =	vadd.s32 s28, v1;
	v42 =	vadd.s32 s4, v1;
	v41 =	vmul.f32 v41, v2;
	v29 =	vmovc v50;
	s18 =	smov.u32 s22;
	s22 =	smov.u32 s2;
	v56 =	vld.idx.msk [tilespmem:v16+s29+$0x0], $0xffff;
	[tilespmem:s11+$0x440] =	vst v33  }
0x4b7: {  	s8 =	sadd.s32 $0x100, s8;
	s2 =	sand.u32 $0x1800, s7;
	v33 =	vmul.f32 v44, v2;
	v16 =	vmovc v20;
	v20 =	vmov v25;
	v25 =	vmov v46;
	[tilespmem:s17+$0x410] =	vst v40;
	v37 =	vld.idx.msk [tilespmem:v37+s29+$0x0], $0xffff  }
0x4b8: {  	s3 =	sadd.s32 $0xFFFFFF80, s8;
	s4 =	sand.u32 $0x380, s8;
	s2 =	sadd.s32 s2, s10;
	v40 =	vmul.f32 v47, v3;
	[tilespmem:s20+$0x60] =	vst v41;
	v39 =	vld.idx.msk [tilespmem:v39+s29+$0x0], $0xffff  }
0x4b9: {  	s3 =	sand.u32 $0x300, s3;
	s4 =	sadd.s32 s4, s2;
	v38 =	vmul.f32 v38, v3;
	[tilespmem:s24+$0x30] =	vst v33;
	v33 =	vld.idx.msk [tilespmem:v53+s29+$0x0], $0xffff  }
0x4ba: {  	s2 =	sadd.s32 s3, s2;
	[tilespmem:s4+$0x0] =	vst v40;
	v40 =	vmul.f32 v52, v2;
	v41 =	vld.idx.msk [tilespmem:v54+s29+$0x0], $0xffff  }
0x4bb: {  	s3 =	sadd.s32 $0xFFFFFBFC, s12;
	[tilespmem:s2+$0x0] =	vst v38;
	v38 =	vld.idx.msk [tilespmem:v42+s29+$0x0], $0xffff;
	v42 =	vmul.f32 v55, v2  }
0x4bc: {  	s5 =	sadd.s32 $0xFFFFF5F6, s16;
	v46 =	vadd.s32 s3, v1;
	v44 =	vld.idx.msk [tilespmem:v48+s29+$0x0], $0xffff;
	[tilespmem:s22+$0x30] =	vst v40;
	v40 =	vmul.f32 v56, v2  }
0x4bd: {  	s3 =	sadd.s32 $0xFFFFEFF0, s19;
	v37 =	vmul.f32 v37, v4;
	v47 =	vld.idx.msk [tilespmem:v31+s29+$0x0], $0xffff;
	[tilespmem:s18+$0x60] =	vst v42;
	v42 =	vadd.s32 s5, v1;
	v31 =	vmov v49  }
0x4be: {  	v48 =	vadd.s32 s3, v1;
	s5 =	sadd.s32 $0xFFFFE9EA, s15;
	v39 =	vmul.f32 v39, v2;
	v49 =	vld.idx.msk [tilespmem:v22+s29+$0x0], $0xffff;
	[tilespmem:s25+$0x410] =	vst v40;
	v22 =	vmovc v28;
	v28 =	vmov v43  }
0x4bf: {  	v40 =	vadd.s32 s5, v1;
	v33 =	vmul.f32 v33, v2;
	v43 =	vld.idx.msk [tilespmem:v14+s29+$0x0], $0xffff;
	[tilespmem:s11+$0x450] =	vst v37;
	v14 =	vmovc v18;
	v18 =	vmov v23;
	s11 =	smov.u32 s17;
	s17 =	smov.u32 s20;
	s20 =	smov.u32 s24  }
0x4c0: {  	v37 =	vmul.f32 v41, v2;
	v23 =	vmovc v51;
	s24 =	smov.u32 s4;
	[tilespmem:s11+$0x420] =	vst v39;
	v39 =	vld.idx.msk [tilespmem:v6+s29+$0x0], $0xffff;
	v6 =	vmov v10;
	v10 =	vmov v13  }
0x4c1: {  	v38 =	vmul.f32 v38, v2;
	v13 =	vmov v17;
	v17 =	vmov v45;
	[tilespmem:s17+$0x70] =	vst v33;
	v46 =	vld.idx.msk [tilespmem:v46+s29+$0x0], $0xffff  }
0x4c2: {  	v33 =	vmul.f32 v44, v2;
	[tilespmem:s20+$0x40] =	vst v37;
	v37 =	vld.idx.msk [tilespmem:v42+s29+$0x0], $0xffff  }
.Ltmp12:
0x4c3: {  	[tilespmem:s24+$0x10] =	vst v38;
	v38 =	vmul.f32 v47, v2;
	v42 =	vld.idx.msk [tilespmem:v48+s29+$0x0], $0xffff;
	(pc) =	sbr.rel @p0 .LBB2_21-.Ltmp12, $4  }
0x4c4: {  	s3 =	sadd.s32 $0xFFFFFDFE, s12;
	[tilespmem:s2+$0x10] =	vst v33;
	v45 =	vld.idx.msk [tilespmem:v40+s29+$0x0], $0xffff;
	v40 =	vmul.f32 v49, v2  }
0x4c5: {  	s4 =	sadd.s32 $0xFFFFF7F8, s16;
	v33 =	vadd.s32 s3, v1;
	v44 =	vld.idx.msk [tilespmem:v34+s29+$0x0], $0xffff;
	[tilespmem:s22+$0x40] =	vst v38;
	v34 =	vmul.f32 v43, v2  }
0x4c6: {  	s3 =	sadd.s32 $0xFFFFF1F2, s19;
	v38 =	vmul.f32 v39, v2;
	v41 =	vld.idx.msk [tilespmem:v30+s29+$0x0], $0xffff;
	[tilespmem:s18+$0x70] =	vst v40;
	v40 =	vadd.s32 s4, v1;
	v30 =	vmov v35  }
0x4c7: {  	s15 =	sadd.s32 $0x10, s15;
	s5 =	sadd.s32 $0xFFFFEBEC, s23;
	v43 =	vadd.s32 s3, v1;
	v39 =	vld.idx.msk [tilespmem:v21+s29+$0x0], $0xffff;
	[tilespmem:s25+$0x420] =	vst v34;
	v34 =	vmul.f32 v46, v2;
	v21 =	vmovc v27;
	v27 =	vmov v36  }
0x4c8: {  	v3 =	vadd.s32 s5, v1;
	_ =	sdelay $0x1  }
0x4c9: {  	v35 =	vmul.f32 v45, v2  }
0x4ca: {  	v36 =	vmul.f32 v44, v2  }
0x4cb: {  	[tilespmem:s24+$0x20] =	vst v35  }
0x4cc: {  	[tilespmem:s2+$0x20] =	vst v36;
	v3 =	vld.idx.msk [tilespmem:v3+s29+$0x0], $0xffff  }
0x4cd: {  	v32 =	vld.idx.msk [tilespmem:v32+s29+$0x0], $0xffff  }
0x4ce: {  	s3 =	sadd.s32 $0xFFFFEDEE, s23  }
0x4cf: {  	v62 =	vadd.s32 s3, v1;
	_ =	sdelay $0x1  }
0x4d0: {  	v3 =	vmul.f32 v3, v2  }
0x4d1: {  	v32 =	vmul.f32 v32, v2  }
0x4d2: {  	[tilespmem:s24+$0x30] =	vst v3  }
0x4d3: {  	[tilespmem:s2+$0x30] =	vst v32;
	v3 =	vld.idx.msk [tilespmem:v62+s29+$0x0], $0xffff  }
0x4d4: {  	v31 =	vld.idx.msk [tilespmem:v31+s29+$0x0], $0xffff  }
0x4d5: {  	s31 =	sadd.s32 $0xFFFFEFF0, s23  }
0x4d6: {  	v63 =	vadd.s32 s31, v1;
	_ =	sdelay $0x1  }
0x4d7: {  	v3 =	vmul.f32 v3, v2  }
0x4d8: {  	v31 =	vmul.f32 v31, v2  }
0x4d9: {  	[tilespmem:s24+$0x40] =	vst v3  }
0x4da: {  	[tilespmem:s2+$0x40] =	vst v31;
	v3 =	vld.idx.msk [tilespmem:v63+s29+$0x0], $0xffff  }
0x4db: {  	v30 =	vld.idx.msk [tilespmem:v30+s29+$0x0], $0xffff  }
0x4dc: {  	s4 =	sadd.s32 $0xFFFFF1F2, s23  }
0x4dd: {  	v36 =	vmul.f32 v42, v2;
	v42 =	vadd.s32 s4, v1  }
0x4de: {  	v44 =	vmul.f32 v41, v2  }
0x4df: {  	[tilespmem:s20+$0x50] =	vst v36;
	v3 =	vmul.f32 v3, v2  }
0x4e0: {  	[tilespmem:s22+$0x50] =	vst v44;
	v31 =	vld.idx.msk [tilespmem:v43+s29+$0x0], $0xffff;
	v30 =	vmul.f32 v30, v2  }
0x4e1: {  	v24 =	vld.idx.msk [tilespmem:v24+s29+$0x0], $0xffff;
	[tilespmem:s24+$0x50] =	vst v3  }
0x4e2: {  	s5 =	sadd.s32 $0xFFFFF3F4, s19;
	[tilespmem:s2+$0x50] =	vst v30;
	v3 =	vld.idx.msk [tilespmem:v42+s29+$0x0], $0xffff  }
0x4e3: {  	v45 =	vadd.s32 s5, v1;
	v29 =	vld.idx.msk [tilespmem:v29+s29+$0x0], $0xffff  }
0x4e4: {  	s7 =	sadd.s32 $0xFFFFF3F4, s23  }
0x4e5: {  	v46 =	vadd.s32 s7, v1;
	v31 =	vmul.f32 v31, v2  }
0x4e6: {  	v24 =	vmul.f32 v24, v2  }
0x4e7: {  	[tilespmem:s20+$0x60] =	vst v31;
	v3 =	vmul.f32 v3, v2  }
0x4e8: {  	[tilespmem:s22+$0x60] =	vst v24;
	v30 =	vld.idx.msk [tilespmem:v45+s29+$0x0], $0xffff;
	v47 =	vmul.f32 v29, v2  }
0x4e9: {  	v22 =	vld.idx.msk [tilespmem:v22+s29+$0x0], $0xffff;
	[tilespmem:s24+$0x60] =	vst v3  }
0x4ea: {  	s8 =	sadd.s32 $0xFFFFF5F6, s19;
	[tilespmem:s2+$0x60] =	vst v47;
	v3 =	vld.idx.msk [tilespmem:v46+s29+$0x0], $0xffff  }
0x4eb: {  	v48 =	vadd.s32 s8, v1;
	v28 =	vld.idx.msk [tilespmem:v28+s29+$0x0], $0xffff  }
0x4ec: {  	s13 =	sadd.s32 $0xFFFFF5F6, s23  }
0x4ed: {  	v50 =	vadd.s32 s13, v1;
	v49 =	vmul.f32 v30, v2  }
0x4ee: {  	v22 =	vmul.f32 v22, v2  }
0x4ef: {  	[tilespmem:s20+$0x70] =	vst v49;
	v3 =	vmul.f32 v3, v2  }
0x4f0: {  	[tilespmem:s22+$0x70] =	vst v22;
	v24 =	vld.idx.msk [tilespmem:v48+s29+$0x0], $0xffff;
	v51 =	vmul.f32 v28, v2  }
0x4f1: {  	v21 =	vld.idx.msk [tilespmem:v21+s29+$0x0], $0xffff;
	[tilespmem:s24+$0x70] =	vst v3  }
0x4f2: {  	s15 =	sadd.s32 $0xFFFFF7F8, s19;
	[tilespmem:s2+$0x70] =	vst v51;
	v3 =	vld.idx.msk [tilespmem:v50+s29+$0x0], $0xffff  }
0x4f3: {  	v52 =	vmul.f32 v37, v2;
	v53 =	vadd.s32 s15, v1;
	v27 =	vld.idx.msk [tilespmem:v27+s29+$0x0], $0xffff  }
0x4f4: {  	s28 =	sadd.s32 $0xFFFFF7F8, s23;
	v54 =	vmul.f32 v39, v2  }
0x4f5: {  	v56 =	vadd.s32 s28, v1;
	[tilespmem:s17+$0x400] =	vst v52;
	v55 =	vmul.f32 v24, v2  }
0x4f6: {  	v57 =	vld.idx.msk [tilespmem:v40+s29+$0x0], $0xffff;
	[tilespmem:s18+$0x400] =	vst v54;
	v21 =	vmul.f32 v21, v2  }
0x4f7: {  	v16 =	vld.idx.msk [tilespmem:v16+s29+$0x0], $0xffff;
	[tilespmem:s20+$0x400] =	vst v55;
	v3 =	vmul.f32 v3, v2  }
0x4f8: {  	s30 =	sadd.s32 $0xFFFFF9FA, s16;
	[tilespmem:s22+$0x400] =	vst v21;
	v22 =	vld.idx.msk [tilespmem:v53+s29+$0x0], $0xffff;
	v58 =	vmul.f32 v27, v2  }
0x4f9: {  	v59 =	vadd.s32 s30, v1;
	v20 =	vld.idx.msk [tilespmem:v20+s29+$0x0], $0xffff;
	[tilespmem:s24+$0x400] =	vst v3  }
0x4fa: {  	s31 =	sadd.s32 $0xFFFFF9FA, s19;
	[tilespmem:s2+$0x400] =	vst v58;
	v3 =	vld.idx.msk [tilespmem:v56+s29+$0x0], $0xffff  }
0x4fb: {  	v61 =	vadd.s32 s31, v1;
	v60 =	vmul.f32 v57, v2;
	v25 =	vld.idx.msk [tilespmem:v25+s29+$0x0], $0xffff  }
0x4fc: {  	s4 =	sadd.s32 $0xFFFFF9FA, s23;
	v16 =	vmul.f32 v16, v2  }
0x4fd: {  	[tilespmem:s17+$0x410] =	vst v60;
	v63 =	vadd.s32 s4, v1;
	v62 =	vmul.f32 v22, v2  }
0x4fe: {  	[tilespmem:s18+$0x410] =	vst v16;
	v29 =	vmul.f32 v20, v2;
	v27 =	vld.idx.msk [tilespmem:v59+s29+$0x0], $0xffff  }
0x4ff: {  	v14 =	vld.idx.msk [tilespmem:v14+s29+$0x0], $0xffff;
	[tilespmem:s20+$0x410] =	vst v62;
	v3 =	vmul.f32 v3, v2  }
0x500: {  	s5 =	sadd.s32 $0xFFFFFBFC, s16;
	[tilespmem:s22+$0x410] =	vst v29;
	v30 =	vld.idx.msk [tilespmem:v61+s29+$0x0], $0xffff;
	v31 =	vmul.f32 v25, v2  }
0x501: {  	v32 =	vadd.s32 s5, v1;
	v18 =	vld.idx.msk [tilespmem:v18+s29+$0x0], $0xffff;
	[tilespmem:s24+$0x410] =	vst v3  }
0x502: {  	s7 =	sadd.s32 $0xFFFFFBFC, s19;
	[tilespmem:s2+$0x410] =	vst v31;
	v3 =	vld.idx.msk [tilespmem:v63+s29+$0x0], $0xffff  }
0x503: {  	[tilespmem:s21+$0x440] =	vst v38;
	v36 =	vadd.s32 s7, v1;
	v35 =	vmul.f32 v27, v2;
	v23 =	vld.idx.msk [tilespmem:v23+s29+$0x0], $0xffff  }
0x504: {  	v9 =	vld.idx.msk [tilespmem:v9+s29+$0x0], $0xffff;
	[tilespmem:s11+$0x430] =	vst v34;
	s8 =	sadd.s32 $0xFFFFFBFC, s23;
	v14 =	vmul.f32 v14, v2  }
0x505: {  	v7 =	vld.idx.msk [tilespmem:v7+s29+$0x0], $0xffff;
	v38 =	vadd.s32 s8, v1;
	[tilespmem:s17+$0x420] =	vst v35;
	v37 =	vmul.f32 v30, v2  }
0x506: {  	[tilespmem:s18+$0x420] =	vst v14;
	v39 =	vmul.f32 v18, v2;
	v21 =	vld.idx.msk [tilespmem:v32+s29+$0x0], $0xffff  }
0x507: {  	v11 =	vld.idx.msk [tilespmem:v11+s29+$0x0], $0xffff;
	[tilespmem:s20+$0x420] =	vst v37;
	v3 =	vmul.f32 v3, v2  }
0x508: {  	s13 =	sadd.s32 $0xFFFFFDFE, s16;
	[tilespmem:s22+$0x420] =	vst v39;
	v16 =	vld.idx.msk [tilespmem:v36+s29+$0x0], $0xffff;
	v40 =	vmul.f32 v23, v2  }
0x509: {  	v41 =	vadd.s32 s13, v1;
	v9 =	vmul.f32 v9, v2;
	v15 =	vld.idx.msk [tilespmem:v15+s29+$0x0], $0xffff;
	[tilespmem:s24+$0x420] =	vst v3  }
0x50a: {  	s15 =	sadd.s32 $0xFFFFFDFE, s19;
	v3 =	vmul.f32 v7, v4;
	[tilespmem:s2+$0x420] =	vst v40;
	v42 =	vld.idx.msk [tilespmem:v38+s29+$0x0], $0xffff  }
0x50b: {  	v44 =	vadd.s32 s15, v1;
	[tilespmem:s25+$0x430] =	vst v9;
	v43 =	vmul.f32 v21, v2;
	v45 =	vld.idx.msk [tilespmem:v26+s29+$0x0], $0xffff  }
0x50c: {  	v46 =	vld.idx.msk [tilespmem:v33+s29+$0x0], $0xffff;
	[tilespmem:s21+$0x450] =	vst v3;
	v3 =	vmul.f32 v11, v2;
	s21 =	sadd.s32 $0xFFFFFDFE, s23  }
0x50d: {  	v6 =	vld.idx.msk [tilespmem:v6+s29+$0x0], $0xffff;
	[tilespmem:s17+$0x430] =	vst v43;
	v47 =	vmul.f32 v16, v2;
	v48 =	vadd.s32 s21, v1  }
0x50e: {  	v49 =	vld.idx.msk [tilespmem:v41+s29+$0x0], $0xffff;
	[tilespmem:s18+$0x430] =	vst v3;
	v3 =	vmul.f32 v15, v2  }
0x50f: {  	v50 =	vadd.s32 s12, v1;
	[tilespmem:s20+$0x430] =	vst v47;
	v10 =	vld.idx.msk [tilespmem:v10+s29+$0x0], $0xffff;
	v7 =	vmul.f32 v42, v2  }
0x510: {  	v9 =	vld.idx.msk [tilespmem:v44+s29+$0x0], $0xffff;
	[tilespmem:s22+$0x430] =	vst v3;
	v3 =	vmul.f32 v45, v2  }
0x511: {  	v52 =	vadd.s32 s16, v1;
	v51 =	vmul.f32 v46, v2;
	v13 =	vld.idx.msk [tilespmem:v13+s29+$0x0], $0xffff;
	[tilespmem:s24+$0x430] =	vst v7  }
0x512: {  	v6 =	vmul.f32 v6, v2;
	[tilespmem:s2+$0x430] =	vst v3;
	v7 =	vld.idx.msk [tilespmem:v48+s29+$0x0], $0xffff  }
0x513: {  	v53 =	vadd.s32 s19, v1;
	[tilespmem:s11+$0x440] =	vst v51;
	v3 =	vmul.f32 v49, v2;
	v54 =	vld.idx.msk [tilespmem:v17+s29+$0x0], $0xffff  }
0x514: {  	[tilespmem:s25+$0x440] =	vst v6;
	v15 =	vld.idx.msk [tilespmem:v50+s29+$0x0], $0xffff;
	v55 =	vmul.f32 v10, v2  }
0x515: {  	v5 =	vld.idx.msk [tilespmem:v5+s29+$0x0], $0xffff;
	v56 =	vadd.s32 s23, v1;
	[tilespmem:s17+$0x440] =	vst v3;
	v3 =	vmul.f32 v9, v2  }
0x516: {  	v57 =	vld.idx.msk [tilespmem:v52+s29+$0x0], $0xffff;
	[tilespmem:s18+$0x440] =	vst v55;
	v58 =	vmul.f32 v13, v2  }
0x517: {  	[tilespmem:s20+$0x440] =	vst v3;
	v8 =	vld.idx.msk [tilespmem:v8+s29+$0x0], $0xffff;
	v3 =	vmul.f32 v7, v2  }
0x518: {  	v59 =	vld.idx.msk [tilespmem:v53+s29+$0x0], $0xffff;
	[tilespmem:s22+$0x440] =	vst v58;
	v2 =	vmul.f32 v54, v2  }
0x519: {  	v60 =	vmul.f32 v15, v4;
	v61 =	vld.idx.msk [tilespmem:v12+s29+$0x0], $0xffff;
	[tilespmem:s24+$0x440] =	vst v3  }
0x51a: {  	v3 =	vmul.f32 v5, v4;
	[tilespmem:s2+$0x440] =	vst v2;
	v62 =	vld.idx.msk [tilespmem:v56+s29+$0x0], $0xffff  }
0x51b: {  	[tilespmem:s11+$0x450] =	vst v60;
	v2 =	vmul.f32 v57, v4;
	v63 =	vld.idx.msk [tilespmem:v19+s29+$0x0], $0xffff  }
0x51c: {  	[tilespmem:s25+$0x450] =	vst v3;
	v3 =	vmul.f32 v8, v4  }
0x51d: {  	[tilespmem:s17+$0x450] =	vst v2;
	v2 =	vmul.f32 v59, v4  }
0x51e: {  	[tilespmem:s18+$0x450] =	vst v3;
	v3 =	vmul.f32 v61, v4  }
0x51f: {  	s28 =	sshll.u32 s0, $0x10;
	[tilespmem:s20+$0x450] =	vst v2;
	v2 =	vmul.f32 v62, v4  }
0x520: {  	s3 =	sadd.s32 s28, s14;
	[tilespmem:s22+$0x450] =	vst v3;
	v3 =	vmul.f32 v63, v4  }
0x521: {  	s30 =	rddreg [dreg:$0x2];
	s3 =	sshrl.u32 s3, $0x3;
	[tilespmem:s24+$0x450] =	vst v2  }
0x522: {  	s31 =	simm.s32 $0x0;
	[tilespmem:s2+$0x450] =	vst v3;
	s2 =	sadd.s32 s30, s3  }
0x523: {  	[hbm4b:s2+s31] =	stream.linear.scatter [tilespmem:s10], [sflag:s9], $0x2000, $0x38;
	[tilespmem:$0x1A700] =	vst v63  }
0x524: {  	[tilespmem:s26+$0xFFFFFFE0] =	vst v0  }
0x525: {  	[tilespmem:s26+$0x10] =	vst v0  }
0x526: {  	s2 =	simm.s32 $0x0;
	[tilespmem:s26+$0x0] =	vst v0  }
.LBB2_23:
0x527: {  	s2 =	sadd.s32 $0x4, s2  }
0x528: {  	[tilespmem:s26+$0xFFFFFFF0] =	vst v0;
	s26 =	sadd.s32 $0x40, s26;
	p0 =	slt.u32 s2, $0x1BC  }
.Ltmp13:
0x529: {  	[tilespmem:s26+$0xFFFFFFE0] =	vst v0;
	(pc) =	sbr.rel @p0 .LBB2_23-.Ltmp13, $3  }
0x52a: {  	_ =	sdelay $0x1  }
0x52b: {  	[tilespmem:s26+$0x10] =	vst v0  }
0x52c: {  	[tilespmem:s26+$0x0] =	vst v0  }
0x52d: {  	[tilespmem:s26+$0xFFFFFFF0] =	vst v0;
	s2 =	simm.s32 $0x0  }
.LBB2_25:
0x52e: {  	p0 =	sne.s32 s2, $0x40  }
.Ltmp14:
0x52f: {  	_ = 	snop;
	(pc) =	sbr.rel @p0 .LBB2_25-.Ltmp14, $4  }
0x530: {  	_ = 	snop  }
0x531: {  	s3 =	sshra.s32 s2, $0x2  }
0x532: {  	s3 =	sadd.s32 s3, s1  }
0x533: {  	s2 =	sadd.s32 $0x40, s2;
	[tilespmem:s3+$0x0] =	vst v0  }
0x534: {  	s0 =	sadd.s32 $0x1, s0  }
0x535: {  	p0 =	sne.s32 s0, $0x1C  }
.Ltmp15:
0x536: {  	_ = 	snop;
	(pc) =	sbr.rel @p0 .LBB2_20-.Ltmp15, $2  }
0x537: {  	_ =	sdelay $0x2  }
0x538: {  	s6 =	sadd.s32 $0x1, s6  }
0x539: {  	s0 =	simm.s32 $0x9  }
0x53a: {  	_ =	swait.ge [sflag:s0], $0x2000  }
0x53b: {  	[sflag:s0] =	ssyncset.done $0x0  }
0x53c: {  	s1 =	simm.s32 $0xA;
	[sflag:s0] =	ssyncadd.s32 $0xFFFFE000  }
0x53d: {  	_ =	swait.ge [sflag:s1], $0x2000  }
0x53e: {  	s2 =	rddreg [dreg:$0x13]  }
0x53f: {  	s31 =	rddreg [dreg:$0x12];
	s2 =	sadd.s32 $0x1, s2  }
0x540: {  	p0 =	sne.s32 s2, s31  }
.Ltmp16:
0x541: {  	_ = 	snop;
	(pc) =	sbr.rel @p0 .LBB2_1-.Ltmp16, $3  }
0x542: {  	_ =	sdelay $0x1  }
0x543: {  	[sflag:s1] =	ssyncset.done $0x0  }
0x544: {  	[sflag:s1] =	ssyncadd.s32 $0xFFFFE000  }
0x545: {  	_ =	sfence.sel $0x180000  }
0x546: {  	[bflag:$0x0] =	sbarrier.arrive $0xFFFF  }
0x547: {  	_ =	strace $0x90000047  }
0x548: {  	s0 =	stileid.u32;
	[bflag:$0x2] =	sbarrier.arrive $0xFFFF  }
0x549: {  	p0 =	sne.s32 s0, $0x0;
	s0 =	rddreg [dreg:$0x3]  }
0x54a: {  	s0 =	sadd.s32 @!p0 $0x100000, s0  }
0x54b: {  	[sflag:s0] =	ssyncadd.tile.s32 @!p0 $0x1;
	_ =	shalt  }
.Lfunc_end2:
_tile_overlayer_lowered:
.L_overlay_start_2:
0x54c: {  	(tag) =	ssettag $0x2  }
0x54d: {  	s0 =	rddreg [dreg:$0x0];
	s2 =	stileid.u32  }
0x54e: {  	s1 =	rddreg [dreg:$0x1];
	p0 =	sne.s32 s2, $0x0  }
0x54f: {  	s3 =	rddreg [dreg:$0x2];
	[bflag:$0x3] =	sbarrier.arrive $0xFFFF;
	s2 =	simm.s32 @!p0 $0x1C0C  }
0x550: {  	[timem:s3], [sflag:s2] =	dma.local @!p0 [hbm:s0], s1  }
0x551: {  	s0 =	simm.s32 @!p0 $0xC  }
0x552: {  	_ =	swait.ge @!p0 [sflag:s0], s1  }
0x553: {  	s1 =	ssub.s32 @!p0 $0x0, s1;
	[sflag:s0] =	ssyncset.done @!p0 $0x0  }
0x554: {  	[sflag:s0] =	ssyncadd.s32 @!p0 s1  }
0x555: {  	[bflag:$0x3] =	sbarrier.arrive $0xFFFF  }
0x556: {  	_ =	shalt  }

</sc_bundles>
